<compile_context>
chip_gen: v7x
topology: tpu7x:2x2x1
jax: 0.10.2.dev20260603
libtpu: 0.0.44.dev20260713+nightly
codegen_flags: <defaults>
</compile_context>

<pallas_src>
import dataclasses
import functools

import jax
import jax.numpy as jnp
from jax import lax
from jax.experimental import pallas as pl
from jax.experimental.pallas import tpu as pltpu
from jax.experimental.pallas import tpu_sc as plsc

N = 10000
E = 320000
IN_CH = 128
H = 32
NC = 2
NS = 16
NW = NC * NS
EPW = E // NW
EPC = E // NS
CH = 125
NCHW = EPW // CH
NPAD = 10240
RPT = NPAD // NS
OPT = NPAD // NW

_mesh = plsc.VectorSubcoreMesh(core_axis_name="c", subcore_axis_name="s")

_sc_params = pltpu.CompilerParams()
if "needs_layout_passes" in pltpu.CompilerParams.__dataclass_fields__:
    _sc_params = dataclasses.replace(_sc_params, needs_layout_passes=False)
_sc_params_untiled = dataclasses.replace(_sc_params, use_tc_tiling_on_sc=False)


def _rsqrt16(d):
    bits = plsc.bitcast(d, jnp.int32)
    y = plsc.bitcast(jnp.int32(0x5F3759DF) - (bits >> 1), jnp.float32)
    for _ in range(3):
        y = y * (1.5 - 0.5 * d * y * y)
    return y



def _sc_deg_dinv(dst):

    @functools.partial(
        pl.kernel,
        out_type=jax.ShapeDtypeStruct((NPAD,), jnp.float32),
        mesh=_mesh,
        compiler_params=_sc_params,
        scratch_types=[
            pltpu.VMEM((EPC,), jnp.int32),
            pltpu.VMEM((NPAD,), jnp.float32),
            pltpu.VMEM((RPT,), jnp.float32),
            pltpu.VMEM((RPT,), jnp.float32),
            pltpu.VMEM_SHARED((NS, NPAD), jnp.float32),
        ],
    )
    def k(dst_hbm, out_hbm, dst_v, hist_v, buf_v, acc_v, shared):
        c = lax.axis_index("c")
        s = lax.axis_index("s")

        @pl.when(c == 0)
        def _():
            pltpu.sync_copy(dst_hbm.at[pl.ds(s * EPC, EPC)], dst_v)

            @pl.loop(0, NPAD, step=16)
            def _(i):
                hist_v[pl.ds(i, 16)] = jnp.zeros((16,), jnp.float32)

            ones16 = jnp.full((16,), 1.0, jnp.float32)

            @pl.loop(0, EPC, step=32)
            def _(i):
                dv0 = dst_v[pl.ds(i, 16)]
                dv1 = dst_v[pl.ds(i + 16, 16)]
                plsc.addupdate_scatter(hist_v, [dv0], ones16)
                plsc.addupdate_scatter(hist_v, [dv1], ones16)

            pltpu.sync_copy(hist_v, shared.at[s])
            plsc.subcore_barrier()

            pltpu.sync_copy(shared.at[0, pl.ds(s * RPT, RPT)], acc_v)

            @pl.loop(1, NS)
            def _(kk):
                pltpu.sync_copy(shared.at[kk, pl.ds(s * RPT, RPT)], buf_v)

                @pl.loop(0, RPT, step=16)
                def _(r):
                    acc_v[pl.ds(r, 16)] = acc_v[pl.ds(r, 16)] + buf_v[pl.ds(r, 16)]

            @pl.loop(0, RPT, step=16)
            def _(r):
                acc_v[pl.ds(r, 16)] = _rsqrt16(acc_v[pl.ds(r, 16)] + 1.0)

            pltpu.sync_copy(acc_v, out_hbm.at[pl.ds(s * RPT, RPT)])

    return k(dst)


def _sc_row_scatter(p, src_r, dst_r, zeros):

    NBUF = 8
    AHEAD = 4

    @functools.partial(
        pl.kernel,
        out_type=jax.ShapeDtypeStruct((NC, NPAD, H), jnp.float32),
        mesh=_mesh,
        compiler_params=_sc_params_untiled,
        scratch_types=[
            pltpu.VMEM((NCHW, CH), jnp.int32),
            pltpu.VMEM((NCHW, CH), jnp.int32),
            pltpu.VMEM((RPT, H), jnp.float32),
            pltpu.VMEM_SHARED((NPAD, H), jnp.float32),
        ]
        + [pltpu.VMEM((CH, H), jnp.float32) for _ in range(NBUF)]
        + [pltpu.SemaphoreType.DMA for _ in range(2 * NBUF)],
    )
    def k(p_hbm, srcr_hbm, dstr_hbm, z_hbm, out_hbm,
          idx_s, idx_d, z_v, acc_sh, *rest):
        bufs = rest[:NBUF]
        gs = rest[NBUF:2 * NBUF]
        ss = rest[2 * NBUF:]
        c = lax.axis_index("c")
        s = lax.axis_index("s")
        w = c * NS + s
        pltpu.sync_copy(srcr_hbm.at[pl.ds(w * NCHW, NCHW)], idx_s)
        pltpu.sync_copy(dstr_hbm.at[pl.ds(w * NCHW, NCHW)], idx_d)

        pltpu.sync_copy(z_hbm.at[pl.ds(s * RPT, RPT)], z_v)
        pltpu.sync_copy(z_v, acc_sh.at[pl.ds(s * RPT, RPT)])
        plsc.subcore_barrier()

        for kk in range(AHEAD):
            pltpu.async_copy(p_hbm.at[idx_s.at[kk]], bufs[kk], gs[kk])

        @pl.loop(0, NCHW, step=NBUF)
        def _(j):
            for kk in range(NBUF):
                m = j + kk
                pltpu.make_async_copy(p_hbm.at[idx_s.at[m]], bufs[kk],
                                      gs[kk]).wait()
                pltpu.async_copy(bufs[kk], acc_sh.at[idx_d.at[m]], ss[kk],
                                 add=True)
                fb = (kk + AHEAD) % NBUF

                @pl.when(m + AHEAD < NCHW)
                def _():
                    @pl.when(m >= NBUF - AHEAD)
                    def _():
                        pltpu.make_async_copy(
                            bufs[fb], acc_sh.at[idx_d.at[m - (NBUF - AHEAD)]],
                            ss[fb]).wait()

                    pltpu.async_copy(p_hbm.at[idx_s.at[m + AHEAD]], bufs[fb],
                                     gs[fb])

        for m in range(NCHW - NBUF, NCHW):
            fb = m % NBUF
            pltpu.make_async_copy(bufs[fb], acc_sh.at[idx_d.at[m]],
                                  ss[fb]).wait()

        plsc.subcore_barrier()
        pltpu.sync_copy(acc_sh.at[pl.ds(s * RPT, RPT)], z_v)
        pltpu.sync_copy(z_v, out_hbm.at[c, pl.ds(s * RPT, RPT)])

    return k(p, src_r, dst_r, zeros)


def _sc_scalar_final(Sp, p, dinv, src, dst, b1r, w2r, b2r):
    HOPT = RPT // 2

    @functools.partial(
        pl.kernel,
        out_type=jax.ShapeDtypeStruct((NPAD,), jnp.float32),
        mesh=_mesh,
        compiler_params=_sc_params_untiled,
        scratch_types=[
            pltpu.VMEM((NPAD,), jnp.float32),
            pltpu.VMEM((EPC,), jnp.int32),
            pltpu.VMEM((EPC,), jnp.int32),
            pltpu.VMEM((NPAD,), jnp.float32),
            pltpu.VMEM((RPT,), jnp.float32),
            pltpu.VMEM((RPT,), jnp.float32),
            pltpu.VMEM((OPT,), jnp.float32),
            pltpu.VMEM((OPT,), jnp.float32),
            pltpu.VMEM((RPT,), jnp.float32),
            pltpu.VMEM((RPT,), jnp.float32),
            pltpu.VMEM((HOPT * H,), jnp.float32),
            pltpu.VMEM((HOPT * H,), jnp.float32),
            pltpu.VMEM((HOPT * H,), jnp.float32),
            pltpu.VMEM((H * 16,), jnp.float32),
            pltpu.VMEM((H * 16,), jnp.float32),
            pltpu.VMEM((16,), jnp.float32),
            pltpu.VMEM_SHARED((NS, NPAD), jnp.float32),
            pltpu.VMEM_SHARED((NPAD,), jnp.float32),
        ],
    )
    def k(sp_hbm, p_hbm, dinv_hbm, src_hbm, dst_hbm, b1_hbm, w2_hbm, b2_hbm,
          out_hbm,
          q_v, src_v, dst_v, hist_v, buf_v, acc_v, dv_v, t_v,
          dq_v, ql_v, s0_v, s1_v, p_v, b1s_v, w2s_v, b2_v, shared, qsh):
        c = lax.axis_index("c")
        s = lax.axis_index("s")
        base = c * (NPAD // NC) + s * OPT
        qbase = s * RPT
        pltpu.sync_copy(src_hbm.at[pl.ds(s * EPC, EPC)], src_v)
        pltpu.sync_copy(dst_hbm.at[pl.ds(s * EPC, EPC)], dst_v)
        pltpu.sync_copy(b1_hbm, b1s_v)
        pltpu.sync_copy(w2_hbm, w2s_v)
        pltpu.sync_copy(b2_hbm, b2_v)
        pltpu.sync_copy(dinv_hbm.at[pl.ds(base, OPT)], dv_v)
        pltpu.sync_copy(dinv_hbm.at[pl.ds(qbase, RPT)], dq_v)

        lane_stride = lax.iota(jnp.int32, 16) * H

        for half in range(2):
            off = qbase + half * HOPT
            pltpu.sync_copy(sp_hbm.at[0, pl.ds(off * H, HOPT * H)], s0_v)
            pltpu.sync_copy(sp_hbm.at[1, pl.ds(off * H, HOPT * H)], s1_v)
            pltpu.sync_copy(p_hbm.at[pl.ds(off * H, HOPT * H)], p_v)

            @pl.loop(0, HOPT * H, step=64)
            def _(i):
                for u in range(0, 64, 16):
                    s0_v[pl.ds(i + u, 16)] = (s0_v[pl.ds(i + u, 16)]
                                              + s1_v[pl.ds(i + u, 16)]
                                              + p_v[pl.ds(i + u, 16)])

            @pl.loop(0, HOPT, step=16)
            def _(g, _half=half):
                gH = g * H
                dinv16 = dq_v[pl.ds(_half * HOPT + g, 16)]
                acc = jnp.zeros((16,), jnp.float32)
                acc2 = jnp.zeros((16,), jnp.float32)
                for col in range(0, H, 2):
                    cv = lane_stride + (gH + col)
                    cv2 = lane_stride + (gH + col + 1)
                    sv = plsc.load_gather(s0_v, [cv])
                    sv2 = plsc.load_gather(s0_v, [cv2])
                    h1 = jnp.maximum(dinv16 * sv + b1s_v[pl.ds(col * 16, 16)],
                                     0.0)
                    h2 = jnp.maximum(
                        dinv16 * sv2 + b1s_v[pl.ds((col + 1) * 16, 16)], 0.0)
                    acc = acc + h1 * w2s_v[pl.ds(col * 16, 16)]
                    acc2 = acc2 + h2 * w2s_v[pl.ds((col + 1) * 16, 16)]
                ql_v[pl.ds(_half * HOPT + g, 16)] = (acc + acc2) * dinv16

        pltpu.sync_copy(ql_v, qsh.at[pl.ds(qbase, RPT)])
        plsc.subcore_barrier()
        pltpu.sync_copy(qsh, q_v)

        @pl.loop(0, NPAD, step=16)
        def _(i):
            hist_v[pl.ds(i, 16)] = jnp.zeros((16,), jnp.float32)

        @pl.loop(0, EPC, step=32)
        def _(i):
            sv0 = src_v[pl.ds(i, 16)]
            dv0 = dst_v[pl.ds(i, 16)]
            sv1 = src_v[pl.ds(i + 16, 16)]
            dv1 = dst_v[pl.ds(i + 16, 16)]
            vals0 = plsc.load_gather(q_v, [sv0])
            plsc.addupdate_scatter(hist_v, [dv0], vals0)
            vals1 = plsc.load_gather(q_v, [sv1])
            plsc.addupdate_scatter(hist_v, [dv1], vals1)

        pltpu.sync_copy(hist_v, shared.at[s])
        plsc.subcore_barrier()

        pltpu.sync_copy(shared.at[0, pl.ds(s * RPT, RPT)], acc_v)

        @pl.loop(1, NS)
        def _(kk):
            pltpu.sync_copy(shared.at[kk, pl.ds(s * RPT, RPT)], buf_v)

            @pl.loop(0, RPT, step=16)
            def _(r):
                acc_v[pl.ds(r, 16)] = acc_v[pl.ds(r, 16)] + buf_v[pl.ds(r, 16)]

        pltpu.sync_copy(acc_v, qsh.at[pl.ds(s * RPT, RPT)])
        plsc.subcore_barrier()
        pltpu.sync_copy(qsh.at[pl.ds(base, OPT)], t_v)

        b2v = b2_v[pl.ds(0, 16)]

        @pl.loop(0, OPT, step=16)
        def _(r):
            qv = q_v[pl.ds(base + r, 16)]
            z = dv_v[pl.ds(r, 16)] * (t_v[pl.ds(r, 16)] + qv) + b2v
            den = 1.0 + jnp.exp(-z)
            rec = 1.0 / den
            rec = rec * (2.0 - den * rec)
            rec = rec * (2.0 - den * rec)
            t_v[pl.ds(r, 16)] = rec

        pltpu.sync_copy(t_v, out_hbm.at[pl.ds(base, OPT)])

    return k(Sp, p, dinv, src, dst, b1r, w2r, b2r)



def _tc_prep(x_pad, W1, dinv):
    R = 1024

    def body(x_ref, w_ref, dinv_ref, p_ref):
        h = jnp.dot(x_ref[...], w_ref[...], preferred_element_type=jnp.float32)
        p_ref[...] = h * dinv_ref[...]

    return pl.pallas_call(
        body,
        grid=(NPAD // R,),
        in_specs=[
            pl.BlockSpec((R, IN_CH), lambda i: (i, 0)),
            pl.BlockSpec((IN_CH, H), lambda i: (0, 0)),
            pl.BlockSpec((R, 1), lambda i: (i, 0)),
        ],
        out_specs=pl.BlockSpec((R, H), lambda i: (i, 0)),
        out_shape=jax.ShapeDtypeStruct((NPAD, H), jnp.float32),
    )(x_pad, W1, dinv)



def kernel(x, edge_index, W1, b1, W2, b2):
    src = edge_index[0]
    dst = edge_index[1]
    src_r = src.reshape(NW * NCHW, CH)
    dst_r = dst.reshape(NW * NCHW, CH)

    dinv_pad = _sc_deg_dinv(dst)
    x_pad = jnp.pad(x, ((0, NPAD - N), (0, 0)))
    p = _tc_prep(x_pad, W1, dinv_pad.reshape(NPAD, 1))

    zeros = jnp.zeros((NPAD, H), jnp.float32)
    Sp = _sc_row_scatter(p, src_r, dst_r, zeros)

    b2r = jnp.broadcast_to(b2.reshape(1), (16,))
    b1s = jnp.broadcast_to(b1.reshape(H, 1), (H, 16)).reshape(H * 16)
    w2s = jnp.broadcast_to(W2.reshape(H, 1), (H, 16)).reshape(H * 16)
    out_pad = _sc_scalar_final(Sp.reshape(NC, NPAD * H), p.reshape(NPAD * H),
                               dinv_pad, src, dst, b1s, w2s, b2r)
    return out_pad[:N].reshape(N, 1)

# --- scband reference (transcript-rebuilt; emitter-appended) ---
"""Pipeline reference for scband-cascade-gcn-61314953118384 (READ-ONLY COPY).

The authoritative reference and input builder live on the scoring server;
editing this copy changes nothing except your own understanding.
"""

import jax, jax.numpy as jnp
import numpy as np

N_NODES = 10000
N_EDGES = 320000
IN_CH = 128
HIDDEN = 32
OUT_CH = 1


def _gcn_conv(x, W, b, src, dst, n):
    # PyG GCNConv: linear transform, add self-loops, symmetric normalization,
    # scatter-add aggregation, plus bias.
    h = x @ W
    loop = jnp.arange(n, dtype=src.dtype)
    s = jnp.concatenate([src, loop])
    d = jnp.concatenate([dst, loop])
    deg = jnp.zeros((n,), x.dtype).at[d].add(1.0)
    dinv = jax.lax.rsqrt(deg)  # deg >= 1 due to self-loops
    norm = dinv[s] * dinv[d]
    msg = h[s] * norm[:, None]
    out = jnp.zeros((n, h.shape[1]), x.dtype).at[d].add(msg)
    return out + b


def setup_inputs(seed: int = 0) -> dict:
    key = jax.random.key(seed)
    k1, k2, k3, k4, k5, k6 = jax.random.split(key, 6)
    x = jax.random.normal(k1, (N_NODES, IN_CH), dtype=jnp.float32)
    edge_index = jax.random.randint(k2, (2, N_EDGES), 0, N_NODES, dtype=jnp.int32)
    W1 = jax.random.normal(k3, (IN_CH, HIDDEN), dtype=jnp.float32) * (1.0 / np.sqrt(IN_CH))
    b1 = jnp.zeros((HIDDEN,), dtype=jnp.float32)
    W2 = jax.random.normal(k4, (HIDDEN, OUT_CH), dtype=jnp.float32) * (1.0 / np.sqrt(HIDDEN))
    b2 = jnp.zeros((OUT_CH,), dtype=jnp.float32)
    return {"x": x, "edge_index": edge_index, "W1": W1, "b1": b1, "W2": W2, "b2": b2}


def reference(x, edge_index, W1, b1, W2, b2):
    src = edge_index[0]
    dst = edge_index[1]
    n = x.shape[0]
    h = jax.nn.relu(_gcn_conv(x, W1, b1, src, dst, n))
    # dropout p=0.3 is identity in eval mode (training=False)
    out = jax.nn.sigmoid(_gcn_conv(h, W2, b2, src, dst, n))
    return out

if __name__ == "__main__":
    import jax
    _d = setup_inputs()
    print(jax.jit(kernel)(*tuple(_d.values())))

</pallas_src>

<mosaic_0001>
#map = affine_map<(d0, d1) -> (0, 0)>
#map1 = affine_map<(d0, d1) -> (0, 0, 0)>
module attributes {stable_mosaic.version = 14 : i64} {
  func.func @k(%arg0: i32, %arg1: i32, %arg2: memref<10240x32xf32, #tpu.memory_space<hbm>>, %arg3: memref<2560x125xi32, #tpu.memory_space<hbm>>, %arg4: memref<2560x125xi32, #tpu.memory_space<hbm>>, %arg5: memref<10240x32xf32, #tpu.memory_space<hbm>>, %arg6: memref<2x10240x32xf32, #tpu.memory_space<hbm>>, %arg7: memref<80x125xi32, #tpu.memory_space<vmem>>, %arg8: memref<80x125xi32, #tpu.memory_space<vmem>>, %arg9: memref<640x32xf32, #tpu.memory_space<vmem>>, %arg10: memref<10240x32xf32, #tpu.memory_space<vmem_shared>>, %arg11: memref<125x32xf32, #tpu.memory_space<vmem>>, %arg12: memref<125x32xf32, #tpu.memory_space<vmem>>, %arg13: memref<125x32xf32, #tpu.memory_space<vmem>>, %arg14: memref<125x32xf32, #tpu.memory_space<vmem>>, %arg15: memref<125x32xf32, #tpu.memory_space<vmem>>, %arg16: memref<125x32xf32, #tpu.memory_space<vmem>>, %arg17: memref<125x32xf32, #tpu.memory_space<vmem>>, %arg18: memref<125x32xf32, #tpu.memory_space<vmem>>, %arg19: memref<!tpu.dma_semaphore, #tpu.memory_space<semaphore_mem>>, %arg20: memref<!tpu.dma_semaphore, #tpu.memory_space<semaphore_mem>>, %arg21: memref<!tpu.dma_semaphore, #tpu.memory_space<semaphore_mem>>, %arg22: memref<!tpu.dma_semaphore, #tpu.memory_space<semaphore_mem>>, %arg23: memref<!tpu.dma_semaphore, #tpu.memory_space<semaphore_mem>>, %arg24: memref<!tpu.dma_semaphore, #tpu.memory_space<semaphore_mem>>, %arg25: memref<!tpu.dma_semaphore, #tpu.memory_space<semaphore_mem>>, %arg26: memref<!tpu.dma_semaphore, #tpu.memory_space<semaphore_mem>>, %arg27: memref<!tpu.dma_semaphore, #tpu.memory_space<semaphore_mem>>, %arg28: memref<!tpu.dma_semaphore, #tpu.memory_space<semaphore_mem>>, %arg29: memref<!tpu.dma_semaphore, #tpu.memory_space<semaphore_mem>>, %arg30: memref<!tpu.dma_semaphore, #tpu.memory_space<semaphore_mem>>, %arg31: memref<!tpu.dma_semaphore, #tpu.memory_space<semaphore_mem>>, %arg32: memref<!tpu.dma_semaphore, #tpu.memory_space<semaphore_mem>>, %arg33: memref<!tpu.dma_semaphore, #tpu.memory_space<semaphore_mem>>, %arg34: memref<!tpu.dma_semaphore, #tpu.memory_space<semaphore_mem>>) attributes {dimension_semantics = [#tpu.dimension_semantics<core_parallel>, #tpu.dimension_semantics<subcore_parallel>], iteration_bounds = array<i64: 2, 16>, scalar_prefetch = 0 : i64, scratch_operands = 28 : i64, tpu.core_type = #tpu.core_type<sc_vector_subcore>, window_params = [{transform_indices = #map}, {transform_indices = #map}, {transform_indices = #map}, {transform_indices = #map}, {transform_indices = #map1}]} {
    %mul3A = arith.constant 16 : i32
    %mul3A_0 = arith.muli %arg0, %mul3A : i32
    %add3A = arith.addi %mul3A_0, %arg1 : i32
    %mul3A_1 = arith.constant 80 : i32
    %mul3A_2 = arith.muli %add3A, %mul3A_1 : i32
    "tpu.region"() ({
      %run_scoped3A = tpu.sem_alloc : memref<!tpu.dma_semaphore, #tpu.memory_space<semaphore_mem>>
      %dma_start3A_100 = arith.constant 0 : i32
      %dma_start3A_101 = tpu.memref_slice %arg3[%mul3A_2, %dma_start3A_100] : memref<2560x125xi32, #tpu.memory_space<hbm>> -> memref<80x125xi32, #tpu.memory_space<hbm>>
      %dma_start3A_102 = arith.constant 0 : i32
      %dma_start3A_103 = tpu.memref_slice %arg3[%mul3A_2, %dma_start3A_102] : memref<2560x125xi32, #tpu.memory_space<hbm>> -> memref<80x125xi32, #tpu.memory_space<hbm>>
      tpu.enqueue_dma source(%dma_start3A_103 : memref<80x125xi32, #tpu.memory_space<hbm>>) target(%arg7 : memref<80x125xi32, #tpu.memory_space<vmem>>) target_semaphore(%run_scoped3A : memref<!tpu.dma_semaphore, #tpu.memory_space<semaphore_mem>>)
      %dma_wait3A_104 = arith.constant 0 : i32
      %dma_wait3A_105 = tpu.memref_slice %arg3[%mul3A_2, %dma_wait3A_104] : memref<2560x125xi32, #tpu.memory_space<hbm>> -> memref<80x125xi32, #tpu.memory_space<hbm>>
      %dma_wait3A_106 = arith.constant 0 : i32
      %dma_wait3A_107 = tpu.memref_slice %arg3[%mul3A_2, %dma_wait3A_106] : memref<2560x125xi32, #tpu.memory_space<hbm>> -> memref<80x125xi32, #tpu.memory_space<hbm>>
      tpu.wait_dma2 semaphore(%run_scoped3A : memref<!tpu.dma_semaphore, #tpu.memory_space<semaphore_mem>>) src(%dma_wait3A_107 : memref<80x125xi32, #tpu.memory_space<hbm>>) dst(%arg7 : memref<80x125xi32, #tpu.memory_space<vmem>>)
      tpu.yield
    }) : () -> ()
    %mul3A_3 = arith.constant 80 : i32
    %mul3A_4 = arith.muli %add3A, %mul3A_3 : i32
    "tpu.region"() ({
      %run_scoped3A = tpu.sem_alloc : memref<!tpu.dma_semaphore, #tpu.memory_space<semaphore_mem>>
      %dma_start3A_100 = arith.constant 0 : i32
      %dma_start3A_101 = tpu.memref_slice %arg4[%mul3A_4, %dma_start3A_100] : memref<2560x125xi32, #tpu.memory_space<hbm>> -> memref<80x125xi32, #tpu.memory_space<hbm>>
      %dma_start3A_102 = arith.constant 0 : i32
      %dma_start3A_103 = tpu.memref_slice %arg4[%mul3A_4, %dma_start3A_102] : memref<2560x125xi32, #tpu.memory_space<hbm>> -> memref<80x125xi32, #tpu.memory_space<hbm>>
      tpu.enqueue_dma source(%dma_start3A_103 : memref<80x125xi32, #tpu.memory_space<hbm>>) target(%arg8 : memref<80x125xi32, #tpu.memory_space<vmem>>) target_semaphore(%run_scoped3A : memref<!tpu.dma_semaphore, #tpu.memory_space<semaphore_mem>>)
      %dma_wait3A_104 = arith.constant 0 : i32
      %dma_wait3A_105 = tpu.memref_slice %arg4[%mul3A_4, %dma_wait3A_104] : memref<2560x125xi32, #tpu.memory_space<hbm>> -> memref<80x125xi32, #tpu.memory_space<hbm>>
      %dma_wait3A_106 = arith.constant 0 : i32
      %dma_wait3A_107 = tpu.memref_slice %arg4[%mul3A_4, %dma_wait3A_106] : memref<2560x125xi32, #tpu.memory_space<hbm>> -> memref<80x125xi32, #tpu.memory_space<hbm>>
      tpu.wait_dma2 semaphore(%run_scoped3A : memref<!tpu.dma_semaphore, #tpu.memory_space<semaphore_mem>>) src(%dma_wait3A_107 : memref<80x125xi32, #tpu.memory_space<hbm>>) dst(%arg8 : memref<80x125xi32, #tpu.memory_space<vmem>>)
      tpu.yield
    }) : () -> ()
    %mul3A_5 = arith.constant 640 : i32
    %mul3A_6 = arith.muli %arg1, %mul3A_5 : i32
    "tpu.region"() ({
      %run_scoped3A = tpu.sem_alloc : memref<!tpu.dma_semaphore, #tpu.memory_space<semaphore_mem>>
      %dma_start3A_100 = arith.constant 0 : i32
      %dma_start3A_101 = tpu.memref_slice %arg5[%mul3A_6, %dma_start3A_100] : memref<10240x32xf32, #tpu.memory_space<hbm>> -> memref<640x32xf32, #tpu.memory_space<hbm>>
      %dma_start3A_102 = arith.constant 0 : i32
      %dma_start3A_103 = tpu.memref_slice %arg5[%mul3A_6, %dma_start3A_102] : memref<10240x32xf32, #tpu.memory_space<hbm>> -> memref<640x32xf32, #tpu.memory_space<hbm>>
      tpu.enqueue_dma source(%dma_start3A_103 : memref<640x32xf32, #tpu.memory_space<hbm>>) target(%arg9 : memref<640x32xf32, #tpu.memory_space<vmem>>) target_semaphore(%run_scoped3A : memref<!tpu.dma_semaphore, #tpu.memory_space<semaphore_mem>>)
      %dma_wait3A_104 = arith.constant 0 : i32
      %dma_wait3A_105 = tpu.memref_slice %arg5[%mul3A_6, %dma_wait3A_104] : memref<10240x32xf32, #tpu.memory_space<hbm>> -> memref<640x32xf32, #tpu.memory_space<hbm>>
      %dma_wait3A_106 = arith.constant 0 : i32
      %dma_wait3A_107 = tpu.memref_slice %arg5[%mul3A_6, %dma_wait3A_106] : memref<10240x32xf32, #tpu.memory_space<hbm>> -> memref<640x32xf32, #tpu.memory_space<hbm>>
      tpu.wait_dma2 semaphore(%run_scoped3A : memref<!tpu.dma_semaphore, #tpu.memory_space<semaphore_mem>>) src(%dma_wait3A_107 : memref<640x32xf32, #tpu.memory_space<hbm>>) dst(%arg9 : memref<640x32xf32, #tpu.memory_space<vmem>>)
      tpu.yield
    }) : () -> ()
    %mul3A_7 = arith.constant 640 : i32
    %mul3A_8 = arith.muli %arg1, %mul3A_7 : i32
    "tpu.region"() ({
      %run_scoped3A = tpu.sem_alloc : memref<!tpu.dma_semaphore, #tpu.memory_space<semaphore_mem>>
      %dma_start3A_100 = arith.constant 0 : i32
      %dma_start3A_101 = tpu.memref_slice %arg10[%mul3A_8, %dma_start3A_100] : memref<10240x32xf32, #tpu.memory_space<vmem_shared>> -> memref<640x32xf32, #tpu.memory_space<vmem_shared>>
      %dma_start3A_102 = arith.constant 0 : i32
      %dma_start3A_103 = tpu.memref_slice %arg10[%mul3A_8, %dma_start3A_102] : memref<10240x32xf32, #tpu.memory_space<vmem_shared>> -> memref<640x32xf32, #tpu.memory_space<vmem_shared>>
      tpu.enqueue_dma source(%arg9 : memref<640x32xf32, #tpu.memory_space<vmem>>) target(%dma_start3A_103 : memref<640x32xf32, #tpu.memory_space<vmem_shared>>) target_semaphore(%run_scoped3A : memref<!tpu.dma_semaphore, #tpu.memory_space<semaphore_mem>>)
      %dma_wait3A_104 = arith.constant 0 : i32
      %dma_wait3A_105 = tpu.memref_slice %arg10[%mul3A_8, %dma_wait3A_104] : memref<10240x32xf32, #tpu.memory_space<vmem_shared>> -> memref<640x32xf32, #tpu.memory_space<vmem_shared>>
      %dma_wait3A_106 = arith.constant 0 : i32
      %dma_wait3A_107 = tpu.memref_slice %arg10[%mul3A_8, %dma_wait3A_106] : memref<10240x32xf32, #tpu.memory_space<vmem_shared>> -> memref<640x32xf32, #tpu.memory_space<vmem_shared>>
      tpu.wait_dma2 semaphore(%run_scoped3A : memref<!tpu.dma_semaphore, #tpu.memory_space<semaphore_mem>>) src(%arg9 : memref<640x32xf32, #tpu.memory_space<vmem>>) dst(%dma_wait3A_107 : memref<640x32xf32, #tpu.memory_space<vmem_shared>>)
      tpu.yield
    }) : () -> ()
    %barrier3A = arith.constant 0 : index
    tpu.barrier barrier_id(%barrier3A)
    %dma_start3A = arith.constant 0 : i32
    %dma_start3A_9 = arith.constant 0 : i32
    %dma_start3A_10 = tpu.memref_slice %arg7[%dma_start3A, %dma_start3A_9] : memref<80x125xi32, #tpu.memory_space<vmem>> -> memref<1x125xi32, #tpu.memory_space<vmem>>
    %dma_start3A_11 = tpu.memref_squeeze %dma_start3A_10 : memref<1x125xi32, #tpu.memory_space<vmem>> -> memref<125xi32, #tpu.memory_space<vmem>>
    %dma_start3A_12 = arith.constant 0 : i32
    %dma_start3A_13 = arith.constant 0 : i32
    %dma_start3A_14 = tpu.memref_slice %arg2[%dma_start3A_12, %dma_start3A_13] : memref<10240x32xf32, #tpu.memory_space<hbm>> -> memref<10240x32xf32, #tpu.memory_space<hbm>>
    tpu.enqueue_indirect_dma source(%dma_start3A_14 : memref<10240x32xf32, #tpu.memory_space<hbm>>) target(%arg11 : memref<125x32xf32, #tpu.memory_space<vmem>>) offsets(%dma_start3A_11 : memref<125xi32, #tpu.memory_space<vmem>>) semaphore(%arg19 : memref<!tpu.dma_semaphore, #tpu.memory_space<semaphore_mem>>)
    %dma_start3A_15 = arith.constant 1 : i32
    %dma_start3A_16 = arith.constant 0 : i32
    %dma_start3A_17 = tpu.memref_slice %arg7[%dma_start3A_15, %dma_start3A_16] : memref<80x125xi32, #tpu.memory_space<vmem>> -> memref<1x125xi32, #tpu.memory_space<vmem>>
    %dma_start3A_18 = tpu.memref_squeeze %dma_start3A_17 : memref<1x125xi32, #tpu.memory_space<vmem>> -> memref<125xi32, #tpu.memory_space<vmem>>
    %dma_start3A_19 = arith.constant 0 : i32
    %dma_start3A_20 = arith.constant 0 : i32
    %dma_start3A_21 = tpu.memref_slice %arg2[%dma_start3A_19, %dma_start3A_20] : memref<10240x32xf32, #tpu.memory_space<hbm>> -> memref<10240x32xf32, #tpu.memory_space<hbm>>
    tpu.enqueue_indirect_dma source(%dma_start3A_21 : memref<10240x32xf32, #tpu.memory_space<hbm>>) target(%arg12 : memref<125x32xf32, #tpu.memory_space<vmem>>) offsets(%dma_start3A_18 : memref<125xi32, #tpu.memory_space<vmem>>) semaphore(%arg20 : memref<!tpu.dma_semaphore, #tpu.memory_space<semaphore_mem>>)
    %dma_start3A_22 = arith.constant 2 : i32
    %dma_start3A_23 = arith.constant 0 : i32
    %dma_start3A_24 = tpu.memref_slice %arg7[%dma_start3A_22, %dma_start3A_23] : memref<80x125xi32, #tpu.memory_space<vmem>> -> memref<1x125xi32, #tpu.memory_space<vmem>>
    %dma_start3A_25 = tpu.memref_squeeze %dma_start3A_24 : memref<1x125xi32, #tpu.memory_space<vmem>> -> memref<125xi32, #tpu.memory_space<vmem>>
    %dma_start3A_26 = arith.constant 0 : i32
    %dma_start3A_27 = arith.constant 0 : i32
    %dma_start3A_28 = tpu.memref_slice %arg2[%dma_start3A_26, %dma_start3A_27] : memref<10240x32xf32, #tpu.memory_space<hbm>> -> memref<10240x32xf32, #tpu.memory_space<hbm>>
    tpu.enqueue_indirect_dma source(%dma_start3A_28 : memref<10240x32xf32, #tpu.memory_space<hbm>>) target(%arg13 : memref<125x32xf32, #tpu.memory_space<vmem>>) offsets(%dma_start3A_25 : memref<125xi32, #tpu.memory_space<vmem>>) semaphore(%arg21 : memref<!tpu.dma_semaphore, #tpu.memory_space<semaphore_mem>>)
    %dma_start3A_29 = arith.constant 3 : i32
    %dma_start3A_30 = arith.constant 0 : i32
    %dma_start3A_31 = tpu.memref_slice %arg7[%dma_start3A_29, %dma_start3A_30] : memref<80x125xi32, #tpu.memory_space<vmem>> -> memref<1x125xi32, #tpu.memory_space<vmem>>
    %dma_start3A_32 = tpu.memref_squeeze %dma_start3A_31 : memref<1x125xi32, #tpu.memory_space<vmem>> -> memref<125xi32, #tpu.memory_space<vmem>>
    %dma_start3A_33 = arith.constant 0 : i32
    %dma_start3A_34 = arith.constant 0 : i32
    %dma_start3A_35 = tpu.memref_slice %arg2[%dma_start3A_33, %dma_start3A_34] : memref<10240x32xf32, #tpu.memory_space<hbm>> -> memref<10240x32xf32, #tpu.memory_space<hbm>>
    tpu.enqueue_indirect_dma source(%dma_start3A_35 : memref<10240x32xf32, #tpu.memory_space<hbm>>) target(%arg14 : memref<125x32xf32, #tpu.memory_space<vmem>>) offsets(%dma_start3A_32 : memref<125xi32, #tpu.memory_space<vmem>>) semaphore(%arg22 : memref<!tpu.dma_semaphore, #tpu.memory_space<semaphore_mem>>)
    %scan3A = arith.constant 0 : i32
    %scan3A_36 = arith.constant 10 : i32
    %scan3A_37 = arith.addi %scan3A, %scan3A_36 : i32
    %scan3A_38 = arith.constant 1 : i32
    scf.for %scan3A_100 = %scan3A to %scan3A_37 step %scan3A_38  : i32 {
      %mul3A_101 = arith.constant 8 : i32
      %mul3A_102 = arith.muli %scan3A_100, %mul3A_101 : i32
      %add3A_103 = arith.constant 0 : i32
      %add3A_104 = arith.addi %add3A_103, %mul3A_102 : i32
      %add3A_105 = arith.constant 0 : i32
      %add3A_106 = arith.addi %add3A_104, %add3A_105 : i32
      %dma_wait3A_107 = arith.constant 0 : i32
      %dma_wait3A_108 = tpu.memref_slice %arg7[%add3A_106, %dma_wait3A_107] : memref<80x125xi32, #tpu.memory_space<vmem>> -> memref<1x125xi32, #tpu.memory_space<vmem>>
      %dma_wait3A_109 = tpu.memref_squeeze %dma_wait3A_108 : memref<1x125xi32, #tpu.memory_space<vmem>> -> memref<125xi32, #tpu.memory_space<vmem>>
      %dma_wait3A_110 = arith.constant 0 : i32
      %dma_wait3A_111 = arith.constant 0 : i32
      %dma_wait3A_112 = tpu.memref_slice %arg2[%dma_wait3A_110, %dma_wait3A_111] : memref<10240x32xf32, #tpu.memory_space<hbm>> -> memref<10240x32xf32, #tpu.memory_space<hbm>>
      tpu.wait_indirect_dma semaphore(%arg19 : memref<!tpu.dma_semaphore, #tpu.memory_space<semaphore_mem>>) src(%dma_wait3A_112 : memref<10240x32xf32, #tpu.memory_space<hbm>>) dst(%arg11 : memref<125x32xf32, #tpu.memory_space<vmem>>)
      %dma_start3A_113 = arith.constant 0 : i32
      %dma_start3A_114 = tpu.memref_slice %arg8[%add3A_106, %dma_start3A_113] : memref<80x125xi32, #tpu.memory_space<vmem>> -> memref<1x125xi32, #tpu.memory_space<vmem>>
      %dma_start3A_115 = tpu.memref_squeeze %dma_start3A_114 : memref<1x125xi32, #tpu.memory_space<vmem>> -> memref<125xi32, #tpu.memory_space<vmem>>
      %dma_start3A_116 = arith.constant 0 : i32
      %dma_start3A_117 = arith.constant 0 : i32
      %dma_start3A_118 = tpu.memref_slice %arg10[%dma_start3A_116, %dma_start3A_117] : memref<10240x32xf32, #tpu.memory_space<vmem_shared>> -> memref<10240x32xf32, #tpu.memory_space<vmem_shared>>
      tpu.enqueue_indirect_dma source(%arg11 : memref<125x32xf32, #tpu.memory_space<vmem>>) target(%dma_start3A_118 : memref<10240x32xf32, #tpu.memory_space<vmem_shared>>) offsets(%dma_start3A_115 : memref<125xi32, #tpu.memory_space<vmem>>) semaphore(%arg27 : memref<!tpu.dma_semaphore, #tpu.memory_space<semaphore_mem>>) {add = true}
      %add3A_119 = arith.constant 4 : i32
      %add3A_120 = arith.addi %add3A_106, %add3A_119 : i32
      %lt3A = arith.constant 80 : i32
      %lt3A_121 = arith.cmpi slt, %add3A_120, %lt3A : i32
      %convert_element_type3A = arith.extui %lt3A_121 : i1 to i32
      %cond3A = arith.constant 0 : i32
      %cond3A_122 = arith.cmpi ne, %convert_element_type3A, %cond3A : i32
      scf.if %cond3A_122 {
        %ge3A = arith.constant 4 : i32
        %ge3A_270 = arith.cmpi sge, %add3A_106, %ge3A : i32
        %convert_element_type3A_271 = arith.extui %ge3A_270 : i1 to i32
        %cond3A_272 = arith.constant 0 : i32
        %cond3A_273 = arith.cmpi ne, %convert_element_type3A_271, %cond3A_272 : i32
        scf.if %cond3A_273 {
          %sub3A = arith.constant 4 : i32
          %sub3A_282 = arith.subi %add3A_106, %sub3A : i32
          %dma_wait3A_283 = arith.constant 0 : i32
          %dma_wait3A_284 = tpu.memref_slice %arg8[%sub3A_282, %dma_wait3A_283] : memref<80x125xi32, #tpu.memory_space<vmem>> -> memref<1x125xi32, #tpu.memory_space<vmem>>
          %dma_wait3A_285 = tpu.memref_squeeze %dma_wait3A_284 : memref<1x125xi32, #tpu.memory_space<vmem>> -> memref<125xi32, #tpu.memory_space<vmem>>
          %dma_wait3A_286 = arith.constant 0 : i32
          %dma_wait3A_287 = arith.constant 0 : i32
          %dma_wait3A_288 = tpu.memref_slice %arg10[%dma_wait3A_286, %dma_wait3A_287] : memref<10240x32xf32, #tpu.memory_space<vmem_shared>> -> memref<10240x32xf32, #tpu.memory_space<vmem_shared>>
          tpu.wait_indirect_dma semaphore(%arg31 : memref<!tpu.dma_semaphore, #tpu.memory_space<semaphore_mem>>) src(%arg15 : memref<125x32xf32, #tpu.memory_space<vmem>>) dst(%dma_wait3A_288 : memref<10240x32xf32, #tpu.memory_space<vmem_shared>>)
        } else {
        }
        %add3A_274 = arith.constant 4 : i32
        %add3A_275 = arith.addi %add3A_106, %add3A_274 : i32
        %dma_start3A_276 = arith.constant 0 : i32
        %dma_start3A_277 = tpu.memref_slice %arg7[%add3A_275, %dma_start3A_276] : memref<80x125xi32, #tpu.memory_space<vmem>> -> memref<1x125xi32, #tpu.memory_space<vmem>>
        %dma_start3A_278 = tpu.memref_squeeze %dma_start3A_277 : memref<1x125xi32, #tpu.memory_space<vmem>> -> memref<125xi32, #tpu.memory_space<vmem>>
        %dma_start3A_279 = arith.constant 0 : i32
        %dma_start3A_280 = arith.constant 0 : i32
        %dma_start3A_281 = tpu.memref_slice %arg2[%dma_start3A_279, %dma_start3A_280] : memref<10240x32xf32, #tpu.memory_space<hbm>> -> memref<10240x32xf32, #tpu.memory_space<hbm>>
        tpu.enqueue_indirect_dma source(%dma_start3A_281 : memref<10240x32xf32, #tpu.memory_space<hbm>>) target(%arg15 : memref<125x32xf32, #tpu.memory_space<vmem>>) offsets(%dma_start3A_278 : memref<125xi32, #tpu.memory_space<vmem>>) semaphore(%arg23 : memref<!tpu.dma_semaphore, #tpu.memory_space<semaphore_mem>>)
      } else {
      }
      %add3A_123 = arith.constant 1 : i32
      %add3A_124 = arith.addi %add3A_104, %add3A_123 : i32
      %dma_wait3A_125 = arith.constant 0 : i32
      %dma_wait3A_126 = tpu.memref_slice %arg7[%add3A_124, %dma_wait3A_125] : memref<80x125xi32, #tpu.memory_space<vmem>> -> memref<1x125xi32, #tpu.memory_space<vmem>>
      %dma_wait3A_127 = tpu.memref_squeeze %dma_wait3A_126 : memref<1x125xi32, #tpu.memory_space<vmem>> -> memref<125xi32, #tpu.memory_space<vmem>>
      %dma_wait3A_128 = arith.constant 0 : i32
      %dma_wait3A_129 = arith.constant 0 : i32
      %dma_wait3A_130 = tpu.memref_slice %arg2[%dma_wait3A_128, %dma_wait3A_129] : memref<10240x32xf32, #tpu.memory_space<hbm>> -> memref<10240x32xf32, #tpu.memory_space<hbm>>
      tpu.wait_indirect_dma semaphore(%arg20 : memref<!tpu.dma_semaphore, #tpu.memory_space<semaphore_mem>>) src(%dma_wait3A_130 : memref<10240x32xf32, #tpu.memory_space<hbm>>) dst(%arg12 : memref<125x32xf32, #tpu.memory_space<vmem>>)
      %dma_start3A_131 = arith.constant 0 : i32
      %dma_start3A_132 = tpu.memref_slice %arg8[%add3A_124, %dma_start3A_131] : memref<80x125xi32, #tpu.memory_space<vmem>> -> memref<1x125xi32, #tpu.memory_space<vmem>>
      %dma_start3A_133 = tpu.memref_squeeze %dma_start3A_132 : memref<1x125xi32, #tpu.memory_space<vmem>> -> memref<125xi32, #tpu.memory_space<vmem>>
      %dma_start3A_134 = arith.constant 0 : i32
      %dma_start3A_135 = arith.constant 0 : i32
      %dma_start3A_136 = tpu.memref_slice %arg10[%dma_start3A_134, %dma_start3A_135] : memref<10240x32xf32, #tpu.memory_space<vmem_shared>> -> memref<10240x32xf32, #tpu.memory_space<vmem_shared>>
      tpu.enqueue_indirect_dma source(%arg12 : memref<125x32xf32, #tpu.memory_space<vmem>>) target(%dma_start3A_136 : memref<10240x32xf32, #tpu.memory_space<vmem_shared>>) offsets(%dma_start3A_133 : memref<125xi32, #tpu.memory_space<vmem>>) semaphore(%arg28 : memref<!tpu.dma_semaphore, #tpu.memory_space<semaphore_mem>>) {add = true}
      %add3A_137 = arith.constant 4 : i32
      %add3A_138 = arith.addi %add3A_124, %add3A_137 : i32
      %lt3A_139 = arith.constant 80 : i32
      %lt3A_140 = arith.cmpi slt, %add3A_138, %lt3A_139 : i32
      %convert_element_type3A_141 = arith.extui %lt3A_140 : i1 to i32
      %cond3A_142 = arith.constant 0 : i32
      %cond3A_143 = arith.cmpi ne, %convert_element_type3A_141, %cond3A_142 : i32
      scf.if %cond3A_143 {
        %ge3A = arith.constant 4 : i32
        %ge3A_270 = arith.cmpi sge, %add3A_124, %ge3A : i32
        %convert_element_type3A_271 = arith.extui %ge3A_270 : i1 to i32
        %cond3A_272 = arith.constant 0 : i32
        %cond3A_273 = arith.cmpi ne, %convert_element_type3A_271, %cond3A_272 : i32
        scf.if %cond3A_273 {
          %sub3A = arith.constant 4 : i32
          %sub3A_282 = arith.subi %add3A_124, %sub3A : i32
          %dma_wait3A_283 = arith.constant 0 : i32
          %dma_wait3A_284 = tpu.memref_slice %arg8[%sub3A_282, %dma_wait3A_283] : memref<80x125xi32, #tpu.memory_space<vmem>> -> memref<1x125xi32, #tpu.memory_space<vmem>>
          %dma_wait3A_285 = tpu.memref_squeeze %dma_wait3A_284 : memref<1x125xi32, #tpu.memory_space<vmem>> -> memref<125xi32, #tpu.memory_space<vmem>>
          %dma_wait3A_286 = arith.constant 0 : i32
          %dma_wait3A_287 = arith.constant 0 : i32
          %dma_wait3A_288 = tpu.memref_slice %arg10[%dma_wait3A_286, %dma_wait3A_287] : memref<10240x32xf32, #tpu.memory_space<vmem_shared>> -> memref<10240x32xf32, #tpu.memory_space<vmem_shared>>
          tpu.wait_indirect_dma semaphore(%arg32 : memref<!tpu.dma_semaphore, #tpu.memory_space<semaphore_mem>>) src(%arg16 : memref<125x32xf32, #tpu.memory_space<vmem>>) dst(%dma_wait3A_288 : memref<10240x32xf32, #tpu.memory_space<vmem_shared>>)
        } else {
        }
        %add3A_274 = arith.constant 4 : i32
        %add3A_275 = arith.addi %add3A_124, %add3A_274 : i32
        %dma_start3A_276 = arith.constant 0 : i32
        %dma_start3A_277 = tpu.memref_slice %arg7[%add3A_275, %dma_start3A_276] : memref<80x125xi32, #tpu.memory_space<vmem>> -> memref<1x125xi32, #tpu.memory_space<vmem>>
        %dma_start3A_278 = tpu.memref_squeeze %dma_start3A_277 : memref<1x125xi32, #tpu.memory_space<vmem>> -> memref<125xi32, #tpu.memory_space<vmem>>
        %dma_start3A_279 = arith.constant 0 : i32
        %dma_start3A_280 = arith.constant 0 : i32
        %dma_start3A_281 = tpu.memref_slice %arg2[%dma_start3A_279, %dma_start3A_280] : memref<10240x32xf32, #tpu.memory_space<hbm>> -> memref<10240x32xf32, #tpu.memory_space<hbm>>
        tpu.enqueue_indirect_dma source(%dma_start3A_281 : memref<10240x32xf32, #tpu.memory_space<hbm>>) target(%arg16 : memref<125x32xf32, #tpu.memory_space<vmem>>) offsets(%dma_start3A_278 : memref<125xi32, #tpu.memory_space<vmem>>) semaphore(%arg24 : memref<!tpu.dma_semaphore, #tpu.memory_space<semaphore_mem>>)
      } else {
      }
      %add3A_144 = arith.constant 2 : i32
      %add3A_145 = arith.addi %add3A_104, %add3A_144 : i32
      %dma_wait3A_146 = arith.constant 0 : i32
      %dma_wait3A_147 = tpu.memref_slice %arg7[%add3A_145, %dma_wait3A_146] : memref<80x125xi32, #tpu.memory_space<vmem>> -> memref<1x125xi32, #tpu.memory_space<vmem>>
      %dma_wait3A_148 = tpu.memref_squeeze %dma_wait3A_147 : memref<1x125xi32, #tpu.memory_space<vmem>> -> memref<125xi32, #tpu.memory_space<vmem>>
      %dma_wait3A_149 = arith.constant 0 : i32
      %dma_wait3A_150 = arith.constant 0 : i32
      %dma_wait3A_151 = tpu.memref_slice %arg2[%dma_wait3A_149, %dma_wait3A_150] : memref<10240x32xf32, #tpu.memory_space<hbm>> -> memref<10240x32xf32, #tpu.memory_space<hbm>>
      tpu.wait_indirect_dma semaphore(%arg21 : memref<!tpu.dma_semaphore, #tpu.memory_space<semaphore_mem>>) src(%dma_wait3A_151 : memref<10240x32xf32, #tpu.memory_space<hbm>>) dst(%arg13 : memref<125x32xf32, #tpu.memory_space<vmem>>)
      %dma_start3A_152 = arith.constant 0 : i32
      %dma_start3A_153 = tpu.memref_slice %arg8[%add3A_145, %dma_start3A_152] : memref<80x125xi32, #tpu.memory_space<vmem>> -> memref<1x125xi32, #tpu.memory_space<vmem>>
      %dma_start3A_154 = tpu.memref_squeeze %dma_start3A_153 : memref<1x125xi32, #tpu.memory_space<vmem>> -> memref<125xi32, #tpu.memory_space<vmem>>
      %dma_start3A_155 = arith.constant 0 : i32
      %dma_start3A_156 = arith.constant 0 : i32
      %dma_start3A_157 = tpu.memref_slice %arg10[%dma_start3A_155, %dma_start3A_156] : memref<10240x32xf32, #tpu.memory_space<vmem_shared>> -> memref<10240x32xf32, #tpu.memory_space<vmem_shared>>
      tpu.enqueue_indirect_dma source(%arg13 : memref<125x32xf32, #tpu.memory_space<vmem>>) target(%dma_start3A_157 : memref<10240x32xf32, #tpu.memory_space<vmem_shared>>) offsets(%dma_start3A_154 : memref<125xi32, #tpu.memory_space<vmem>>) semaphore(%arg29 : memref<!tpu.dma_semaphore, #tpu.memory_space<semaphore_mem>>) {add = true}
      %add3A_158 = arith.constant 4 : i32
      %add3A_159 = arith.addi %add3A_145, %add3A_158 : i32
      %lt3A_160 = arith.constant 80 : i32
      %lt3A_161 = arith.cmpi slt, %add3A_159, %lt3A_160 : i32
      %convert_element_type3A_162 = arith.extui %lt3A_161 : i1 to i32
      %cond3A_163 = arith.constant 0 : i32
      %cond3A_164 = arith.cmpi ne, %convert_element_type3A_162, %cond3A_163 : i32
      scf.if %cond3A_164 {
        %ge3A = arith.constant 4 : i32
        %ge3A_270 = arith.cmpi sge, %add3A_145, %ge3A : i32
        %convert_element_type3A_271 = arith.extui %ge3A_270 : i1 to i32
        %cond3A_272 = arith.constant 0 : i32
        %cond3A_273 = arith.cmpi ne, %convert_element_type3A_271, %cond3A_272 : i32
        scf.if %cond3A_273 {
          %sub3A = arith.constant 4 : i32
          %sub3A_282 = arith.subi %add3A_145, %sub3A : i32
          %dma_wait3A_283 = arith.constant 0 : i32
          %dma_wait3A_284 = tpu.memref_slice %arg8[%sub3A_282, %dma_wait3A_283] : memref<80x125xi32, #tpu.memory_space<vmem>> -> memref<1x125xi32, #tpu.memory_space<vmem>>
          %dma_wait3A_285 = tpu.memref_squeeze %dma_wait3A_284 : memref<1x125xi32, #tpu.memory_space<vmem>> -> memref<125xi32, #tpu.memory_space<vmem>>
          %dma_wait3A_286 = arith.constant 0 : i32
          %dma_wait3A_287 = arith.constant 0 : i32
          %dma_wait3A_288 = tpu.memref_slice %arg10[%dma_wait3A_286, %dma_wait3A_287] : memref<10240x32xf32, #tpu.memory_space<vmem_shared>> -> memref<10240x32xf32, #tpu.memory_space<vmem_shared>>
          tpu.wait_indirect_dma semaphore(%arg33 : memref<!tpu.dma_semaphore, #tpu.memory_space<semaphore_mem>>) src(%arg17 : memref<125x32xf32, #tpu.memory_space<vmem>>) dst(%dma_wait3A_288 : memref<10240x32xf32, #tpu.memory_space<vmem_shared>>)
        } else {
        }
        %add3A_274 = arith.constant 4 : i32
        %add3A_275 = arith.addi %add3A_145, %add3A_274 : i32
        %dma_start3A_276 = arith.constant 0 : i32
        %dma_start3A_277 = tpu.memref_slice %arg7[%add3A_275, %dma_start3A_276] : memref<80x125xi32, #tpu.memory_space<vmem>> -> memref<1x125xi32, #tpu.memory_space<vmem>>
        %dma_start3A_278 = tpu.memref_squeeze %dma_start3A_277 : memref<1x125xi32, #tpu.memory_space<vmem>> -> memref<125xi32, #tpu.memory_space<vmem>>
        %dma_start3A_279 = arith.constant 0 : i32
        %dma_start3A_280 = arith.constant 0 : i32
        %dma_start3A_281 = tpu.memref_slice %arg2[%dma_start3A_279, %dma_start3A_280] : memref<10240x32xf32, #tpu.memory_space<hbm>> -> memref<10240x32xf32, #tpu.memory_space<hbm>>
        tpu.enqueue_indirect_dma source(%dma_start3A_281 : memref<10240x32xf32, #tpu.memory_space<hbm>>) target(%arg17 : memref<125x32xf32, #tpu.memory_space<vmem>>) offsets(%dma_start3A_278 : memref<125xi32, #tpu.memory_space<vmem>>) semaphore(%arg25 : memref<!tpu.dma_semaphore, #tpu.memory_space<semaphore_mem>>)
      } else {
      }
      %add3A_165 = arith.constant 3 : i32
      %add3A_166 = arith.addi %add3A_104, %add3A_165 : i32
      %dma_wait3A_167 = arith.constant 0 : i32
      %dma_wait3A_168 = tpu.memref_slice %arg7[%add3A_166, %dma_wait3A_167] : memref<80x125xi32, #tpu.memory_space<vmem>> -> memref<1x125xi32, #tpu.memory_space<vmem>>
      %dma_wait3A_169 = tpu.memref_squeeze %dma_wait3A_168 : memref<1x125xi32, #tpu.memory_space<vmem>> -> memref<125xi32, #tpu.memory_space<vmem>>
      %dma_wait3A_170 = arith.constant 0 : i32
      %dma_wait3A_171 = arith.constant 0 : i32
      %dma_wait3A_172 = tpu.memref_slice %arg2[%dma_wait3A_170, %dma_wait3A_171] : memref<10240x32xf32, #tpu.memory_space<hbm>> -> memref<10240x32xf32, #tpu.memory_space<hbm>>
      tpu.wait_indirect_dma semaphore(%arg22 : memref<!tpu.dma_semaphore, #tpu.memory_space<semaphore_mem>>) src(%dma_wait3A_172 : memref<10240x32xf32, #tpu.memory_space<hbm>>) dst(%arg14 : memref<125x32xf32, #tpu.memory_space<vmem>>)
      %dma_start3A_173 = arith.constant 0 : i32
      %dma_start3A_174 = tpu.memref_slice %arg8[%add3A_166, %dma_start3A_173] : memref<80x125xi32, #tpu.memory_space<vmem>> -> memref<1x125xi32, #tpu.memory_space<vmem>>
      %dma_start3A_175 = tpu.memref_squeeze %dma_start3A_174 : memref<1x125xi32, #tpu.memory_space<vmem>> -> memref<125xi32, #tpu.memory_space<vmem>>
      %dma_start3A_176 = arith.constant 0 : i32
      %dma_start3A_177 = arith.constant 0 : i32
      %dma_start3A_178 = tpu.memref_slice %arg10[%dma_start3A_176, %dma_start3A_177] : memref<10240x32xf32, #tpu.memory_space<vmem_shared>> -> memref<10240x32xf32, #tpu.memory_space<vmem_shared>>
      tpu.enqueue_indirect_dma source(%arg14 : memref<125x32xf32, #tpu.memory_space<vmem>>) target(%dma_start3A_178 : memref<10240x32xf32, #tpu.memory_space<vmem_shared>>) offsets(%dma_start3A_175 : memref<125xi32, #tpu.memory_space<vmem>>) semaphore(%arg30 : memref<!tpu.dma_semaphore, #tpu.memory_space<semaphore_mem>>) {add = true}
      %add3A_179 = arith.constant 4 : i32
      %add3A_180 = arith.addi %add3A_166, %add3A_179 : i32
      %lt3A_181 = arith.constant 80 : i32
      %lt3A_182 = arith.cmpi slt, %add3A_180, %lt3A_181 : i32
      %convert_element_type3A_183 = arith.extui %lt3A_182 : i1 to i32
      %cond3A_184 = arith.constant 0 : i32
      %cond3A_185 = arith.cmpi ne, %convert_element_type3A_183, %cond3A_184 : i32
      scf.if %cond3A_185 {
        %ge3A = arith.constant 4 : i32
        %ge3A_270 = arith.cmpi sge, %add3A_166, %ge3A : i32
        %convert_element_type3A_271 = arith.extui %ge3A_270 : i1 to i32
        %cond3A_272 = arith.constant 0 : i32
        %cond3A_273 = arith.cmpi ne, %convert_element_type3A_271, %cond3A_272 : i32
        scf.if %cond3A_273 {
          %sub3A = arith.constant 4 : i32
          %sub3A_282 = arith.subi %add3A_166, %sub3A : i32
          %dma_wait3A_283 = arith.constant 0 : i32
          %dma_wait3A_284 = tpu.memref_slice %arg8[%sub3A_282, %dma_wait3A_283] : memref<80x125xi32, #tpu.memory_space<vmem>> -> memref<1x125xi32, #tpu.memory_space<vmem>>
          %dma_wait3A_285 = tpu.memref_squeeze %dma_wait3A_284 : memref<1x125xi32, #tpu.memory_space<vmem>> -> memref<125xi32, #tpu.memory_space<vmem>>
          %dma_wait3A_286 = arith.constant 0 : i32
          %dma_wait3A_287 = arith.constant 0 : i32
          %dma_wait3A_288 = tpu.memref_slice %arg10[%dma_wait3A_286, %dma_wait3A_287] : memref<10240x32xf32, #tpu.memory_space<vmem_shared>> -> memref<10240x32xf32, #tpu.memory_space<vmem_shared>>
          tpu.wait_indirect_dma semaphore(%arg34 : memref<!tpu.dma_semaphore, #tpu.memory_space<semaphore_mem>>) src(%arg18 : memref<125x32xf32, #tpu.memory_space<vmem>>) dst(%dma_wait3A_288 : memref<10240x32xf32, #tpu.memory_space<vmem_shared>>)
        } else {
        }
        %add3A_274 = arith.constant 4 : i32
        %add3A_275 = arith.addi %add3A_166, %add3A_274 : i32
        %dma_start3A_276 = arith.constant 0 : i32
        %dma_start3A_277 = tpu.memref_slice %arg7[%add3A_275, %dma_start3A_276] : memref<80x125xi32, #tpu.memory_space<vmem>> -> memref<1x125xi32, #tpu.memory_space<vmem>>
        %dma_start3A_278 = tpu.memref_squeeze %dma_start3A_277 : memref<1x125xi32, #tpu.memory_space<vmem>> -> memref<125xi32, #tpu.memory_space<vmem>>
        %dma_start3A_279 = arith.constant 0 : i32
        %dma_start3A_280 = arith.constant 0 : i32
        %dma_start3A_281 = tpu.memref_slice %arg2[%dma_start3A_279, %dma_start3A_280] : memref<10240x32xf32, #tpu.memory_space<hbm>> -> memref<10240x32xf32, #tpu.memory_space<hbm>>
        tpu.enqueue_indirect_dma source(%dma_start3A_281 : memref<10240x32xf32, #tpu.memory_space<hbm>>) target(%arg18 : memref<125x32xf32, #tpu.memory_space<vmem>>) offsets(%dma_start3A_278 : memref<125xi32, #tpu.memory_space<vmem>>) semaphore(%arg26 : memref<!tpu.dma_semaphore, #tpu.memory_space<semaphore_mem>>)
      } else {
      }
      %add3A_186 = arith.constant 4 : i32
      %add3A_187 = arith.addi %add3A_104, %add3A_186 : i32
      %dma_wait3A_188 = arith.constant 0 : i32
      %dma_wait3A_189 = tpu.memref_slice %arg7[%add3A_187, %dma_wait3A_188] : memref<80x125xi32, #tpu.memory_space<vmem>> -> memref<1x125xi32, #tpu.memory_space<vmem>>
      %dma_wait3A_190 = tpu.memref_squeeze %dma_wait3A_189 : memref<1x125xi32, #tpu.memory_space<vmem>> -> memref<125xi32, #tpu.memory_space<vmem>>
      %dma_wait3A_191 = arith.constant 0 : i32
      %dma_wait3A_192 = arith.constant 0 : i32
      %dma_wait3A_193 = tpu.memref_slice %arg2[%dma_wait3A_191, %dma_wait3A_192] : memref<10240x32xf32, #tpu.memory_space<hbm>> -> memref<10240x32xf32, #tpu.memory_space<hbm>>
      tpu.wait_indirect_dma semaphore(%arg23 : memref<!tpu.dma_semaphore, #tpu.memory_space<semaphore_mem>>) src(%dma_wait3A_193 : memref<10240x32xf32, #tpu.memory_space<hbm>>) dst(%arg15 : memref<125x32xf32, #tpu.memory_space<vmem>>)
      %dma_start3A_194 = arith.constant 0 : i32
      %dma_start3A_195 = tpu.memref_slice %arg8[%add3A_187, %dma_start3A_194] : memref<80x125xi32, #tpu.memory_space<vmem>> -> memref<1x125xi32, #tpu.memory_space<vmem>>
      %dma_start3A_196 = tpu.memref_squeeze %dma_start3A_195 : memref<1x125xi32, #tpu.memory_space<vmem>> -> memref<125xi32, #tpu.memory_space<vmem>>
      %dma_start3A_197 = arith.constant 0 : i32
      %dma_start3A_198 = arith.constant 0 : i32
      %dma_start3A_199 = tpu.memref_slice %arg10[%dma_start3A_197, %dma_start3A_198] : memref<10240x32xf32, #tpu.memory_space<vmem_shared>> -> memref<10240x32xf32, #tpu.memory_space<vmem_shared>>
      tpu.enqueue_indirect_dma source(%arg15 : memref<125x32xf32, #tpu.memory_space<vmem>>) target(%dma_start3A_199 : memref<10240x32xf32, #tpu.memory_space<vmem_shared>>) offsets(%dma_start3A_196 : memref<125xi32, #tpu.memory_space<vmem>>) semaphore(%arg31 : memref<!tpu.dma_semaphore, #tpu.memory_space<semaphore_mem>>) {add = true}
      %add3A_200 = arith.constant 4 : i32
      %add3A_201 = arith.addi %add3A_187, %add3A_200 : i32
      %lt3A_202 = arith.constant 80 : i32
      %lt3A_203 = arith.cmpi slt, %add3A_201, %lt3A_202 : i32
      %convert_element_type3A_204 = arith.extui %lt3A_203 : i1 to i32
      %cond3A_205 = arith.constant 0 : i32
      %cond3A_206 = arith.cmpi ne, %convert_element_type3A_204, %cond3A_205 : i32
      scf.if %cond3A_206 {
        %ge3A = arith.constant 4 : i32
        %ge3A_270 = arith.cmpi sge, %add3A_187, %ge3A : i32
        %convert_element_type3A_271 = arith.extui %ge3A_270 : i1 to i32
        %cond3A_272 = arith.constant 0 : i32
        %cond3A_273 = arith.cmpi ne, %convert_element_type3A_271, %cond3A_272 : i32
        scf.if %cond3A_273 {
          %sub3A = arith.constant 4 : i32
          %sub3A_282 = arith.subi %add3A_187, %sub3A : i32
          %dma_wait3A_283 = arith.constant 0 : i32
          %dma_wait3A_284 = tpu.memref_slice %arg8[%sub3A_282, %dma_wait3A_283] : memref<80x125xi32, #tpu.memory_space<vmem>> -> memref<1x125xi32, #tpu.memory_space<vmem>>
          %dma_wait3A_285 = tpu.memref_squeeze %dma_wait3A_284 : memref<1x125xi32, #tpu.memory_space<vmem>> -> memref<125xi32, #tpu.memory_space<vmem>>
          %dma_wait3A_286 = arith.constant 0 : i32
          %dma_wait3A_287 = arith.constant 0 : i32
          %dma_wait3A_288 = tpu.memref_slice %arg10[%dma_wait3A_286, %dma_wait3A_287] : memref<10240x32xf32, #tpu.memory_space<vmem_shared>> -> memref<10240x32xf32, #tpu.memory_space<vmem_shared>>
          tpu.wait_indirect_dma semaphore(%arg27 : memref<!tpu.dma_semaphore, #tpu.memory_space<semaphore_mem>>) src(%arg11 : memref<125x32xf32, #tpu.memory_space<vmem>>) dst(%dma_wait3A_288 : memref<10240x32xf32, #tpu.memory_space<vmem_shared>>)
        } else {
        }
        %add3A_274 = arith.constant 4 : i32
        %add3A_275 = arith.addi %add3A_187, %add3A_274 : i32
        %dma_start3A_276 = arith.constant 0 : i32
        %dma_start3A_277 = tpu.memref_slice %arg7[%add3A_275, %dma_start3A_276] : memref<80x125xi32, #tpu.memory_space<vmem>> -> memref<1x125xi32, #tpu.memory_space<vmem>>
        %dma_start3A_278 = tpu.memref_squeeze %dma_start3A_277 : memref<1x125xi32, #tpu.memory_space<vmem>> -> memref<125xi32, #tpu.memory_space<vmem>>
        %dma_start3A_279 = arith.constant 0 : i32
        %dma_start3A_280 = arith.constant 0 : i32
        %dma_start3A_281 = tpu.memref_slice %arg2[%dma_start3A_279, %dma_start3A_280] : memref<10240x32xf32, #tpu.memory_space<hbm>> -> memref<10240x32xf32, #tpu.memory_space<hbm>>
        tpu.enqueue_indirect_dma source(%dma_start3A_281 : memref<10240x32xf32, #tpu.memory_space<hbm>>) target(%arg11 : memref<125x32xf32, #tpu.memory_space<vmem>>) offsets(%dma_start3A_278 : memref<125xi32, #tpu.memory_space<vmem>>) semaphore(%arg19 : memref<!tpu.dma_semaphore, #tpu.memory_space<semaphore_mem>>)
      } else {
      }
      %add3A_207 = arith.constant 5 : i32
      %add3A_208 = arith.addi %add3A_104, %add3A_207 : i32
      %dma_wait3A_209 = arith.constant 0 : i32
      %dma_wait3A_210 = tpu.memref_slice %arg7[%add3A_208, %dma_wait3A_209] : memref<80x125xi32, #tpu.memory_space<vmem>> -> memref<1x125xi32, #tpu.memory_space<vmem>>
      %dma_wait3A_211 = tpu.memref_squeeze %dma_wait3A_210 : memref<1x125xi32, #tpu.memory_space<vmem>> -> memref<125xi32, #tpu.memory_space<vmem>>
      %dma_wait3A_212 = arith.constant 0 : i32
      %dma_wait3A_213 = arith.constant 0 : i32
      %dma_wait3A_214 = tpu.memref_slice %arg2[%dma_wait3A_212, %dma_wait3A_213] : memref<10240x32xf32, #tpu.memory_space<hbm>> -> memref<10240x32xf32, #tpu.memory_space<hbm>>
      tpu.wait_indirect_dma semaphore(%arg24 : memref<!tpu.dma_semaphore, #tpu.memory_space<semaphore_mem>>) src(%dma_wait3A_214 : memref<10240x32xf32, #tpu.memory_space<hbm>>) dst(%arg16 : memref<125x32xf32, #tpu.memory_space<vmem>>)
      %dma_start3A_215 = arith.constant 0 : i32
      %dma_start3A_216 = tpu.memref_slice %arg8[%add3A_208, %dma_start3A_215] : memref<80x125xi32, #tpu.memory_space<vmem>> -> memref<1x125xi32, #tpu.memory_space<vmem>>
      %dma_start3A_217 = tpu.memref_squeeze %dma_start3A_216 : memref<1x125xi32, #tpu.memory_space<vmem>> -> memref<125xi32, #tpu.memory_space<vmem>>
      %dma_start3A_218 = arith.constant 0 : i32
      %dma_start3A_219 = arith.constant 0 : i32
      %dma_start3A_220 = tpu.memref_slice %arg10[%dma_start3A_218, %dma_start3A_219] : memref<10240x32xf32, #tpu.memory_space<vmem_shared>> -> memref<10240x32xf32, #tpu.memory_space<vmem_shared>>
      tpu.enqueue_indirect_dma source(%arg16 : memref<125x32xf32, #tpu.memory_space<vmem>>) target(%dma_start3A_220 : memref<10240x32xf32, #tpu.memory_space<vmem_shared>>) offsets(%dma_start3A_217 : memref<125xi32, #tpu.memory_space<vmem>>) semaphore(%arg32 : memref<!tpu.dma_semaphore, #tpu.memory_space<semaphore_mem>>) {add = true}
      %add3A_221 = arith.constant 4 : i32
      %add3A_222 = arith.addi %add3A_208, %add3A_221 : i32
      %lt3A_223 = arith.constant 80 : i32
      %lt3A_224 = arith.cmpi slt, %add3A_222, %lt3A_223 : i32
      %convert_element_type3A_225 = arith.extui %lt3A_224 : i1 to i32
      %cond3A_226 = arith.constant 0 : i32
      %cond3A_227 = arith.cmpi ne, %convert_element_type3A_225, %cond3A_226 : i32
      scf.if %cond3A_227 {
        %ge3A = arith.constant 4 : i32
        %ge3A_270 = arith.cmpi sge, %add3A_208, %ge3A : i32
        %convert_element_type3A_271 = arith.extui %ge3A_270 : i1 to i32
        %cond3A_272 = arith.constant 0 : i32
        %cond3A_273 = arith.cmpi ne, %convert_element_type3A_271, %cond3A_272 : i32
        scf.if %cond3A_273 {
          %sub3A = arith.constant 4 : i32
          %sub3A_282 = arith.subi %add3A_208, %sub3A : i32
          %dma_wait3A_283 = arith.constant 0 : i32
          %dma_wait3A_284 = tpu.memref_slice %arg8[%sub3A_282, %dma_wait3A_283] : memref<80x125xi32, #tpu.memory_space<vmem>> -> memref<1x125xi32, #tpu.memory_space<vmem>>
          %dma_wait3A_285 = tpu.memref_squeeze %dma_wait3A_284 : memref<1x125xi32, #tpu.memory_space<vmem>> -> memref<125xi32, #tpu.memory_space<vmem>>
          %dma_wait3A_286 = arith.constant 0 : i32
          %dma_wait3A_287 = arith.constant 0 : i32
          %dma_wait3A_288 = tpu.memref_slice %arg10[%dma_wait3A_286, %dma_wait3A_287] : memref<10240x32xf32, #tpu.memory_space<vmem_shared>> -> memref<10240x32xf32, #tpu.memory_space<vmem_shared>>
          tpu.wait_indirect_dma semaphore(%arg28 : memref<!tpu.dma_semaphore, #tpu.memory_space<semaphore_mem>>) src(%arg12 : memref<125x32xf32, #tpu.memory_space<vmem>>) dst(%dma_wait3A_288 : memref<10240x32xf32, #tpu.memory_space<vmem_shared>>)
        } else {
        }
        %add3A_274 = arith.constant 4 : i32
        %add3A_275 = arith.addi %add3A_208, %add3A_274 : i32
        %dma_start3A_276 = arith.constant 0 : i32
        %dma_start3A_277 = tpu.memref_slice %arg7[%add3A_275, %dma_start3A_276] : memref<80x125xi32, #tpu.memory_space<vmem>> -> memref<1x125xi32, #tpu.memory_space<vmem>>
        %dma_start3A_278 = tpu.memref_squeeze %dma_start3A_277 : memref<1x125xi32, #tpu.memory_space<vmem>> -> memref<125xi32, #tpu.memory_space<vmem>>
        %dma_start3A_279 = arith.constant 0 : i32
        %dma_start3A_280 = arith.constant 0 : i32
        %dma_start3A_281 = tpu.memref_slice %arg2[%dma_start3A_279, %dma_start3A_280] : memref<10240x32xf32, #tpu.memory_space<hbm>> -> memref<10240x32xf32, #tpu.memory_space<hbm>>
        tpu.enqueue_indirect_dma source(%dma_start3A_281 : memref<10240x32xf32, #tpu.memory_space<hbm>>) target(%arg12 : memref<125x32xf32, #tpu.memory_space<vmem>>) offsets(%dma_start3A_278 : memref<125xi32, #tpu.memory_space<vmem>>) semaphore(%arg20 : memref<!tpu.dma_semaphore, #tpu.memory_space<semaphore_mem>>)
      } else {
      }
      %add3A_228 = arith.constant 6 : i32
      %add3A_229 = arith.addi %add3A_104, %add3A_228 : i32
      %dma_wait3A_230 = arith.constant 0 : i32
      %dma_wait3A_231 = tpu.memref_slice %arg7[%add3A_229, %dma_wait3A_230] : memref<80x125xi32, #tpu.memory_space<vmem>> -> memref<1x125xi32, #tpu.memory_space<vmem>>
      %dma_wait3A_232 = tpu.memref_squeeze %dma_wait3A_231 : memref<1x125xi32, #tpu.memory_space<vmem>> -> memref<125xi32, #tpu.memory_space<vmem>>
      %dma_wait3A_233 = arith.constant 0 : i32
      %dma_wait3A_234 = arith.constant 0 : i32
      %dma_wait3A_235 = tpu.memref_slice %arg2[%dma_wait3A_233, %dma_wait3A_234] : memref<10240x32xf32, #tpu.memory_space<hbm>> -> memref<10240x32xf32, #tpu.memory_space<hbm>>
      tpu.wait_indirect_dma semaphore(%arg25 : memref<!tpu.dma_semaphore, #tpu.memory_space<semaphore_mem>>) src(%dma_wait3A_235 : memref<10240x32xf32, #tpu.memory_space<hbm>>) dst(%arg17 : memref<125x32xf32, #tpu.memory_space<vmem>>)
      %dma_start3A_236 = arith.constant 0 : i32
      %dma_start3A_237 = tpu.memref_slice %arg8[%add3A_229, %dma_start3A_236] : memref<80x125xi32, #tpu.memory_space<vmem>> -> memref<1x125xi32, #tpu.memory_space<vmem>>
      %dma_start3A_238 = tpu.memref_squeeze %dma_start3A_237 : memref<1x125xi32, #tpu.memory_space<vmem>> -> memref<125xi32, #tpu.memory_space<vmem>>
      %dma_start3A_239 = arith.constant 0 : i32
      %dma_start3A_240 = arith.constant 0 : i32
      %dma_start3A_241 = tpu.memref_slice %arg10[%dma_start3A_239, %dma_start3A_240] : memref<10240x32xf32, #tpu.memory_space<vmem_shared>> -> memref<10240x32xf32, #tpu.memory_space<vmem_shared>>
      tpu.enqueue_indirect_dma source(%arg17 : memref<125x32xf32, #tpu.memory_space<vmem>>) target(%dma_start3A_241 : memref<10240x32xf32, #tpu.memory_space<vmem_shared>>) offsets(%dma_start3A_238 : memref<125xi32, #tpu.memory_space<vmem>>) semaphore(%arg33 : memref<!tpu.dma_semaphore, #tpu.memory_space<semaphore_mem>>) {add = true}
      %add3A_242 = arith.constant 4 : i32
      %add3A_243 = arith.addi %add3A_229, %add3A_242 : i32
      %lt3A_244 = arith.constant 80 : i32
      %lt3A_245 = arith.cmpi slt, %add3A_243, %lt3A_244 : i32
      %convert_element_type3A_246 = arith.extui %lt3A_245 : i1 to i32
      %cond3A_247 = arith.constant 0 : i32
      %cond3A_248 = arith.cmpi ne, %convert_element_type3A_246, %cond3A_247 : i32
      scf.if %cond3A_248 {
        %ge3A = arith.constant 4 : i32
        %ge3A_270 = arith.cmpi sge, %add3A_229, %ge3A : i32
        %convert_element_type3A_271 = arith.extui %ge3A_270 : i1 to i32
        %cond3A_272 = arith.constant 0 : i32
        %cond3A_273 = arith.cmpi ne, %convert_element_type3A_271, %cond3A_272 : i32
        scf.if %cond3A_273 {
          %sub3A = arith.constant 4 : i32
          %sub3A_282 = arith.subi %add3A_229, %sub3A : i32
          %dma_wait3A_283 = arith.constant 0 : i32
          %dma_wait3A_284 = tpu.memref_slice %arg8[%sub3A_282, %dma_wait3A_283] : memref<80x125xi32, #tpu.memory_space<vmem>> -> memref<1x125xi32, #tpu.memory_space<vmem>>
          %dma_wait3A_285 = tpu.memref_squeeze %dma_wait3A_284 : memref<1x125xi32, #tpu.memory_space<vmem>> -> memref<125xi32, #tpu.memory_space<vmem>>
          %dma_wait3A_286 = arith.constant 0 : i32
          %dma_wait3A_287 = arith.constant 0 : i32
          %dma_wait3A_288 = tpu.memref_slice %arg10[%dma_wait3A_286, %dma_wait3A_287] : memref<10240x32xf32, #tpu.memory_space<vmem_shared>> -> memref<10240x32xf32, #tpu.memory_space<vmem_shared>>
          tpu.wait_indirect_dma semaphore(%arg29 : memref<!tpu.dma_semaphore, #tpu.memory_space<semaphore_mem>>) src(%arg13 : memref<125x32xf32, #tpu.memory_space<vmem>>) dst(%dma_wait3A_288 : memref<10240x32xf32, #tpu.memory_space<vmem_shared>>)
        } else {
        }
        %add3A_274 = arith.constant 4 : i32
        %add3A_275 = arith.addi %add3A_229, %add3A_274 : i32
        %dma_start3A_276 = arith.constant 0 : i32
        %dma_start3A_277 = tpu.memref_slice %arg7[%add3A_275, %dma_start3A_276] : memref<80x125xi32, #tpu.memory_space<vmem>> -> memref<1x125xi32, #tpu.memory_space<vmem>>
        %dma_start3A_278 = tpu.memref_squeeze %dma_start3A_277 : memref<1x125xi32, #tpu.memory_space<vmem>> -> memref<125xi32, #tpu.memory_space<vmem>>
        %dma_start3A_279 = arith.constant 0 : i32
        %dma_start3A_280 = arith.constant 0 : i32
        %dma_start3A_281 = tpu.memref_slice %arg2[%dma_start3A_279, %dma_start3A_280] : memref<10240x32xf32, #tpu.memory_space<hbm>> -> memref<10240x32xf32, #tpu.memory_space<hbm>>
        tpu.enqueue_indirect_dma source(%dma_start3A_281 : memref<10240x32xf32, #tpu.memory_space<hbm>>) target(%arg13 : memref<125x32xf32, #tpu.memory_space<vmem>>) offsets(%dma_start3A_278 : memref<125xi32, #tpu.memory_space<vmem>>) semaphore(%arg21 : memref<!tpu.dma_semaphore, #tpu.memory_space<semaphore_mem>>)
      } else {
      }
      %add3A_249 = arith.constant 7 : i32
      %add3A_250 = arith.addi %add3A_104, %add3A_249 : i32
      %dma_wait3A_251 = arith.constant 0 : i32
      %dma_wait3A_252 = tpu.memref_slice %arg7[%add3A_250, %dma_wait3A_251] : memref<80x125xi32, #tpu.memory_space<vmem>> -> memref<1x125xi32, #tpu.memory_space<vmem>>
      %dma_wait3A_253 = tpu.memref_squeeze %dma_wait3A_252 : memref<1x125xi32, #tpu.memory_space<vmem>> -> memref<125xi32, #tpu.memory_space<vmem>>
      %dma_wait3A_254 = arith.constant 0 : i32
      %dma_wait3A_255 = arith.constant 0 : i32
      %dma_wait3A_256 = tpu.memref_slice %arg2[%dma_wait3A_254, %dma_wait3A_255] : memref<10240x32xf32, #tpu.memory_space<hbm>> -> memref<10240x32xf32, #tpu.memory_space<hbm>>
      tpu.wait_indirect_dma semaphore(%arg26 : memref<!tpu.dma_semaphore, #tpu.memory_space<semaphore_mem>>) src(%dma_wait3A_256 : memref<10240x32xf32, #tpu.memory_space<hbm>>) dst(%arg18 : memref<125x32xf32, #tpu.memory_space<vmem>>)
      %dma_start3A_257 = arith.constant 0 : i32
      %dma_start3A_258 = tpu.memref_slice %arg8[%add3A_250, %dma_start3A_257] : memref<80x125xi32, #tpu.memory_space<vmem>> -> memref<1x125xi32, #tpu.memory_space<vmem>>
      %dma_start3A_259 = tpu.memref_squeeze %dma_start3A_258 : memref<1x125xi32, #tpu.memory_space<vmem>> -> memref<125xi32, #tpu.memory_space<vmem>>
      %dma_start3A_260 = arith.constant 0 : i32
      %dma_start3A_261 = arith.constant 0 : i32
      %dma_start3A_262 = tpu.memref_slice %arg10[%dma_start3A_260, %dma_start3A_261] : memref<10240x32xf32, #tpu.memory_space<vmem_shared>> -> memref<10240x32xf32, #tpu.memory_space<vmem_shared>>
      tpu.enqueue_indirect_dma source(%arg18 : memref<125x32xf32, #tpu.memory_space<vmem>>) target(%dma_start3A_262 : memref<10240x32xf32, #tpu.memory_space<vmem_shared>>) offsets(%dma_start3A_259 : memref<125xi32, #tpu.memory_space<vmem>>) semaphore(%arg34 : memref<!tpu.dma_semaphore, #tpu.memory_space<semaphore_mem>>) {add = true}
      %add3A_263 = arith.constant 4 : i32
      %add3A_264 = arith.addi %add3A_250, %add3A_263 : i32
      %lt3A_265 = arith.constant 80 : i32
      %lt3A_266 = arith.cmpi slt, %add3A_264, %lt3A_265 : i32
      %convert_element_type3A_267 = arith.extui %lt3A_266 : i1 to i32
      %cond3A_268 = arith.constant 0 : i32
      %cond3A_269 = arith.cmpi ne, %convert_element_type3A_267, %cond3A_268 : i32
      scf.if %cond3A_269 {
        %ge3A = arith.constant 4 : i32
        %ge3A_270 = arith.cmpi sge, %add3A_250, %ge3A : i32
        %convert_element_type3A_271 = arith.extui %ge3A_270 : i1 to i32
        %cond3A_272 = arith.constant 0 : i32
        %cond3A_273 = arith.cmpi ne, %convert_element_type3A_271, %cond3A_272 : i32
        scf.if %cond3A_273 {
          %sub3A = arith.constant 4 : i32
          %sub3A_282 = arith.subi %add3A_250, %sub3A : i32
          %dma_wait3A_283 = arith.constant 0 : i32
          %dma_wait3A_284 = tpu.memref_slice %arg8[%sub3A_282, %dma_wait3A_283] : memref<80x125xi32, #tpu.memory_space<vmem>> -> memref<1x125xi32, #tpu.memory_space<vmem>>
          %dma_wait3A_285 = tpu.memref_squeeze %dma_wait3A_284 : memref<1x125xi32, #tpu.memory_space<vmem>> -> memref<125xi32, #tpu.memory_space<vmem>>
          %dma_wait3A_286 = arith.constant 0 : i32
          %dma_wait3A_287 = arith.constant 0 : i32
          %dma_wait3A_288 = tpu.memref_slice %arg10[%dma_wait3A_286, %dma_wait3A_287] : memref<10240x32xf32, #tpu.memory_space<vmem_shared>> -> memref<10240x32xf32, #tpu.memory_space<vmem_shared>>
          tpu.wait_indirect_dma semaphore(%arg30 : memref<!tpu.dma_semaphore, #tpu.memory_space<semaphore_mem>>) src(%arg14 : memref<125x32xf32, #tpu.memory_space<vmem>>) dst(%dma_wait3A_288 : memref<10240x32xf32, #tpu.memory_space<vmem_shared>>)
        } else {
        }
        %add3A_274 = arith.constant 4 : i32
        %add3A_275 = arith.addi %add3A_250, %add3A_274 : i32
        %dma_start3A_276 = arith.constant 0 : i32
        %dma_start3A_277 = tpu.memref_slice %arg7[%add3A_275, %dma_start3A_276] : memref<80x125xi32, #tpu.memory_space<vmem>> -> memref<1x125xi32, #tpu.memory_space<vmem>>
        %dma_start3A_278 = tpu.memref_squeeze %dma_start3A_277 : memref<1x125xi32, #tpu.memory_space<vmem>> -> memref<125xi32, #tpu.memory_space<vmem>>
        %dma_start3A_279 = arith.constant 0 : i32
        %dma_start3A_280 = arith.constant 0 : i32
        %dma_start3A_281 = tpu.memref_slice %arg2[%dma_start3A_279, %dma_start3A_280] : memref<10240x32xf32, #tpu.memory_space<hbm>> -> memref<10240x32xf32, #tpu.memory_space<hbm>>
        tpu.enqueue_indirect_dma source(%dma_start3A_281 : memref<10240x32xf32, #tpu.memory_space<hbm>>) target(%arg14 : memref<125x32xf32, #tpu.memory_space<vmem>>) offsets(%dma_start3A_278 : memref<125xi32, #tpu.memory_space<vmem>>) semaphore(%arg22 : memref<!tpu.dma_semaphore, #tpu.memory_space<semaphore_mem>>)
      } else {
      }
    }
    %scan3A_39 = arith.constant 10 : i32
    %dma_wait3A = arith.constant 72 : i32
    %dma_wait3A_40 = arith.constant 0 : i32
    %dma_wait3A_41 = tpu.memref_slice %arg8[%dma_wait3A, %dma_wait3A_40] : memref<80x125xi32, #tpu.memory_space<vmem>> -> memref<1x125xi32, #tpu.memory_space<vmem>>
    %dma_wait3A_42 = tpu.memref_squeeze %dma_wait3A_41 : memref<1x125xi32, #tpu.memory_space<vmem>> -> memref<125xi32, #tpu.memory_space<vmem>>
    %dma_wait3A_43 = arith.constant 0 : i32
    %dma_wait3A_44 = arith.constant 0 : i32
    %dma_wait3A_45 = tpu.memref_slice %arg10[%dma_wait3A_43, %dma_wait3A_44] : memref<10240x32xf32, #tpu.memory_space<vmem_shared>> -> memref<10240x32xf32, #tpu.memory_space<vmem_shared>>
    tpu.wait_indirect_dma semaphore(%arg27 : memref<!tpu.dma_semaphore, #tpu.memory_space<semaphore_mem>>) src(%arg11 : memref<125x32xf32, #tpu.memory_space<vmem>>) dst(%dma_wait3A_45 : memref<10240x32xf32, #tpu.memory_space<vmem_shared>>)
    %dma_wait3A_46 = arith.constant 73 : i32
    %dma_wait3A_47 = arith.constant 0 : i32
    %dma_wait3A_48 = tpu.memref_slice %arg8[%dma_wait3A_46, %dma_wait3A_47] : memref<80x125xi32, #tpu.memory_space<vmem>> -> memref<1x125xi32, #tpu.memory_space<vmem>>
    %dma_wait3A_49 = tpu.memref_squeeze %dma_wait3A_48 : memref<1x125xi32, #tpu.memory_space<vmem>> -> memref<125xi32, #tpu.memory_space<vmem>>
    %dma_wait3A_50 = arith.constant 0 : i32
    %dma_wait3A_51 = arith.constant 0 : i32
    %dma_wait3A_52 = tpu.memref_slice %arg10[%dma_wait3A_50, %dma_wait3A_51] : memref<10240x32xf32, #tpu.memory_space<vmem_shared>> -> memref<10240x32xf32, #tpu.memory_space<vmem_shared>>
    tpu.wait_indirect_dma semaphore(%arg28 : memref<!tpu.dma_semaphore, #tpu.memory_space<semaphore_mem>>) src(%arg12 : memref<125x32xf32, #tpu.memory_space<vmem>>) dst(%dma_wait3A_52 : memref<10240x32xf32, #tpu.memory_space<vmem_shared>>)
    %dma_wait3A_53 = arith.constant 74 : i32
    %dma_wait3A_54 = arith.constant 0 : i32
    %dma_wait3A_55 = tpu.memref_slice %arg8[%dma_wait3A_53, %dma_wait3A_54] : memref<80x125xi32, #tpu.memory_space<vmem>> -> memref<1x125xi32, #tpu.memory_space<vmem>>
    %dma_wait3A_56 = tpu.memref_squeeze %dma_wait3A_55 : memref<1x125xi32, #tpu.memory_space<vmem>> -> memref<125xi32, #tpu.memory_space<vmem>>
    %dma_wait3A_57 = arith.constant 0 : i32
    %dma_wait3A_58 = arith.constant 0 : i32
    %dma_wait3A_59 = tpu.memref_slice %arg10[%dma_wait3A_57, %dma_wait3A_58] : memref<10240x32xf32, #tpu.memory_space<vmem_shared>> -> memref<10240x32xf32, #tpu.memory_space<vmem_shared>>
    tpu.wait_indirect_dma semaphore(%arg29 : memref<!tpu.dma_semaphore, #tpu.memory_space<semaphore_mem>>) src(%arg13 : memref<125x32xf32, #tpu.memory_space<vmem>>) dst(%dma_wait3A_59 : memref<10240x32xf32, #tpu.memory_space<vmem_shared>>)
    %dma_wait3A_60 = arith.constant 75 : i32
    %dma_wait3A_61 = arith.constant 0 : i32
    %dma_wait3A_62 = tpu.memref_slice %arg8[%dma_wait3A_60, %dma_wait3A_61] : memref<80x125xi32, #tpu.memory_space<vmem>> -> memref<1x125xi32, #tpu.memory_space<vmem>>
    %dma_wait3A_63 = tpu.memref_squeeze %dma_wait3A_62 : memref<1x125xi32, #tpu.memory_space<vmem>> -> memref<125xi32, #tpu.memory_space<vmem>>
    %dma_wait3A_64 = arith.constant 0 : i32
    %dma_wait3A_65 = arith.constant 0 : i32
    %dma_wait3A_66 = tpu.memref_slice %arg10[%dma_wait3A_64, %dma_wait3A_65] : memref<10240x32xf32, #tpu.memory_space<vmem_shared>> -> memref<10240x32xf32, #tpu.memory_space<vmem_shared>>
    tpu.wait_indirect_dma semaphore(%arg30 : memref<!tpu.dma_semaphore, #tpu.memory_space<semaphore_mem>>) src(%arg14 : memref<125x32xf32, #tpu.memory_space<vmem>>) dst(%dma_wait3A_66 : memref<10240x32xf32, #tpu.memory_space<vmem_shared>>)
    %dma_wait3A_67 = arith.constant 76 : i32
    %dma_wait3A_68 = arith.constant 0 : i32
    %dma_wait3A_69 = tpu.memref_slice %arg8[%dma_wait3A_67, %dma_wait3A_68] : memref<80x125xi32, #tpu.memory_space<vmem>> -> memref<1x125xi32, #tpu.memory_space<vmem>>
    %dma_wait3A_70 = tpu.memref_squeeze %dma_wait3A_69 : memref<1x125xi32, #tpu.memory_space<vmem>> -> memref<125xi32, #tpu.memory_space<vmem>>
    %dma_wait3A_71 = arith.constant 0 : i32
    %dma_wait3A_72 = arith.constant 0 : i32
    %dma_wait3A_73 = tpu.memref_slice %arg10[%dma_wait3A_71, %dma_wait3A_72] : memref<10240x32xf32, #tpu.memory_space<vmem_shared>> -> memref<10240x32xf32, #tpu.memory_space<vmem_shared>>
    tpu.wait_indirect_dma semaphore(%arg31 : memref<!tpu.dma_semaphore, #tpu.memory_space<semaphore_mem>>) src(%arg15 : memref<125x32xf32, #tpu.memory_space<vmem>>) dst(%dma_wait3A_73 : memref<10240x32xf32, #tpu.memory_space<vmem_shared>>)
    %dma_wait3A_74 = arith.constant 77 : i32
    %dma_wait3A_75 = arith.constant 0 : i32
    %dma_wait3A_76 = tpu.memref_slice %arg8[%dma_wait3A_74, %dma_wait3A_75] : memref<80x125xi32, #tpu.memory_space<vmem>> -> memref<1x125xi32, #tpu.memory_space<vmem>>
    %dma_wait3A_77 = tpu.memref_squeeze %dma_wait3A_76 : memref<1x125xi32, #tpu.memory_space<vmem>> -> memref<125xi32, #tpu.memory_space<vmem>>
    %dma_wait3A_78 = arith.constant 0 : i32
    %dma_wait3A_79 = arith.constant 0 : i32
    %dma_wait3A_80 = tpu.memref_slice %arg10[%dma_wait3A_78, %dma_wait3A_79] : memref<10240x32xf32, #tpu.memory_space<vmem_shared>> -> memref<10240x32xf32, #tpu.memory_space<vmem_shared>>
    tpu.wait_indirect_dma semaphore(%arg32 : memref<!tpu.dma_semaphore, #tpu.memory_space<semaphore_mem>>) src(%arg16 : memref<125x32xf32, #tpu.memory_space<vmem>>) dst(%dma_wait3A_80 : memref<10240x32xf32, #tpu.memory_space<vmem_shared>>)
    %dma_wait3A_81 = arith.constant 78 : i32
    %dma_wait3A_82 = arith.constant 0 : i32
    %dma_wait3A_83 = tpu.memref_slice %arg8[%dma_wait3A_81, %dma_wait3A_82] : memref<80x125xi32, #tpu.memory_space<vmem>> -> memref<1x125xi32, #tpu.memory_space<vmem>>
    %dma_wait3A_84 = tpu.memref_squeeze %dma_wait3A_83 : memref<1x125xi32, #tpu.memory_space<vmem>> -> memref<125xi32, #tpu.memory_space<vmem>>
    %dma_wait3A_85 = arith.constant 0 : i32
    %dma_wait3A_86 = arith.constant 0 : i32
    %dma_wait3A_87 = tpu.memref_slice %arg10[%dma_wait3A_85, %dma_wait3A_86] : memref<10240x32xf32, #tpu.memory_space<vmem_shared>> -> memref<10240x32xf32, #tpu.memory_space<vmem_shared>>
    tpu.wait_indirect_dma semaphore(%arg33 : memref<!tpu.dma_semaphore, #tpu.memory_space<semaphore_mem>>) src(%arg17 : memref<125x32xf32, #tpu.memory_space<vmem>>) dst(%dma_wait3A_87 : memref<10240x32xf32, #tpu.memory_space<vmem_shared>>)
    %dma_wait3A_88 = arith.constant 79 : i32
    %dma_wait3A_89 = arith.constant 0 : i32
    %dma_wait3A_90 = tpu.memref_slice %arg8[%dma_wait3A_88, %dma_wait3A_89] : memref<80x125xi32, #tpu.memory_space<vmem>> -> memref<1x125xi32, #tpu.memory_space<vmem>>
    %dma_wait3A_91 = tpu.memref_squeeze %dma_wait3A_90 : memref<1x125xi32, #tpu.memory_space<vmem>> -> memref<125xi32, #tpu.memory_space<vmem>>
    %dma_wait3A_92 = arith.constant 0 : i32
    %dma_wait3A_93 = arith.constant 0 : i32
    %dma_wait3A_94 = tpu.memref_slice %arg10[%dma_wait3A_92, %dma_wait3A_93] : memref<10240x32xf32, #tpu.memory_space<vmem_shared>> -> memref<10240x32xf32, #tpu.memory_space<vmem_shared>>
    tpu.wait_indirect_dma semaphore(%arg34 : memref<!tpu.dma_semaphore, #tpu.memory_space<semaphore_mem>>) src(%arg18 : memref<125x32xf32, #tpu.memory_space<vmem>>) dst(%dma_wait3A_94 : memref<10240x32xf32, #tpu.memory_space<vmem_shared>>)
    %barrier3A_95 = arith.constant 0 : index
    tpu.barrier barrier_id(%barrier3A_95)
    %mul3A_96 = arith.constant 640 : i32
    %mul3A_97 = arith.muli %arg1, %mul3A_96 : i32
    "tpu.region"() ({
      %run_scoped3A = tpu.sem_alloc : memref<!tpu.dma_semaphore, #tpu.memory_space<semaphore_mem>>
      %dma_start3A_100 = arith.constant 0 : i32
      %dma_start3A_101 = tpu.memref_slice %arg10[%mul3A_97, %dma_start3A_100] : memref<10240x32xf32, #tpu.memory_space<vmem_shared>> -> memref<640x32xf32, #tpu.memory_space<vmem_shared>>
      %dma_start3A_102 = arith.constant 0 : i32
      %dma_start3A_103 = tpu.memref_slice %arg10[%mul3A_97, %dma_start3A_102] : memref<10240x32xf32, #tpu.memory_space<vmem_shared>> -> memref<640x32xf32, #tpu.memory_space<vmem_shared>>
      tpu.enqueue_dma source(%dma_start3A_103 : memref<640x32xf32, #tpu.memory_space<vmem_shared>>) target(%arg9 : memref<640x32xf32, #tpu.memory_space<vmem>>) target_semaphore(%run_scoped3A : memref<!tpu.dma_semaphore, #tpu.memory_space<semaphore_mem>>)
      %dma_wait3A_104 = arith.constant 0 : i32
      %dma_wait3A_105 = tpu.memref_slice %arg10[%mul3A_97, %dma_wait3A_104] : memref<10240x32xf32, #tpu.memory_space<vmem_shared>> -> memref<640x32xf32, #tpu.memory_space<vmem_shared>>
      %dma_wait3A_106 = arith.constant 0 : i32
      %dma_wait3A_107 = tpu.memref_slice %arg10[%mul3A_97, %dma_wait3A_106] : memref<10240x32xf32, #tpu.memory_space<vmem_shared>> -> memref<640x32xf32, #tpu.memory_space<vmem_shared>>
      tpu.wait_dma2 semaphore(%run_scoped3A : memref<!tpu.dma_semaphore, #tpu.memory_space<semaphore_mem>>) src(%dma_wait3A_107 : memref<640x32xf32, #tpu.memory_space<vmem_shared>>) dst(%arg9 : memref<640x32xf32, #tpu.memory_space<vmem>>)
      tpu.yield
    }) : () -> ()
    %mul3A_98 = arith.constant 640 : i32
    %mul3A_99 = arith.muli %arg1, %mul3A_98 : i32
    "tpu.region"() ({
      %run_scoped3A = tpu.sem_alloc : memref<!tpu.dma_semaphore, #tpu.memory_space<semaphore_mem>>
      %dma_start3A_100 = arith.constant 0 : i32
      %dma_start3A_101 = tpu.memref_slice %arg6[%arg0, %mul3A_99, %dma_start3A_100] : memref<2x10240x32xf32, #tpu.memory_space<hbm>> -> memref<1x640x32xf32, #tpu.memory_space<hbm>>
      %dma_start3A_102 = tpu.memref_squeeze %dma_start3A_101 : memref<1x640x32xf32, #tpu.memory_space<hbm>> -> memref<640x32xf32, #tpu.memory_space<hbm>>
      %dma_start3A_103 = arith.constant 0 : i32
      %dma_start3A_104 = tpu.memref_slice %arg6[%arg0, %mul3A_99, %dma_start3A_103] : memref<2x10240x32xf32, #tpu.memory_space<hbm>> -> memref<1x640x32xf32, #tpu.memory_space<hbm>>
      %dma_start3A_105 = tpu.memref_squeeze %dma_start3A_104 : memref<1x640x32xf32, #tpu.memory_space<hbm>> -> memref<640x32xf32, #tpu.memory_space<hbm>>
      tpu.enqueue_dma source(%arg9 : memref<640x32xf32, #tpu.memory_space<vmem>>) target(%dma_start3A_105 : memref<640x32xf32, #tpu.memory_space<hbm>>) target_semaphore(%run_scoped3A : memref<!tpu.dma_semaphore, #tpu.memory_space<semaphore_mem>>)
      %dma_wait3A_106 = arith.constant 0 : i32
      %dma_wait3A_107 = tpu.memref_slice %arg6[%arg0, %mul3A_99, %dma_wait3A_106] : memref<2x10240x32xf32, #tpu.memory_space<hbm>> -> memref<1x640x32xf32, #tpu.memory_space<hbm>>
      %dma_wait3A_108 = tpu.memref_squeeze %dma_wait3A_107 : memref<1x640x32xf32, #tpu.memory_space<hbm>> -> memref<640x32xf32, #tpu.memory_space<hbm>>
      %dma_wait3A_109 = arith.constant 0 : i32
      %dma_wait3A_110 = tpu.memref_slice %arg6[%arg0, %mul3A_99, %dma_wait3A_109] : memref<2x10240x32xf32, #tpu.memory_space<hbm>> -> memref<1x640x32xf32, #tpu.memory_space<hbm>>
      %dma_wait3A_111 = tpu.memref_squeeze %dma_wait3A_110 : memref<1x640x32xf32, #tpu.memory_space<hbm>> -> memref<640x32xf32, #tpu.memory_space<hbm>>
      tpu.wait_dma2 semaphore(%run_scoped3A : memref<!tpu.dma_semaphore, #tpu.memory_space<semaphore_mem>>) src(%arg9 : memref<640x32xf32, #tpu.memory_space<vmem>>) dst(%dma_wait3A_111 : memref<640x32xf32, #tpu.memory_space<hbm>>)
      tpu.yield
    }) : () -> ()
    return
  }
}

#map = affine_map<(d0, d1) -> (0, 0)>
#map1 = affine_map<(d0, d1) -> (0)>
module attributes {stable_mosaic.version = 14 : i64} {
  func.func @k(%arg0: i32, %arg1: i32, %arg2: memref<2x327680xf32, #tpu.memory_space<hbm>>, %arg3: memref<327680xf32, #tpu.memory_space<hbm>>, %arg4: memref<10240xf32, #tpu.memory_space<hbm>>, %arg5: memref<320000xi32, #tpu.memory_space<hbm>>, %arg6: memref<320000xi32, #tpu.memory_space<hbm>>, %arg7: memref<512xf32, #tpu.memory_space<hbm>>, %arg8: memref<512xf32, #tpu.memory_space<hbm>>, %arg9: memref<16xf32, #tpu.memory_space<hbm>>, %arg10: memref<10240xf32, #tpu.memory_space<hbm>>, %arg11: memref<10240xf32, #tpu.memory_space<vmem>>, %arg12: memref<20000xi32, #tpu.memory_space<vmem>>, %arg13: memref<20000xi32, #tpu.memory_space<vmem>>, %arg14: memref<10240xf32, #tpu.memory_space<vmem>>, %arg15: memref<640xf32, #tpu.memory_space<vmem>>, %arg16: memref<640xf32, #tpu.memory_space<vmem>>, %arg17: memref<320xf32, #tpu.memory_space<vmem>>, %arg18: memref<320xf32, #tpu.memory_space<vmem>>, %arg19: memref<640xf32, #tpu.memory_space<vmem>>, %arg20: memref<640xf32, #tpu.memory_space<vmem>>, %arg21: memref<10240xf32, #tpu.memory_space<vmem>>, %arg22: memref<10240xf32, #tpu.memory_space<vmem>>, %arg23: memref<10240xf32, #tpu.memory_space<vmem>>, %arg24: memref<512xf32, #tpu.memory_space<vmem>>, %arg25: memref<512xf32, #tpu.memory_space<vmem>>, %arg26: memref<16xf32, #tpu.memory_space<vmem>>, %arg27: memref<16x10240xf32, #tpu.memory_space<vmem_shared>>, %arg28: memref<10240xf32, #tpu.memory_space<vmem_shared>>) attributes {dimension_semantics = [#tpu.dimension_semantics<core_parallel>, #tpu.dimension_semantics<subcore_parallel>], iteration_bounds = array<i64: 2, 16>, scalar_prefetch = 0 : i64, scratch_operands = 18 : i64, tpu.core_type = #tpu.core_type<sc_vector_subcore>, window_params = [{transform_indices = #map}, {transform_indices = #map1}, {transform_indices = #map1}, {transform_indices = #map1}, {transform_indices = #map1}, {transform_indices = #map1}, {transform_indices = #map1}, {transform_indices = #map1}, {transform_indices = #map1}]} {
    %mul3A = arith.constant 5120 : i32
    %mul3A_0 = arith.muli %arg0, %mul3A : i32
    %mul3A_1 = arith.constant 320 : i32
    %mul3A_2 = arith.muli %arg1, %mul3A_1 : i32
    %add3A = arith.addi %mul3A_0, %mul3A_2 : i32
    %mul3A_3 = arith.constant 640 : i32
    %mul3A_4 = arith.muli %arg1, %mul3A_3 : i32
    %mul3A_5 = arith.constant 20000 : i32
    %mul3A_6 = arith.muli %arg1, %mul3A_5 : i32
    "tpu.region"() ({
      %run_scoped3A_78 = tpu.sem_alloc : memref<!tpu.dma_semaphore, #tpu.memory_space<semaphore_mem>>
      %dma_start3A = tpu.memref_slice %arg5[%mul3A_6] : memref<320000xi32, #tpu.memory_space<hbm>> -> memref<20000xi32, #tpu.memory_space<hbm>>
      %dma_start3A_79 = tpu.memref_slice %arg5[%mul3A_6] : memref<320000xi32, #tpu.memory_space<hbm>> -> memref<20000xi32, #tpu.memory_space<hbm>>
      tpu.enqueue_dma source(%dma_start3A_79 : memref<20000xi32, #tpu.memory_space<hbm>>) target(%arg12 : memref<20000xi32, #tpu.memory_space<vmem>>) target_semaphore(%run_scoped3A_78 : memref<!tpu.dma_semaphore, #tpu.memory_space<semaphore_mem>>)
      %dma_wait3A = tpu.memref_slice %arg5[%mul3A_6] : memref<320000xi32, #tpu.memory_space<hbm>> -> memref<20000xi32, #tpu.memory_space<hbm>>
      %dma_wait3A_80 = tpu.memref_slice %arg5[%mul3A_6] : memref<320000xi32, #tpu.memory_space<hbm>> -> memref<20000xi32, #tpu.memory_space<hbm>>
      tpu.wait_dma2 semaphore(%run_scoped3A_78 : memref<!tpu.dma_semaphore, #tpu.memory_space<semaphore_mem>>) src(%dma_wait3A_80 : memref<20000xi32, #tpu.memory_space<hbm>>) dst(%arg12 : memref<20000xi32, #tpu.memory_space<vmem>>)
      tpu.yield
    }) : () -> ()
    %mul3A_7 = arith.constant 20000 : i32
    %mul3A_8 = arith.muli %arg1, %mul3A_7 : i32
    "tpu.region"() ({
      %run_scoped3A_78 = tpu.sem_alloc : memref<!tpu.dma_semaphore, #tpu.memory_space<semaphore_mem>>
      %dma_start3A = tpu.memref_slice %arg6[%mul3A_8] : memref<320000xi32, #tpu.memory_space<hbm>> -> memref<20000xi32, #tpu.memory_space<hbm>>
      %dma_start3A_79 = tpu.memref_slice %arg6[%mul3A_8] : memref<320000xi32, #tpu.memory_space<hbm>> -> memref<20000xi32, #tpu.memory_space<hbm>>
      tpu.enqueue_dma source(%dma_start3A_79 : memref<20000xi32, #tpu.memory_space<hbm>>) target(%arg13 : memref<20000xi32, #tpu.memory_space<vmem>>) target_semaphore(%run_scoped3A_78 : memref<!tpu.dma_semaphore, #tpu.memory_space<semaphore_mem>>)
      %dma_wait3A = tpu.memref_slice %arg6[%mul3A_8] : memref<320000xi32, #tpu.memory_space<hbm>> -> memref<20000xi32, #tpu.memory_space<hbm>>
      %dma_wait3A_80 = tpu.memref_slice %arg6[%mul3A_8] : memref<320000xi32, #tpu.memory_space<hbm>> -> memref<20000xi32, #tpu.memory_space<hbm>>
      tpu.wait_dma2 semaphore(%run_scoped3A_78 : memref<!tpu.dma_semaphore, #tpu.memory_space<semaphore_mem>>) src(%dma_wait3A_80 : memref<20000xi32, #tpu.memory_space<hbm>>) dst(%arg13 : memref<20000xi32, #tpu.memory_space<vmem>>)
      tpu.yield
    }) : () -> ()
    "tpu.region"() ({
      %run_scoped3A_78 = tpu.sem_alloc : memref<!tpu.dma_semaphore, #tpu.memory_space<semaphore_mem>>
      tpu.enqueue_dma source(%arg7 : memref<512xf32, #tpu.memory_space<hbm>>) target(%arg24 : memref<512xf32, #tpu.memory_space<vmem>>) target_semaphore(%run_scoped3A_78 : memref<!tpu.dma_semaphore, #tpu.memory_space<semaphore_mem>>)
      tpu.wait_dma2 semaphore(%run_scoped3A_78 : memref<!tpu.dma_semaphore, #tpu.memory_space<semaphore_mem>>) src(%arg7 : memref<512xf32, #tpu.memory_space<hbm>>) dst(%arg24 : memref<512xf32, #tpu.memory_space<vmem>>)
      tpu.yield
    }) : () -> ()
    "tpu.region"() ({
      %run_scoped3A_78 = tpu.sem_alloc : memref<!tpu.dma_semaphore, #tpu.memory_space<semaphore_mem>>
      tpu.enqueue_dma source(%arg8 : memref<512xf32, #tpu.memory_space<hbm>>) target(%arg25 : memref<512xf32, #tpu.memory_space<vmem>>) target_semaphore(%run_scoped3A_78 : memref<!tpu.dma_semaphore, #tpu.memory_space<semaphore_mem>>)
      tpu.wait_dma2 semaphore(%run_scoped3A_78 : memref<!tpu.dma_semaphore, #tpu.memory_space<semaphore_mem>>) src(%arg8 : memref<512xf32, #tpu.memory_space<hbm>>) dst(%arg25 : memref<512xf32, #tpu.memory_space<vmem>>)
      tpu.yield
    }) : () -> ()
    "tpu.region"() ({
      %run_scoped3A_78 = tpu.sem_alloc : memref<!tpu.dma_semaphore, #tpu.memory_space<semaphore_mem>>
      tpu.enqueue_dma source(%arg9 : memref<16xf32, #tpu.memory_space<hbm>>) target(%arg26 : memref<16xf32, #tpu.memory_space<vmem>>) target_semaphore(%run_scoped3A_78 : memref<!tpu.dma_semaphore, #tpu.memory_space<semaphore_mem>>)
      tpu.wait_dma2 semaphore(%run_scoped3A_78 : memref<!tpu.dma_semaphore, #tpu.memory_space<semaphore_mem>>) src(%arg9 : memref<16xf32, #tpu.memory_space<hbm>>) dst(%arg26 : memref<16xf32, #tpu.memory_space<vmem>>)
      tpu.yield
    }) : () -> ()
    "tpu.region"() ({
      %run_scoped3A_78 = tpu.sem_alloc : memref<!tpu.dma_semaphore, #tpu.memory_space<semaphore_mem>>
      %dma_start3A = tpu.memref_slice %arg4[%add3A] : memref<10240xf32, #tpu.memory_space<hbm>> -> memref<320xf32, #tpu.memory_space<hbm>>
      %dma_start3A_79 = tpu.memref_slice %arg4[%add3A] : memref<10240xf32, #tpu.memory_space<hbm>> -> memref<320xf32, #tpu.memory_space<hbm>>
      tpu.enqueue_dma source(%dma_start3A_79 : memref<320xf32, #tpu.memory_space<hbm>>) target(%arg17 : memref<320xf32, #tpu.memory_space<vmem>>) target_semaphore(%run_scoped3A_78 : memref<!tpu.dma_semaphore, #tpu.memory_space<semaphore_mem>>)
      %dma_wait3A = tpu.memref_slice %arg4[%add3A] : memref<10240xf32, #tpu.memory_space<hbm>> -> memref<320xf32, #tpu.memory_space<hbm>>
      %dma_wait3A_80 = tpu.memref_slice %arg4[%add3A] : memref<10240xf32, #tpu.memory_space<hbm>> -> memref<320xf32, #tpu.memory_space<hbm>>
      tpu.wait_dma2 semaphore(%run_scoped3A_78 : memref<!tpu.dma_semaphore, #tpu.memory_space<semaphore_mem>>) src(%dma_wait3A_80 : memref<320xf32, #tpu.memory_space<hbm>>) dst(%arg17 : memref<320xf32, #tpu.memory_space<vmem>>)
      tpu.yield
    }) : () -> ()
    "tpu.region"() ({
      %run_scoped3A_78 = tpu.sem_alloc : memref<!tpu.dma_semaphore, #tpu.memory_space<semaphore_mem>>
      %dma_start3A = tpu.memref_slice %arg4[%mul3A_4] : memref<10240xf32, #tpu.memory_space<hbm>> -> memref<640xf32, #tpu.memory_space<hbm>>
      %dma_start3A_79 = tpu.memref_slice %arg4[%mul3A_4] : memref<10240xf32, #tpu.memory_space<hbm>> -> memref<640xf32, #tpu.memory_space<hbm>>
      tpu.enqueue_dma source(%dma_start3A_79 : memref<640xf32, #tpu.memory_space<hbm>>) target(%arg19 : memref<640xf32, #tpu.memory_space<vmem>>) target_semaphore(%run_scoped3A_78 : memref<!tpu.dma_semaphore, #tpu.memory_space<semaphore_mem>>)
      %dma_wait3A = tpu.memref_slice %arg4[%mul3A_4] : memref<10240xf32, #tpu.memory_space<hbm>> -> memref<640xf32, #tpu.memory_space<hbm>>
      %dma_wait3A_80 = tpu.memref_slice %arg4[%mul3A_4] : memref<10240xf32, #tpu.memory_space<hbm>> -> memref<640xf32, #tpu.memory_space<hbm>>
      tpu.wait_dma2 semaphore(%run_scoped3A_78 : memref<!tpu.dma_semaphore, #tpu.memory_space<semaphore_mem>>) src(%dma_wait3A_80 : memref<640xf32, #tpu.memory_space<hbm>>) dst(%arg19 : memref<640xf32, #tpu.memory_space<vmem>>)
      tpu.yield
    }) : () -> ()
    %iota3A = tpu.iota {dimensions = array<i32: 0>} : vector<16xi32>
    %mul3A_9 = arith.constant 32 : i32
    %mul3A_10 = vector.broadcast %mul3A_9 : i32 to vector<16xi32>
    %mul3A_11 = arith.muli %iota3A, %mul3A_10 : vector<16xi32>
    %add3A_12 = arith.constant 0 : i32
    %add3A_13 = arith.addi %mul3A_4, %add3A_12 : i32
    %mul3A_14 = arith.constant 32 : i32
    %mul3A_15 = arith.muli %add3A_13, %mul3A_14 : i32
    %run_scoped3A = arith.constant 0 : i32
    "tpu.region"() ({
      %run_scoped3A_78 = tpu.sem_alloc : memref<!tpu.dma_semaphore, #tpu.memory_space<semaphore_mem>>
      %dma_start3A = tpu.memref_slice %arg2[%run_scoped3A, %mul3A_15] : memref<2x327680xf32, #tpu.memory_space<hbm>> -> memref<1x10240xf32, #tpu.memory_space<hbm>>
      %dma_start3A_79 = tpu.memref_squeeze %dma_start3A : memref<1x10240xf32, #tpu.memory_space<hbm>> -> memref<10240xf32, #tpu.memory_space<hbm>>
      %dma_start3A_80 = tpu.memref_slice %arg2[%run_scoped3A, %mul3A_15] : memref<2x327680xf32, #tpu.memory_space<hbm>> -> memref<1x10240xf32, #tpu.memory_space<hbm>>
      %dma_start3A_81 = tpu.memref_squeeze %dma_start3A_80 : memref<1x10240xf32, #tpu.memory_space<hbm>> -> memref<10240xf32, #tpu.memory_space<hbm>>
      tpu.enqueue_dma source(%dma_start3A_81 : memref<10240xf32, #tpu.memory_space<hbm>>) target(%arg21 : memref<10240xf32, #tpu.memory_space<vmem>>) target_semaphore(%run_scoped3A_78 : memref<!tpu.dma_semaphore, #tpu.memory_space<semaphore_mem>>)
      %dma_wait3A = tpu.memref_slice %arg2[%run_scoped3A, %mul3A_15] : memref<2x327680xf32, #tpu.memory_space<hbm>> -> memref<1x10240xf32, #tpu.memory_space<hbm>>
      %dma_wait3A_82 = tpu.memref_squeeze %dma_wait3A : memref<1x10240xf32, #tpu.memory_space<hbm>> -> memref<10240xf32, #tpu.memory_space<hbm>>
      %dma_wait3A_83 = tpu.memref_slice %arg2[%run_scoped3A, %mul3A_15] : memref<2x327680xf32, #tpu.memory_space<hbm>> -> memref<1x10240xf32, #tpu.memory_space<hbm>>
      %dma_wait3A_84 = tpu.memref_squeeze %dma_wait3A_83 : memref<1x10240xf32, #tpu.memory_space<hbm>> -> memref<10240xf32, #tpu.memory_space<hbm>>
      tpu.wait_dma2 semaphore(%run_scoped3A_78 : memref<!tpu.dma_semaphore, #tpu.memory_space<semaphore_mem>>) src(%dma_wait3A_84 : memref<10240xf32, #tpu.memory_space<hbm>>) dst(%arg21 : memref<10240xf32, #tpu.memory_space<vmem>>)
      tpu.yield
    }) : () -> ()
    %mul3A_16 = arith.constant 32 : i32
    %mul3A_17 = arith.muli %add3A_13, %mul3A_16 : i32
    %run_scoped3A_18 = arith.constant 1 : i32
    "tpu.region"() ({
      %run_scoped3A_78 = tpu.sem_alloc : memref<!tpu.dma_semaphore, #tpu.memory_space<semaphore_mem>>
      %dma_start3A = tpu.memref_slice %arg2[%run_scoped3A_18, %mul3A_17] : memref<2x327680xf32, #tpu.memory_space<hbm>> -> memref<1x10240xf32, #tpu.memory_space<hbm>>
      %dma_start3A_79 = tpu.memref_squeeze %dma_start3A : memref<1x10240xf32, #tpu.memory_space<hbm>> -> memref<10240xf32, #tpu.memory_space<hbm>>
      %dma_start3A_80 = tpu.memref_slice %arg2[%run_scoped3A_18, %mul3A_17] : memref<2x327680xf32, #tpu.memory_space<hbm>> -> memref<1x10240xf32, #tpu.memory_space<hbm>>
      %dma_start3A_81 = tpu.memref_squeeze %dma_start3A_80 : memref<1x10240xf32, #tpu.memory_space<hbm>> -> memref<10240xf32, #tpu.memory_space<hbm>>
      tpu.enqueue_dma source(%dma_start3A_81 : memref<10240xf32, #tpu.memory_space<hbm>>) target(%arg22 : memref<10240xf32, #tpu.memory_space<vmem>>) target_semaphore(%run_scoped3A_78 : memref<!tpu.dma_semaphore, #tpu.memory_space<semaphore_mem>>)
      %dma_wait3A = tpu.memref_slice %arg2[%run_scoped3A_18, %mul3A_17] : memref<2x327680xf32, #tpu.memory_space<hbm>> -> memref<1x10240xf32, #tpu.memory_space<hbm>>
      %dma_wait3A_82 = tpu.memref_squeeze %dma_wait3A : memref<1x10240xf32, #tpu.memory_space<hbm>> -> memref<10240xf32, #tpu.memory_space<hbm>>
      %dma_wait3A_83 = tpu.memref_slice %arg2[%run_scoped3A_18, %mul3A_17] : memref<2x327680xf32, #tpu.memory_space<hbm>> -> memref<1x10240xf32, #tpu.memory_space<hbm>>
      %dma_wait3A_84 = tpu.memref_squeeze %dma_wait3A_83 : memref<1x10240xf32, #tpu.memory_space<hbm>> -> memref<10240xf32, #tpu.memory_space<hbm>>
      tpu.wait_dma2 semaphore(%run_scoped3A_78 : memref<!tpu.dma_semaphore, #tpu.memory_space<semaphore_mem>>) src(%dma_wait3A_84 : memref<10240xf32, #tpu.memory_space<hbm>>) dst(%arg22 : memref<10240xf32, #tpu.memory_space<vmem>>)
      tpu.yield
    }) : () -> ()
    %mul3A_19 = arith.constant 32 : i32
    %mul3A_20 = arith.muli %add3A_13, %mul3A_19 : i32
    "tpu.region"() ({
      %run_scoped3A_78 = tpu.sem_alloc : memref<!tpu.dma_semaphore, #tpu.memory_space<semaphore_mem>>
      %dma_start3A = tpu.memref_slice %arg3[%mul3A_20] : memref<327680xf32, #tpu.memory_space<hbm>> -> memref<10240xf32, #tpu.memory_space<hbm>>
      %dma_start3A_79 = tpu.memref_slice %arg3[%mul3A_20] : memref<327680xf32, #tpu.memory_space<hbm>> -> memref<10240xf32, #tpu.memory_space<hbm>>
      tpu.enqueue_dma source(%dma_start3A_79 : memref<10240xf32, #tpu.memory_space<hbm>>) target(%arg23 : memref<10240xf32, #tpu.memory_space<vmem>>) target_semaphore(%run_scoped3A_78 : memref<!tpu.dma_semaphore, #tpu.memory_space<semaphore_mem>>)
      %dma_wait3A = tpu.memref_slice %arg3[%mul3A_20] : memref<327680xf32, #tpu.memory_space<hbm>> -> memref<10240xf32, #tpu.memory_space<hbm>>
      %dma_wait3A_80 = tpu.memref_slice %arg3[%mul3A_20] : memref<327680xf32, #tpu.memory_space<hbm>> -> memref<10240xf32, #tpu.memory_space<hbm>>
      tpu.wait_dma2 semaphore(%run_scoped3A_78 : memref<!tpu.dma_semaphore, #tpu.memory_space<semaphore_mem>>) src(%dma_wait3A_80 : memref<10240xf32, #tpu.memory_space<hbm>>) dst(%arg23 : memref<10240xf32, #tpu.memory_space<vmem>>)
      tpu.yield
    }) : () -> ()
    %scan3A = arith.constant 0 : i32
    %scan3A_21 = arith.constant 160 : i32
    %scan3A_22 = arith.addi %scan3A, %scan3A_21 : i32
    %scan3A_23 = arith.constant 1 : i32
    scf.for %scan3A_78 = %scan3A to %scan3A_22 step %scan3A_23  : i32 {
      %mul3A_79 = arith.constant 64 : i32
      %mul3A_80 = arith.muli %scan3A_78, %mul3A_79 : i32
      %add3A_81 = arith.constant 0 : i32
      %add3A_82 = arith.addi %add3A_81, %mul3A_80 : i32
      %add3A_83 = arith.constant 0 : i32
      %add3A_84 = arith.addi %add3A_82, %add3A_83 : i32
      %get3A_85 = arith.index_cast %add3A_84 : i32 to index
      %get3A_86 = tpu.vector_load %arg21[%get3A_85] {strides = array<i32>} : memref<10240xf32, #tpu.memory_space<vmem>>, vector<16xf32>,
      %add3A_87 = arith.constant 0 : i32
      %add3A_88 = arith.addi %add3A_82, %add3A_87 : i32
      %get3A_89 = arith.index_cast %add3A_88 : i32 to index
      %get3A_90 = tpu.vector_load %arg22[%get3A_89] {strides = array<i32>} : memref<10240xf32, #tpu.memory_space<vmem>>, vector<16xf32>,
      %add3A_91 = arith.addf %get3A_86, %get3A_90 : vector<16xf32>
      %add3A_92 = arith.constant 0 : i32
      %add3A_93 = arith.addi %add3A_82, %add3A_92 : i32
      %get3A_94 = arith.index_cast %add3A_93 : i32 to index
      %get3A_95 = tpu.vector_load %arg23[%get3A_94] {strides = array<i32>} : memref<10240xf32, #tpu.memory_space<vmem>>, vector<16xf32>,
      %add3A_96 = arith.addf %add3A_91, %get3A_95 : vector<16xf32>
      %add3A_97 = arith.constant 0 : i32
      %add3A_98 = arith.addi %add3A_82, %add3A_97 : i32
      %swap3A = arith.index_cast %add3A_98 : i32 to index
      %swap3A_99 = tpu.vector_load %arg21[%swap3A] {strides = array<i32>} : memref<10240xf32, #tpu.memory_space<vmem>>, vector<16xf32>,
      tpu.vector_store %arg21[%swap3A], %add3A_96 {strides = array<i32>} : memref<10240xf32, #tpu.memory_space<vmem>>, vector<16xf32>,
      %add3A_100 = arith.constant 16 : i32
      %add3A_101 = arith.addi %add3A_82, %add3A_100 : i32
      %get3A_102 = arith.index_cast %add3A_101 : i32 to index
      %get3A_103 = tpu.vector_load %arg21[%get3A_102] {strides = array<i32>} : memref<10240xf32, #tpu.memory_space<vmem>>, vector<16xf32>,
      %add3A_104 = arith.constant 16 : i32
      %add3A_105 = arith.addi %add3A_82, %add3A_104 : i32
      %get3A_106 = arith.index_cast %add3A_105 : i32 to index
      %get3A_107 = tpu.vector_load %arg22[%get3A_106] {strides = array<i32>} : memref<10240xf32, #tpu.memory_space<vmem>>, vector<16xf32>,
      %add3A_108 = arith.addf %get3A_103, %get3A_107 : vector<16xf32>
      %add3A_109 = arith.constant 16 : i32
      %add3A_110 = arith.addi %add3A_82, %add3A_109 : i32
      %get3A_111 = arith.index_cast %add3A_110 : i32 to index
      %get3A_112 = tpu.vector_load %arg23[%get3A_111] {strides = array<i32>} : memref<10240xf32, #tpu.memory_space<vmem>>, vector<16xf32>,
      %add3A_113 = arith.addf %add3A_108, %get3A_112 : vector<16xf32>
      %add3A_114 = arith.constant 16 : i32
      %add3A_115 = arith.addi %add3A_82, %add3A_114 : i32
      %swap3A_116 = arith.index_cast %add3A_115 : i32 to index
      %swap3A_117 = tpu.vector_load %arg21[%swap3A_116] {strides = array<i32>} : memref<10240xf32, #tpu.memory_space<vmem>>, vector<16xf32>,
      tpu.vector_store %arg21[%swap3A_116], %add3A_113 {strides = array<i32>} : memref<10240xf32, #tpu.memory_space<vmem>>, vector<16xf32>,
      %add3A_118 = arith.constant 32 : i32
      %add3A_119 = arith.addi %add3A_82, %add3A_118 : i32
      %get3A_120 = arith.index_cast %add3A_119 : i32 to index
      %get3A_121 = tpu.vector_load %arg21[%get3A_120] {strides = array<i32>} : memref<10240xf32, #tpu.memory_space<vmem>>, vector<16xf32>,
      %add3A_122 = arith.constant 32 : i32
      %add3A_123 = arith.addi %add3A_82, %add3A_122 : i32
      %get3A_124 = arith.index_cast %add3A_123 : i32 to index
      %get3A_125 = tpu.vector_load %arg22[%get3A_124] {strides = array<i32>} : memref<10240xf32, #tpu.memory_space<vmem>>, vector<16xf32>,
      %add3A_126 = arith.addf %get3A_121, %get3A_125 : vector<16xf32>
      %add3A_127 = arith.constant 32 : i32
      %add3A_128 = arith.addi %add3A_82, %add3A_127 : i32
      %get3A_129 = arith.index_cast %add3A_128 : i32 to index
      %get3A_130 = tpu.vector_load %arg23[%get3A_129] {strides = array<i32>} : memref<10240xf32, #tpu.memory_space<vmem>>, vector<16xf32>,
      %add3A_131 = arith.addf %add3A_126, %get3A_130 : vector<16xf32>
      %add3A_132 = arith.constant 32 : i32
      %add3A_133 = arith.addi %add3A_82, %add3A_132 : i32
      %swap3A_134 = arith.index_cast %add3A_133 : i32 to index
      %swap3A_135 = tpu.vector_load %arg21[%swap3A_134] {strides = array<i32>} : memref<10240xf32, #tpu.memory_space<vmem>>, vector<16xf32>,
      tpu.vector_store %arg21[%swap3A_134], %add3A_131 {strides = array<i32>} : memref<10240xf32, #tpu.memory_space<vmem>>, vector<16xf32>,
      %add3A_136 = arith.constant 48 : i32
      %add3A_137 = arith.addi %add3A_82, %add3A_136 : i32
      %get3A_138 = arith.index_cast %add3A_137 : i32 to index
      %get3A_139 = tpu.vector_load %arg21[%get3A_138] {strides = array<i32>} : memref<10240xf32, #tpu.memory_space<vmem>>, vector<16xf32>,
      %add3A_140 = arith.constant 48 : i32
      %add3A_141 = arith.addi %add3A_82, %add3A_140 : i32
      %get3A_142 = arith.index_cast %add3A_141 : i32 to index
      %get3A_143 = tpu.vector_load %arg22[%get3A_142] {strides = array<i32>} : memref<10240xf32, #tpu.memory_space<vmem>>, vector<16xf32>,
      %add3A_144 = arith.addf %get3A_139, %get3A_143 : vector<16xf32>
      %add3A_145 = arith.constant 48 : i32
      %add3A_146 = arith.addi %add3A_82, %add3A_145 : i32
      %get3A_147 = arith.index_cast %add3A_146 : i32 to index
      %get3A_148 = tpu.vector_load %arg23[%get3A_147] {strides = array<i32>} : memref<10240xf32, #tpu.memory_space<vmem>>, vector<16xf32>,
      %add3A_149 = arith.addf %add3A_144, %get3A_148 : vector<16xf32>
      %add3A_150 = arith.constant 48 : i32
      %add3A_151 = arith.addi %add3A_82, %add3A_150 : i32
      %swap3A_152 = arith.index_cast %add3A_151 : i32 to index
      %swap3A_153 = tpu.vector_load %arg21[%swap3A_152] {strides = array<i32>} : memref<10240xf32, #tpu.memory_space<vmem>>, vector<16xf32>,
      tpu.vector_store %arg21[%swap3A_152], %add3A_149 {strides = array<i32>} : memref<10240xf32, #tpu.memory_space<vmem>>, vector<16xf32>,
    }
    %scan3A_24 = arith.constant 160 : i32
    %scan3A_25 = arith.constant 0 : i32
    %scan3A_26 = arith.constant 20 : i32
    %scan3A_27 = arith.addi %scan3A_25, %scan3A_26 : i32
    %scan3A_28 = arith.constant 1 : i32
    scf.for %scan3A_78 = %scan3A_25 to %scan3A_27 step %scan3A_28  : i32 {
      %mul3A_79 = arith.constant 16 : i32
      %mul3A_80 = arith.muli %scan3A_78, %mul3A_79 : i32
      %add3A_81 = arith.constant 0 : i32
      %add3A_82 = arith.addi %add3A_81, %mul3A_80 : i32
      %mul3A_83 = arith.constant 32 : i32
      %mul3A_84 = arith.muli %add3A_82, %mul3A_83 : i32
      %add3A_85 = arith.constant 0 : i32
      %add3A_86 = arith.addi %add3A_85, %add3A_82 : i32
      %get3A_87 = arith.index_cast %add3A_86 : i32 to index
      %get3A_88 = tpu.vector_load %arg19[%get3A_87] {strides = array<i32>} : memref<640xf32, #tpu.memory_space<vmem>>, vector<16xf32>,
      %broadcast_in_dim3A = arith.constant 0.000000e+00 : f32
      %broadcast_in_dim3A_89 = vector.broadcast %broadcast_in_dim3A : f32 to vector<16xf32>
      %broadcast_in_dim3A_90 = arith.constant 0.000000e+00 : f32
      %broadcast_in_dim3A_91 = vector.broadcast %broadcast_in_dim3A_90 : f32 to vector<16xf32>
      %add3A_92 = arith.constant 0 : i32
      %add3A_93 = arith.addi %mul3A_84, %add3A_92 : i32
      %add3A_94 = vector.broadcast %add3A_93 : i32 to vector<16xi32>
      %add3A_95 = arith.addi %mul3A_11, %add3A_94 : vector<16xi32>
      %add3A_96 = arith.constant 0 : i32
      %add3A_97 = arith.addi %mul3A_84, %add3A_96 : i32
      %add3A_98 = arith.constant 1 : i32
      %add3A_99 = arith.addi %add3A_97, %add3A_98 : i32
      %add3A_100 = vector.broadcast %add3A_99 : i32 to vector<16xi32>
      %add3A_101 = arith.addi %mul3A_11, %add3A_100 : vector<16xi32>
      %gather3A = tpu.vector_load_idx %arg21[%add3A_95] : memref<10240xf32, #tpu.memory_space<vmem>>[vector<16xi32>], vector<16xf32>,
      %gather3A_102 = tpu.vector_load_idx %arg21[%add3A_101] : memref<10240xf32, #tpu.memory_space<vmem>>[vector<16xi32>], vector<16xf32>,
      %mul3A_103 = arith.mulf %get3A_88, %gather3A : vector<16xf32>
      %get3A_104 = arith.constant 0 : index
      %get3A_105 = tpu.vector_load %arg24[%get3A_104] {strides = array<i32>} : memref<512xf32, #tpu.memory_space<vmem>>, vector<16xf32>,
      %add3A_106 = arith.addf %mul3A_103, %get3A_105 : vector<16xf32>
      %max3A = arith.constant 0.000000e+00 : f32
      %max3A_107 = vector.broadcast %max3A : f32 to vector<16xf32>
      %max3A_108 = arith.maximumf %add3A_106, %max3A_107 : vector<16xf32>
      %mul3A_109 = arith.mulf %get3A_88, %gather3A_102 : vector<16xf32>
      %get3A_110 = arith.constant 16 : index
      %get3A_111 = tpu.vector_load %arg24[%get3A_110] {strides = array<i32>} : memref<512xf32, #tpu.memory_space<vmem>>, vector<16xf32>,
      %add3A_112 = arith.addf %mul3A_109, %get3A_111 : vector<16xf32>
      %max3A_113 = arith.constant 0.000000e+00 : f32
      %max3A_114 = vector.broadcast %max3A_113 : f32 to vector<16xf32>
      %max3A_115 = arith.maximumf %add3A_112, %max3A_114 : vector<16xf32>
      %get3A_116 = arith.constant 0 : index
      %get3A_117 = tpu.vector_load %arg25[%get3A_116] {strides = array<i32>} : memref<512xf32, #tpu.memory_space<vmem>>, vector<16xf32>,
      %mul3A_118 = arith.mulf %max3A_108, %get3A_117 : vector<16xf32>
      %add3A_119 = arith.addf %broadcast_in_dim3A_89, %mul3A_118 : vector<16xf32>
      %get3A_120 = arith.constant 16 : index
      %get3A_121 = tpu.vector_load %arg25[%get3A_120] {strides = array<i32>} : memref<512xf32, #tpu.memory_space<vmem>>, vector<16xf32>,
      %mul3A_122 = arith.mulf %max3A_115, %get3A_121 : vector<16xf32>
      %add3A_123 = arith.addf %broadcast_in_dim3A_91, %mul3A_122 : vector<16xf32>
      %add3A_124 = arith.constant 2 : i32
      %add3A_125 = arith.addi %mul3A_84, %add3A_124 : i32
      %add3A_126 = vector.broadcast %add3A_125 : i32 to vector<16xi32>
      %add3A_127 = arith.addi %mul3A_11, %add3A_126 : vector<16xi32>
      %add3A_128 = arith.constant 2 : i32
      %add3A_129 = arith.addi %mul3A_84, %add3A_128 : i32
      %add3A_130 = arith.constant 1 : i32
      %add3A_131 = arith.addi %add3A_129, %add3A_130 : i32
      %add3A_132 = vector.broadcast %add3A_131 : i32 to vector<16xi32>
      %add3A_133 = arith.addi %mul3A_11, %add3A_132 : vector<16xi32>
      %gather3A_134 = tpu.vector_load_idx %arg21[%add3A_127] : memref<10240xf32, #tpu.memory_space<vmem>>[vector<16xi32>], vector<16xf32>,
      %gather3A_135 = tpu.vector_load_idx %arg21[%add3A_133] : memref<10240xf32, #tpu.memory_space<vmem>>[vector<16xi32>], vector<16xf32>,
      %mul3A_136 = arith.mulf %get3A_88, %gather3A_134 : vector<16xf32>
      %get3A_137 = arith.constant 32 : index
      %get3A_138 = tpu.vector_load %arg24[%get3A_137] {strides = array<i32>} : memref<512xf32, #tpu.memory_space<vmem>>, vector<16xf32>,
      %add3A_139 = arith.addf %mul3A_136, %get3A_138 : vector<16xf32>
      %max3A_140 = arith.constant 0.000000e+00 : f32
      %max3A_141 = vector.broadcast %max3A_140 : f32 to vector<16xf32>
      %max3A_142 = arith.maximumf %add3A_139, %max3A_141 : vector<16xf32>
      %mul3A_143 = arith.mulf %get3A_88, %gather3A_135 : vector<16xf32>
      %get3A_144 = arith.constant 48 : index
      %get3A_145 = tpu.vector_load %arg24[%get3A_144] {strides = array<i32>} : memref<512xf32, #tpu.memory_space<vmem>>, vector<16xf32>,
      %add3A_146 = arith.addf %mul3A_143, %get3A_145 : vector<16xf32>
      %max3A_147 = arith.constant 0.000000e+00 : f32
      %max3A_148 = vector.broadcast %max3A_147 : f32 to vector<16xf32>
      %max3A_149 = arith.maximumf %add3A_146, %max3A_148 : vector<16xf32>
      %get3A_150 = arith.constant 32 : index
      %get3A_151 = tpu.vector_load %arg25[%get3A_150] {strides = array<i32>} : memref<512xf32, #tpu.memory_space<vmem>>, vector<16xf32>,
      %mul3A_152 = arith.mulf %max3A_142, %get3A_151 : vector<16xf32>
      %add3A_153 = arith.addf %add3A_119, %mul3A_152 : vector<16xf32>
      %get3A_154 = arith.constant 48 : index
      %get3A_155 = tpu.vector_load %arg25[%get3A_154] {strides = array<i32>} : memref<512xf32, #tpu.memory_space<vmem>>, vector<16xf32>,
      %mul3A_156 = arith.mulf %max3A_149, %get3A_155 : vector<16xf32>
      %add3A_157 = arith.addf %add3A_123, %mul3A_156 : vector<16xf32>
      %add3A_158 = arith.constant 4 : i32
      %add3A_159 = arith.addi %mul3A_84, %add3A_158 : i32
      %add3A_160 = vector.broadcast %add3A_159 : i32 to vector<16xi32>
      %add3A_161 = arith.addi %mul3A_11, %add3A_160 : vector<16xi32>
      %add3A_162 = arith.constant 4 : i32
      %add3A_163 = arith.addi %mul3A_84, %add3A_162 : i32
      %add3A_164 = arith.constant 1 : i32
      %add3A_165 = arith.addi %add3A_163, %add3A_164 : i32
      %add3A_166 = vector.broadcast %add3A_165 : i32 to vector<16xi32>
      %add3A_167 = arith.addi %mul3A_11, %add3A_166 : vector<16xi32>
      %gather3A_168 = tpu.vector_load_idx %arg21[%add3A_161] : memref<10240xf32, #tpu.memory_space<vmem>>[vector<16xi32>], vector<16xf32>,
      %gather3A_169 = tpu.vector_load_idx %arg21[%add3A_167] : memref<10240xf32, #tpu.memory_space<vmem>>[vector<16xi32>], vector<16xf32>,
      %mul3A_170 = arith.mulf %get3A_88, %gather3A_168 : vector<16xf32>
      %get3A_171 = arith.constant 64 : index
      %get3A_172 = tpu.vector_load %arg24[%get3A_171] {strides = array<i32>} : memref<512xf32, #tpu.memory_space<vmem>>, vector<16xf32>,
      %add3A_173 = arith.addf %mul3A_170, %get3A_172 : vector<16xf32>
      %max3A_174 = arith.constant 0.000000e+00 : f32
      %max3A_175 = vector.broadcast %max3A_174 : f32 to vector<16xf32>
      %max3A_176 = arith.maximumf %add3A_173, %max3A_175 : vector<16xf32>
      %mul3A_177 = arith.mulf %get3A_88, %gather3A_169 : vector<16xf32>
      %get3A_178 = arith.constant 80 : index
      %get3A_179 = tpu.vector_load %arg24[%get3A_178] {strides = array<i32>} : memref<512xf32, #tpu.memory_space<vmem>>, vector<16xf32>,
      %add3A_180 = arith.addf %mul3A_177, %get3A_179 : vector<16xf32>
      %max3A_181 = arith.constant 0.000000e+00 : f32
      %max3A_182 = vector.broadcast %max3A_181 : f32 to vector<16xf32>
      %max3A_183 = arith.maximumf %add3A_180, %max3A_182 : vector<16xf32>
      %get3A_184 = arith.constant 64 : index
      %get3A_185 = tpu.vector_load %arg25[%get3A_184] {strides = array<i32>} : memref<512xf32, #tpu.memory_space<vmem>>, vector<16xf32>,
      %mul3A_186 = arith.mulf %max3A_176, %get3A_185 : vector<16xf32>
      %add3A_187 = arith.addf %add3A_153, %mul3A_186 : vector<16xf32>
      %get3A_188 = arith.constant 80 : index
      %get3A_189 = tpu.vector_load %arg25[%get3A_188] {strides = array<i32>} : memref<512xf32, #tpu.memory_space<vmem>>, vector<16xf32>,
      %mul3A_190 = arith.mulf %max3A_183, %get3A_189 : vector<16xf32>
      %add3A_191 = arith.addf %add3A_157, %mul3A_190 : vector<16xf32>
      %add3A_192 = arith.constant 6 : i32
      %add3A_193 = arith.addi %mul3A_84, %add3A_192 : i32
      %add3A_194 = vector.broadcast %add3A_193 : i32 to vector<16xi32>
      %add3A_195 = arith.addi %mul3A_11, %add3A_194 : vector<16xi32>
      %add3A_196 = arith.constant 6 : i32
      %add3A_197 = arith.addi %mul3A_84, %add3A_196 : i32
      %add3A_198 = arith.constant 1 : i32
      %add3A_199 = arith.addi %add3A_197, %add3A_198 : i32
      %add3A_200 = vector.broadcast %add3A_199 : i32 to vector<16xi32>
      %add3A_201 = arith.addi %mul3A_11, %add3A_200 : vector<16xi32>
      %gather3A_202 = tpu.vector_load_idx %arg21[%add3A_195] : memref<10240xf32, #tpu.memory_space<vmem>>[vector<16xi32>], vector<16xf32>,
      %gather3A_203 = tpu.vector_load_idx %arg21[%add3A_201] : memref<10240xf32, #tpu.memory_space<vmem>>[vector<16xi32>], vector<16xf32>,
      %mul3A_204 = arith.mulf %get3A_88, %gather3A_202 : vector<16xf32>
      %get3A_205 = arith.constant 96 : index
      %get3A_206 = tpu.vector_load %arg24[%get3A_205] {strides = array<i32>} : memref<512xf32, #tpu.memory_space<vmem>>, vector<16xf32>,
      %add3A_207 = arith.addf %mul3A_204, %get3A_206 : vector<16xf32>
      %max3A_208 = arith.constant 0.000000e+00 : f32
      %max3A_209 = vector.broadcast %max3A_208 : f32 to vector<16xf32>
      %max3A_210 = arith.maximumf %add3A_207, %max3A_209 : vector<16xf32>
      %mul3A_211 = arith.mulf %get3A_88, %gather3A_203 : vector<16xf32>
      %get3A_212 = arith.constant 112 : index
      %get3A_213 = tpu.vector_load %arg24[%get3A_212] {strides = array<i32>} : memref<512xf32, #tpu.memory_space<vmem>>, vector<16xf32>,
      %add3A_214 = arith.addf %mul3A_211, %get3A_213 : vector<16xf32>
      %max3A_215 = arith.constant 0.000000e+00 : f32
      %max3A_216 = vector.broadcast %max3A_215 : f32 to vector<16xf32>
      %max3A_217 = arith.maximumf %add3A_214, %max3A_216 : vector<16xf32>
      %get3A_218 = arith.constant 96 : index
      %get3A_219 = tpu.vector_load %arg25[%get3A_218] {strides = array<i32>} : memref<512xf32, #tpu.memory_space<vmem>>, vector<16xf32>,
      %mul3A_220 = arith.mulf %max3A_210, %get3A_219 : vector<16xf32>
      %add3A_221 = arith.addf %add3A_187, %mul3A_220 : vector<16xf32>
      %get3A_222 = arith.constant 112 : index
      %get3A_223 = tpu.vector_load %arg25[%get3A_222] {strides = array<i32>} : memref<512xf32, #tpu.memory_space<vmem>>, vector<16xf32>,
      %mul3A_224 = arith.mulf %max3A_217, %get3A_223 : vector<16xf32>
      %add3A_225 = arith.addf %add3A_191, %mul3A_224 : vector<16xf32>
      %add3A_226 = arith.constant 8 : i32
      %add3A_227 = arith.addi %mul3A_84, %add3A_226 : i32
      %add3A_228 = vector.broadcast %add3A_227 : i32 to vector<16xi32>
      %add3A_229 = arith.addi %mul3A_11, %add3A_228 : vector<16xi32>
      %add3A_230 = arith.constant 8 : i32
      %add3A_231 = arith.addi %mul3A_84, %add3A_230 : i32
      %add3A_232 = arith.constant 1 : i32
      %add3A_233 = arith.addi %add3A_231, %add3A_232 : i32
      %add3A_234 = vector.broadcast %add3A_233 : i32 to vector<16xi32>
      %add3A_235 = arith.addi %mul3A_11, %add3A_234 : vector<16xi32>
      %gather3A_236 = tpu.vector_load_idx %arg21[%add3A_229] : memref<10240xf32, #tpu.memory_space<vmem>>[vector<16xi32>], vector<16xf32>,
      %gather3A_237 = tpu.vector_load_idx %arg21[%add3A_235] : memref<10240xf32, #tpu.memory_space<vmem>>[vector<16xi32>], vector<16xf32>,
      %mul3A_238 = arith.mulf %get3A_88, %gather3A_236 : vector<16xf32>
      %get3A_239 = arith.constant 128 : index
      %get3A_240 = tpu.vector_load %arg24[%get3A_239] {strides = array<i32>} : memref<512xf32, #tpu.memory_space<vmem>>, vector<16xf32>,
      %add3A_241 = arith.addf %mul3A_238, %get3A_240 : vector<16xf32>
      %max3A_242 = arith.constant 0.000000e+00 : f32
      %max3A_243 = vector.broadcast %max3A_242 : f32 to vector<16xf32>
      %max3A_244 = arith.maximumf %add3A_241, %max3A_243 : vector<16xf32>
      %mul3A_245 = arith.mulf %get3A_88, %gather3A_237 : vector<16xf32>
      %get3A_246 = arith.constant 144 : index
      %get3A_247 = tpu.vector_load %arg24[%get3A_246] {strides = array<i32>} : memref<512xf32, #tpu.memory_space<vmem>>, vector<16xf32>,
      %add3A_248 = arith.addf %mul3A_245, %get3A_247 : vector<16xf32>
      %max3A_249 = arith.constant 0.000000e+00 : f32
      %max3A_250 = vector.broadcast %max3A_249 : f32 to vector<16xf32>
      %max3A_251 = arith.maximumf %add3A_248, %max3A_250 : vector<16xf32>
      %get3A_252 = arith.constant 128 : index
      %get3A_253 = tpu.vector_load %arg25[%get3A_252] {strides = array<i32>} : memref<512xf32, #tpu.memory_space<vmem>>, vector<16xf32>,
      %mul3A_254 = arith.mulf %max3A_244, %get3A_253 : vector<16xf32>
      %add3A_255 = arith.addf %add3A_221, %mul3A_254 : vector<16xf32>
      %get3A_256 = arith.constant 144 : index
      %get3A_257 = tpu.vector_load %arg25[%get3A_256] {strides = array<i32>} : memref<512xf32, #tpu.memory_space<vmem>>, vector<16xf32>,
      %mul3A_258 = arith.mulf %max3A_251, %get3A_257 : vector<16xf32>
      %add3A_259 = arith.addf %add3A_225, %mul3A_258 : vector<16xf32>
      %add3A_260 = arith.constant 10 : i32
      %add3A_261 = arith.addi %mul3A_84, %add3A_260 : i32
      %add3A_262 = vector.broadcast %add3A_261 : i32 to vector<16xi32>
      %add3A_263 = arith.addi %mul3A_11, %add3A_262 : vector<16xi32>
      %add3A_264 = arith.constant 10 : i32
      %add3A_265 = arith.addi %mul3A_84, %add3A_264 : i32
      %add3A_266 = arith.constant 1 : i32
      %add3A_267 = arith.addi %add3A_265, %add3A_266 : i32
      %add3A_268 = vector.broadcast %add3A_267 : i32 to vector<16xi32>
      %add3A_269 = arith.addi %mul3A_11, %add3A_268 : vector<16xi32>
      %gather3A_270 = tpu.vector_load_idx %arg21[%add3A_263] : memref<10240xf32, #tpu.memory_space<vmem>>[vector<16xi32>], vector<16xf32>,
      %gather3A_271 = tpu.vector_load_idx %arg21[%add3A_269] : memref<10240xf32, #tpu.memory_space<vmem>>[vector<16xi32>], vector<16xf32>,
      %mul3A_272 = arith.mulf %get3A_88, %gather3A_270 : vector<16xf32>
      %get3A_273 = arith.constant 160 : index
      %get3A_274 = tpu.vector_load %arg24[%get3A_273] {strides = array<i32>} : memref<512xf32, #tpu.memory_space<vmem>>, vector<16xf32>,
      %add3A_275 = arith.addf %mul3A_272, %get3A_274 : vector<16xf32>
      %max3A_276 = arith.constant 0.000000e+00 : f32
      %max3A_277 = vector.broadcast %max3A_276 : f32 to vector<16xf32>
      %max3A_278 = arith.maximumf %add3A_275, %max3A_277 : vector<16xf32>
      %mul3A_279 = arith.mulf %get3A_88, %gather3A_271 : vector<16xf32>
      %get3A_280 = arith.constant 176 : index
      %get3A_281 = tpu.vector_load %arg24[%get3A_280] {strides = array<i32>} : memref<512xf32, #tpu.memory_space<vmem>>, vector<16xf32>,
      %add3A_282 = arith.addf %mul3A_279, %get3A_281 : vector<16xf32>
      %max3A_283 = arith.constant 0.000000e+00 : f32
      %max3A_284 = vector.broadcast %max3A_283 : f32 to vector<16xf32>
      %max3A_285 = arith.maximumf %add3A_282, %max3A_284 : vector<16xf32>
      %get3A_286 = arith.constant 160 : index
      %get3A_287 = tpu.vector_load %arg25[%get3A_286] {strides = array<i32>} : memref<512xf32, #tpu.memory_space<vmem>>, vector<16xf32>,
      %mul3A_288 = arith.mulf %max3A_278, %get3A_287 : vector<16xf32>
      %add3A_289 = arith.addf %add3A_255, %mul3A_288 : vector<16xf32>
      %get3A_290 = arith.constant 176 : index
      %get3A_291 = tpu.vector_load %arg25[%get3A_290] {strides = array<i32>} : memref<512xf32, #tpu.memory_space<vmem>>, vector<16xf32>,
      %mul3A_292 = arith.mulf %max3A_285, %get3A_291 : vector<16xf32>
      %add3A_293 = arith.addf %add3A_259, %mul3A_292 : vector<16xf32>
      %add3A_294 = arith.constant 12 : i32
      %add3A_295 = arith.addi %mul3A_84, %add3A_294 : i32
      %add3A_296 = vector.broadcast %add3A_295 : i32 to vector<16xi32>
      %add3A_297 = arith.addi %mul3A_11, %add3A_296 : vector<16xi32>
      %add3A_298 = arith.constant 12 : i32
      %add3A_299 = arith.addi %mul3A_84, %add3A_298 : i32
      %add3A_300 = arith.constant 1 : i32
      %add3A_301 = arith.addi %add3A_299, %add3A_300 : i32
      %add3A_302 = vector.broadcast %add3A_301 : i32 to vector<16xi32>
      %add3A_303 = arith.addi %mul3A_11, %add3A_302 : vector<16xi32>
      %gather3A_304 = tpu.vector_load_idx %arg21[%add3A_297] : memref<10240xf32, #tpu.memory_space<vmem>>[vector<16xi32>], vector<16xf32>,
      %gather3A_305 = tpu.vector_load_idx %arg21[%add3A_303] : memref<10240xf32, #tpu.memory_space<vmem>>[vector<16xi32>], vector<16xf32>,
      %mul3A_306 = arith.mulf %get3A_88, %gather3A_304 : vector<16xf32>
      %get3A_307 = arith.constant 192 : index
      %get3A_308 = tpu.vector_load %arg24[%get3A_307] {strides = array<i32>} : memref<512xf32, #tpu.memory_space<vmem>>, vector<16xf32>,
      %add3A_309 = arith.addf %mul3A_306, %get3A_308 : vector<16xf32>
      %max3A_310 = arith.constant 0.000000e+00 : f32
      %max3A_311 = vector.broadcast %max3A_310 : f32 to vector<16xf32>
      %max3A_312 = arith.maximumf %add3A_309, %max3A_311 : vector<16xf32>
      %mul3A_313 = arith.mulf %get3A_88, %gather3A_305 : vector<16xf32>
      %get3A_314 = arith.constant 208 : index
      %get3A_315 = tpu.vector_load %arg24[%get3A_314] {strides = array<i32>} : memref<512xf32, #tpu.memory_space<vmem>>, vector<16xf32>,
      %add3A_316 = arith.addf %mul3A_313, %get3A_315 : vector<16xf32>
      %max3A_317 = arith.constant 0.000000e+00 : f32
      %max3A_318 = vector.broadcast %max3A_317 : f32 to vector<16xf32>
      %max3A_319 = arith.maximumf %add3A_316, %max3A_318 : vector<16xf32>
      %get3A_320 = arith.constant 192 : index
      %get3A_321 = tpu.vector_load %arg25[%get3A_320] {strides = array<i32>} : memref<512xf32, #tpu.memory_space<vmem>>, vector<16xf32>,
      %mul3A_322 = arith.mulf %max3A_312, %get3A_321 : vector<16xf32>
      %add3A_323 = arith.addf %add3A_289, %mul3A_322 : vector<16xf32>
      %get3A_324 = arith.constant 208 : index
      %get3A_325 = tpu.vector_load %arg25[%get3A_324] {strides = array<i32>} : memref<512xf32, #tpu.memory_space<vmem>>, vector<16xf32>,
      %mul3A_326 = arith.mulf %max3A_319, %get3A_325 : vector<16xf32>
      %add3A_327 = arith.addf %add3A_293, %mul3A_326 : vector<16xf32>
      %add3A_328 = arith.constant 14 : i32
      %add3A_329 = arith.addi %mul3A_84, %add3A_328 : i32
      %add3A_330 = vector.broadcast %add3A_329 : i32 to vector<16xi32>
      %add3A_331 = arith.addi %mul3A_11, %add3A_330 : vector<16xi32>
      %add3A_332 = arith.constant 14 : i32
      %add3A_333 = arith.addi %mul3A_84, %add3A_332 : i32
      %add3A_334 = arith.constant 1 : i32
      %add3A_335 = arith.addi %add3A_333, %add3A_334 : i32
      %add3A_336 = vector.broadcast %add3A_335 : i32 to vector<16xi32>
      %add3A_337 = arith.addi %mul3A_11, %add3A_336 : vector<16xi32>
      %gather3A_338 = tpu.vector_load_idx %arg21[%add3A_331] : memref<10240xf32, #tpu.memory_space<vmem>>[vector<16xi32>], vector<16xf32>,
      %gather3A_339 = tpu.vector_load_idx %arg21[%add3A_337] : memref<10240xf32, #tpu.memory_space<vmem>>[vector<16xi32>], vector<16xf32>,
      %mul3A_340 = arith.mulf %get3A_88, %gather3A_338 : vector<16xf32>
      %get3A_341 = arith.constant 224 : index
      %get3A_342 = tpu.vector_load %arg24[%get3A_341] {strides = array<i32>} : memref<512xf32, #tpu.memory_space<vmem>>, vector<16xf32>,
      %add3A_343 = arith.addf %mul3A_340, %get3A_342 : vector<16xf32>
      %max3A_344 = arith.constant 0.000000e+00 : f32
      %max3A_345 = vector.broadcast %max3A_344 : f32 to vector<16xf32>
      %max3A_346 = arith.maximumf %add3A_343, %max3A_345 : vector<16xf32>
      %mul3A_347 = arith.mulf %get3A_88, %gather3A_339 : vector<16xf32>
      %get3A_348 = arith.constant 240 : index
      %get3A_349 = tpu.vector_load %arg24[%get3A_348] {strides = array<i32>} : memref<512xf32, #tpu.memory_space<vmem>>, vector<16xf32>,
      %add3A_350 = arith.addf %mul3A_347, %get3A_349 : vector<16xf32>
      %max3A_351 = arith.constant 0.000000e+00 : f32
      %max3A_352 = vector.broadcast %max3A_351 : f32 to vector<16xf32>
      %max3A_353 = arith.maximumf %add3A_350, %max3A_352 : vector<16xf32>
      %get3A_354 = arith.constant 224 : index
      %get3A_355 = tpu.vector_load %arg25[%get3A_354] {strides = array<i32>} : memref<512xf32, #tpu.memory_space<vmem>>, vector<16xf32>,
      %mul3A_356 = arith.mulf %max3A_346, %get3A_355 : vector<16xf32>
      %add3A_357 = arith.addf %add3A_323, %mul3A_356 : vector<16xf32>
      %get3A_358 = arith.constant 240 : index
      %get3A_359 = tpu.vector_load %arg25[%get3A_358] {strides = array<i32>} : memref<512xf32, #tpu.memory_space<vmem>>, vector<16xf32>,
      %mul3A_360 = arith.mulf %max3A_353, %get3A_359 : vector<16xf32>
      %add3A_361 = arith.addf %add3A_327, %mul3A_360 : vector<16xf32>
      %add3A_362 = arith.constant 16 : i32
      %add3A_363 = arith.addi %mul3A_84, %add3A_362 : i32
      %add3A_364 = vector.broadcast %add3A_363 : i32 to vector<16xi32>
      %add3A_365 = arith.addi %mul3A_11, %add3A_364 : vector<16xi32>
      %add3A_366 = arith.constant 16 : i32
      %add3A_367 = arith.addi %mul3A_84, %add3A_366 : i32
      %add3A_368 = arith.constant 1 : i32
      %add3A_369 = arith.addi %add3A_367, %add3A_368 : i32
      %add3A_370 = vector.broadcast %add3A_369 : i32 to vector<16xi32>
      %add3A_371 = arith.addi %mul3A_11, %add3A_370 : vector<16xi32>
      %gather3A_372 = tpu.vector_load_idx %arg21[%add3A_365] : memref<10240xf32, #tpu.memory_space<vmem>>[vector<16xi32>], vector<16xf32>,
      %gather3A_373 = tpu.vector_load_idx %arg21[%add3A_371] : memref<10240xf32, #tpu.memory_space<vmem>>[vector<16xi32>], vector<16xf32>,
      %mul3A_374 = arith.mulf %get3A_88, %gather3A_372 : vector<16xf32>
      %get3A_375 = arith.constant 256 : index
      %get3A_376 = tpu.vector_load %arg24[%get3A_375] {strides = array<i32>} : memref<512xf32, #tpu.memory_space<vmem>>, vector<16xf32>,
      %add3A_377 = arith.addf %mul3A_374, %get3A_376 : vector<16xf32>
      %max3A_378 = arith.constant 0.000000e+00 : f32
      %max3A_379 = vector.broadcast %max3A_378 : f32 to vector<16xf32>
      %max3A_380 = arith.maximumf %add3A_377, %max3A_379 : vector<16xf32>
      %mul3A_381 = arith.mulf %get3A_88, %gather3A_373 : vector<16xf32>
      %get3A_382 = arith.constant 272 : index
      %get3A_383 = tpu.vector_load %arg24[%get3A_382] {strides = array<i32>} : memref<512xf32, #tpu.memory_space<vmem>>, vector<16xf32>,
      %add3A_384 = arith.addf %mul3A_381, %get3A_383 : vector<16xf32>
      %max3A_385 = arith.constant 0.000000e+00 : f32
      %max3A_386 = vector.broadcast %max3A_385 : f32 to vector<16xf32>
      %max3A_387 = arith.maximumf %add3A_384, %max3A_386 : vector<16xf32>
      %get3A_388 = arith.constant 256 : index
      %get3A_389 = tpu.vector_load %arg25[%get3A_388] {strides = array<i32>} : memref<512xf32, #tpu.memory_space<vmem>>, vector<16xf32>,
      %mul3A_390 = arith.mulf %max3A_380, %get3A_389 : vector<16xf32>
      %add3A_391 = arith.addf %add3A_357, %mul3A_390 : vector<16xf32>
      %get3A_392 = arith.constant 272 : index
      %get3A_393 = tpu.vector_load %arg25[%get3A_392] {strides = array<i32>} : memref<512xf32, #tpu.memory_space<vmem>>, vector<16xf32>,
      %mul3A_394 = arith.mulf %max3A_387, %get3A_393 : vector<16xf32>
      %add3A_395 = arith.addf %add3A_361, %mul3A_394 : vector<16xf32>
      %add3A_396 = arith.constant 18 : i32
      %add3A_397 = arith.addi %mul3A_84, %add3A_396 : i32
      %add3A_398 = vector.broadcast %add3A_397 : i32 to vector<16xi32>
      %add3A_399 = arith.addi %mul3A_11, %add3A_398 : vector<16xi32>
      %add3A_400 = arith.constant 18 : i32
      %add3A_401 = arith.addi %mul3A_84, %add3A_400 : i32
      %add3A_402 = arith.constant 1 : i32
      %add3A_403 = arith.addi %add3A_401, %add3A_402 : i32
      %add3A_404 = vector.broadcast %add3A_403 : i32 to vector<16xi32>
      %add3A_405 = arith.addi %mul3A_11, %add3A_404 : vector<16xi32>
      %gather3A_406 = tpu.vector_load_idx %arg21[%add3A_399] : memref<10240xf32, #tpu.memory_space<vmem>>[vector<16xi32>], vector<16xf32>,
      %gather3A_407 = tpu.vector_load_idx %arg21[%add3A_405] : memref<10240xf32, #tpu.memory_space<vmem>>[vector<16xi32>], vector<16xf32>,
      %mul3A_408 = arith.mulf %get3A_88, %gather3A_406 : vector<16xf32>
      %get3A_409 = arith.constant 288 : index
      %get3A_410 = tpu.vector_load %arg24[%get3A_409] {strides = array<i32>} : memref<512xf32, #tpu.memory_space<vmem>>, vector<16xf32>,
      %add3A_411 = arith.addf %mul3A_408, %get3A_410 : vector<16xf32>
      %max3A_412 = arith.constant 0.000000e+00 : f32
      %max3A_413 = vector.broadcast %max3A_412 : f32 to vector<16xf32>
      %max3A_414 = arith.maximumf %add3A_411, %max3A_413 : vector<16xf32>
      %mul3A_415 = arith.mulf %get3A_88, %gather3A_407 : vector<16xf32>
      %get3A_416 = arith.constant 304 : index
      %get3A_417 = tpu.vector_load %arg24[%get3A_416] {strides = array<i32>} : memref<512xf32, #tpu.memory_space<vmem>>, vector<16xf32>,
      %add3A_418 = arith.addf %mul3A_415, %get3A_417 : vector<16xf32>
      %max3A_419 = arith.constant 0.000000e+00 : f32
      %max3A_420 = vector.broadcast %max3A_419 : f32 to vector<16xf32>
      %max3A_421 = arith.maximumf %add3A_418, %max3A_420 : vector<16xf32>
      %get3A_422 = arith.constant 288 : index
      %get3A_423 = tpu.vector_load %arg25[%get3A_422] {strides = array<i32>} : memref<512xf32, #tpu.memory_space<vmem>>, vector<16xf32>,
      %mul3A_424 = arith.mulf %max3A_414, %get3A_423 : vector<16xf32>
      %add3A_425 = arith.addf %add3A_391, %mul3A_424 : vector<16xf32>
      %get3A_426 = arith.constant 304 : index
      %get3A_427 = tpu.vector_load %arg25[%get3A_426] {strides = array<i32>} : memref<512xf32, #tpu.memory_space<vmem>>, vector<16xf32>,
      %mul3A_428 = arith.mulf %max3A_421, %get3A_427 : vector<16xf32>
      %add3A_429 = arith.addf %add3A_395, %mul3A_428 : vector<16xf32>
      %add3A_430 = arith.constant 20 : i32
      %add3A_431 = arith.addi %mul3A_84, %add3A_430 : i32
      %add3A_432 = vector.broadcast %add3A_431 : i32 to vector<16xi32>
      %add3A_433 = arith.addi %mul3A_11, %add3A_432 : vector<16xi32>
      %add3A_434 = arith.constant 20 : i32
      %add3A_435 = arith.addi %mul3A_84, %add3A_434 : i32
      %add3A_436 = arith.constant 1 : i32
      %add3A_437 = arith.addi %add3A_435, %add3A_436 : i32
      %add3A_438 = vector.broadcast %add3A_437 : i32 to vector<16xi32>
      %add3A_439 = arith.addi %mul3A_11, %add3A_438 : vector<16xi32>
      %gather3A_440 = tpu.vector_load_idx %arg21[%add3A_433] : memref<10240xf32, #tpu.memory_space<vmem>>[vector<16xi32>], vector<16xf32>,
      %gather3A_441 = tpu.vector_load_idx %arg21[%add3A_439] : memref<10240xf32, #tpu.memory_space<vmem>>[vector<16xi32>], vector<16xf32>,
      %mul3A_442 = arith.mulf %get3A_88, %gather3A_440 : vector<16xf32>
      %get3A_443 = arith.constant 320 : index
      %get3A_444 = tpu.vector_load %arg24[%get3A_443] {strides = array<i32>} : memref<512xf32, #tpu.memory_space<vmem>>, vector<16xf32>,
      %add3A_445 = arith.addf %mul3A_442, %get3A_444 : vector<16xf32>
      %max3A_446 = arith.constant 0.000000e+00 : f32
      %max3A_447 = vector.broadcast %max3A_446 : f32 to vector<16xf32>
      %max3A_448 = arith.maximumf %add3A_445, %max3A_447 : vector<16xf32>
      %mul3A_449 = arith.mulf %get3A_88, %gather3A_441 : vector<16xf32>
      %get3A_450 = arith.constant 336 : index
      %get3A_451 = tpu.vector_load %arg24[%get3A_450] {strides = array<i32>} : memref<512xf32, #tpu.memory_space<vmem>>, vector<16xf32>,
      %add3A_452 = arith.addf %mul3A_449, %get3A_451 : vector<16xf32>
      %max3A_453 = arith.constant 0.000000e+00 : f32
      %max3A_454 = vector.broadcast %max3A_453 : f32 to vector<16xf32>
      %max3A_455 = arith.maximumf %add3A_452, %max3A_454 : vector<16xf32>
      %get3A_456 = arith.constant 320 : index
      %get3A_457 = tpu.vector_load %arg25[%get3A_456] {strides = array<i32>} : memref<512xf32, #tpu.memory_space<vmem>>, vector<16xf32>,
      %mul3A_458 = arith.mulf %max3A_448, %get3A_457 : vector<16xf32>
      %add3A_459 = arith.addf %add3A_425, %mul3A_458 : vector<16xf32>
      %get3A_460 = arith.constant 336 : index
      %get3A_461 = tpu.vector_load %arg25[%get3A_460] {strides = array<i32>} : memref<512xf32, #tpu.memory_space<vmem>>, vector<16xf32>,
      %mul3A_462 = arith.mulf %max3A_455, %get3A_461 : vector<16xf32>
      %add3A_463 = arith.addf %add3A_429, %mul3A_462 : vector<16xf32>
      %add3A_464 = arith.constant 22 : i32
      %add3A_465 = arith.addi %mul3A_84, %add3A_464 : i32
      %add3A_466 = vector.broadcast %add3A_465 : i32 to vector<16xi32>
      %add3A_467 = arith.addi %mul3A_11, %add3A_466 : vector<16xi32>
      %add3A_468 = arith.constant 22 : i32
      %add3A_469 = arith.addi %mul3A_84, %add3A_468 : i32
      %add3A_470 = arith.constant 1 : i32
      %add3A_471 = arith.addi %add3A_469, %add3A_470 : i32
      %add3A_472 = vector.broadcast %add3A_471 : i32 to vector<16xi32>
      %add3A_473 = arith.addi %mul3A_11, %add3A_472 : vector<16xi32>
      %gather3A_474 = tpu.vector_load_idx %arg21[%add3A_467] : memref<10240xf32, #tpu.memory_space<vmem>>[vector<16xi32>], vector<16xf32>,
      %gather3A_475 = tpu.vector_load_idx %arg21[%add3A_473] : memref<10240xf32, #tpu.memory_space<vmem>>[vector<16xi32>], vector<16xf32>,
      %mul3A_476 = arith.mulf %get3A_88, %gather3A_474 : vector<16xf32>
      %get3A_477 = arith.constant 352 : index
      %get3A_478 = tpu.vector_load %arg24[%get3A_477] {strides = array<i32>} : memref<512xf32, #tpu.memory_space<vmem>>, vector<16xf32>,
      %add3A_479 = arith.addf %mul3A_476, %get3A_478 : vector<16xf32>
      %max3A_480 = arith.constant 0.000000e+00 : f32
      %max3A_481 = vector.broadcast %max3A_480 : f32 to vector<16xf32>
      %max3A_482 = arith.maximumf %add3A_479, %max3A_481 : vector<16xf32>
      %mul3A_483 = arith.mulf %get3A_88, %gather3A_475 : vector<16xf32>
      %get3A_484 = arith.constant 368 : index
      %get3A_485 = tpu.vector_load %arg24[%get3A_484] {strides = array<i32>} : memref<512xf32, #tpu.memory_space<vmem>>, vector<16xf32>,
      %add3A_486 = arith.addf %mul3A_483, %get3A_485 : vector<16xf32>
      %max3A_487 = arith.constant 0.000000e+00 : f32
      %max3A_488 = vector.broadcast %max3A_487 : f32 to vector<16xf32>
      %max3A_489 = arith.maximumf %add3A_486, %max3A_488 : vector<16xf32>
      %get3A_490 = arith.constant 352 : index
      %get3A_491 = tpu.vector_load %arg25[%get3A_490] {strides = array<i32>} : memref<512xf32, #tpu.memory_space<vmem>>, vector<16xf32>,
      %mul3A_492 = arith.mulf %max3A_482, %get3A_491 : vector<16xf32>
      %add3A_493 = arith.addf %add3A_459, %mul3A_492 : vector<16xf32>
      %get3A_494 = arith.constant 368 : index
      %get3A_495 = tpu.vector_load %arg25[%get3A_494] {strides = array<i32>} : memref<512xf32, #tpu.memory_space<vmem>>, vector<16xf32>,
      %mul3A_496 = arith.mulf %max3A_489, %get3A_495 : vector<16xf32>
      %add3A_497 = arith.addf %add3A_463, %mul3A_496 : vector<16xf32>
      %add3A_498 = arith.constant 24 : i32
      %add3A_499 = arith.addi %mul3A_84, %add3A_498 : i32
      %add3A_500 = vector.broadcast %add3A_499 : i32 to vector<16xi32>
      %add3A_501 = arith.addi %mul3A_11, %add3A_500 : vector<16xi32>
      %add3A_502 = arith.constant 24 : i32
      %add3A_503 = arith.addi %mul3A_84, %add3A_502 : i32
      %add3A_504 = arith.constant 1 : i32
      %add3A_505 = arith.addi %add3A_503, %add3A_504 : i32
      %add3A_506 = vector.broadcast %add3A_505 : i32 to vector<16xi32>
      %add3A_507 = arith.addi %mul3A_11, %add3A_506 : vector<16xi32>
      %gather3A_508 = tpu.vector_load_idx %arg21[%add3A_501] : memref<10240xf32, #tpu.memory_space<vmem>>[vector<16xi32>], vector<16xf32>,
      %gather3A_509 = tpu.vector_load_idx %arg21[%add3A_507] : memref<10240xf32, #tpu.memory_space<vmem>>[vector<16xi32>], vector<16xf32>,
      %mul3A_510 = arith.mulf %get3A_88, %gather3A_508 : vector<16xf32>
      %get3A_511 = arith.constant 384 : index
      %get3A_512 = tpu.vector_load %arg24[%get3A_511] {strides = array<i32>} : memref<512xf32, #tpu.memory_space<vmem>>, vector<16xf32>,
      %add3A_513 = arith.addf %mul3A_510, %get3A_512 : vector<16xf32>
      %max3A_514 = arith.constant 0.000000e+00 : f32
      %max3A_515 = vector.broadcast %max3A_514 : f32 to vector<16xf32>
      %max3A_516 = arith.maximumf %add3A_513, %max3A_515 : vector<16xf32>
      %mul3A_517 = arith.mulf %get3A_88, %gather3A_509 : vector<16xf32>
      %get3A_518 = arith.constant 400 : index
      %get3A_519 = tpu.vector_load %arg24[%get3A_518] {strides = array<i32>} : memref<512xf32, #tpu.memory_space<vmem>>, vector<16xf32>,
      %add3A_520 = arith.addf %mul3A_517, %get3A_519 : vector<16xf32>
      %max3A_521 = arith.constant 0.000000e+00 : f32
      %max3A_522 = vector.broadcast %max3A_521 : f32 to vector<16xf32>
      %max3A_523 = arith.maximumf %add3A_520, %max3A_522 : vector<16xf32>
      %get3A_524 = arith.constant 384 : index
      %get3A_525 = tpu.vector_load %arg25[%get3A_524] {strides = array<i32>} : memref<512xf32, #tpu.memory_space<vmem>>, vector<16xf32>,
      %mul3A_526 = arith.mulf %max3A_516, %get3A_525 : vector<16xf32>
      %add3A_527 = arith.addf %add3A_493, %mul3A_526 : vector<16xf32>
      %get3A_528 = arith.constant 400 : index
      %get3A_529 = tpu.vector_load %arg25[%get3A_528] {strides = array<i32>} : memref<512xf32, #tpu.memory_space<vmem>>, vector<16xf32>,
      %mul3A_530 = arith.mulf %max3A_523, %get3A_529 : vector<16xf32>
      %add3A_531 = arith.addf %add3A_497, %mul3A_530 : vector<16xf32>
      %add3A_532 = arith.constant 26 : i32
      %add3A_533 = arith.addi %mul3A_84, %add3A_532 : i32
      %add3A_534 = vector.broadcast %add3A_533 : i32 to vector<16xi32>
      %add3A_535 = arith.addi %mul3A_11, %add3A_534 : vector<16xi32>
      %add3A_536 = arith.constant 26 : i32
      %add3A_537 = arith.addi %mul3A_84, %add3A_536 : i32
      %add3A_538 = arith.constant 1 : i32
      %add3A_539 = arith.addi %add3A_537, %add3A_538 : i32
      %add3A_540 = vector.broadcast %add3A_539 : i32 to vector<16xi32>
      %add3A_541 = arith.addi %mul3A_11, %add3A_540 : vector<16xi32>
      %gather3A_542 = tpu.vector_load_idx %arg21[%add3A_535] : memref<10240xf32, #tpu.memory_space<vmem>>[vector<16xi32>], vector<16xf32>,
      %gather3A_543 = tpu.vector_load_idx %arg21[%add3A_541] : memref<10240xf32, #tpu.memory_space<vmem>>[vector<16xi32>], vector<16xf32>,
      %mul3A_544 = arith.mulf %get3A_88, %gather3A_542 : vector<16xf32>
      %get3A_545 = arith.constant 416 : index
      %get3A_546 = tpu.vector_load %arg24[%get3A_545] {strides = array<i32>} : memref<512xf32, #tpu.memory_space<vmem>>, vector<16xf32>,
      %add3A_547 = arith.addf %mul3A_544, %get3A_546 : vector<16xf32>
      %max3A_548 = arith.constant 0.000000e+00 : f32
      %max3A_549 = vector.broadcast %max3A_548 : f32 to vector<16xf32>
      %max3A_550 = arith.maximumf %add3A_547, %max3A_549 : vector<16xf32>
      %mul3A_551 = arith.mulf %get3A_88, %gather3A_543 : vector<16xf32>
      %get3A_552 = arith.constant 432 : index
      %get3A_553 = tpu.vector_load %arg24[%get3A_552] {strides = array<i32>} : memref<512xf32, #tpu.memory_space<vmem>>, vector<16xf32>,
      %add3A_554 = arith.addf %mul3A_551, %get3A_553 : vector<16xf32>
      %max3A_555 = arith.constant 0.000000e+00 : f32
      %max3A_556 = vector.broadcast %max3A_555 : f32 to vector<16xf32>
      %max3A_557 = arith.maximumf %add3A_554, %max3A_556 : vector<16xf32>
      %get3A_558 = arith.constant 416 : index
      %get3A_559 = tpu.vector_load %arg25[%get3A_558] {strides = array<i32>} : memref<512xf32, #tpu.memory_space<vmem>>, vector<16xf32>,
      %mul3A_560 = arith.mulf %max3A_550, %get3A_559 : vector<16xf32>
      %add3A_561 = arith.addf %add3A_527, %mul3A_560 : vector<16xf32>
      %get3A_562 = arith.constant 432 : index
      %get3A_563 = tpu.vector_load %arg25[%get3A_562] {strides = array<i32>} : memref<512xf32, #tpu.memory_space<vmem>>, vector<16xf32>,
      %mul3A_564 = arith.mulf %max3A_557, %get3A_563 : vector<16xf32>
      %add3A_565 = arith.addf %add3A_531, %mul3A_564 : vector<16xf32>
      %add3A_566 = arith.constant 28 : i32
      %add3A_567 = arith.addi %mul3A_84, %add3A_566 : i32
      %add3A_568 = vector.broadcast %add3A_567 : i32 to vector<16xi32>
      %add3A_569 = arith.addi %mul3A_11, %add3A_568 : vector<16xi32>
      %add3A_570 = arith.constant 28 : i32
      %add3A_571 = arith.addi %mul3A_84, %add3A_570 : i32
      %add3A_572 = arith.constant 1 : i32
      %add3A_573 = arith.addi %add3A_571, %add3A_572 : i32
      %add3A_574 = vector.broadcast %add3A_573 : i32 to vector<16xi32>
      %add3A_575 = arith.addi %mul3A_11, %add3A_574 : vector<16xi32>
      %gather3A_576 = tpu.vector_load_idx %arg21[%add3A_569] : memref<10240xf32, #tpu.memory_space<vmem>>[vector<16xi32>], vector<16xf32>,
      %gather3A_577 = tpu.vector_load_idx %arg21[%add3A_575] : memref<10240xf32, #tpu.memory_space<vmem>>[vector<16xi32>], vector<16xf32>,
      %mul3A_578 = arith.mulf %get3A_88, %gather3A_576 : vector<16xf32>
      %get3A_579 = arith.constant 448 : index
      %get3A_580 = tpu.vector_load %arg24[%get3A_579] {strides = array<i32>} : memref<512xf32, #tpu.memory_space<vmem>>, vector<16xf32>,
      %add3A_581 = arith.addf %mul3A_578, %get3A_580 : vector<16xf32>
      %max3A_582 = arith.constant 0.000000e+00 : f32
      %max3A_583 = vector.broadcast %max3A_582 : f32 to vector<16xf32>
      %max3A_584 = arith.maximumf %add3A_581, %max3A_583 : vector<16xf32>
      %mul3A_585 = arith.mulf %get3A_88, %gather3A_577 : vector<16xf32>
      %get3A_586 = arith.constant 464 : index
      %get3A_587 = tpu.vector_load %arg24[%get3A_586] {strides = array<i32>} : memref<512xf32, #tpu.memory_space<vmem>>, vector<16xf32>,
      %add3A_588 = arith.addf %mul3A_585, %get3A_587 : vector<16xf32>
      %max3A_589 = arith.constant 0.000000e+00 : f32
      %max3A_590 = vector.broadcast %max3A_589 : f32 to vector<16xf32>
      %max3A_591 = arith.maximumf %add3A_588, %max3A_590 : vector<16xf32>
      %get3A_592 = arith.constant 448 : index
      %get3A_593 = tpu.vector_load %arg25[%get3A_592] {strides = array<i32>} : memref<512xf32, #tpu.memory_space<vmem>>, vector<16xf32>,
      %mul3A_594 = arith.mulf %max3A_584, %get3A_593 : vector<16xf32>
      %add3A_595 = arith.addf %add3A_561, %mul3A_594 : vector<16xf32>
      %get3A_596 = arith.constant 464 : index
      %get3A_597 = tpu.vector_load %arg25[%get3A_596] {strides = array<i32>} : memref<512xf32, #tpu.memory_space<vmem>>, vector<16xf32>,
      %mul3A_598 = arith.mulf %max3A_591, %get3A_597 : vector<16xf32>
      %add3A_599 = arith.addf %add3A_565, %mul3A_598 : vector<16xf32>
      %add3A_600 = arith.constant 30 : i32
      %add3A_601 = arith.addi %mul3A_84, %add3A_600 : i32
      %add3A_602 = vector.broadcast %add3A_601 : i32 to vector<16xi32>
      %add3A_603 = arith.addi %mul3A_11, %add3A_602 : vector<16xi32>
      %add3A_604 = arith.constant 30 : i32
      %add3A_605 = arith.addi %mul3A_84, %add3A_604 : i32
      %add3A_606 = arith.constant 1 : i32
      %add3A_607 = arith.addi %add3A_605, %add3A_606 : i32
      %add3A_608 = vector.broadcast %add3A_607 : i32 to vector<16xi32>
      %add3A_609 = arith.addi %mul3A_11, %add3A_608 : vector<16xi32>
      %gather3A_610 = tpu.vector_load_idx %arg21[%add3A_603] : memref<10240xf32, #tpu.memory_space<vmem>>[vector<16xi32>], vector<16xf32>,
      %gather3A_611 = tpu.vector_load_idx %arg21[%add3A_609] : memref<10240xf32, #tpu.memory_space<vmem>>[vector<16xi32>], vector<16xf32>,
      %mul3A_612 = arith.mulf %get3A_88, %gather3A_610 : vector<16xf32>
      %get3A_613 = arith.constant 480 : index
      %get3A_614 = tpu.vector_load %arg24[%get3A_613] {strides = array<i32>} : memref<512xf32, #tpu.memory_space<vmem>>, vector<16xf32>,
      %add3A_615 = arith.addf %mul3A_612, %get3A_614 : vector<16xf32>
      %max3A_616 = arith.constant 0.000000e+00 : f32
      %max3A_617 = vector.broadcast %max3A_616 : f32 to vector<16xf32>
      %max3A_618 = arith.maximumf %add3A_615, %max3A_617 : vector<16xf32>
      %mul3A_619 = arith.mulf %get3A_88, %gather3A_611 : vector<16xf32>
      %get3A_620 = arith.constant 496 : index
      %get3A_621 = tpu.vector_load %arg24[%get3A_620] {strides = array<i32>} : memref<512xf32, #tpu.memory_space<vmem>>, vector<16xf32>,
      %add3A_622 = arith.addf %mul3A_619, %get3A_621 : vector<16xf32>
      %max3A_623 = arith.constant 0.000000e+00 : f32
      %max3A_624 = vector.broadcast %max3A_623 : f32 to vector<16xf32>
      %max3A_625 = arith.maximumf %add3A_622, %max3A_624 : vector<16xf32>
      %get3A_626 = arith.constant 480 : index
      %get3A_627 = tpu.vector_load %arg25[%get3A_626] {strides = array<i32>} : memref<512xf32, #tpu.memory_space<vmem>>, vector<16xf32>,
      %mul3A_628 = arith.mulf %max3A_618, %get3A_627 : vector<16xf32>
      %add3A_629 = arith.addf %add3A_595, %mul3A_628 : vector<16xf32>
      %get3A_630 = arith.constant 496 : index
      %get3A_631 = tpu.vector_load %arg25[%get3A_630] {strides = array<i32>} : memref<512xf32, #tpu.memory_space<vmem>>, vector<16xf32>,
      %mul3A_632 = arith.mulf %max3A_625, %get3A_631 : vector<16xf32>
      %add3A_633 = arith.addf %add3A_599, %mul3A_632 : vector<16xf32>
      %add3A_634 = arith.addf %add3A_629, %add3A_633 : vector<16xf32>
      %mul3A_635 = arith.mulf %add3A_634, %get3A_88 : vector<16xf32>
      %add3A_636 = arith.constant 0 : i32
      %add3A_637 = arith.addi %add3A_636, %add3A_82 : i32
      %swap3A = arith.index_cast %add3A_637 : i32 to index
      %swap3A_638 = tpu.vector_load %arg20[%swap3A] {strides = array<i32>} : memref<640xf32, #tpu.memory_space<vmem>>, vector<16xf32>,
      tpu.vector_store %arg20[%swap3A], %mul3A_635 {strides = array<i32>} : memref<640xf32, #tpu.memory_space<vmem>>, vector<16xf32>,
    }
    %scan3A_29 = arith.constant 20 : i32
    %add3A_30 = arith.constant 320 : i32
    %add3A_31 = arith.addi %mul3A_4, %add3A_30 : i32
    %mul3A_32 = arith.constant 32 : i32
    %mul3A_33 = arith.muli %add3A_31, %mul3A_32 : i32
    %run_scoped3A_34 = arith.constant 0 : i32
    "tpu.region"() ({
      %run_scoped3A_78 = tpu.sem_alloc : memref<!tpu.dma_semaphore, #tpu.memory_space<semaphore_mem>>
      %dma_start3A = tpu.memref_slice %arg2[%run_scoped3A_34, %mul3A_33] : memref<2x327680xf32, #tpu.memory_space<hbm>> -> memref<1x10240xf32, #tpu.memory_space<hbm>>
      %dma_start3A_79 = tpu.memref_squeeze %dma_start3A : memref<1x10240xf32, #tpu.memory_space<hbm>> -> memref<10240xf32, #tpu.memory_space<hbm>>
      %dma_start3A_80 = tpu.memref_slice %arg2[%run_scoped3A_34, %mul3A_33] : memref<2x327680xf32, #tpu.memory_space<hbm>> -> memref<1x10240xf32, #tpu.memory_space<hbm>>
      %dma_start3A_81 = tpu.memref_squeeze %dma_start3A_80 : memref<1x10240xf32, #tpu.memory_space<hbm>> -> memref<10240xf32, #tpu.memory_space<hbm>>
      tpu.enqueue_dma source(%dma_start3A_81 : memref<10240xf32, #tpu.memory_space<hbm>>) target(%arg21 : memref<10240xf32, #tpu.memory_space<vmem>>) target_semaphore(%run_scoped3A_78 : memref<!tpu.dma_semaphore, #tpu.memory_space<semaphore_mem>>)
      %dma_wait3A = tpu.memref_slice %arg2[%run_scoped3A_34, %mul3A_33] : memref<2x327680xf32, #tpu.memory_space<hbm>> -> memref<1x10240xf32, #tpu.memory_space<hbm>>
      %dma_wait3A_82 = tpu.memref_squeeze %dma_wait3A : memref<1x10240xf32, #tpu.memory_space<hbm>> -> memref<10240xf32, #tpu.memory_space<hbm>>
      %dma_wait3A_83 = tpu.memref_slice %arg2[%run_scoped3A_34, %mul3A_33] : memref<2x327680xf32, #tpu.memory_space<hbm>> -> memref<1x10240xf32, #tpu.memory_space<hbm>>
      %dma_wait3A_84 = tpu.memref_squeeze %dma_wait3A_83 : memref<1x10240xf32, #tpu.memory_space<hbm>> -> memref<10240xf32, #tpu.memory_space<hbm>>
      tpu.wait_dma2 semaphore(%run_scoped3A_78 : memref<!tpu.dma_semaphore, #tpu.memory_space<semaphore_mem>>) src(%dma_wait3A_84 : memref<10240xf32, #tpu.memory_space<hbm>>) dst(%arg21 : memref<10240xf32, #tpu.memory_space<vmem>>)
      tpu.yield
    }) : () -> ()
    %mul3A_35 = arith.constant 32 : i32
    %mul3A_36 = arith.muli %add3A_31, %mul3A_35 : i32
    %run_scoped3A_37 = arith.constant 1 : i32
    "tpu.region"() ({
      %run_scoped3A_78 = tpu.sem_alloc : memref<!tpu.dma_semaphore, #tpu.memory_space<semaphore_mem>>
      %dma_start3A = tpu.memref_slice %arg2[%run_scoped3A_37, %mul3A_36] : memref<2x327680xf32, #tpu.memory_space<hbm>> -> memref<1x10240xf32, #tpu.memory_space<hbm>>
      %dma_start3A_79 = tpu.memref_squeeze %dma_start3A : memref<1x10240xf32, #tpu.memory_space<hbm>> -> memref<10240xf32, #tpu.memory_space<hbm>>
      %dma_start3A_80 = tpu.memref_slice %arg2[%run_scoped3A_37, %mul3A_36] : memref<2x327680xf32, #tpu.memory_space<hbm>> -> memref<1x10240xf32, #tpu.memory_space<hbm>>
      %dma_start3A_81 = tpu.memref_squeeze %dma_start3A_80 : memref<1x10240xf32, #tpu.memory_space<hbm>> -> memref<10240xf32, #tpu.memory_space<hbm>>
      tpu.enqueue_dma source(%dma_start3A_81 : memref<10240xf32, #tpu.memory_space<hbm>>) target(%arg22 : memref<10240xf32, #tpu.memory_space<vmem>>) target_semaphore(%run_scoped3A_78 : memref<!tpu.dma_semaphore, #tpu.memory_space<semaphore_mem>>)
      %dma_wait3A = tpu.memref_slice %arg2[%run_scoped3A_37, %mul3A_36] : memref<2x327680xf32, #tpu.memory_space<hbm>> -> memref<1x10240xf32, #tpu.memory_space<hbm>>
      %dma_wait3A_82 = tpu.memref_squeeze %dma_wait3A : memref<1x10240xf32, #tpu.memory_space<hbm>> -> memref<10240xf32, #tpu.memory_space<hbm>>
      %dma_wait3A_83 = tpu.memref_slice %arg2[%run_scoped3A_37, %mul3A_36] : memref<2x327680xf32, #tpu.memory_space<hbm>> -> memref<1x10240xf32, #tpu.memory_space<hbm>>
      %dma_wait3A_84 = tpu.memref_squeeze %dma_wait3A_83 : memref<1x10240xf32, #tpu.memory_space<hbm>> -> memref<10240xf32, #tpu.memory_space<hbm>>
      tpu.wait_dma2 semaphore(%run_scoped3A_78 : memref<!tpu.dma_semaphore, #tpu.memory_space<semaphore_mem>>) src(%dma_wait3A_84 : memref<10240xf32, #tpu.memory_space<hbm>>) dst(%arg22 : memref<10240xf32, #tpu.memory_space<vmem>>)
      tpu.yield
    }) : () -> ()
    %mul3A_38 = arith.constant 32 : i32
    %mul3A_39 = arith.muli %add3A_31, %mul3A_38 : i32
    "tpu.region"() ({
      %run_scoped3A_78 = tpu.sem_alloc : memref<!tpu.dma_semaphore, #tpu.memory_space<semaphore_mem>>
      %dma_start3A = tpu.memref_slice %arg3[%mul3A_39] : memref<327680xf32, #tpu.memory_space<hbm>> -> memref<10240xf32, #tpu.memory_space<hbm>>
      %dma_start3A_79 = tpu.memref_slice %arg3[%mul3A_39] : memref<327680xf32, #tpu.memory_space<hbm>> -> memref<10240xf32, #tpu.memory_space<hbm>>
      tpu.enqueue_dma source(%dma_start3A_79 : memref<10240xf32, #tpu.memory_space<hbm>>) target(%arg23 : memref<10240xf32, #tpu.memory_space<vmem>>) target_semaphore(%run_scoped3A_78 : memref<!tpu.dma_semaphore, #tpu.memory_space<semaphore_mem>>)
      %dma_wait3A = tpu.memref_slice %arg3[%mul3A_39] : memref<327680xf32, #tpu.memory_space<hbm>> -> memref<10240xf32, #tpu.memory_space<hbm>>
      %dma_wait3A_80 = tpu.memref_slice %arg3[%mul3A_39] : memref<327680xf32, #tpu.memory_space<hbm>> -> memref<10240xf32, #tpu.memory_space<hbm>>
      tpu.wait_dma2 semaphore(%run_scoped3A_78 : memref<!tpu.dma_semaphore, #tpu.memory_space<semaphore_mem>>) src(%dma_wait3A_80 : memref<10240xf32, #tpu.memory_space<hbm>>) dst(%arg23 : memref<10240xf32, #tpu.memory_space<vmem>>)
      tpu.yield
    }) : () -> ()
    %scan3A_40 = arith.constant 0 : i32
    %scan3A_41 = arith.constant 160 : i32
    %scan3A_42 = arith.addi %scan3A_40, %scan3A_41 : i32
    %scan3A_43 = arith.constant 1 : i32
    scf.for %scan3A_78 = %scan3A_40 to %scan3A_42 step %scan3A_43  : i32 {
      %mul3A_79 = arith.constant 64 : i32
      %mul3A_80 = arith.muli %scan3A_78, %mul3A_79 : i32
      %add3A_81 = arith.constant 0 : i32
      %add3A_82 = arith.addi %add3A_81, %mul3A_80 : i32
      %add3A_83 = arith.constant 0 : i32
      %add3A_84 = arith.addi %add3A_82, %add3A_83 : i32
      %get3A_85 = arith.index_cast %add3A_84 : i32 to index
      %get3A_86 = tpu.vector_load %arg21[%get3A_85] {strides = array<i32>} : memref<10240xf32, #tpu.memory_space<vmem>>, vector<16xf32>,
      %add3A_87 = arith.constant 0 : i32
      %add3A_88 = arith.addi %add3A_82, %add3A_87 : i32
      %get3A_89 = arith.index_cast %add3A_88 : i32 to index
      %get3A_90 = tpu.vector_load %arg22[%get3A_89] {strides = array<i32>} : memref<10240xf32, #tpu.memory_space<vmem>>, vector<16xf32>,
      %add3A_91 = arith.addf %get3A_86, %get3A_90 : vector<16xf32>
      %add3A_92 = arith.constant 0 : i32
      %add3A_93 = arith.addi %add3A_82, %add3A_92 : i32
      %get3A_94 = arith.index_cast %add3A_93 : i32 to index
      %get3A_95 = tpu.vector_load %arg23[%get3A_94] {strides = array<i32>} : memref<10240xf32, #tpu.memory_space<vmem>>, vector<16xf32>,
      %add3A_96 = arith.addf %add3A_91, %get3A_95 : vector<16xf32>
      %add3A_97 = arith.constant 0 : i32
      %add3A_98 = arith.addi %add3A_82, %add3A_97 : i32
      %swap3A = arith.index_cast %add3A_98 : i32 to index
      %swap3A_99 = tpu.vector_load %arg21[%swap3A] {strides = array<i32>} : memref<10240xf32, #tpu.memory_space<vmem>>, vector<16xf32>,
      tpu.vector_store %arg21[%swap3A], %add3A_96 {strides = array<i32>} : memref<10240xf32, #tpu.memory_space<vmem>>, vector<16xf32>,
      %add3A_100 = arith.constant 16 : i32
      %add3A_101 = arith.addi %add3A_82, %add3A_100 : i32
      %get3A_102 = arith.index_cast %add3A_101 : i32 to index
      %get3A_103 = tpu.vector_load %arg21[%get3A_102] {strides = array<i32>} : memref<10240xf32, #tpu.memory_space<vmem>>, vector<16xf32>,
      %add3A_104 = arith.constant 16 : i32
      %add3A_105 = arith.addi %add3A_82, %add3A_104 : i32
      %get3A_106 = arith.index_cast %add3A_105 : i32 to index
      %get3A_107 = tpu.vector_load %arg22[%get3A_106] {strides = array<i32>} : memref<10240xf32, #tpu.memory_space<vmem>>, vector<16xf32>,
      %add3A_108 = arith.addf %get3A_103, %get3A_107 : vector<16xf32>
      %add3A_109 = arith.constant 16 : i32
      %add3A_110 = arith.addi %add3A_82, %add3A_109 : i32
      %get3A_111 = arith.index_cast %add3A_110 : i32 to index
      %get3A_112 = tpu.vector_load %arg23[%get3A_111] {strides = array<i32>} : memref<10240xf32, #tpu.memory_space<vmem>>, vector<16xf32>,
      %add3A_113 = arith.addf %add3A_108, %get3A_112 : vector<16xf32>
      %add3A_114 = arith.constant 16 : i32
      %add3A_115 = arith.addi %add3A_82, %add3A_114 : i32
      %swap3A_116 = arith.index_cast %add3A_115 : i32 to index
      %swap3A_117 = tpu.vector_load %arg21[%swap3A_116] {strides = array<i32>} : memref<10240xf32, #tpu.memory_space<vmem>>, vector<16xf32>,
      tpu.vector_store %arg21[%swap3A_116], %add3A_113 {strides = array<i32>} : memref<10240xf32, #tpu.memory_space<vmem>>, vector<16xf32>,
      %add3A_118 = arith.constant 32 : i32
      %add3A_119 = arith.addi %add3A_82, %add3A_118 : i32
      %get3A_120 = arith.index_cast %add3A_119 : i32 to index
      %get3A_121 = tpu.vector_load %arg21[%get3A_120] {strides = array<i32>} : memref<10240xf32, #tpu.memory_space<vmem>>, vector<16xf32>,
      %add3A_122 = arith.constant 32 : i32
      %add3A_123 = arith.addi %add3A_82, %add3A_122 : i32
      %get3A_124 = arith.index_cast %add3A_123 : i32 to index
      %get3A_125 = tpu.vector_load %arg22[%get3A_124] {strides = array<i32>} : memref<10240xf32, #tpu.memory_space<vmem>>, vector<16xf32>,
      %add3A_126 = arith.addf %get3A_121, %get3A_125 : vector<16xf32>
      %add3A_127 = arith.constant 32 : i32
      %add3A_128 = arith.addi %add3A_82, %add3A_127 : i32
      %get3A_129 = arith.index_cast %add3A_128 : i32 to index
      %get3A_130 = tpu.vector_load %arg23[%get3A_129] {strides = array<i32>} : memref<10240xf32, #tpu.memory_space<vmem>>, vector<16xf32>,
      %add3A_131 = arith.addf %add3A_126, %get3A_130 : vector<16xf32>
      %add3A_132 = arith.constant 32 : i32
      %add3A_133 = arith.addi %add3A_82, %add3A_132 : i32
      %swap3A_134 = arith.index_cast %add3A_133 : i32 to index
      %swap3A_135 = tpu.vector_load %arg21[%swap3A_134] {strides = array<i32>} : memref<10240xf32, #tpu.memory_space<vmem>>, vector<16xf32>,
      tpu.vector_store %arg21[%swap3A_134], %add3A_131 {strides = array<i32>} : memref<10240xf32, #tpu.memory_space<vmem>>, vector<16xf32>,
      %add3A_136 = arith.constant 48 : i32
      %add3A_137 = arith.addi %add3A_82, %add3A_136 : i32
      %get3A_138 = arith.index_cast %add3A_137 : i32 to index
      %get3A_139 = tpu.vector_load %arg21[%get3A_138] {strides = array<i32>} : memref<10240xf32, #tpu.memory_space<vmem>>, vector<16xf32>,
      %add3A_140 = arith.constant 48 : i32
      %add3A_141 = arith.addi %add3A_82, %add3A_140 : i32
      %get3A_142 = arith.index_cast %add3A_141 : i32 to index
      %get3A_143 = tpu.vector_load %arg22[%get3A_142] {strides = array<i32>} : memref<10240xf32, #tpu.memory_space<vmem>>, vector<16xf32>,
      %add3A_144 = arith.addf %get3A_139, %get3A_143 : vector<16xf32>
      %add3A_145 = arith.constant 48 : i32
      %add3A_146 = arith.addi %add3A_82, %add3A_145 : i32
      %get3A_147 = arith.index_cast %add3A_146 : i32 to index
      %get3A_148 = tpu.vector_load %arg23[%get3A_147] {strides = array<i32>} : memref<10240xf32, #tpu.memory_space<vmem>>, vector<16xf32>,
      %add3A_149 = arith.addf %add3A_144, %get3A_148 : vector<16xf32>
      %add3A_150 = arith.constant 48 : i32
      %add3A_151 = arith.addi %add3A_82, %add3A_150 : i32
      %swap3A_152 = arith.index_cast %add3A_151 : i32 to index
      %swap3A_153 = tpu.vector_load %arg21[%swap3A_152] {strides = array<i32>} : memref<10240xf32, #tpu.memory_space<vmem>>, vector<16xf32>,
      tpu.vector_store %arg21[%swap3A_152], %add3A_149 {strides = array<i32>} : memref<10240xf32, #tpu.memory_space<vmem>>, vector<16xf32>,
    }
    %scan3A_44 = arith.constant 160 : i32
    %scan3A_45 = arith.constant 0 : i32
    %scan3A_46 = arith.constant 20 : i32
    %scan3A_47 = arith.addi %scan3A_45, %scan3A_46 : i32
    %scan3A_48 = arith.constant 1 : i32
    scf.for %scan3A_78 = %scan3A_45 to %scan3A_47 step %scan3A_48  : i32 {
      %mul3A_79 = arith.constant 16 : i32
      %mul3A_80 = arith.muli %scan3A_78, %mul3A_79 : i32
      %add3A_81 = arith.constant 0 : i32
      %add3A_82 = arith.addi %add3A_81, %mul3A_80 : i32
      %mul3A_83 = arith.constant 32 : i32
      %mul3A_84 = arith.muli %add3A_82, %mul3A_83 : i32
      %add3A_85 = arith.constant 320 : i32
      %add3A_86 = arith.addi %add3A_85, %add3A_82 : i32
      %get3A_87 = arith.index_cast %add3A_86 : i32 to index
      %get3A_88 = tpu.vector_load %arg19[%get3A_87] {strides = array<i32>} : memref<640xf32, #tpu.memory_space<vmem>>, vector<16xf32>,
      %broadcast_in_dim3A = arith.constant 0.000000e+00 : f32
      %broadcast_in_dim3A_89 = vector.broadcast %broadcast_in_dim3A : f32 to vector<16xf32>
      %broadcast_in_dim3A_90 = arith.constant 0.000000e+00 : f32
      %broadcast_in_dim3A_91 = vector.broadcast %broadcast_in_dim3A_90 : f32 to vector<16xf32>
      %add3A_92 = arith.constant 0 : i32
      %add3A_93 = arith.addi %mul3A_84, %add3A_92 : i32
      %add3A_94 = vector.broadcast %add3A_93 : i32 to vector<16xi32>
      %add3A_95 = arith.addi %mul3A_11, %add3A_94 : vector<16xi32>
      %add3A_96 = arith.constant 0 : i32
      %add3A_97 = arith.addi %mul3A_84, %add3A_96 : i32
      %add3A_98 = arith.constant 1 : i32
      %add3A_99 = arith.addi %add3A_97, %add3A_98 : i32
      %add3A_100 = vector.broadcast %add3A_99 : i32 to vector<16xi32>
      %add3A_101 = arith.addi %mul3A_11, %add3A_100 : vector<16xi32>
      %gather3A = tpu.vector_load_idx %arg21[%add3A_95] : memref<10240xf32, #tpu.memory_space<vmem>>[vector<16xi32>], vector<16xf32>,
      %gather3A_102 = tpu.vector_load_idx %arg21[%add3A_101] : memref<10240xf32, #tpu.memory_space<vmem>>[vector<16xi32>], vector<16xf32>,
      %mul3A_103 = arith.mulf %get3A_88, %gather3A : vector<16xf32>
      %get3A_104 = arith.constant 0 : index
      %get3A_105 = tpu.vector_load %arg24[%get3A_104] {strides = array<i32>} : memref<512xf32, #tpu.memory_space<vmem>>, vector<16xf32>,
      %add3A_106 = arith.addf %mul3A_103, %get3A_105 : vector<16xf32>
      %max3A = arith.constant 0.000000e+00 : f32
      %max3A_107 = vector.broadcast %max3A : f32 to vector<16xf32>
      %max3A_108 = arith.maximumf %add3A_106, %max3A_107 : vector<16xf32>
      %mul3A_109 = arith.mulf %get3A_88, %gather3A_102 : vector<16xf32>
      %get3A_110 = arith.constant 16 : index
      %get3A_111 = tpu.vector_load %arg24[%get3A_110] {strides = array<i32>} : memref<512xf32, #tpu.memory_space<vmem>>, vector<16xf32>,
      %add3A_112 = arith.addf %mul3A_109, %get3A_111 : vector<16xf32>
      %max3A_113 = arith.constant 0.000000e+00 : f32
      %max3A_114 = vector.broadcast %max3A_113 : f32 to vector<16xf32>
      %max3A_115 = arith.maximumf %add3A_112, %max3A_114 : vector<16xf32>
      %get3A_116 = arith.constant 0 : index
      %get3A_117 = tpu.vector_load %arg25[%get3A_116] {strides = array<i32>} : memref<512xf32, #tpu.memory_space<vmem>>, vector<16xf32>,
      %mul3A_118 = arith.mulf %max3A_108, %get3A_117 : vector<16xf32>
      %add3A_119 = arith.addf %broadcast_in_dim3A_89, %mul3A_118 : vector<16xf32>
      %get3A_120 = arith.constant 16 : index
      %get3A_121 = tpu.vector_load %arg25[%get3A_120] {strides = array<i32>} : memref<512xf32, #tpu.memory_space<vmem>>, vector<16xf32>,
      %mul3A_122 = arith.mulf %max3A_115, %get3A_121 : vector<16xf32>
      %add3A_123 = arith.addf %broadcast_in_dim3A_91, %mul3A_122 : vector<16xf32>
      %add3A_124 = arith.constant 2 : i32
      %add3A_125 = arith.addi %mul3A_84, %add3A_124 : i32
      %add3A_126 = vector.broadcast %add3A_125 : i32 to vector<16xi32>
      %add3A_127 = arith.addi %mul3A_11, %add3A_126 : vector<16xi32>
      %add3A_128 = arith.constant 2 : i32
      %add3A_129 = arith.addi %mul3A_84, %add3A_128 : i32
      %add3A_130 = arith.constant 1 : i32
      %add3A_131 = arith.addi %add3A_129, %add3A_130 : i32
      %add3A_132 = vector.broadcast %add3A_131 : i32 to vector<16xi32>
      %add3A_133 = arith.addi %mul3A_11, %add3A_132 : vector<16xi32>
      %gather3A_134 = tpu.vector_load_idx %arg21[%add3A_127] : memref<10240xf32, #tpu.memory_space<vmem>>[vector<16xi32>], vector<16xf32>,
      %gather3A_135 = tpu.vector_load_idx %arg21[%add3A_133] : memref<10240xf32, #tpu.memory_space<vmem>>[vector<16xi32>], vector<16xf32>,
      %mul3A_136 = arith.mulf %get3A_88, %gather3A_134 : vector<16xf32>
      %get3A_137 = arith.constant 32 : index
      %get3A_138 = tpu.vector_load %arg24[%get3A_137] {strides = array<i32>} : memref<512xf32, #tpu.memory_space<vmem>>, vector<16xf32>,
      %add3A_139 = arith.addf %mul3A_136, %get3A_138 : vector<16xf32>
      %max3A_140 = arith.constant 0.000000e+00 : f32
      %max3A_141 = vector.broadcast %max3A_140 : f32 to vector<16xf32>
      %max3A_142 = arith.maximumf %add3A_139, %max3A_141 : vector<16xf32>
      %mul3A_143 = arith.mulf %get3A_88, %gather3A_135 : vector<16xf32>
      %get3A_144 = arith.constant 48 : index
      %get3A_145 = tpu.vector_load %arg24[%get3A_144] {strides = array<i32>} : memref<512xf32, #tpu.memory_space<vmem>>, vector<16xf32>,
      %add3A_146 = arith.addf %mul3A_143, %get3A_145 : vector<16xf32>
      %max3A_147 = arith.constant 0.000000e+00 : f32
      %max3A_148 = vector.broadcast %max3A_147 : f32 to vector<16xf32>
      %max3A_149 = arith.maximumf %add3A_146, %max3A_148 : vector<16xf32>
      %get3A_150 = arith.constant 32 : index
      %get3A_151 = tpu.vector_load %arg25[%get3A_150] {strides = array<i32>} : memref<512xf32, #tpu.memory_space<vmem>>, vector<16xf32>,
      %mul3A_152 = arith.mulf %max3A_142, %get3A_151 : vector<16xf32>
      %add3A_153 = arith.addf %add3A_119, %mul3A_152 : vector<16xf32>
      %get3A_154 = arith.constant 48 : index
      %get3A_155 = tpu.vector_load %arg25[%get3A_154] {strides = array<i32>} : memref<512xf32, #tpu.memory_space<vmem>>, vector<16xf32>,
      %mul3A_156 = arith.mulf %max3A_149, %get3A_155 : vector<16xf32>
      %add3A_157 = arith.addf %add3A_123, %mul3A_156 : vector<16xf32>
      %add3A_158 = arith.constant 4 : i32
      %add3A_159 = arith.addi %mul3A_84, %add3A_158 : i32
      %add3A_160 = vector.broadcast %add3A_159 : i32 to vector<16xi32>
      %add3A_161 = arith.addi %mul3A_11, %add3A_160 : vector<16xi32>
      %add3A_162 = arith.constant 4 : i32
      %add3A_163 = arith.addi %mul3A_84, %add3A_162 : i32
      %add3A_164 = arith.constant 1 : i32
      %add3A_165 = arith.addi %add3A_163, %add3A_164 : i32
      %add3A_166 = vector.broadcast %add3A_165 : i32 to vector<16xi32>
      %add3A_167 = arith.addi %mul3A_11, %add3A_166 : vector<16xi32>
      %gather3A_168 = tpu.vector_load_idx %arg21[%add3A_161] : memref<10240xf32, #tpu.memory_space<vmem>>[vector<16xi32>], vector<16xf32>,
      %gather3A_169 = tpu.vector_load_idx %arg21[%add3A_167] : memref<10240xf32, #tpu.memory_space<vmem>>[vector<16xi32>], vector<16xf32>,
      %mul3A_170 = arith.mulf %get3A_88, %gather3A_168 : vector<16xf32>
      %get3A_171 = arith.constant 64 : index
      %get3A_172 = tpu.vector_load %arg24[%get3A_171] {strides = array<i32>} : memref<512xf32, #tpu.memory_space<vmem>>, vector<16xf32>,
      %add3A_173 = arith.addf %mul3A_170, %get3A_172 : vector<16xf32>
      %max3A_174 = arith.constant 0.000000e+00 : f32
      %max3A_175 = vector.broadcast %max3A_174 : f32 to vector<16xf32>
      %max3A_176 = arith.maximumf %add3A_173, %max3A_175 : vector<16xf32>
      %mul3A_177 = arith.mulf %get3A_88, %gather3A_169 : vector<16xf32>
      %get3A_178 = arith.constant 80 : index
      %get3A_179 = tpu.vector_load %arg24[%get3A_178] {strides = array<i32>} : memref<512xf32, #tpu.memory_space<vmem>>, vector<16xf32>,
      %add3A_180 = arith.addf %mul3A_177, %get3A_179 : vector<16xf32>
      %max3A_181 = arith.constant 0.000000e+00 : f32
      %max3A_182 = vector.broadcast %max3A_181 : f32 to vector<16xf32>
      %max3A_183 = arith.maximumf %add3A_180, %max3A_182 : vector<16xf32>
      %get3A_184 = arith.constant 64 : index
      %get3A_185 = tpu.vector_load %arg25[%get3A_184] {strides = array<i32>} : memref<512xf32, #tpu.memory_space<vmem>>, vector<16xf32>,
      %mul3A_186 = arith.mulf %max3A_176, %get3A_185 : vector<16xf32>
      %add3A_187 = arith.addf %add3A_153, %mul3A_186 : vector<16xf32>
      %get3A_188 = arith.constant 80 : index
      %get3A_189 = tpu.vector_load %arg25[%get3A_188] {strides = array<i32>} : memref<512xf32, #tpu.memory_space<vmem>>, vector<16xf32>,
      %mul3A_190 = arith.mulf %max3A_183, %get3A_189 : vector<16xf32>
      %add3A_191 = arith.addf %add3A_157, %mul3A_190 : vector<16xf32>
      %add3A_192 = arith.constant 6 : i32
      %add3A_193 = arith.addi %mul3A_84, %add3A_192 : i32
      %add3A_194 = vector.broadcast %add3A_193 : i32 to vector<16xi32>
      %add3A_195 = arith.addi %mul3A_11, %add3A_194 : vector<16xi32>
      %add3A_196 = arith.constant 6 : i32
      %add3A_197 = arith.addi %mul3A_84, %add3A_196 : i32
      %add3A_198 = arith.constant 1 : i32
      %add3A_199 = arith.addi %add3A_197, %add3A_198 : i32
      %add3A_200 = vector.broadcast %add3A_199 : i32 to vector<16xi32>
      %add3A_201 = arith.addi %mul3A_11, %add3A_200 : vector<16xi32>
      %gather3A_202 = tpu.vector_load_idx %arg21[%add3A_195] : memref<10240xf32, #tpu.memory_space<vmem>>[vector<16xi32>], vector<16xf32>,
      %gather3A_203 = tpu.vector_load_idx %arg21[%add3A_201] : memref<10240xf32, #tpu.memory_space<vmem>>[vector<16xi32>], vector<16xf32>,
      %mul3A_204 = arith.mulf %get3A_88, %gather3A_202 : vector<16xf32>
      %get3A_205 = arith.constant 96 : index
      %get3A_206 = tpu.vector_load %arg24[%get3A_205] {strides = array<i32>} : memref<512xf32, #tpu.memory_space<vmem>>, vector<16xf32>,
      %add3A_207 = arith.addf %mul3A_204, %get3A_206 : vector<16xf32>
      %max3A_208 = arith.constant 0.000000e+00 : f32
      %max3A_209 = vector.broadcast %max3A_208 : f32 to vector<16xf32>
      %max3A_210 = arith.maximumf %add3A_207, %max3A_209 : vector<16xf32>
      %mul3A_211 = arith.mulf %get3A_88, %gather3A_203 : vector<16xf32>
      %get3A_212 = arith.constant 112 : index
      %get3A_213 = tpu.vector_load %arg24[%get3A_212] {strides = array<i32>} : memref<512xf32, #tpu.memory_space<vmem>>, vector<16xf32>,
      %add3A_214 = arith.addf %mul3A_211, %get3A_213 : vector<16xf32>
      %max3A_215 = arith.constant 0.000000e+00 : f32
      %max3A_216 = vector.broadcast %max3A_215 : f32 to vector<16xf32>
      %max3A_217 = arith.maximumf %add3A_214, %max3A_216 : vector<16xf32>
      %get3A_218 = arith.constant 96 : index
      %get3A_219 = tpu.vector_load %arg25[%get3A_218] {strides = array<i32>} : memref<512xf32, #tpu.memory_space<vmem>>, vector<16xf32>,
      %mul3A_220 = arith.mulf %max3A_210, %get3A_219 : vector<16xf32>
      %add3A_221 = arith.addf %add3A_187, %mul3A_220 : vector<16xf32>
      %get3A_222 = arith.constant 112 : index
      %get3A_223 = tpu.vector_load %arg25[%get3A_222] {strides = array<i32>} : memref<512xf32, #tpu.memory_space<vmem>>, vector<16xf32>,
      %mul3A_224 = arith.mulf %max3A_217, %get3A_223 : vector<16xf32>
      %add3A_225 = arith.addf %add3A_191, %mul3A_224 : vector<16xf32>
      %add3A_226 = arith.constant 8 : i32
      %add3A_227 = arith.addi %mul3A_84, %add3A_226 : i32
      %add3A_228 = vector.broadcast %add3A_227 : i32 to vector<16xi32>
      %add3A_229 = arith.addi %mul3A_11, %add3A_228 : vector<16xi32>
      %add3A_230 = arith.constant 8 : i32
      %add3A_231 = arith.addi %mul3A_84, %add3A_230 : i32
      %add3A_232 = arith.constant 1 : i32
      %add3A_233 = arith.addi %add3A_231, %add3A_232 : i32
      %add3A_234 = vector.broadcast %add3A_233 : i32 to vector<16xi32>
      %add3A_235 = arith.addi %mul3A_11, %add3A_234 : vector<16xi32>
      %gather3A_236 = tpu.vector_load_idx %arg21[%add3A_229] : memref<10240xf32, #tpu.memory_space<vmem>>[vector<16xi32>], vector<16xf32>,
      %gather3A_237 = tpu.vector_load_idx %arg21[%add3A_235] : memref<10240xf32, #tpu.memory_space<vmem>>[vector<16xi32>], vector<16xf32>,
      %mul3A_238 = arith.mulf %get3A_88, %gather3A_236 : vector<16xf32>
      %get3A_239 = arith.constant 128 : index
      %get3A_240 = tpu.vector_load %arg24[%get3A_239] {strides = array<i32>} : memref<512xf32, #tpu.memory_space<vmem>>, vector<16xf32>,
      %add3A_241 = arith.addf %mul3A_238, %get3A_240 : vector<16xf32>
      %max3A_242 = arith.constant 0.000000e+00 : f32
      %max3A_243 = vector.broadcast %max3A_242 : f32 to vector<16xf32>
      %max3A_244 = arith.maximumf %add3A_241, %max3A_243 : vector<16xf32>
      %mul3A_245 = arith.mulf %get3A_88, %gather3A_237 : vector<16xf32>
      %get3A_246 = arith.constant 144 : index
      %get3A_247 = tpu.vector_load %arg24[%get3A_246] {strides = array<i32>} : memref<512xf32, #tpu.memory_space<vmem>>, vector<16xf32>,
      %add3A_248 = arith.addf %mul3A_245, %get3A_247 : vector<16xf32>
      %max3A_249 = arith.constant 0.000000e+00 : f32
      %max3A_250 = vector.broadcast %max3A_249 : f32 to vector<16xf32>
      %max3A_251 = arith.maximumf %add3A_248, %max3A_250 : vector<16xf32>
      %get3A_252 = arith.constant 128 : index
      %get3A_253 = tpu.vector_load %arg25[%get3A_252] {strides = array<i32>} : memref<512xf32, #tpu.memory_space<vmem>>, vector<16xf32>,
      %mul3A_254 = arith.mulf %max3A_244, %get3A_253 : vector<16xf32>
      %add3A_255 = arith.addf %add3A_221, %mul3A_254 : vector<16xf32>
      %get3A_256 = arith.constant 144 : index
      %get3A_257 = tpu.vector_load %arg25[%get3A_256] {strides = array<i32>} : memref<512xf32, #tpu.memory_space<vmem>>, vector<16xf32>,
      %mul3A_258 = arith.mulf %max3A_251, %get3A_257 : vector<16xf32>
      %add3A_259 = arith.addf %add3A_225, %mul3A_258 : vector<16xf32>
      %add3A_260 = arith.constant 10 : i32
      %add3A_261 = arith.addi %mul3A_84, %add3A_260 : i32
      %add3A_262 = vector.broadcast %add3A_261 : i32 to vector<16xi32>
      %add3A_263 = arith.addi %mul3A_11, %add3A_262 : vector<16xi32>
      %add3A_264 = arith.constant 10 : i32
      %add3A_265 = arith.addi %mul3A_84, %add3A_264 : i32
      %add3A_266 = arith.constant 1 : i32
      %add3A_267 = arith.addi %add3A_265, %add3A_266 : i32
      %add3A_268 = vector.broadcast %add3A_267 : i32 to vector<16xi32>
      %add3A_269 = arith.addi %mul3A_11, %add3A_268 : vector<16xi32>
      %gather3A_270 = tpu.vector_load_idx %arg21[%add3A_263] : memref<10240xf32, #tpu.memory_space<vmem>>[vector<16xi32>], vector<16xf32>,
      %gather3A_271 = tpu.vector_load_idx %arg21[%add3A_269] : memref<10240xf32, #tpu.memory_space<vmem>>[vector<16xi32>], vector<16xf32>,
      %mul3A_272 = arith.mulf %get3A_88, %gather3A_270 : vector<16xf32>
      %get3A_273 = arith.constant 160 : index
      %get3A_274 = tpu.vector_load %arg24[%get3A_273] {strides = array<i32>} : memref<512xf32, #tpu.memory_space<vmem>>, vector<16xf32>,
      %add3A_275 = arith.addf %mul3A_272, %get3A_274 : vector<16xf32>
      %max3A_276 = arith.constant 0.000000e+00 : f32
      %max3A_277 = vector.broadcast %max3A_276 : f32 to vector<16xf32>
      %max3A_278 = arith.maximumf %add3A_275, %max3A_277 : vector<16xf32>
      %mul3A_279 = arith.mulf %get3A_88, %gather3A_271 : vector<16xf32>
      %get3A_280 = arith.constant 176 : index
      %get3A_281 = tpu.vector_load %arg24[%get3A_280] {strides = array<i32>} : memref<512xf32, #tpu.memory_space<vmem>>, vector<16xf32>,
      %add3A_282 = arith.addf %mul3A_279, %get3A_281 : vector<16xf32>
      %max3A_283 = arith.constant 0.000000e+00 : f32
      %max3A_284 = vector.broadcast %max3A_283 : f32 to vector<16xf32>
      %max3A_285 = arith.maximumf %add3A_282, %max3A_284 : vector<16xf32>
      %get3A_286 = arith.constant 160 : index
      %get3A_287 = tpu.vector_load %arg25[%get3A_286] {strides = array<i32>} : memref<512xf32, #tpu.memory_space<vmem>>, vector<16xf32>,
      %mul3A_288 = arith.mulf %max3A_278, %get3A_287 : vector<16xf32>
      %add3A_289 = arith.addf %add3A_255, %mul3A_288 : vector<16xf32>
      %get3A_290 = arith.constant 176 : index
      %get3A_291 = tpu.vector_load %arg25[%get3A_290] {strides = array<i32>} : memref<512xf32, #tpu.memory_space<vmem>>, vector<16xf32>,
      %mul3A_292 = arith.mulf %max3A_285, %get3A_291 : vector<16xf32>
      %add3A_293 = arith.addf %add3A_259, %mul3A_292 : vector<16xf32>
      %add3A_294 = arith.constant 12 : i32
      %add3A_295 = arith.addi %mul3A_84, %add3A_294 : i32
      %add3A_296 = vector.broadcast %add3A_295 : i32 to vector<16xi32>
      %add3A_297 = arith.addi %mul3A_11, %add3A_296 : vector<16xi32>
      %add3A_298 = arith.constant 12 : i32
      %add3A_299 = arith.addi %mul3A_84, %add3A_298 : i32
      %add3A_300 = arith.constant 1 : i32
      %add3A_301 = arith.addi %add3A_299, %add3A_300 : i32
      %add3A_302 = vector.broadcast %add3A_301 : i32 to vector<16xi32>
      %add3A_303 = arith.addi %mul3A_11, %add3A_302 : vector<16xi32>
      %gather3A_304 = tpu.vector_load_idx %arg21[%add3A_297] : memref<10240xf32, #tpu.memory_space<vmem>>[vector<16xi32>], vector<16xf32>,
      %gather3A_305 = tpu.vector_load_idx %arg21[%add3A_303] : memref<10240xf32, #tpu.memory_space<vmem>>[vector<16xi32>], vector<16xf32>,
      %mul3A_306 = arith.mulf %get3A_88, %gather3A_304 : vector<16xf32>
      %get3A_307 = arith.constant 192 : index
      %get3A_308 = tpu.vector_load %arg24[%get3A_307] {strides = array<i32>} : memref<512xf32, #tpu.memory_space<vmem>>, vector<16xf32>,
      %add3A_309 = arith.addf %mul3A_306, %get3A_308 : vector<16xf32>
      %max3A_310 = arith.constant 0.000000e+00 : f32
      %max3A_311 = vector.broadcast %max3A_310 : f32 to vector<16xf32>
      %max3A_312 = arith.maximumf %add3A_309, %max3A_311 : vector<16xf32>
      %mul3A_313 = arith.mulf %get3A_88, %gather3A_305 : vector<16xf32>
      %get3A_314 = arith.constant 208 : index
      %get3A_315 = tpu.vector_load %arg24[%get3A_314] {strides = array<i32>} : memref<512xf32, #tpu.memory_space<vmem>>, vector<16xf32>,
      %add3A_316 = arith.addf %mul3A_313, %get3A_315 : vector<16xf32>
      %max3A_317 = arith.constant 0.000000e+00 : f32
      %max3A_318 = vector.broadcast %max3A_317 : f32 to vector<16xf32>
      %max3A_319 = arith.maximumf %add3A_316, %max3A_318 : vector<16xf32>
      %get3A_320 = arith.constant 192 : index
      %get3A_321 = tpu.vector_load %arg25[%get3A_320] {strides = array<i32>} : memref<512xf32, #tpu.memory_space<vmem>>, vector<16xf32>,
      %mul3A_322 = arith.mulf %max3A_312, %get3A_321 : vector<16xf32>
      %add3A_323 = arith.addf %add3A_289, %mul3A_322 : vector<16xf32>
      %get3A_324 = arith.constant 208 : index
      %get3A_325 = tpu.vector_load %arg25[%get3A_324] {strides = array<i32>} : memref<512xf32, #tpu.memory_space<vmem>>, vector<16xf32>,
      %mul3A_326 = arith.mulf %max3A_319, %get3A_325 : vector<16xf32>
      %add3A_327 = arith.addf %add3A_293, %mul3A_326 : vector<16xf32>
      %add3A_328 = arith.constant 14 : i32
      %add3A_329 = arith.addi %mul3A_84, %add3A_328 : i32
      %add3A_330 = vector.broadcast %add3A_329 : i32 to vector<16xi32>
      %add3A_331 = arith.addi %mul3A_11, %add3A_330 : vector<16xi32>
      %add3A_332 = arith.constant 14 : i32
      %add3A_333 = arith.addi %mul3A_84, %add3A_332 : i32
      %add3A_334 = arith.constant 1 : i32
      %add3A_335 = arith.addi %add3A_333, %add3A_334 : i32
      %add3A_336 = vector.broadcast %add3A_335 : i32 to vector<16xi32>
      %add3A_337 = arith.addi %mul3A_11, %add3A_336 : vector<16xi32>
      %gather3A_338 = tpu.vector_load_idx %arg21[%add3A_331] : memref<10240xf32, #tpu.memory_space<vmem>>[vector<16xi32>], vector<16xf32>,
      %gather3A_339 = tpu.vector_load_idx %arg21[%add3A_337] : memref<10240xf32, #tpu.memory_space<vmem>>[vector<16xi32>], vector<16xf32>,
      %mul3A_340 = arith.mulf %get3A_88, %gather3A_338 : vector<16xf32>
      %get3A_341 = arith.constant 224 : index
      %get3A_342 = tpu.vector_load %arg24[%get3A_341] {strides = array<i32>} : memref<512xf32, #tpu.memory_space<vmem>>, vector<16xf32>,
      %add3A_343 = arith.addf %mul3A_340, %get3A_342 : vector<16xf32>
      %max3A_344 = arith.constant 0.000000e+00 : f32
      %max3A_345 = vector.broadcast %max3A_344 : f32 to vector<16xf32>
      %max3A_346 = arith.maximumf %add3A_343, %max3A_345 : vector<16xf32>
      %mul3A_347 = arith.mulf %get3A_88, %gather3A_339 : vector<16xf32>
      %get3A_348 = arith.constant 240 : index
      %get3A_349 = tpu.vector_load %arg24[%get3A_348] {strides = array<i32>} : memref<512xf32, #tpu.memory_space<vmem>>, vector<16xf32>,
      %add3A_350 = arith.addf %mul3A_347, %get3A_349 : vector<16xf32>
      %max3A_351 = arith.constant 0.000000e+00 : f32
      %max3A_352 = vector.broadcast %max3A_351 : f32 to vector<16xf32>
      %max3A_353 = arith.maximumf %add3A_350, %max3A_352 : vector<16xf32>
      %get3A_354 = arith.constant 224 : index
      %get3A_355 = tpu.vector_load %arg25[%get3A_354] {strides = array<i32>} : memref<512xf32, #tpu.memory_space<vmem>>, vector<16xf32>,
      %mul3A_356 = arith.mulf %max3A_346, %get3A_355 : vector<16xf32>
      %add3A_357 = arith.addf %add3A_323, %mul3A_356 : vector<16xf32>
      %get3A_358 = arith.constant 240 : index
      %get3A_359 = tpu.vector_load %arg25[%get3A_358] {strides = array<i32>} : memref<512xf32, #tpu.memory_space<vmem>>, vector<16xf32>,
      %mul3A_360 = arith.mulf %max3A_353, %get3A_359 : vector<16xf32>
      %add3A_361 = arith.addf %add3A_327, %mul3A_360 : vector<16xf32>
      %add3A_362 = arith.constant 16 : i32
      %add3A_363 = arith.addi %mul3A_84, %add3A_362 : i32
      %add3A_364 = vector.broadcast %add3A_363 : i32 to vector<16xi32>
      %add3A_365 = arith.addi %mul3A_11, %add3A_364 : vector<16xi32>
      %add3A_366 = arith.constant 16 : i32
      %add3A_367 = arith.addi %mul3A_84, %add3A_366 : i32
      %add3A_368 = arith.constant 1 : i32
      %add3A_369 = arith.addi %add3A_367, %add3A_368 : i32
      %add3A_370 = vector.broadcast %add3A_369 : i32 to vector<16xi32>
      %add3A_371 = arith.addi %mul3A_11, %add3A_370 : vector<16xi32>
      %gather3A_372 = tpu.vector_load_idx %arg21[%add3A_365] : memref<10240xf32, #tpu.memory_space<vmem>>[vector<16xi32>], vector<16xf32>,
      %gather3A_373 = tpu.vector_load_idx %arg21[%add3A_371] : memref<10240xf32, #tpu.memory_space<vmem>>[vector<16xi32>], vector<16xf32>,
      %mul3A_374 = arith.mulf %get3A_88, %gather3A_372 : vector<16xf32>
      %get3A_375 = arith.constant 256 : index
      %get3A_376 = tpu.vector_load %arg24[%get3A_375] {strides = array<i32>} : memref<512xf32, #tpu.memory_space<vmem>>, vector<16xf32>,
      %add3A_377 = arith.addf %mul3A_374, %get3A_376 : vector<16xf32>
      %max3A_378 = arith.constant 0.000000e+00 : f32
      %max3A_379 = vector.broadcast %max3A_378 : f32 to vector<16xf32>
      %max3A_380 = arith.maximumf %add3A_377, %max3A_379 : vector<16xf32>
      %mul3A_381 = arith.mulf %get3A_88, %gather3A_373 : vector<16xf32>
      %get3A_382 = arith.constant 272 : index
      %get3A_383 = tpu.vector_load %arg24[%get3A_382] {strides = array<i32>} : memref<512xf32, #tpu.memory_space<vmem>>, vector<16xf32>,
      %add3A_384 = arith.addf %mul3A_381, %get3A_383 : vector<16xf32>
      %max3A_385 = arith.constant 0.000000e+00 : f32
      %max3A_386 = vector.broadcast %max3A_385 : f32 to vector<16xf32>
      %max3A_387 = arith.maximumf %add3A_384, %max3A_386 : vector<16xf32>
      %get3A_388 = arith.constant 256 : index
      %get3A_389 = tpu.vector_load %arg25[%get3A_388] {strides = array<i32>} : memref<512xf32, #tpu.memory_space<vmem>>, vector<16xf32>,
      %mul3A_390 = arith.mulf %max3A_380, %get3A_389 : vector<16xf32>
      %add3A_391 = arith.addf %add3A_357, %mul3A_390 : vector<16xf32>
      %get3A_392 = arith.constant 272 : index
      %get3A_393 = tpu.vector_load %arg25[%get3A_392] {strides = array<i32>} : memref<512xf32, #tpu.memory_space<vmem>>, vector<16xf32>,
      %mul3A_394 = arith.mulf %max3A_387, %get3A_393 : vector<16xf32>
      %add3A_395 = arith.addf %add3A_361, %mul3A_394 : vector<16xf32>
      %add3A_396 = arith.constant 18 : i32
      %add3A_397 = arith.addi %mul3A_84, %add3A_396 : i32
      %add3A_398 = vector.broadcast %add3A_397 : i32 to vector<16xi32>
      %add3A_399 = arith.addi %mul3A_11, %add3A_398 : vector<16xi32>
      %add3A_400 = arith.constant 18 : i32
      %add3A_401 = arith.addi %mul3A_84, %add3A_400 : i32
      %add3A_402 = arith.constant 1 : i32
      %add3A_403 = arith.addi %add3A_401, %add3A_402 : i32
      %add3A_404 = vector.broadcast %add3A_403 : i32 to vector<16xi32>
      %add3A_405 = arith.addi %mul3A_11, %add3A_404 : vector<16xi32>
      %gather3A_406 = tpu.vector_load_idx %arg21[%add3A_399] : memref<10240xf32, #tpu.memory_space<vmem>>[vector<16xi32>], vector<16xf32>,
      %gather3A_407 = tpu.vector_load_idx %arg21[%add3A_405] : memref<10240xf32, #tpu.memory_space<vmem>>[vector<16xi32>], vector<16xf32>,
      %mul3A_408 = arith.mulf %get3A_88, %gather3A_406 : vector<16xf32>
      %get3A_409 = arith.constant 288 : index
      %get3A_410 = tpu.vector_load %arg24[%get3A_409] {strides = array<i32>} : memref<512xf32, #tpu.memory_space<vmem>>, vector<16xf32>,
      %add3A_411 = arith.addf %mul3A_408, %get3A_410 : vector<16xf32>
      %max3A_412 = arith.constant 0.000000e+00 : f32
      %max3A_413 = vector.broadcast %max3A_412 : f32 to vector<16xf32>
      %max3A_414 = arith.maximumf %add3A_411, %max3A_413 : vector<16xf32>
      %mul3A_415 = arith.mulf %get3A_88, %gather3A_407 : vector<16xf32>
      %get3A_416 = arith.constant 304 : index
      %get3A_417 = tpu.vector_load %arg24[%get3A_416] {strides = array<i32>} : memref<512xf32, #tpu.memory_space<vmem>>, vector<16xf32>,
      %add3A_418 = arith.addf %mul3A_415, %get3A_417 : vector<16xf32>
      %max3A_419 = arith.constant 0.000000e+00 : f32
      %max3A_420 = vector.broadcast %max3A_419 : f32 to vector<16xf32>
      %max3A_421 = arith.maximumf %add3A_418, %max3A_420 : vector<16xf32>
      %get3A_422 = arith.constant 288 : index
      %get3A_423 = tpu.vector_load %arg25[%get3A_422] {strides = array<i32>} : memref<512xf32, #tpu.memory_space<vmem>>, vector<16xf32>,
      %mul3A_424 = arith.mulf %max3A_414, %get3A_423 : vector<16xf32>
      %add3A_425 = arith.addf %add3A_391, %mul3A_424 : vector<16xf32>
      %get3A_426 = arith.constant 304 : index
      %get3A_427 = tpu.vector_load %arg25[%get3A_426] {strides = array<i32>} : memref<512xf32, #tpu.memory_space<vmem>>, vector<16xf32>,
      %mul3A_428 = arith.mulf %max3A_421, %get3A_427 : vector<16xf32>
      %add3A_429 = arith.addf %add3A_395, %mul3A_428 : vector<16xf32>
      %add3A_430 = arith.constant 20 : i32
      %add3A_431 = arith.addi %mul3A_84, %add3A_430 : i32
      %add3A_432 = vector.broadcast %add3A_431 : i32 to vector<16xi32>
      %add3A_433 = arith.addi %mul3A_11, %add3A_432 : vector<16xi32>
      %add3A_434 = arith.constant 20 : i32
      %add3A_435 = arith.addi %mul3A_84, %add3A_434 : i32
      %add3A_436 = arith.constant 1 : i32
      %add3A_437 = arith.addi %add3A_435, %add3A_436 : i32
      %add3A_438 = vector.broadcast %add3A_437 : i32 to vector<16xi32>
      %add3A_439 = arith.addi %mul3A_11, %add3A_438 : vector<16xi32>
      %gather3A_440 = tpu.vector_load_idx %arg21[%add3A_433] : memref<10240xf32, #tpu.memory_space<vmem>>[vector<16xi32>], vector<16xf32>,
      %gather3A_441 = tpu.vector_load_idx %arg21[%add3A_439] : memref<10240xf32, #tpu.memory_space<vmem>>[vector<16xi32>], vector<16xf32>,
      %mul3A_442 = arith.mulf %get3A_88, %gather3A_440 : vector<16xf32>
      %get3A_443 = arith.constant 320 : index
      %get3A_444 = tpu.vector_load %arg24[%get3A_443] {strides = array<i32>} : memref<512xf32, #tpu.memory_space<vmem>>, vector<16xf32>,
      %add3A_445 = arith.addf %mul3A_442, %get3A_444 : vector<16xf32>
      %max3A_446 = arith.constant 0.000000e+00 : f32
      %max3A_447 = vector.broadcast %max3A_446 : f32 to vector<16xf32>
      %max3A_448 = arith.maximumf %add3A_445, %max3A_447 : vector<16xf32>
      %mul3A_449 = arith.mulf %get3A_88, %gather3A_441 : vector<16xf32>
      %get3A_450 = arith.constant 336 : index
      %get3A_451 = tpu.vector_load %arg24[%get3A_450] {strides = array<i32>} : memref<512xf32, #tpu.memory_space<vmem>>, vector<16xf32>,
      %add3A_452 = arith.addf %mul3A_449, %get3A_451 : vector<16xf32>
      %max3A_453 = arith.constant 0.000000e+00 : f32
      %max3A_454 = vector.broadcast %max3A_453 : f32 to vector<16xf32>
      %max3A_455 = arith.maximumf %add3A_452, %max3A_454 : vector<16xf32>
      %get3A_456 = arith.constant 320 : index
      %get3A_457 = tpu.vector_load %arg25[%get3A_456] {strides = array<i32>} : memref<512xf32, #tpu.memory_space<vmem>>, vector<16xf32>,
      %mul3A_458 = arith.mulf %max3A_448, %get3A_457 : vector<16xf32>
      %add3A_459 = arith.addf %add3A_425, %mul3A_458 : vector<16xf32>
      %get3A_460 = arith.constant 336 : index
      %get3A_461 = tpu.vector_load %arg25[%get3A_460] {strides = array<i32>} : memref<512xf32, #tpu.memory_space<vmem>>, vector<16xf32>,
      %mul3A_462 = arith.mulf %max3A_455, %get3A_461 : vector<16xf32>
      %add3A_463 = arith.addf %add3A_429, %mul3A_462 : vector<16xf32>
      %add3A_464 = arith.constant 22 : i32
      %add3A_465 = arith.addi %mul3A_84, %add3A_464 : i32
      %add3A_466 = vector.broadcast %add3A_465 : i32 to vector<16xi32>
      %add3A_467 = arith.addi %mul3A_11, %add3A_466 : vector<16xi32>
      %add3A_468 = arith.constant 22 : i32
      %add3A_469 = arith.addi %mul3A_84, %add3A_468 : i32
      %add3A_470 = arith.constant 1 : i32
      %add3A_471 = arith.addi %add3A_469, %add3A_470 : i32
      %add3A_472 = vector.broadcast %add3A_471 : i32 to vector<16xi32>
      %add3A_473 = arith.addi %mul3A_11, %add3A_472 : vector<16xi32>
      %gather3A_474 = tpu.vector_load_idx %arg21[%add3A_467] : memref<10240xf32, #tpu.memory_space<vmem>>[vector<16xi32>], vector<16xf32>,
      %gather3A_475 = tpu.vector_load_idx %arg21[%add3A_473] : memref<10240xf32, #tpu.memory_space<vmem>>[vector<16xi32>], vector<16xf32>,
      %mul3A_476 = arith.mulf %get3A_88, %gather3A_474 : vector<16xf32>
      %get3A_477 = arith.constant 352 : index
      %get3A_478 = tpu.vector_load %arg24[%get3A_477] {strides = array<i32>} : memref<512xf32, #tpu.memory_space<vmem>>, vector<16xf32>,
      %add3A_479 = arith.addf %mul3A_476, %get3A_478 : vector<16xf32>
      %max3A_480 = arith.constant 0.000000e+00 : f32
      %max3A_481 = vector.broadcast %max3A_480 : f32 to vector<16xf32>
      %max3A_482 = arith.maximumf %add3A_479, %max3A_481 : vector<16xf32>
      %mul3A_483 = arith.mulf %get3A_88, %gather3A_475 : vector<16xf32>
      %get3A_484 = arith.constant 368 : index
      %get3A_485 = tpu.vector_load %arg24[%get3A_484] {strides = array<i32>} : memref<512xf32, #tpu.memory_space<vmem>>, vector<16xf32>,
      %add3A_486 = arith.addf %mul3A_483, %get3A_485 : vector<16xf32>
      %max3A_487 = arith.constant 0.000000e+00 : f32
      %max3A_488 = vector.broadcast %max3A_487 : f32 to vector<16xf32>
      %max3A_489 = arith.maximumf %add3A_486, %max3A_488 : vector<16xf32>
      %get3A_490 = arith.constant 352 : index
      %get3A_491 = tpu.vector_load %arg25[%get3A_490] {strides = array<i32>} : memref<512xf32, #tpu.memory_space<vmem>>, vector<16xf32>,
      %mul3A_492 = arith.mulf %max3A_482, %get3A_491 : vector<16xf32>
      %add3A_493 = arith.addf %add3A_459, %mul3A_492 : vector<16xf32>
      %get3A_494 = arith.constant 368 : index
      %get3A_495 = tpu.vector_load %arg25[%get3A_494] {strides = array<i32>} : memref<512xf32, #tpu.memory_space<vmem>>, vector<16xf32>,
      %mul3A_496 = arith.mulf %max3A_489, %get3A_495 : vector<16xf32>
      %add3A_497 = arith.addf %add3A_463, %mul3A_496 : vector<16xf32>
      %add3A_498 = arith.constant 24 : i32
      %add3A_499 = arith.addi %mul3A_84, %add3A_498 : i32
      %add3A_500 = vector.broadcast %add3A_499 : i32 to vector<16xi32>
      %add3A_501 = arith.addi %mul3A_11, %add3A_500 : vector<16xi32>
      %add3A_502 = arith.constant 24 : i32
      %add3A_503 = arith.addi %mul3A_84, %add3A_502 : i32
      %add3A_504 = arith.constant 1 : i32
      %add3A_505 = arith.addi %add3A_503, %add3A_504 : i32
      %add3A_506 = vector.broadcast %add3A_505 : i32 to vector<16xi32>
      %add3A_507 = arith.addi %mul3A_11, %add3A_506 : vector<16xi32>
      %gather3A_508 = tpu.vector_load_idx %arg21[%add3A_501] : memref<10240xf32, #tpu.memory_space<vmem>>[vector<16xi32>], vector<16xf32>,
      %gather3A_509 = tpu.vector_load_idx %arg21[%add3A_507] : memref<10240xf32, #tpu.memory_space<vmem>>[vector<16xi32>], vector<16xf32>,
      %mul3A_510 = arith.mulf %get3A_88, %gather3A_508 : vector<16xf32>
      %get3A_511 = arith.constant 384 : index
      %get3A_512 = tpu.vector_load %arg24[%get3A_511] {strides = array<i32>} : memref<512xf32, #tpu.memory_space<vmem>>, vector<16xf32>,
      %add3A_513 = arith.addf %mul3A_510, %get3A_512 : vector<16xf32>
      %max3A_514 = arith.constant 0.000000e+00 : f32
      %max3A_515 = vector.broadcast %max3A_514 : f32 to vector<16xf32>
      %max3A_516 = arith.maximumf %add3A_513, %max3A_515 : vector<16xf32>
      %mul3A_517 = arith.mulf %get3A_88, %gather3A_509 : vector<16xf32>
      %get3A_518 = arith.constant 400 : index
      %get3A_519 = tpu.vector_load %arg24[%get3A_518] {strides = array<i32>} : memref<512xf32, #tpu.memory_space<vmem>>, vector<16xf32>,
      %add3A_520 = arith.addf %mul3A_517, %get3A_519 : vector<16xf32>
      %max3A_521 = arith.constant 0.000000e+00 : f32
      %max3A_522 = vector.broadcast %max3A_521 : f32 to vector<16xf32>
      %max3A_523 = arith.maximumf %add3A_520, %max3A_522 : vector<16xf32>
      %get3A_524 = arith.constant 384 : index
      %get3A_525 = tpu.vector_load %arg25[%get3A_524] {strides = array<i32>} : memref<512xf32, #tpu.memory_space<vmem>>, vector<16xf32>,
      %mul3A_526 = arith.mulf %max3A_516, %get3A_525 : vector<16xf32>
      %add3A_527 = arith.addf %add3A_493, %mul3A_526 : vector<16xf32>
      %get3A_528 = arith.constant 400 : index
      %get3A_529 = tpu.vector_load %arg25[%get3A_528] {strides = array<i32>} : memref<512xf32, #tpu.memory_space<vmem>>, vector<16xf32>,
      %mul3A_530 = arith.mulf %max3A_523, %get3A_529 : vector<16xf32>
      %add3A_531 = arith.addf %add3A_497, %mul3A_530 : vector<16xf32>
      %add3A_532 = arith.constant 26 : i32
      %add3A_533 = arith.addi %mul3A_84, %add3A_532 : i32
      %add3A_534 = vector.broadcast %add3A_533 : i32 to vector<16xi32>
      %add3A_535 = arith.addi %mul3A_11, %add3A_534 : vector<16xi32>
      %add3A_536 = arith.constant 26 : i32
      %add3A_537 = arith.addi %mul3A_84, %add3A_536 : i32
      %add3A_538 = arith.constant 1 : i32
      %add3A_539 = arith.addi %add3A_537, %add3A_538 : i32
      %add3A_540 = vector.broadcast %add3A_539 : i32 to vector<16xi32>
      %add3A_541 = arith.addi %mul3A_11, %add3A_540 : vector<16xi32>
      %gather3A_542 = tpu.vector_load_idx %arg21[%add3A_535] : memref<10240xf32, #tpu.memory_space<vmem>>[vector<16xi32>], vector<16xf32>,
      %gather3A_543 = tpu.vector_load_idx %arg21[%add3A_541] : memref<10240xf32, #tpu.memory_space<vmem>>[vector<16xi32>], vector<16xf32>,
      %mul3A_544 = arith.mulf %get3A_88, %gather3A_542 : vector<16xf32>
      %get3A_545 = arith.constant 416 : index
      %get3A_546 = tpu.vector_load %arg24[%get3A_545] {strides = array<i32>} : memref<512xf32, #tpu.memory_space<vmem>>, vector<16xf32>,
      %add3A_547 = arith.addf %mul3A_544, %get3A_546 : vector<16xf32>
      %max3A_548 = arith.constant 0.000000e+00 : f32
      %max3A_549 = vector.broadcast %max3A_548 : f32 to vector<16xf32>
      %max3A_550 = arith.maximumf %add3A_547, %max3A_549 : vector<16xf32>
      %mul3A_551 = arith.mulf %get3A_88, %gather3A_543 : vector<16xf32>
      %get3A_552 = arith.constant 432 : index
      %get3A_553 = tpu.vector_load %arg24[%get3A_552] {strides = array<i32>} : memref<512xf32, #tpu.memory_space<vmem>>, vector<16xf32>,
      %add3A_554 = arith.addf %mul3A_551, %get3A_553 : vector<16xf32>
      %max3A_555 = arith.constant 0.000000e+00 : f32
      %max3A_556 = vector.broadcast %max3A_555 : f32 to vector<16xf32>
      %max3A_557 = arith.maximumf %add3A_554, %max3A_556 : vector<16xf32>
      %get3A_558 = arith.constant 416 : index
      %get3A_559 = tpu.vector_load %arg25[%get3A_558] {strides = array<i32>} : memref<512xf32, #tpu.memory_space<vmem>>, vector<16xf32>,
      %mul3A_560 = arith.mulf %max3A_550, %get3A_559 : vector<16xf32>
      %add3A_561 = arith.addf %add3A_527, %mul3A_560 : vector<16xf32>
      %get3A_562 = arith.constant 432 : index
      %get3A_563 = tpu.vector_load %arg25[%get3A_562] {strides = array<i32>} : memref<512xf32, #tpu.memory_space<vmem>>, vector<16xf32>,
      %mul3A_564 = arith.mulf %max3A_557, %get3A_563 : vector<16xf32>
      %add3A_565 = arith.addf %add3A_531, %mul3A_564 : vector<16xf32>
      %add3A_566 = arith.constant 28 : i32
      %add3A_567 = arith.addi %mul3A_84, %add3A_566 : i32
      %add3A_568 = vector.broadcast %add3A_567 : i32 to vector<16xi32>
      %add3A_569 = arith.addi %mul3A_11, %add3A_568 : vector<16xi32>
      %add3A_570 = arith.constant 28 : i32
      %add3A_571 = arith.addi %mul3A_84, %add3A_570 : i32
      %add3A_572 = arith.constant 1 : i32
      %add3A_573 = arith.addi %add3A_571, %add3A_572 : i32
      %add3A_574 = vector.broadcast %add3A_573 : i32 to vector<16xi32>
      %add3A_575 = arith.addi %mul3A_11, %add3A_574 : vector<16xi32>
      %gather3A_576 = tpu.vector_load_idx %arg21[%add3A_569] : memref<10240xf32, #tpu.memory_space<vmem>>[vector<16xi32>], vector<16xf32>,
      %gather3A_577 = tpu.vector_load_idx %arg21[%add3A_575] : memref<10240xf32, #tpu.memory_space<vmem>>[vector<16xi32>], vector<16xf32>,
      %mul3A_578 = arith.mulf %get3A_88, %gather3A_576 : vector<16xf32>
      %get3A_579 = arith.constant 448 : index
      %get3A_580 = tpu.vector_load %arg24[%get3A_579] {strides = array<i32>} : memref<512xf32, #tpu.memory_space<vmem>>, vector<16xf32>,
      %add3A_581 = arith.addf %mul3A_578, %get3A_580 : vector<16xf32>
      %max3A_582 = arith.constant 0.000000e+00 : f32
      %max3A_583 = vector.broadcast %max3A_582 : f32 to vector<16xf32>
      %max3A_584 = arith.maximumf %add3A_581, %max3A_583 : vector<16xf32>
      %mul3A_585 = arith.mulf %get3A_88, %gather3A_577 : vector<16xf32>
      %get3A_586 = arith.constant 464 : index
      %get3A_587 = tpu.vector_load %arg24[%get3A_586] {strides = array<i32>} : memref<512xf32, #tpu.memory_space<vmem>>, vector<16xf32>,
      %add3A_588 = arith.addf %mul3A_585, %get3A_587 : vector<16xf32>
      %max3A_589 = arith.constant 0.000000e+00 : f32
      %max3A_590 = vector.broadcast %max3A_589 : f32 to vector<16xf32>
      %max3A_591 = arith.maximumf %add3A_588, %max3A_590 : vector<16xf32>
      %get3A_592 = arith.constant 448 : index
      %get3A_593 = tpu.vector_load %arg25[%get3A_592] {strides = array<i32>} : memref<512xf32, #tpu.memory_space<vmem>>, vector<16xf32>,
      %mul3A_594 = arith.mulf %max3A_584, %get3A_593 : vector<16xf32>
      %add3A_595 = arith.addf %add3A_561, %mul3A_594 : vector<16xf32>
      %get3A_596 = arith.constant 464 : index
      %get3A_597 = tpu.vector_load %arg25[%get3A_596] {strides = array<i32>} : memref<512xf32, #tpu.memory_space<vmem>>, vector<16xf32>,
      %mul3A_598 = arith.mulf %max3A_591, %get3A_597 : vector<16xf32>
      %add3A_599 = arith.addf %add3A_565, %mul3A_598 : vector<16xf32>
      %add3A_600 = arith.constant 30 : i32
      %add3A_601 = arith.addi %mul3A_84, %add3A_600 : i32
      %add3A_602 = vector.broadcast %add3A_601 : i32 to vector<16xi32>
      %add3A_603 = arith.addi %mul3A_11, %add3A_602 : vector<16xi32>
      %add3A_604 = arith.constant 30 : i32
      %add3A_605 = arith.addi %mul3A_84, %add3A_604 : i32
      %add3A_606 = arith.constant 1 : i32
      %add3A_607 = arith.addi %add3A_605, %add3A_606 : i32
      %add3A_608 = vector.broadcast %add3A_607 : i32 to vector<16xi32>
      %add3A_609 = arith.addi %mul3A_11, %add3A_608 : vector<16xi32>
      %gather3A_610 = tpu.vector_load_idx %arg21[%add3A_603] : memref<10240xf32, #tpu.memory_space<vmem>>[vector<16xi32>], vector<16xf32>,
      %gather3A_611 = tpu.vector_load_idx %arg21[%add3A_609] : memref<10240xf32, #tpu.memory_space<vmem>>[vector<16xi32>], vector<16xf32>,
      %mul3A_612 = arith.mulf %get3A_88, %gather3A_610 : vector<16xf32>
      %get3A_613 = arith.constant 480 : index
      %get3A_614 = tpu.vector_load %arg24[%get3A_613] {strides = array<i32>} : memref<512xf32, #tpu.memory_space<vmem>>, vector<16xf32>,
      %add3A_615 = arith.addf %mul3A_612, %get3A_614 : vector<16xf32>
      %max3A_616 = arith.constant 0.000000e+00 : f32
      %max3A_617 = vector.broadcast %max3A_616 : f32 to vector<16xf32>
      %max3A_618 = arith.maximumf %add3A_615, %max3A_617 : vector<16xf32>
      %mul3A_619 = arith.mulf %get3A_88, %gather3A_611 : vector<16xf32>
      %get3A_620 = arith.constant 496 : index
      %get3A_621 = tpu.vector_load %arg24[%get3A_620] {strides = array<i32>} : memref<512xf32, #tpu.memory_space<vmem>>, vector<16xf32>,
      %add3A_622 = arith.addf %mul3A_619, %get3A_621 : vector<16xf32>
      %max3A_623 = arith.constant 0.000000e+00 : f32
      %max3A_624 = vector.broadcast %max3A_623 : f32 to vector<16xf32>
      %max3A_625 = arith.maximumf %add3A_622, %max3A_624 : vector<16xf32>
      %get3A_626 = arith.constant 480 : index
      %get3A_627 = tpu.vector_load %arg25[%get3A_626] {strides = array<i32>} : memref<512xf32, #tpu.memory_space<vmem>>, vector<16xf32>,
      %mul3A_628 = arith.mulf %max3A_618, %get3A_627 : vector<16xf32>
      %add3A_629 = arith.addf %add3A_595, %mul3A_628 : vector<16xf32>
      %get3A_630 = arith.constant 496 : index
      %get3A_631 = tpu.vector_load %arg25[%get3A_630] {strides = array<i32>} : memref<512xf32, #tpu.memory_space<vmem>>, vector<16xf32>,
      %mul3A_632 = arith.mulf %max3A_625, %get3A_631 : vector<16xf32>
      %add3A_633 = arith.addf %add3A_599, %mul3A_632 : vector<16xf32>
      %add3A_634 = arith.addf %add3A_629, %add3A_633 : vector<16xf32>
      %mul3A_635 = arith.mulf %add3A_634, %get3A_88 : vector<16xf32>
      %add3A_636 = arith.constant 320 : i32
      %add3A_637 = arith.addi %add3A_636, %add3A_82 : i32
      %swap3A = arith.index_cast %add3A_637 : i32 to index
      %swap3A_638 = tpu.vector_load %arg20[%swap3A] {strides = array<i32>} : memref<640xf32, #tpu.memory_space<vmem>>, vector<16xf32>,
      tpu.vector_store %arg20[%swap3A], %mul3A_635 {strides = array<i32>} : memref<640xf32, #tpu.memory_space<vmem>>, vector<16xf32>,
    }
    %scan3A_49 = arith.constant 20 : i32
    "tpu.region"() ({
      %run_scoped3A_78 = tpu.sem_alloc : memref<!tpu.dma_semaphore, #tpu.memory_space<semaphore_mem>>
      %dma_start3A = tpu.memref_slice %arg28[%mul3A_4] : memref<10240xf32, #tpu.memory_space<vmem_shared>> -> memref<640xf32, #tpu.memory_space<vmem_shared>>
      %dma_start3A_79 = tpu.memref_slice %arg28[%mul3A_4] : memref<10240xf32, #tpu.memory_space<vmem_shared>> -> memref<640xf32, #tpu.memory_space<vmem_shared>>
      tpu.enqueue_dma source(%arg20 : memref<640xf32, #tpu.memory_space<vmem>>) target(%dma_start3A_79 : memref<640xf32, #tpu.memory_space<vmem_shared>>) target_semaphore(%run_scoped3A_78 : memref<!tpu.dma_semaphore, #tpu.memory_space<semaphore_mem>>)
      %dma_wait3A = tpu.memref_slice %arg28[%mul3A_4] : memref<10240xf32, #tpu.memory_space<vmem_shared>> -> memref<640xf32, #tpu.memory_space<vmem_shared>>
      %dma_wait3A_80 = tpu.memref_slice %arg28[%mul3A_4] : memref<10240xf32, #tpu.memory_space<vmem_shared>> -> memref<640xf32, #tpu.memory_space<vmem_shared>>
      tpu.wait_dma2 semaphore(%run_scoped3A_78 : memref<!tpu.dma_semaphore, #tpu.memory_space<semaphore_mem>>) src(%arg20 : memref<640xf32, #tpu.memory_space<vmem>>) dst(%dma_wait3A_80 : memref<640xf32, #tpu.memory_space<vmem_shared>>)
      tpu.yield
    }) : () -> ()
    %barrier3A = arith.constant 0 : index
    tpu.barrier barrier_id(%barrier3A)
    "tpu.region"() ({
      %run_scoped3A_78 = tpu.sem_alloc : memref<!tpu.dma_semaphore, #tpu.memory_space<semaphore_mem>>
      tpu.enqueue_dma source(%arg28 : memref<10240xf32, #tpu.memory_space<vmem_shared>>) target(%arg11 : memref<10240xf32, #tpu.memory_space<vmem>>) target_semaphore(%run_scoped3A_78 : memref<!tpu.dma_semaphore, #tpu.memory_space<semaphore_mem>>)
      tpu.wait_dma2 semaphore(%run_scoped3A_78 : memref<!tpu.dma_semaphore, #tpu.memory_space<semaphore_mem>>) src(%arg28 : memref<10240xf32, #tpu.memory_space<vmem_shared>>) dst(%arg11 : memref<10240xf32, #tpu.memory_space<vmem>>)
      tpu.yield
    }) : () -> ()
    %scan3A_50 = arith.constant 0 : i32
    %scan3A_51 = arith.constant 640 : i32
    %scan3A_52 = arith.addi %scan3A_50, %scan3A_51 : i32
    %scan3A_53 = arith.constant 1 : i32
    scf.for %scan3A_78 = %scan3A_50 to %scan3A_52 step %scan3A_53  : i32 {
      %mul3A_79 = arith.constant 16 : i32
      %mul3A_80 = arith.muli %scan3A_78, %mul3A_79 : i32
      %add3A_81 = arith.constant 0 : i32
      %add3A_82 = arith.addi %add3A_81, %mul3A_80 : i32
      %broadcast_in_dim3A = arith.constant 0.000000e+00 : f32
      %broadcast_in_dim3A_83 = vector.broadcast %broadcast_in_dim3A : f32 to vector<16xf32>
      %swap3A = arith.index_cast %add3A_82 : i32 to index
      %swap3A_84 = tpu.vector_load %arg14[%swap3A] {strides = array<i32>} : memref<10240xf32, #tpu.memory_space<vmem>>, vector<16xf32>,
      tpu.vector_store %arg14[%swap3A], %broadcast_in_dim3A_83 {strides = array<i32>} : memref<10240xf32, #tpu.memory_space<vmem>>, vector<16xf32>,
    }
    %scan3A_54 = arith.constant 640 : i32
    %scan3A_55 = arith.constant 0 : i32
    %scan3A_56 = arith.constant 625 : i32
    %scan3A_57 = arith.addi %scan3A_55, %scan3A_56 : i32
    %scan3A_58 = arith.constant 1 : i32
    scf.for %scan3A_78 = %scan3A_55 to %scan3A_57 step %scan3A_58  : i32 {
      %mul3A_79 = arith.constant 32 : i32
      %mul3A_80 = arith.muli %scan3A_78, %mul3A_79 : i32
      %add3A_81 = arith.constant 0 : i32
      %add3A_82 = arith.addi %add3A_81, %mul3A_80 : i32
      %get3A_83 = arith.index_cast %add3A_82 : i32 to index
      %get3A_84 = tpu.vector_load %arg12[%get3A_83] {strides = array<i32>} : memref<20000xi32, #tpu.memory_space<vmem>>, vector<16xi32>,
      %get3A_85 = arith.index_cast %add3A_82 : i32 to index
      %get3A_86 = tpu.vector_load %arg13[%get3A_85] {strides = array<i32>} : memref<20000xi32, #tpu.memory_space<vmem>>, vector<16xi32>,
      %add3A_87 = arith.constant 16 : i32
      %add3A_88 = arith.addi %add3A_82, %add3A_87 : i32
      %get3A_89 = arith.index_cast %add3A_88 : i32 to index
      %get3A_90 = tpu.vector_load %arg12[%get3A_89] {strides = array<i32>} : memref<20000xi32, #tpu.memory_space<vmem>>, vector<16xi32>,
      %add3A_91 = arith.constant 16 : i32
      %add3A_92 = arith.addi %add3A_82, %add3A_91 : i32
      %get3A_93 = arith.index_cast %add3A_92 : i32 to index
      %get3A_94 = tpu.vector_load %arg13[%get3A_93] {strides = array<i32>} : memref<20000xi32, #tpu.memory_space<vmem>>, vector<16xi32>,
      %gather3A = tpu.vector_load_idx %arg11[%get3A_84] : memref<10240xf32, #tpu.memory_space<vmem>>[vector<16xi32>], vector<16xf32>,
      tpu.vector_store_idx %arg14[%get3A_86], %gather3A {add = true} : memref<10240xf32, #tpu.memory_space<vmem>>[vector<16xi32>], vector<16xf32>,
      %gather3A_95 = tpu.vector_load_idx %arg11[%get3A_90] : memref<10240xf32, #tpu.memory_space<vmem>>[vector<16xi32>], vector<16xf32>,
      tpu.vector_store_idx %arg14[%get3A_94], %gather3A_95 {add = true} : memref<10240xf32, #tpu.memory_space<vmem>>[vector<16xi32>], vector<16xf32>,
    }
    %scan3A_59 = arith.constant 625 : i32
    "tpu.region"() ({
      %run_scoped3A_78 = tpu.sem_alloc : memref<!tpu.dma_semaphore, #tpu.memory_space<semaphore_mem>>
      %dma_start3A = arith.constant 0 : i32
      %dma_start3A_79 = tpu.memref_slice %arg27[%arg1, %dma_start3A] : memref<16x10240xf32, #tpu.memory_space<vmem_shared>> -> memref<1x10240xf32, #tpu.memory_space<vmem_shared>>
      %dma_start3A_80 = tpu.memref_squeeze %dma_start3A_79 : memref<1x10240xf32, #tpu.memory_space<vmem_shared>> -> memref<10240xf32, #tpu.memory_space<vmem_shared>>
      %dma_start3A_81 = arith.constant 0 : i32
      %dma_start3A_82 = tpu.memref_slice %arg27[%arg1, %dma_start3A_81] : memref<16x10240xf32, #tpu.memory_space<vmem_shared>> -> memref<1x10240xf32, #tpu.memory_space<vmem_shared>>
      %dma_start3A_83 = tpu.memref_squeeze %dma_start3A_82 : memref<1x10240xf32, #tpu.memory_space<vmem_shared>> -> memref<10240xf32, #tpu.memory_space<vmem_shared>>
      tpu.enqueue_dma source(%arg14 : memref<10240xf32, #tpu.memory_space<vmem>>) target(%dma_start3A_83 : memref<10240xf32, #tpu.memory_space<vmem_shared>>) target_semaphore(%run_scoped3A_78 : memref<!tpu.dma_semaphore, #tpu.memory_space<semaphore_mem>>)
      %dma_wait3A = arith.constant 0 : i32
      %dma_wait3A_84 = tpu.memref_slice %arg27[%arg1, %dma_wait3A] : memref<16x10240xf32, #tpu.memory_space<vmem_shared>> -> memref<1x10240xf32, #tpu.memory_space<vmem_shared>>
      %dma_wait3A_85 = tpu.memref_squeeze %dma_wait3A_84 : memref<1x10240xf32, #tpu.memory_space<vmem_shared>> -> memref<10240xf32, #tpu.memory_space<vmem_shared>>
      %dma_wait3A_86 = arith.constant 0 : i32
      %dma_wait3A_87 = tpu.memref_slice %arg27[%arg1, %dma_wait3A_86] : memref<16x10240xf32, #tpu.memory_space<vmem_shared>> -> memref<1x10240xf32, #tpu.memory_space<vmem_shared>>
      %dma_wait3A_88 = tpu.memref_squeeze %dma_wait3A_87 : memref<1x10240xf32, #tpu.memory_space<vmem_shared>> -> memref<10240xf32, #tpu.memory_space<vmem_shared>>
      tpu.wait_dma2 semaphore(%run_scoped3A_78 : memref<!tpu.dma_semaphore, #tpu.memory_space<semaphore_mem>>) src(%arg14 : memref<10240xf32, #tpu.memory_space<vmem>>) dst(%dma_wait3A_88 : memref<10240xf32, #tpu.memory_space<vmem_shared>>)
      tpu.yield
    }) : () -> ()
    %barrier3A_60 = arith.constant 0 : index
    tpu.barrier barrier_id(%barrier3A_60)
    %mul3A_61 = arith.constant 640 : i32
    %mul3A_62 = arith.muli %arg1, %mul3A_61 : i32
    %run_scoped3A_63 = arith.constant 0 : i32
    "tpu.region"() ({
      %run_scoped3A_78 = tpu.sem_alloc : memref<!tpu.dma_semaphore, #tpu.memory_space<semaphore_mem>>
      %dma_start3A = tpu.memref_slice %arg27[%run_scoped3A_63, %mul3A_62] : memref<16x10240xf32, #tpu.memory_space<vmem_shared>> -> memref<1x640xf32, #tpu.memory_space<vmem_shared>>
      %dma_start3A_79 = tpu.memref_squeeze %dma_start3A : memref<1x640xf32, #tpu.memory_space<vmem_shared>> -> memref<640xf32, #tpu.memory_space<vmem_shared>>
      %dma_start3A_80 = tpu.memref_slice %arg27[%run_scoped3A_63, %mul3A_62] : memref<16x10240xf32, #tpu.memory_space<vmem_shared>> -> memref<1x640xf32, #tpu.memory_space<vmem_shared>>
      %dma_start3A_81 = tpu.memref_squeeze %dma_start3A_80 : memref<1x640xf32, #tpu.memory_space<vmem_shared>> -> memref<640xf32, #tpu.memory_space<vmem_shared>>
      tpu.enqueue_dma source(%dma_start3A_81 : memref<640xf32, #tpu.memory_space<vmem_shared>>) target(%arg16 : memref<640xf32, #tpu.memory_space<vmem>>) target_semaphore(%run_scoped3A_78 : memref<!tpu.dma_semaphore, #tpu.memory_space<semaphore_mem>>)
      %dma_wait3A = tpu.memref_slice %arg27[%run_scoped3A_63, %mul3A_62] : memref<16x10240xf32, #tpu.memory_space<vmem_shared>> -> memref<1x640xf32, #tpu.memory_space<vmem_shared>>
      %dma_wait3A_82 = tpu.memref_squeeze %dma_wait3A : memref<1x640xf32, #tpu.memory_space<vmem_shared>> -> memref<640xf32, #tpu.memory_space<vmem_shared>>
      %dma_wait3A_83 = tpu.memref_slice %arg27[%run_scoped3A_63, %mul3A_62] : memref<16x10240xf32, #tpu.memory_space<vmem_shared>> -> memref<1x640xf32, #tpu.memory_space<vmem_shared>>
      %dma_wait3A_84 = tpu.memref_squeeze %dma_wait3A_83 : memref<1x640xf32, #tpu.memory_space<vmem_shared>> -> memref<640xf32, #tpu.memory_space<vmem_shared>>
      tpu.wait_dma2 semaphore(%run_scoped3A_78 : memref<!tpu.dma_semaphore, #tpu.memory_space<semaphore_mem>>) src(%dma_wait3A_84 : memref<640xf32, #tpu.memory_space<vmem_shared>>) dst(%arg16 : memref<640xf32, #tpu.memory_space<vmem>>)
      tpu.yield
    }) : () -> ()
    %scan3A_64 = arith.constant 0 : i32
    %scan3A_65 = arith.constant 15 : i32
    %scan3A_66 = arith.addi %scan3A_64, %scan3A_65 : i32
    %scan3A_67 = arith.constant 1 : i32
    scf.for %scan3A_78 = %scan3A_64 to %scan3A_66 step %scan3A_67  : i32 {
      %mul3A_79 = arith.constant 1 : i32
      %mul3A_80 = arith.muli %scan3A_78, %mul3A_79 : i32
      %add3A_81 = arith.constant 1 : i32
      %add3A_82 = arith.addi %add3A_81, %mul3A_80 : i32
      %mul3A_83 = arith.constant 640 : i32
      %mul3A_84 = arith.muli %arg1, %mul3A_83 : i32
      "tpu.region"() ({
        %run_scoped3A_90 = tpu.sem_alloc : memref<!tpu.dma_semaphore, #tpu.memory_space<semaphore_mem>>
        %dma_start3A = tpu.memref_slice %arg27[%add3A_82, %mul3A_84] : memref<16x10240xf32, #tpu.memory_space<vmem_shared>> -> memref<1x640xf32, #tpu.memory_space<vmem_shared>>
        %dma_start3A_91 = tpu.memref_squeeze %dma_start3A : memref<1x640xf32, #tpu.memory_space<vmem_shared>> -> memref<640xf32, #tpu.memory_space<vmem_shared>>
        %dma_start3A_92 = tpu.memref_slice %arg27[%add3A_82, %mul3A_84] : memref<16x10240xf32, #tpu.memory_space<vmem_shared>> -> memref<1x640xf32, #tpu.memory_space<vmem_shared>>
        %dma_start3A_93 = tpu.memref_squeeze %dma_start3A_92 : memref<1x640xf32, #tpu.memory_space<vmem_shared>> -> memref<640xf32, #tpu.memory_space<vmem_shared>>
        tpu.enqueue_dma source(%dma_start3A_93 : memref<640xf32, #tpu.memory_space<vmem_shared>>) target(%arg15 : memref<640xf32, #tpu.memory_space<vmem>>) target_semaphore(%run_scoped3A_90 : memref<!tpu.dma_semaphore, #tpu.memory_space<semaphore_mem>>)
        %dma_wait3A = tpu.memref_slice %arg27[%add3A_82, %mul3A_84] : memref<16x10240xf32, #tpu.memory_space<vmem_shared>> -> memref<1x640xf32, #tpu.memory_space<vmem_shared>>
        %dma_wait3A_94 = tpu.memref_squeeze %dma_wait3A : memref<1x640xf32, #tpu.memory_space<vmem_shared>> -> memref<640xf32, #tpu.memory_space<vmem_shared>>
        %dma_wait3A_95 = tpu.memref_slice %arg27[%add3A_82, %mul3A_84] : memref<16x10240xf32, #tpu.memory_space<vmem_shared>> -> memref<1x640xf32, #tpu.memory_space<vmem_shared>>
        %dma_wait3A_96 = tpu.memref_squeeze %dma_wait3A_95 : memref<1x640xf32, #tpu.memory_space<vmem_shared>> -> memref<640xf32, #tpu.memory_space<vmem_shared>>
        tpu.wait_dma2 semaphore(%run_scoped3A_90 : memref<!tpu.dma_semaphore, #tpu.memory_space<semaphore_mem>>) src(%dma_wait3A_96 : memref<640xf32, #tpu.memory_space<vmem_shared>>) dst(%arg15 : memref<640xf32, #tpu.memory_space<vmem>>)
        tpu.yield
      }) : () -> ()
      %scan3A_85 = arith.constant 0 : i32
      %scan3A_86 = arith.constant 40 : i32
      %scan3A_87 = arith.addi %scan3A_85, %scan3A_86 : i32
      %scan3A_88 = arith.constant 1 : i32
      scf.for %scan3A_90 = %scan3A_85 to %scan3A_87 step %scan3A_88  : i32 {
        %mul3A_91 = arith.constant 16 : i32
        %mul3A_92 = arith.muli %scan3A_90, %mul3A_91 : i32
        %add3A_93 = arith.constant 0 : i32
        %add3A_94 = arith.addi %add3A_93, %mul3A_92 : i32
        %get3A_95 = arith.index_cast %add3A_94 : i32 to index
        %get3A_96 = tpu.vector_load %arg16[%get3A_95] {strides = array<i32>} : memref<640xf32, #tpu.memory_space<vmem>>, vector<16xf32>,
        %get3A_97 = arith.index_cast %add3A_94 : i32 to index
        %get3A_98 = tpu.vector_load %arg15[%get3A_97] {strides = array<i32>} : memref<640xf32, #tpu.memory_space<vmem>>, vector<16xf32>,
        %add3A_99 = arith.addf %get3A_96, %get3A_98 : vector<16xf32>
        %swap3A = arith.index_cast %add3A_94 : i32 to index
        %swap3A_100 = tpu.vector_load %arg16[%swap3A] {strides = array<i32>} : memref<640xf32, #tpu.memory_space<vmem>>, vector<16xf32>,
        tpu.vector_store %arg16[%swap3A], %add3A_99 {strides = array<i32>} : memref<640xf32, #tpu.memory_space<vmem>>, vector<16xf32>,
      }
      %scan3A_89 = arith.constant 40 : i32
    }
    %scan3A_68 = arith.constant 15 : i32
    %mul3A_69 = arith.constant 640 : i32
    %mul3A_70 = arith.muli %arg1, %mul3A_69 : i32
    "tpu.region"() ({
      %run_scoped3A_78 = tpu.sem_alloc : memref<!tpu.dma_semaphore, #tpu.memory_space<semaphore_mem>>
      %dma_start3A = tpu.memref_slice %arg28[%mul3A_70] : memref<10240xf32, #tpu.memory_space<vmem_shared>> -> memref<640xf32, #tpu.memory_space<vmem_shared>>
      %dma_start3A_79 = tpu.memref_slice %arg28[%mul3A_70] : memref<10240xf32, #tpu.memory_space<vmem_shared>> -> memref<640xf32, #tpu.memory_space<vmem_shared>>
      tpu.enqueue_dma source(%arg16 : memref<640xf32, #tpu.memory_space<vmem>>) target(%dma_start3A_79 : memref<640xf32, #tpu.memory_space<vmem_shared>>) target_semaphore(%run_scoped3A_78 : memref<!tpu.dma_semaphore, #tpu.memory_space<semaphore_mem>>)
      %dma_wait3A = tpu.memref_slice %arg28[%mul3A_70] : memref<10240xf32, #tpu.memory_space<vmem_shared>> -> memref<640xf32, #tpu.memory_space<vmem_shared>>
      %dma_wait3A_80 = tpu.memref_slice %arg28[%mul3A_70] : memref<10240xf32, #tpu.memory_space<vmem_shared>> -> memref<640xf32, #tpu.memory_space<vmem_shared>>
      tpu.wait_dma2 semaphore(%run_scoped3A_78 : memref<!tpu.dma_semaphore, #tpu.memory_space<semaphore_mem>>) src(%arg16 : memref<640xf32, #tpu.memory_space<vmem>>) dst(%dma_wait3A_80 : memref<640xf32, #tpu.memory_space<vmem_shared>>)
      tpu.yield
    }) : () -> ()
    %barrier3A_71 = arith.constant 0 : index
    tpu.barrier barrier_id(%barrier3A_71)
    "tpu.region"() ({
      %run_scoped3A_78 = tpu.sem_alloc : memref<!tpu.dma_semaphore, #tpu.memory_space<semaphore_mem>>
      %dma_start3A = tpu.memref_slice %arg28[%add3A] : memref<10240xf32, #tpu.memory_space<vmem_shared>> -> memref<320xf32, #tpu.memory_space<vmem_shared>>
      %dma_start3A_79 = tpu.memref_slice %arg28[%add3A] : memref<10240xf32, #tpu.memory_space<vmem_shared>> -> memref<320xf32, #tpu.memory_space<vmem_shared>>
      tpu.enqueue_dma source(%dma_start3A_79 : memref<320xf32, #tpu.memory_space<vmem_shared>>) target(%arg18 : memref<320xf32, #tpu.memory_space<vmem>>) target_semaphore(%run_scoped3A_78 : memref<!tpu.dma_semaphore, #tpu.memory_space<semaphore_mem>>)
      %dma_wait3A = tpu.memref_slice %arg28[%add3A] : memref<10240xf32, #tpu.memory_space<vmem_shared>> -> memref<320xf32, #tpu.memory_space<vmem_shared>>
      %dma_wait3A_80 = tpu.memref_slice %arg28[%add3A] : memref<10240xf32, #tpu.memory_space<vmem_shared>> -> memref<320xf32, #tpu.memory_space<vmem_shared>>
      tpu.wait_dma2 semaphore(%run_scoped3A_78 : memref<!tpu.dma_semaphore, #tpu.memory_space<semaphore_mem>>) src(%dma_wait3A_80 : memref<320xf32, #tpu.memory_space<vmem_shared>>) dst(%arg18 : memref<320xf32, #tpu.memory_space<vmem>>)
      tpu.yield
    }) : () -> ()
    %get3A = arith.constant 0 : index
    %get3A_72 = tpu.vector_load %arg26[%get3A] {strides = array<i32>} : memref<16xf32, #tpu.memory_space<vmem>>, vector<16xf32>,
    %scan3A_73 = arith.constant 0 : i32
    %scan3A_74 = arith.constant 20 : i32
    %scan3A_75 = arith.addi %scan3A_73, %scan3A_74 : i32
    %scan3A_76 = arith.constant 1 : i32
    scf.for %scan3A_78 = %scan3A_73 to %scan3A_75 step %scan3A_76  : i32 {
      %mul3A_79 = arith.constant 16 : i32
      %mul3A_80 = arith.muli %scan3A_78, %mul3A_79 : i32
      %add3A_81 = arith.constant 0 : i32
      %add3A_82 = arith.addi %add3A_81, %mul3A_80 : i32
      %add3A_83 = arith.addi %add3A, %add3A_82 : i32
      %get3A_84 = arith.index_cast %add3A_83 : i32 to index
      %get3A_85 = tpu.vector_load %arg11[%get3A_84] {strides = array<i32>} : memref<10240xf32, #tpu.memory_space<vmem>>, vector<16xf32>,
      %get3A_86 = arith.index_cast %add3A_82 : i32 to index
      %get3A_87 = tpu.vector_load %arg17[%get3A_86] {strides = array<i32>} : memref<320xf32, #tpu.memory_space<vmem>>, vector<16xf32>,
      %get3A_88 = arith.index_cast %add3A_82 : i32 to index
      %get3A_89 = tpu.vector_load %arg18[%get3A_88] {strides = array<i32>} : memref<320xf32, #tpu.memory_space<vmem>>, vector<16xf32>,
      %add3A_90 = arith.addf %get3A_89, %get3A_85 : vector<16xf32>
      %mul3A_91 = arith.mulf %get3A_87, %add3A_90 : vector<16xf32>
      %add3A_92 = arith.addf %mul3A_91, %get3A_72 : vector<16xf32>
      %neg3A = arith.constant 0.000000e+00 : f32
      %neg3A_93 = vector.broadcast %neg3A : f32 to vector<16xf32>
      %neg3A_94 = arith.subf %neg3A_93, %add3A_92 : vector<16xf32>
      %exp3A = math.exp %neg3A_94 : vector<16xf32>
      %add3A_95 = arith.constant 1.000000e+00 : f32
      %add3A_96 = vector.broadcast %add3A_95 : f32 to vector<16xf32>
      %add3A_97 = arith.addf %add3A_96, %exp3A : vector<16xf32>
      %div3A = arith.constant 1.000000e+00 : f32
      %div3A_98 = vector.broadcast %div3A : f32 to vector<16xf32>
      %div3A_99 = arith.divf %div3A_98, %add3A_97 : vector<16xf32>
      %mul3A_100 = arith.mulf %add3A_97, %div3A_99 : vector<16xf32>
      %sub3A = arith.constant 2.000000e+00 : f32
      %sub3A_101 = vector.broadcast %sub3A : f32 to vector<16xf32>
      %sub3A_102 = arith.subf %sub3A_101, %mul3A_100 : vector<16xf32>
      %mul3A_103 = arith.mulf %div3A_99, %sub3A_102 : vector<16xf32>
      %mul3A_104 = arith.mulf %add3A_97, %mul3A_103 : vector<16xf32>
      %sub3A_105 = arith.constant 2.000000e+00 : f32
      %sub3A_106 = vector.broadcast %sub3A_105 : f32 to vector<16xf32>
      %sub3A_107 = arith.subf %sub3A_106, %mul3A_104 : vector<16xf32>
      %mul3A_108 = arith.mulf %mul3A_103, %sub3A_107 : vector<16xf32>
      %swap3A = arith.index_cast %add3A_82 : i32 to index
      %swap3A_109 = tpu.vector_load %arg18[%swap3A] {strides = array<i32>} : memref<320xf32, #tpu.memory_space<vmem>>, vector<16xf32>,
      tpu.vector_store %arg18[%swap3A], %mul3A_108 {strides = array<i32>} : memref<320xf32, #tpu.memory_space<vmem>>, vector<16xf32>,
    }
    %scan3A_77 = arith.constant 20 : i32
    "tpu.region"() ({
      %run_scoped3A_78 = tpu.sem_alloc : memref<!tpu.dma_semaphore, #tpu.memory_space<semaphore_mem>>
      %dma_start3A = tpu.memref_slice %arg10[%add3A] : memref<10240xf32, #tpu.memory_space<hbm>> -> memref<320xf32, #tpu.memory_space<hbm>>
      %dma_start3A_79 = tpu.memref_slice %arg10[%add3A] : memref<10240xf32, #tpu.memory_space<hbm>> -> memref<320xf32, #tpu.memory_space<hbm>>
      tpu.enqueue_dma source(%arg18 : memref<320xf32, #tpu.memory_space<vmem>>) target(%dma_start3A_79 : memref<320xf32, #tpu.memory_space<hbm>>) target_semaphore(%run_scoped3A_78 : memref<!tpu.dma_semaphore, #tpu.memory_space<semaphore_mem>>)
      %dma_wait3A = tpu.memref_slice %arg10[%add3A] : memref<10240xf32, #tpu.memory_space<hbm>> -> memref<320xf32, #tpu.memory_space<hbm>>
      %dma_wait3A_80 = tpu.memref_slice %arg10[%add3A] : memref<10240xf32, #tpu.memory_space<hbm>> -> memref<320xf32, #tpu.memory_space<hbm>>
      tpu.wait_dma2 semaphore(%run_scoped3A_78 : memref<!tpu.dma_semaphore, #tpu.memory_space<semaphore_mem>>) src(%arg18 : memref<320xf32, #tpu.memory_space<vmem>>) dst(%dma_wait3A_80 : memref<320xf32, #tpu.memory_space<hbm>>)
      tpu.yield
    }) : () -> ()
    return
  }
}

#map = affine_map<(d0, d1) -> (0)>
module attributes {stable_mosaic.version = 14 : i64} {
  func.func @k(%arg0: i32, %arg1: i32, %arg2: memref<320000xi32, #tpu.memory_space<hbm>>, %arg3: memref<10240xf32, #tpu.memory_space<hbm>>, %arg4: memref<20000xi32, #tpu.memory_space<vmem>>, %arg5: memref<10240xf32, #tpu.memory_space<vmem>>, %arg6: memref<640xf32, #tpu.memory_space<vmem>>, %arg7: memref<640xf32, #tpu.memory_space<vmem>>, %arg8: memref<16x10240xf32, #tpu.memory_space<vmem_shared>>) attributes {dimension_semantics = [#tpu.dimension_semantics<core_parallel>, #tpu.dimension_semantics<subcore_parallel>], iteration_bounds = array<i64: 2, 16>, scalar_prefetch = 0 : i64, scratch_operands = 5 : i64, tpu.core_type = #tpu.core_type<sc_vector_subcore>, window_params = [{transform_indices = #map}, {transform_indices = #map}]} {
    %eq3A = arith.constant 0 : i32
    %eq3A_0 = arith.cmpi eq, %arg0, %eq3A : i32
    %convert_element_type3A = arith.extui %eq3A_0 : i1 to i32
    %cond3A = arith.constant 0 : i32
    %cond3A_1 = arith.cmpi ne, %convert_element_type3A, %cond3A : i32
    scf.if %cond3A_1 {
      %mul3A = arith.constant 20000 : i32
      %mul3A_2 = arith.muli %arg1, %mul3A : i32
      "tpu.region"() ({
        %run_scoped3A_27 = tpu.sem_alloc : memref<!tpu.dma_semaphore, #tpu.memory_space<semaphore_mem>>
        %dma_start3A = tpu.memref_slice %arg2[%mul3A_2] : memref<320000xi32, #tpu.memory_space<hbm>> -> memref<20000xi32, #tpu.memory_space<hbm>>
        %dma_start3A_28 = tpu.memref_slice %arg2[%mul3A_2] : memref<320000xi32, #tpu.memory_space<hbm>> -> memref<20000xi32, #tpu.memory_space<hbm>>
        tpu.enqueue_dma source(%dma_start3A_28 : memref<20000xi32, #tpu.memory_space<hbm>>) target(%arg4 : memref<20000xi32, #tpu.memory_space<vmem>>) target_semaphore(%run_scoped3A_27 : memref<!tpu.dma_semaphore, #tpu.memory_space<semaphore_mem>>)
        %dma_wait3A = tpu.memref_slice %arg2[%mul3A_2] : memref<320000xi32, #tpu.memory_space<hbm>> -> memref<20000xi32, #tpu.memory_space<hbm>>
        %dma_wait3A_29 = tpu.memref_slice %arg2[%mul3A_2] : memref<320000xi32, #tpu.memory_space<hbm>> -> memref<20000xi32, #tpu.memory_space<hbm>>
        tpu.wait_dma2 semaphore(%run_scoped3A_27 : memref<!tpu.dma_semaphore, #tpu.memory_space<semaphore_mem>>) src(%dma_wait3A_29 : memref<20000xi32, #tpu.memory_space<hbm>>) dst(%arg4 : memref<20000xi32, #tpu.memory_space<vmem>>)
        tpu.yield
      }) : () -> ()
      %scan3A = arith.constant 0 : i32
      %scan3A_3 = arith.constant 640 : i32
      %scan3A_4 = arith.addi %scan3A, %scan3A_3 : i32
      %scan3A_5 = arith.constant 1 : i32
      scf.for %scan3A_27 = %scan3A to %scan3A_4 step %scan3A_5  : i32 {
        %mul3A_28 = arith.constant 16 : i32
        %mul3A_29 = arith.muli %scan3A_27, %mul3A_28 : i32
        %add3A = arith.constant 0 : i32
        %add3A_30 = arith.addi %add3A, %mul3A_29 : i32
        %broadcast_in_dim3A_31 = arith.constant 0.000000e+00 : f32
        %broadcast_in_dim3A_32 = vector.broadcast %broadcast_in_dim3A_31 : f32 to vector<16xf32>
        %swap3A = arith.index_cast %add3A_30 : i32 to index
        %swap3A_33 = tpu.vector_load %arg5[%swap3A] {strides = array<i32>} : memref<10240xf32, #tpu.memory_space<vmem>>, vector<16xf32>,
        tpu.vector_store %arg5[%swap3A], %broadcast_in_dim3A_32 {strides = array<i32>} : memref<10240xf32, #tpu.memory_space<vmem>>, vector<16xf32>,
      }
      %scan3A_6 = arith.constant 640 : i32
      %broadcast_in_dim3A = arith.constant 1.000000e+00 : f32
      %broadcast_in_dim3A_7 = vector.broadcast %broadcast_in_dim3A : f32 to vector<16xf32>
      %scan3A_8 = arith.constant 0 : i32
      %scan3A_9 = arith.constant 625 : i32
      %scan3A_10 = arith.addi %scan3A_8, %scan3A_9 : i32
      %scan3A_11 = arith.constant 1 : i32
      scf.for %scan3A_27 = %scan3A_8 to %scan3A_10 step %scan3A_11  : i32 {
        %mul3A_28 = arith.constant 32 : i32
        %mul3A_29 = arith.muli %scan3A_27, %mul3A_28 : i32
        %add3A = arith.constant 0 : i32
        %add3A_30 = arith.addi %add3A, %mul3A_29 : i32
        %get3A = arith.index_cast %add3A_30 : i32 to index
        %get3A_31 = tpu.vector_load %arg4[%get3A] {strides = array<i32>} : memref<20000xi32, #tpu.memory_space<vmem>>, vector<16xi32>,
        %add3A_32 = arith.constant 16 : i32
        %add3A_33 = arith.addi %add3A_30, %add3A_32 : i32
        %get3A_34 = arith.index_cast %add3A_33 : i32 to index
        %get3A_35 = tpu.vector_load %arg4[%get3A_34] {strides = array<i32>} : memref<20000xi32, #tpu.memory_space<vmem>>, vector<16xi32>,
        tpu.vector_store_idx %arg5[%get3A_31], %broadcast_in_dim3A_7 {add = true} : memref<10240xf32, #tpu.memory_space<vmem>>[vector<16xi32>], vector<16xf32>,
        tpu.vector_store_idx %arg5[%get3A_35], %broadcast_in_dim3A_7 {add = true} : memref<10240xf32, #tpu.memory_space<vmem>>[vector<16xi32>], vector<16xf32>,
      }
      %scan3A_12 = arith.constant 625 : i32
      "tpu.region"() ({
        %run_scoped3A_27 = tpu.sem_alloc : memref<!tpu.dma_semaphore, #tpu.memory_space<semaphore_mem>>
        %dma_start3A = arith.constant 0 : i32
        %dma_start3A_28 = tpu.memref_slice %arg8[%arg1, %dma_start3A] : memref<16x10240xf32, #tpu.memory_space<vmem_shared>> -> memref<1x10240xf32, #tpu.memory_space<vmem_shared>>
        %dma_start3A_29 = tpu.memref_squeeze %dma_start3A_28 : memref<1x10240xf32, #tpu.memory_space<vmem_shared>> -> memref<10240xf32, #tpu.memory_space<vmem_shared>>
        %dma_start3A_30 = arith.constant 0 : i32
        %dma_start3A_31 = tpu.memref_slice %arg8[%arg1, %dma_start3A_30] : memref<16x10240xf32, #tpu.memory_space<vmem_shared>> -> memref<1x10240xf32, #tpu.memory_space<vmem_shared>>
        %dma_start3A_32 = tpu.memref_squeeze %dma_start3A_31 : memref<1x10240xf32, #tpu.memory_space<vmem_shared>> -> memref<10240xf32, #tpu.memory_space<vmem_shared>>
        tpu.enqueue_dma source(%arg5 : memref<10240xf32, #tpu.memory_space<vmem>>) target(%dma_start3A_32 : memref<10240xf32, #tpu.memory_space<vmem_shared>>) target_semaphore(%run_scoped3A_27 : memref<!tpu.dma_semaphore, #tpu.memory_space<semaphore_mem>>)
        %dma_wait3A = arith.constant 0 : i32
        %dma_wait3A_33 = tpu.memref_slice %arg8[%arg1, %dma_wait3A] : memref<16x10240xf32, #tpu.memory_space<vmem_shared>> -> memref<1x10240xf32, #tpu.memory_space<vmem_shared>>
        %dma_wait3A_34 = tpu.memref_squeeze %dma_wait3A_33 : memref<1x10240xf32, #tpu.memory_space<vmem_shared>> -> memref<10240xf32, #tpu.memory_space<vmem_shared>>
        %dma_wait3A_35 = arith.constant 0 : i32
        %dma_wait3A_36 = tpu.memref_slice %arg8[%arg1, %dma_wait3A_35] : memref<16x10240xf32, #tpu.memory_space<vmem_shared>> -> memref<1x10240xf32, #tpu.memory_space<vmem_shared>>
        %dma_wait3A_37 = tpu.memref_squeeze %dma_wait3A_36 : memref<1x10240xf32, #tpu.memory_space<vmem_shared>> -> memref<10240xf32, #tpu.memory_space<vmem_shared>>
        tpu.wait_dma2 semaphore(%run_scoped3A_27 : memref<!tpu.dma_semaphore, #tpu.memory_space<semaphore_mem>>) src(%arg5 : memref<10240xf32, #tpu.memory_space<vmem>>) dst(%dma_wait3A_37 : memref<10240xf32, #tpu.memory_space<vmem_shared>>)
        tpu.yield
      }) : () -> ()
      %barrier3A = arith.constant 0 : index
      tpu.barrier barrier_id(%barrier3A)
      %mul3A_13 = arith.constant 640 : i32
      %mul3A_14 = arith.muli %arg1, %mul3A_13 : i32
      %run_scoped3A = arith.constant 0 : i32
      "tpu.region"() ({
        %run_scoped3A_27 = tpu.sem_alloc : memref<!tpu.dma_semaphore, #tpu.memory_space<semaphore_mem>>
        %dma_start3A = tpu.memref_slice %arg8[%run_scoped3A, %mul3A_14] : memref<16x10240xf32, #tpu.memory_space<vmem_shared>> -> memref<1x640xf32, #tpu.memory_space<vmem_shared>>
        %dma_start3A_28 = tpu.memref_squeeze %dma_start3A : memref<1x640xf32, #tpu.memory_space<vmem_shared>> -> memref<640xf32, #tpu.memory_space<vmem_shared>>
        %dma_start3A_29 = tpu.memref_slice %arg8[%run_scoped3A, %mul3A_14] : memref<16x10240xf32, #tpu.memory_space<vmem_shared>> -> memref<1x640xf32, #tpu.memory_space<vmem_shared>>
        %dma_start3A_30 = tpu.memref_squeeze %dma_start3A_29 : memref<1x640xf32, #tpu.memory_space<vmem_shared>> -> memref<640xf32, #tpu.memory_space<vmem_shared>>
        tpu.enqueue_dma source(%dma_start3A_30 : memref<640xf32, #tpu.memory_space<vmem_shared>>) target(%arg7 : memref<640xf32, #tpu.memory_space<vmem>>) target_semaphore(%run_scoped3A_27 : memref<!tpu.dma_semaphore, #tpu.memory_space<semaphore_mem>>)
        %dma_wait3A = tpu.memref_slice %arg8[%run_scoped3A, %mul3A_14] : memref<16x10240xf32, #tpu.memory_space<vmem_shared>> -> memref<1x640xf32, #tpu.memory_space<vmem_shared>>
        %dma_wait3A_31 = tpu.memref_squeeze %dma_wait3A : memref<1x640xf32, #tpu.memory_space<vmem_shared>> -> memref<640xf32, #tpu.memory_space<vmem_shared>>
        %dma_wait3A_32 = tpu.memref_slice %arg8[%run_scoped3A, %mul3A_14] : memref<16x10240xf32, #tpu.memory_space<vmem_shared>> -> memref<1x640xf32, #tpu.memory_space<vmem_shared>>
        %dma_wait3A_33 = tpu.memref_squeeze %dma_wait3A_32 : memref<1x640xf32, #tpu.memory_space<vmem_shared>> -> memref<640xf32, #tpu.memory_space<vmem_shared>>
        tpu.wait_dma2 semaphore(%run_scoped3A_27 : memref<!tpu.dma_semaphore, #tpu.memory_space<semaphore_mem>>) src(%dma_wait3A_33 : memref<640xf32, #tpu.memory_space<vmem_shared>>) dst(%arg7 : memref<640xf32, #tpu.memory_space<vmem>>)
        tpu.yield
      }) : () -> ()
      %scan3A_15 = arith.constant 0 : i32
      %scan3A_16 = arith.constant 15 : i32
      %scan3A_17 = arith.addi %scan3A_15, %scan3A_16 : i32
      %scan3A_18 = arith.constant 1 : i32
      scf.for %scan3A_27 = %scan3A_15 to %scan3A_17 step %scan3A_18  : i32 {
        %mul3A_28 = arith.constant 1 : i32
        %mul3A_29 = arith.muli %scan3A_27, %mul3A_28 : i32
        %add3A = arith.constant 1 : i32
        %add3A_30 = arith.addi %add3A, %mul3A_29 : i32
        %mul3A_31 = arith.constant 640 : i32
        %mul3A_32 = arith.muli %arg1, %mul3A_31 : i32
        "tpu.region"() ({
          %run_scoped3A_38 = tpu.sem_alloc : memref<!tpu.dma_semaphore, #tpu.memory_space<semaphore_mem>>
          %dma_start3A = tpu.memref_slice %arg8[%add3A_30, %mul3A_32] : memref<16x10240xf32, #tpu.memory_space<vmem_shared>> -> memref<1x640xf32, #tpu.memory_space<vmem_shared>>
          %dma_start3A_39 = tpu.memref_squeeze %dma_start3A : memref<1x640xf32, #tpu.memory_space<vmem_shared>> -> memref<640xf32, #tpu.memory_space<vmem_shared>>
          %dma_start3A_40 = tpu.memref_slice %arg8[%add3A_30, %mul3A_32] : memref<16x10240xf32, #tpu.memory_space<vmem_shared>> -> memref<1x640xf32, #tpu.memory_space<vmem_shared>>
          %dma_start3A_41 = tpu.memref_squeeze %dma_start3A_40 : memref<1x640xf32, #tpu.memory_space<vmem_shared>> -> memref<640xf32, #tpu.memory_space<vmem_shared>>
          tpu.enqueue_dma source(%dma_start3A_41 : memref<640xf32, #tpu.memory_space<vmem_shared>>) target(%arg6 : memref<640xf32, #tpu.memory_space<vmem>>) target_semaphore(%run_scoped3A_38 : memref<!tpu.dma_semaphore, #tpu.memory_space<semaphore_mem>>)
          %dma_wait3A = tpu.memref_slice %arg8[%add3A_30, %mul3A_32] : memref<16x10240xf32, #tpu.memory_space<vmem_shared>> -> memref<1x640xf32, #tpu.memory_space<vmem_shared>>
          %dma_wait3A_42 = tpu.memref_squeeze %dma_wait3A : memref<1x640xf32, #tpu.memory_space<vmem_shared>> -> memref<640xf32, #tpu.memory_space<vmem_shared>>
          %dma_wait3A_43 = tpu.memref_slice %arg8[%add3A_30, %mul3A_32] : memref<16x10240xf32, #tpu.memory_space<vmem_shared>> -> memref<1x640xf32, #tpu.memory_space<vmem_shared>>
          %dma_wait3A_44 = tpu.memref_squeeze %dma_wait3A_43 : memref<1x640xf32, #tpu.memory_space<vmem_shared>> -> memref<640xf32, #tpu.memory_space<vmem_shared>>
          tpu.wait_dma2 semaphore(%run_scoped3A_38 : memref<!tpu.dma_semaphore, #tpu.memory_space<semaphore_mem>>) src(%dma_wait3A_44 : memref<640xf32, #tpu.memory_space<vmem_shared>>) dst(%arg6 : memref<640xf32, #tpu.memory_space<vmem>>)
          tpu.yield
        }) : () -> ()
        %scan3A_33 = arith.constant 0 : i32
        %scan3A_34 = arith.constant 40 : i32
        %scan3A_35 = arith.addi %scan3A_33, %scan3A_34 : i32
        %scan3A_36 = arith.constant 1 : i32
        scf.for %scan3A_38 = %scan3A_33 to %scan3A_35 step %scan3A_36  : i32 {
          %mul3A_39 = arith.constant 16 : i32
          %mul3A_40 = arith.muli %scan3A_38, %mul3A_39 : i32
          %add3A_41 = arith.constant 0 : i32
          %add3A_42 = arith.addi %add3A_41, %mul3A_40 : i32
          %get3A = arith.index_cast %add3A_42 : i32 to index
          %get3A_43 = tpu.vector_load %arg7[%get3A] {strides = array<i32>} : memref<640xf32, #tpu.memory_space<vmem>>, vector<16xf32>,
          %get3A_44 = arith.index_cast %add3A_42 : i32 to index
          %get3A_45 = tpu.vector_load %arg6[%get3A_44] {strides = array<i32>} : memref<640xf32, #tpu.memory_space<vmem>>, vector<16xf32>,
          %add3A_46 = arith.addf %get3A_43, %get3A_45 : vector<16xf32>
          %swap3A = arith.index_cast %add3A_42 : i32 to index
          %swap3A_47 = tpu.vector_load %arg7[%swap3A] {strides = array<i32>} : memref<640xf32, #tpu.memory_space<vmem>>, vector<16xf32>,
          tpu.vector_store %arg7[%swap3A], %add3A_46 {strides = array<i32>} : memref<640xf32, #tpu.memory_space<vmem>>, vector<16xf32>,
        }
        %scan3A_37 = arith.constant 40 : i32
      }
      %scan3A_19 = arith.constant 15 : i32
      %scan3A_20 = arith.constant 0 : i32
      %scan3A_21 = arith.constant 40 : i32
      %scan3A_22 = arith.addi %scan3A_20, %scan3A_21 : i32
      %scan3A_23 = arith.constant 1 : i32
      scf.for %scan3A_27 = %scan3A_20 to %scan3A_22 step %scan3A_23  : i32 {
        %mul3A_28 = arith.constant 16 : i32
        %mul3A_29 = arith.muli %scan3A_27, %mul3A_28 : i32
        %add3A = arith.constant 0 : i32
        %add3A_30 = arith.addi %add3A, %mul3A_29 : i32
        %get3A = arith.index_cast %add3A_30 : i32 to index
        %get3A_31 = tpu.vector_load %arg7[%get3A] {strides = array<i32>} : memref<640xf32, #tpu.memory_space<vmem>>, vector<16xf32>,
        %add3A_32 = arith.constant 1.000000e+00 : f32
        %add3A_33 = vector.broadcast %add3A_32 : f32 to vector<16xf32>
        %add3A_34 = arith.addf %get3A_31, %add3A_33 : vector<16xf32>
        %bitcast3A = vector.bitcast %add3A_34 : vector<16xf32> to vector<16xi32>
        %shift_right_arithmetic3A = arith.constant 1 : i32
        %shift_right_arithmetic3A_35 = vector.broadcast %shift_right_arithmetic3A : i32 to vector<16xi32>
        %shift_right_arithmetic3A_36 = arith.shrsi %bitcast3A, %shift_right_arithmetic3A_35 : vector<16xi32>
        %sub3A = arith.constant 1597463007 : i32
        %sub3A_37 = vector.broadcast %sub3A : i32 to vector<16xi32>
        %sub3A_38 = arith.subi %sub3A_37, %shift_right_arithmetic3A_36 : vector<16xi32>
        %bitcast3A_39 = vector.bitcast %sub3A_38 : vector<16xi32> to vector<16xf32>
        %mul3A_40 = arith.constant 5.000000e-01 : f32
        %mul3A_41 = vector.broadcast %mul3A_40 : f32 to vector<16xf32>
        %mul3A_42 = arith.mulf %mul3A_41, %add3A_34 : vector<16xf32>
        %mul3A_43 = arith.mulf %mul3A_42, %bitcast3A_39 : vector<16xf32>
        %mul3A_44 = arith.mulf %mul3A_43, %bitcast3A_39 : vector<16xf32>
        %sub3A_45 = arith.constant 1.500000e+00 : f32
        %sub3A_46 = vector.broadcast %sub3A_45 : f32 to vector<16xf32>
        %sub3A_47 = arith.subf %sub3A_46, %mul3A_44 : vector<16xf32>
        %mul3A_48 = arith.mulf %bitcast3A_39, %sub3A_47 : vector<16xf32>
        %mul3A_49 = arith.constant 5.000000e-01 : f32
        %mul3A_50 = vector.broadcast %mul3A_49 : f32 to vector<16xf32>
        %mul3A_51 = arith.mulf %mul3A_50, %add3A_34 : vector<16xf32>
        %mul3A_52 = arith.mulf %mul3A_51, %mul3A_48 : vector<16xf32>
        %mul3A_53 = arith.mulf %mul3A_52, %mul3A_48 : vector<16xf32>
        %sub3A_54 = arith.constant 1.500000e+00 : f32
        %sub3A_55 = vector.broadcast %sub3A_54 : f32 to vector<16xf32>
        %sub3A_56 = arith.subf %sub3A_55, %mul3A_53 : vector<16xf32>
        %mul3A_57 = arith.mulf %mul3A_48, %sub3A_56 : vector<16xf32>
        %mul3A_58 = arith.constant 5.000000e-01 : f32
        %mul3A_59 = vector.broadcast %mul3A_58 : f32 to vector<16xf32>
        %mul3A_60 = arith.mulf %mul3A_59, %add3A_34 : vector<16xf32>
        %mul3A_61 = arith.mulf %mul3A_60, %mul3A_57 : vector<16xf32>
        %mul3A_62 = arith.mulf %mul3A_61, %mul3A_57 : vector<16xf32>
        %sub3A_63 = arith.constant 1.500000e+00 : f32
        %sub3A_64 = vector.broadcast %sub3A_63 : f32 to vector<16xf32>
        %sub3A_65 = arith.subf %sub3A_64, %mul3A_62 : vector<16xf32>
        %mul3A_66 = arith.mulf %mul3A_57, %sub3A_65 : vector<16xf32>
        %swap3A = arith.index_cast %add3A_30 : i32 to index
        %swap3A_67 = tpu.vector_load %arg7[%swap3A] {strides = array<i32>} : memref<640xf32, #tpu.memory_space<vmem>>, vector<16xf32>,
        tpu.vector_store %arg7[%swap3A], %mul3A_66 {strides = array<i32>} : memref<640xf32, #tpu.memory_space<vmem>>, vector<16xf32>,
      }
      %scan3A_24 = arith.constant 40 : i32
      %mul3A_25 = arith.constant 640 : i32
      %mul3A_26 = arith.muli %arg1, %mul3A_25 : i32
      "tpu.region"() ({
        %run_scoped3A_27 = tpu.sem_alloc : memref<!tpu.dma_semaphore, #tpu.memory_space<semaphore_mem>>
        %dma_start3A = tpu.memref_slice %arg3[%mul3A_26] : memref<10240xf32, #tpu.memory_space<hbm>> -> memref<640xf32, #tpu.memory_space<hbm>>
        %dma_start3A_28 = tpu.memref_slice %arg3[%mul3A_26] : memref<10240xf32, #tpu.memory_space<hbm>> -> memref<640xf32, #tpu.memory_space<hbm>>
        tpu.enqueue_dma source(%arg7 : memref<640xf32, #tpu.memory_space<vmem>>) target(%dma_start3A_28 : memref<640xf32, #tpu.memory_space<hbm>>) target_semaphore(%run_scoped3A_27 : memref<!tpu.dma_semaphore, #tpu.memory_space<semaphore_mem>>)
        %dma_wait3A = tpu.memref_slice %arg3[%mul3A_26] : memref<10240xf32, #tpu.memory_space<hbm>> -> memref<640xf32, #tpu.memory_space<hbm>>
        %dma_wait3A_29 = tpu.memref_slice %arg3[%mul3A_26] : memref<10240xf32, #tpu.memory_space<hbm>> -> memref<640xf32, #tpu.memory_space<hbm>>
        tpu.wait_dma2 semaphore(%run_scoped3A_27 : memref<!tpu.dma_semaphore, #tpu.memory_space<semaphore_mem>>) src(%arg7 : memref<640xf32, #tpu.memory_space<vmem>>) dst(%dma_wait3A_29 : memref<640xf32, #tpu.memory_space<hbm>>)
        tpu.yield
      }) : () -> ()
    } else {
    }
    return
  }
}

module attributes {stable_mosaic.version = 14 : i64} {
  func.func @body(%arg0: i32, %arg1: memref<1024x128xf32, #tpu.memory_space<vmem>>, %arg2: memref<128x32xf32, #tpu.memory_space<vmem>>, %arg3: memref<1024x1xf32, #tpu.memory_space<vmem>>, %arg4: memref<1024x32xf32, #tpu.memory_space<vmem>>) attributes {dimension_semantics = [#tpu.dimension_semantics<arbitrary>], iteration_bounds = array<i64: 10>, scalar_prefetch = 0 : i64, scratch_operands = 0 : i64, tpu.core_type = #tpu.core_type<tc>, window_params = [{transform_indices = @transform_0, window_bounds = array<i64: 1024, 128>}, {pipeline_mode = #tpu.pipeline_mode<synchronous>, transform_indices = @transform_1, window_bounds = array<i64: 128, 32>}, {transform_indices = @transform_2, window_bounds = array<i64: 1024, 1>}, {transform_indices = @transform_3, window_bounds = array<i64: 1024, 32>}]} {
    %get3A = arith.constant 0 : index
    %get3A_0 = arith.constant 0 : index
    %get3A_1 = vector.load %arg1[%get3A, %get3A_0] : memref<1024x128xf32, #tpu.memory_space<vmem>>, vector<1024x128xf32>
    %get3A_2 = arith.constant 0 : index
    %get3A_3 = arith.constant 0 : index
    %get3A_4 = vector.load %arg2[%get3A_2, %get3A_3] : memref<128x32xf32, #tpu.memory_space<vmem>>, vector<128x32xf32>
    %dot_general3A = arith.constant dense<0.000000e+00> : vector<1024x32xf32>
    %dot_general3A_5 = tpu.matmul %get3A_1, %get3A_4, %dot_general3A {dimension_numbers = #tpu.dot_dimension_numbers<[1], [0], [0], [1], [0, 0, 1, 1], [], []>, transpose_lhs_hint = false} : vector<1024x128xf32>, vector<128x32xf32>, vector<1024x32xf32> -> vector<1024x32xf32>
    %get3A_6 = arith.constant 0 : index
    %get3A_7 = arith.constant 0 : index
    %get3A_8 = vector.load %arg3[%get3A_6, %get3A_7] : memref<1024x1xf32, #tpu.memory_space<vmem>>, vector<1024x1xf32>
    %mul3A = vector.broadcast %get3A_8 : vector<1024x1xf32> to vector<1024x32xf32>
    %mul3A_9 = arith.mulf %dot_general3A_5, %mul3A : vector<1024x32xf32>
    %swap3A = arith.constant 0 : index
    %swap3A_10 = arith.constant 0 : index
    %swap3A_11 = vector.load %arg4[%swap3A, %swap3A_10] : memref<1024x32xf32, #tpu.memory_space<vmem>>, vector<1024x32xf32>
    tpu.vector_store %arg4[%swap3A, %swap3A_10], %mul3A_9 {strides = array<i32>} : memref<1024x32xf32, #tpu.memory_space<vmem>>, vector<1024x32xf32>,
    return
  }
  func.func @transform_0(%arg0: i32) -> (i32, i32) {
    %c0_i32 = arith.constant 0 : i32
    %c0_i32_0 = arith.constant 0 : i32
    return %arg0, %c0_i32 : i32, i32
  }
  func.func @transform_1(%arg0: i32) -> (i32, i32) {
    %c0_i32 = arith.constant 0 : i32
    %c0_i32_0 = arith.constant 0 : i32
    %c0_i32_1 = arith.constant 0 : i32
    return %c0_i32, %c0_i32_0 : i32, i32
  }
  func.func @transform_2(%arg0: i32) -> (i32, i32) {
    %c0_i32 = arith.constant 0 : i32
    %c0_i32_0 = arith.constant 0 : i32
    return %arg0, %c0_i32 : i32, i32
  }
  func.func @transform_3(%arg0: i32) -> (i32, i32) {
    %c0_i32 = arith.constant 0 : i32
    %c0_i32_0 = arith.constant 0 : i32
    return %arg0, %c0_i32 : i32, i32
  }
}

</mosaic_0001>

<sc_bundles>
// kernel: kernel.12.cloned.1.call-start
scs
__scs_entry_jumppad:
0x0: {  	(pc) =	sbr.rel $0x88, $3  }
0x1: {  	(tag) =	ssettag $0x0;
	lr =	simm.s32 $0x1  }
0x2: {  	[smem:$0x3F9B] =	sst lr;
	_ =	strace $0xD0000000  }
0x3: {  	_ = 	snop  }
0x4: {  	_ = 	snop  }
0x5: {  	_ = 	snop  }
0x6: {  	_ = 	snop  }
0x7: {  	_ = 	snop  }
__scs_overlays_trampoline_lowered:
0x8: {  	[smem:$0x3FAA] =	sst s0  }
0x9: {  	[smem:$0x3FAB] =	sst s1  }
0xa: {  	[smem:$0x3FAC] =	sst s2  }
0xb: {  	[smem:$0x3FAD] =	sst s3  }
0xc: {  	[smem:$0x3FAE] =	sst s4  }
0xd: {  	[smem:$0x3FAF] =	sst s5  }
0xe: {  	[smem:$0x3FB0] =	sst s6  }
0xf: {  	[smem:$0x3FB1] =	sst s7  }
0x10: {  	[smem:$0x3FB2] =	sst s8  }
0x11: {  	[smem:$0x3FB3] =	sst s9;
	s0 =	simm.s32 @!p0 $0x0  }
0x12: {  	s1 =	sld [smem:$0x3F99];
	s0 =	simm.s32 @p0 $0x1  }
0x13: {  	[smem:$0x3FB4] =	sst s0;
	s0 =	simm.s32 @!p1 $0x0  }
0x14: {  	s2 =	sld [smem:$0x3F98];
	s0 =	simm.s32 @p1 $0x1  }
0x15: {  	[smem:$0x3FB5] =	sst s0;
	s0 =	simm.s32 @!p2 $0x0  }
0x16: {  	s3 =	sld [smem:$0x3FDB];
	s0 =	simm.s32 @p2 $0x1  }
0x17: {  	s4 =	simm.s32 $0x1BF5;
	[smem:$0x3FB7] =	sst s0  }
0x18: {  	s0 =	sld [smem:$0x3F9A];
	_ =	swait.ge [sflag:s4], $0x0  }
0x19: {  	s7 =	sld [smem:$0x3F9B]  }
0x1a: {  	s8 =	sadd.s32 $0xFFFFE003, lr  }
0x1b: {  	s9 =	sadd.s32 $0xFFFFFEF7, lr;
	s5 =	simm.s32 $0xFFFFFFFF;
	p2 =	slt.u32 s8, $0xFFFFF086  }
0x1c: {  	p1 =	slt.u32 s9, $0xF7A;
	s5 =	simm.s32 @!p2 $0x0  }
0x1d: {  	s5 =	simm.s32 @p1 $0x1;
	p0 =	seq.s32 s7, s2  }
0x1e: {  	s7 =	smul.u32 @!p0 $0xF7A, s2;
	p2 =	seq.s32 @!p0 s5, $0x0  }
0x1f: {  	s9 =	smul.u32 $0xF7A, s1;
	s8 =	simm.s32 @!p0 $0x1BF5;
	p2 =	por !p2, p0  }
0x20: {  	[sflag:s8] =	ssyncset.s32 @!p0 $0xFFFFF086;
	s6 =	sadd.s32 @!p0 s3, s7;
	s7 =	simm.s32 @!p0 $0x108  }
0x21: {  	s3 =	sadd.s32 s3, s9;
	s6 =	sadd.s32 @!p0 $0x88, s6;
	s7 =	simm.s32 @p2 $0x1082  }
0x22: {  	[simem:s7], [sflag:s8] =	dma.local @!p0 [hbm:s6], $0xF7A  }
0x23: {  	s9 =	sor.u32 $0xD0000000, s2;
	s6 =	simm.s32 $0x108;
	_ =	swait.ge @!p0 [sflag:s8], $0x0  }
0x24: {  	s3 =	sadd.s32 $0x88, s3;
	s6 =	simm.s32 @!p1 $0x1082;
	[sflag:s4] =	ssyncset.s32 $0xFFFFF086  }
0x25: {  	[simem:s6], [sflag:s4] =	dma.local [hbm:s3], $0xF7A  }
0x26: {  	[smem:$0x3F9B] =	sst s1;
	(tag) =	ssettag s2;
	_ =	strace s9  }
0x27: {  	s1 =	sld [smem:$0x3FAB]  }
0x28: {  	s2 =	sld [smem:$0x3FAC]  }
0x29: {  	s4 =	sld [smem:$0x3FAE]  }
0x2a: {  	p0 =	seq.s32 s5, $0x0;
	s5 =	sld [smem:$0x3FAF]  }
0x2b: {  	s6 =	sld [smem:$0x3FB0]  }
0x2c: {  	s7 =	sld [smem:$0x3FB1]  }
0x2d: {  	s3 =	simm.s32 $0x108;
	s8 =	sld [smem:$0x3FB2]  }
0x2e: {  	s3 =	simm.s32 @!p0 $0x1082;
	s9 =	sld [smem:$0x3FB3]  }
0x2f: {  	lr =	sadd.s32 s0, s3;
	s0 =	sld [smem:$0x3FAA]  }
0x30: {  	s3 =	sld [smem:$0x3FAD]  }
0x31: {  	[smem:$0x3FB6] =	sst s10  }
0x32: {  	s10 =	sld [smem:$0x3FB4];
	_ =	sdelay $0x3  }
0x33: {  	p0 =	seq.s32 s10, $0x1;
	s10 =	sld [smem:$0x3FB6];
	_ =	sdelay $0x3  }
0x34: {  	[smem:$0x3FB6] =	sst s10  }
0x35: {  	s10 =	sld [smem:$0x3FB5];
	_ =	sdelay $0x3  }
0x36: {  	p1 =	seq.s32 s10, $0x1;
	s10 =	sld [smem:$0x3FB6];
	_ =	sdelay $0x3  }
0x37: {  	[smem:$0x3FB6] =	sst s10  }
0x38: {  	s10 =	sld [smem:$0x3FB7]  }
0x39: {  	_ = 	snop;
	(pc) =	sbr.ind lr, $3  }
0x3a: {  	_ = 	snop  }
0x3b: {  	_ = 	snop  }
0x3c: {  	p2 =	seq.s32 s10, $0x1;
	s10 =	sld [smem:$0x3FB6]  }
0x3d: {  	_ =	shalt  }
0x3e: {  	_ =	shalt  }
0x3f: {  	_ =	shalt  }
0x40: {  	_ =	shalt  }
0x41: {  	_ =	shalt  }
0x42: {  	_ =	shalt  }
0x43: {  	_ =	shalt  }
0x44: {  	_ =	shalt  }
0x45: {  	_ =	shalt  }
0x46: {  	_ =	shalt  }
0x47: {  	_ =	shalt  }
0x48: {  	_ =	shalt  }
0x49: {  	_ =	shalt  }
0x4a: {  	_ =	shalt  }
0x4b: {  	_ =	shalt  }
0x4c: {  	_ =	shalt  }
0x4d: {  	_ =	shalt  }
0x4e: {  	_ =	shalt  }
0x4f: {  	_ =	shalt  }
0x50: {  	_ =	shalt  }
0x51: {  	_ =	shalt  }
0x52: {  	_ =	shalt  }
0x53: {  	_ =	shalt  }
0x54: {  	_ =	shalt  }
0x55: {  	_ =	shalt  }
0x56: {  	_ =	shalt  }
0x57: {  	_ =	shalt  }
0x58: {  	_ =	shalt  }
0x59: {  	_ =	shalt  }
0x5a: {  	_ =	shalt  }
0x5b: {  	_ =	shalt  }
0x5c: {  	_ =	shalt  }
0x5d: {  	_ =	shalt  }
0x5e: {  	_ =	shalt  }
0x5f: {  	_ =	shalt  }
0x60: {  	_ =	shalt  }
0x61: {  	_ =	shalt  }
0x62: {  	_ =	shalt  }
0x63: {  	_ =	shalt  }
0x64: {  	_ =	shalt  }
0x65: {  	_ =	shalt  }
0x66: {  	_ =	shalt  }
0x67: {  	_ =	shalt  }
0x68: {  	_ =	shalt  }
0x69: {  	_ =	shalt  }
0x6a: {  	_ =	shalt  }
0x6b: {  	_ =	shalt  }
0x6c: {  	_ =	shalt  }
0x6d: {  	_ =	shalt  }
0x6e: {  	_ =	shalt  }
0x6f: {  	_ =	shalt  }
0x70: {  	_ =	shalt  }
0x71: {  	_ =	shalt  }
0x72: {  	_ =	shalt  }
0x73: {  	_ =	shalt  }
0x74: {  	_ =	shalt  }
0x75: {  	_ =	shalt  }
0x76: {  	_ =	shalt  }
0x77: {  	_ =	shalt  }
0x78: {  	_ =	shalt  }
0x79: {  	_ =	shalt  }
0x7a: {  	_ =	shalt  }
0x7b: {  	_ =	shalt  }
0x7c: {  	_ =	shalt  }
0x7d: {  	_ =	shalt  }
0x7e: {  	_ =	shalt  }
0x7f: {  	_ =	shalt  }
0x80: {  	_ =	shalt  }
0x81: {  	_ =	shalt  }
0x82: {  	_ =	shalt  }
0x83: {  	_ =	shalt  }
0x84: {  	_ =	shalt  }
0x85: {  	_ =	shalt  }
0x86: {  	_ =	shalt  }
0x87: {  	_ =	shalt  }
.Lfunc_end0:
.L_simem_size_0:
called_computation.2_lowered:
.L_overlay_start_0:
0x88: {  	s2 =	sld [smem:$0x3FD9]  }
0x89: {  	s3 =	sld [smem:$0x3FFE];
	_ =	sdelay $0x1  }
0x8a: {  	s1 =	srdreg.scid  }
0x8b: {  	s0 =	sand.u32 $0x1, s1  }
0x8c: {  	s17 =	sshll.u32 s0, $0xA;
	s2 =	sadd.s32 s3, s2  }
0x8d: {  	s2 =	sadd.s32 s2, s17  }
0x8e: {  	[smem:$0x3FC2] =	sst s2  }
0x8f: {  	_ = 	snop  }
0x90: {  	s2 =	sld [smem:$0x3FD0];
	(tm) =	ssettm $0x1  }
0x91: {  	s18 =	sld [smem:$0x3FFB];
	_ =	sdelay $0x3  }
0x92: {  	_ =	strace s18  }
0x93: {  	s3 =	sld [smem:$0x3FFC];
	_ =	sdelay $0x3  }
0x94: {  	_ =	strace s3  }
0x95: {  	s3 =	sld [smem:$0x3FFD];
	_ =	sdelay $0x3  }
0x96: {  	_ =	strace s3  }
0x97: {  	_ =	strace $0x8FFFFFFF  }
0x98: {  	s19 =	sld [smem:$0x3FDB];
	_ =	sdelay $0x1  }
0x99: {  	s4 =	simm.s32 $_scs_section_size  }
0x9a: {  	s5 =	simm.s32 $_size__tile_overlayer_lowered;
	s6 =	simm.s32 $_tile_overlayer_lowered  }
0x9b: {  	s22 =	simm.s32 $0x1BFF;
	s21 =	sshll.u32 s6, $0x1;
	s3 =	sadd.s32 s4, s19  }
0x9c: {  	s7 =	simm.s32 $0x0;
	s20 =	sshll.u32 s5, $0x1;
	s5 =	sadd.s32 s21, s3  }
0x9d: {  	[timem:s7], [sflag:s22] =	dma.local [hbm:s5], s20  }
0x9e: {  	_ =	swait.ge [sflag:s22], s20  }
0x9f: {  	s4 =	ssub.s32 $0x0, s20;
	[sflag:s22] =	ssyncset.done $0x0  }
0xa0: {  	[sflag:s22] =	ssyncadd.s32 s4;
	_ =	sdelay $0x1  }
0xa1: {  	s23 =	simm.s32 $0x1B8B  }
0xa2: {  	_ =	swait.ge [sflag:s23], $0x1  }
0xa3: {  	[sflag:s23] =	ssyncset.done $0x0  }
0xa4: {  	s25 =	simm.s32 $0x1B8E;
	s24 =	sld [smem:$0x3FFE];
	[sflag:s23] =	ssyncadd.s32 $0xFFFFFFFF  }
0xa5: {  	s26 =	simm.s32 $execute0_lowered;
	[smem:$0x3FD2] =	sst s25  }
0xa6: {  	s5 =	sshll.u32 s26, $0x1;
	_ =	strace $0x8000004C;
	[dreg:$0x1] =	wrdreg $0xFFFFFFFF  }
0xa7: {  	s28 =	simm.s32 $_size_execute0_lowered;
	s3 =	sadd.s32 s3, s5;
	[dreg:$0x0] =	wrdreg $0x0  }
0xa8: {  	s5 =	sshll.u32 s28, $0x1;
	[dreg:$0x2] =	wrdreg s3  }
0xa9: {  	[dreg:$0x3] =	wrdreg s5  }
0xaa: {  	[dreg:$0x4] =	wrdreg $0xC0  }
0xab: {  	_ =	task [dreg:s7], $0x5FFFF  }
0xac: {  	[dreg:$0x1] =	wrdreg $0xFFFFFFFF  }
0xad: {  	[dreg:$0x0] =	wrdreg $0x60  }
0xae: {  	[dreg:$0x2] =	wrdreg s24  }
0xaf: {  	[dreg:$0x3] =	wrdreg s2  }
0xb0: {  	[dreg:$0x4] =	wrdreg $0x19CD00  }
0xb1: {  	[dreg:$0x5] =	wrdreg $0x174D00  }
0xb2: {  	[dreg:$0x6] =	wrdreg $0x9  }
0xb3: {  	_ =	task.clear_ibuf [dreg:s7], $0x7FFFF;
	_ =	strace $0x9000004C  }
0xb4: {  	s29 =	simm.s32 $0x9;
	_ =	strace $0x8000004E  }
0xb5: {  	_ =	swait.ge [sflag:s29], $0x1  }
0xb6: {  	[sflag:s29] =	ssyncadd.s32 $0xFFFFFFFF  }
0xb7: {  	_ =	strace $0x9000004E  }
0xb8: {  	_ =	sfence  }
0xb9: {  	s30 =	sld [smem:$0x0];
	_ =	sdelay $0x2  }
0xba: {  	s31 =	sshll.u32 s1, $0xD;
	s1 =	sshrl.u32 s1, $0x2  }
0xbb: {  	s3 =	sand.u32 $0x4000, s31;
	s1 =	sadd.s32 s1, s30  }
0xbc: {  	s0 =	sor.u32 s3, s0;
	s1 =	sshll.u32 s1, $0x11  }
0xbd: {  	s0 =	sor.u32 s1, s0  }
0xbe: {  	s0 =	sadd.s32 $0x8F2B, s0  }
0xbf: {  	[sflag:s0] =	ssyncadd.remote.s32 $0x1  }
0xc0: {  	_ =	sfence.sel $0xFFFF  }
0xc1: {  	[dreg:$0x0] =	wrdreg $0xFFFFFFFF;
	(pc) =	sbr.abs _section_cstart, $3  }
0xc2: {  	[dreg:$0x1] =	wrdreg $0xFFFFFFFF  }
0xc3: {  	_ =	task.clear_ibuf [dreg:s7], $0x2FFFF;
	_ =	strace $0x9FFFFFFF  }
0xc4: {  	(tm) =	ssettm $0x7FFFFFFF  }
0xc5: {  	_ =	shalt  }
tec
execute0_lowered:
.L_overlay_start_1:
0x0: {  	(tag) =	ssettag $0x1  }
0x1: {  	s0 =	rddreg [dreg:$0x0]  }
0x2: {  	s6 =	rddreg [dreg:$0x2]  }
0x3: {  	s1 =	rddreg [dreg:$0x3];
	s5 =	stileid.u32  }
0x4: {  	s2 =	srdreg.scid;
	s4 =	simm.s32 $0x0;
	s3 =	smul.u32 $0x9C4, s5  }
0x5: {  	s28 =	simm.s32 $0xEC40;
	s29 =	simm.s32 $0xF280;
	s8 =	smul.u32 $0x140, s5  }
0x6: {  	s30 =	simm.s32 $0x0;
	s2 =	sand.u32 $0x1, s2;
	s19 =	smul.u32 $0x280, s5  }
0x7: {  	[smem:$0x7FF] =	sst s4;
	s14 =	sadd.s32 $0x3D800, s0;
	s11 =	smul.u32 $0x5000, s5  }
0x8: {  	s16 =	sadd.s32 $0x29800, s0;
	s10 =	sadd.s32 $0x15200, s0;
	s31 =	smul.u32 $0xA000, s5  }
0x9: {  	s9 =	sadd.s32 $0x51800, s0;
	s23 =	sadd.s32 $0x33800, s0;
	s7 =	smul.u32 $0x1400, s2  }
0xa: {  	v0 =	vlaneseq.u32;
	_ =	strace $0x8000004D;
	[dreg:$0x5] =	wrdreg s9;
	s2 =	ssub.s32 $0x2, s2  }
0xb: {  	v3 =	vmul.u32 $0x20, v0;
	[dreg:$0x6] =	wrdreg s23;
	s3 =	sadd.s32 s3, s0;
	s25 =	sshrl.u32 s2, $0x1  }
0xc: {  	s26 =	sshrl.u32 s19, $0x3;
	s15 =	sshrl.u32 s11, $0x3;
	s23 =	sadd.s32 s8, s7  }
0xd: {  	v5 =	vor.u32 $0x1, v3;
	[tilespmem:$0x1FF70] =	vst v3;
	s2 =	ssub.s32 s2, s25;
	s7 =	sadd.s32 $0xB400, s3;
	s8 =	sadd.s32 $0x1600, s3  }
0xe: {  	v6 =	vor.u32 $0x2, v3;
	s11 =	sadd.s32 s14, s15;
	s13 =	sadd.s32 s16, s15;
	s17 =	sadd.s32 $0x500, s15;
	[tilespmem:$0x1FF90] =	vst v5  }
0xf: {  	v7 =	vor.u32 $0x3, v3;
	s3 =	sshrl.u32 s31, $0x2;
	s25 =	simm.s32 $0xC440;
	[tilespmem:$0x1FFA0] =	vst v6;
	s24 =	sshrl.u32 s23, $0x3  }
0x10: {  	v8 =	vor.u32 $0x4, v3;
	[tilespmem:$0x1FFB0] =	vst v7;
	s12 =	sadd.s32 $0xA000, s11;
	s14 =	sadd.s32 s14, s17;
	s15 =	sadd.s32 $0xA500, s11  }
0x11: {  	v9 =	vor.u32 $0x5, v3;
	[tilespmem:$0x1FFC0] =	vst v8;
	s16 =	sadd.s32 s16, s17;
	s17 =	sadd.s32 s19, s6;
	s18 =	sadd.s32 s3, s1  }
0x12: {  	v51 =	vor.u32 $0x6, v3;
	[tilespmem:$0x1FFD0] =	vst v9;
	s19 =	sadd.s32 s19, s1;
	s20 =	sadd.s32 s23, s6;
	s22 =	smax.u32 s2, $0x1  }
0x13: {  	v36 =	vor.u32 $0x7, v3;
	[tilespmem:$0x1FFE0] =	vst v51;
	s1 =	simm.s32 $0x120C0;
	s2 =	simm.s32 $0x148C0;
	s0 =	sadd.s32 s24, s0  }
0x14: {  	[tilespmem:$0x1FFF0] =	vst v36;
	v4 =	vmov s23;
	s9 =	sadd.s32 s10, s24;
	s10 =	sadd.s32 s10, s26;
	s24 =	simm.s32 $0x1  }
0x15: {  	s26 =	simm.s32 $0xEEC0;
	[tilespmem:$0x1FF80] =	vst v4;
	s21 =	sadd.s32 $0x33A00, s0;
	s0 =	simm.s32 $0xF8C0  }
.LBB2_1:
0x16: {  	s3 =	simm.s32 $0x2800  }
0x17: {  	[tilespmem:s3], [sflag:$0x1] =	stream.linear.gather [hbm4b:s7+s4], $0x4E20, $0x38;
	[tilespmem:$0x19F50] =	vst v63  }
0x18: {  	_ =	swait.ge [sflag:s24], $0x4E20  }
0x19: {  	[sflag:s24] =	ssyncset.done $0x0  }
0x1a: {  	s5 =	simm.s32 $0x7620;
	[sflag:s24] =	ssyncadd.s32 $0xFFFFB1E0  }
0x1b: {  	[tilespmem:s5], [sflag:$0x1] =	stream.linear.gather [hbm4b:s8+s4], $0x4E20, $0x38;
	[tilespmem:$0x19F50] =	vst v63  }
0x1c: {  	_ =	swait.ge [sflag:s24], $0x4E20  }
0x1d: {  	[sflag:s24] =	ssyncset.done $0x0  }
0x1e: {  	[sflag:s24] =	ssyncadd.s32 $0xFFFFB1E0  }
0x1f: {  	s5 =	simm.s32 $0x170C0;
	s6 =	rddreg [dreg:$0x1]  }
0x20: {  	[tilespmem:s5], [sflag:$0x1] =	stream.linear.gather [hbm4b:s6+s4], $0x200, $0x38;
	[tilespmem:$0x19F50] =	vst v63  }
0x21: {  	_ =	swait.ge [sflag:s24], $0x200  }
0x22: {  	[sflag:s24] =	ssyncset.done $0x0  }
0x23: {  	s31 =	simm.s32 $0x172C0;
	s23 =	rddreg [dreg:$0x5];
	[sflag:s24] =	ssyncadd.s32 $0xFFFFFE00  }
0x24: {  	[tilespmem:s31], [sflag:$0x1] =	stream.linear.gather [hbm4b:s23+s4], $0x200, $0x38;
	[tilespmem:$0x19F50] =	vst v63  }
0x25: {  	_ =	swait.ge [sflag:s24], $0x200  }
0x26: {  	[sflag:s24] =	ssyncset.done $0x0  }
0x27: {  	s6 =	simm.s32 $0x174C0;
	s5 =	rddreg [dreg:$0x6];
	[sflag:s24] =	ssyncadd.s32 $0xFFFFFE00  }
0x28: {  	[tilespmem:s6], [sflag:$0x1] =	stream.linear.gather [hbm4b:s5+s4], $0x10, $0x38;
	[tilespmem:$0x19F50] =	vst v63  }
0x29: {  	_ =	swait.ge [sflag:s24], $0x10  }
0x2a: {  	[sflag:s24] =	ssyncset.done $0x0  }
0x2b: {  	s23 =	simm.s32 $0xF140;
	[sflag:s24] =	ssyncadd.s32 $0xFFFFFFF0  }
0x2c: {  	[tilespmem:s23], [sflag:$0x1] =	stream.linear.gather [hbm4b:s9+s4], $0x140, $0x38;
	[tilespmem:$0x19F50] =	vst v63  }
0x2d: {  	_ =	swait.ge [sflag:s24], $0x140  }
0x2e: {  	[sflag:s24] =	ssyncset.done $0x0  }
0x2f: {  	s31 =	simm.s32 $0xF3C0;
	[sflag:s24] =	ssyncadd.s32 $0xFFFFFEC0  }
0x30: {  	[tilespmem:s31], [sflag:$0x1] =	stream.linear.gather [hbm4b:s10+s4], $0x280, $0x38;
	[tilespmem:$0x19F50] =	vst v63  }
0x31: {  	_ =	swait.ge [sflag:s24], $0x280  }
0x32: {  	[sflag:s24] =	ssyncset.done $0x0  }
0x33: {  	[sflag:s24] =	ssyncadd.s32 $0xFFFFFD80  }
0x34: {  	[tilespmem:s0], [sflag:$0x1] =	stream.linear.gather [hbm4b:s11+s4], $0x2800, $0x38;
	[tilespmem:$0x19F50] =	vst v63  }
0x35: {  	_ =	swait.ge [sflag:s24], $0x2800  }
0x36: {  	[sflag:s24] =	ssyncset.done $0x0  }
0x37: {  	[sflag:s24] =	ssyncadd.s32 $0xFFFFD800  }
0x38: {  	[tilespmem:s1], [sflag:$0x1] =	stream.linear.gather [hbm4b:s12+s4], $0x2800, $0x38;
	[tilespmem:$0x19F50] =	vst v63  }
0x39: {  	_ =	swait.ge [sflag:s24], $0x2800  }
0x3a: {  	[sflag:s24] =	ssyncset.done $0x0  }
0x3b: {  	[sflag:s24] =	ssyncadd.s32 $0xFFFFD800  }
0x3c: {  	[tilespmem:s2], [sflag:$0x1] =	stream.linear.gather [hbm4b:s13+s4], $0x2800, $0x38;
	[tilespmem:$0x19F50] =	vst v63  }
0x3d: {  	_ =	swait.ge [sflag:s24], $0x2800  }
0x3e: {  	[sflag:s24] =	ssyncset.done $0x0  }
0x3f: {  	s3 =	simm.s32 $0x0;
	[sflag:s24] =	ssyncadd.s32 $0xFFFFD800  }
0x40: {  	v5 =	vld [tilespmem:s3+$0x148C0]  }
0x41: {  	v4 =	vld [tilespmem:s3+$0x148D0]  }
0x42: {  	v3 =	vld [tilespmem:s3+$0x120C0]  }
0x43: {  	v2 =	vld [tilespmem:s3+$0x120D0]  }
0x44: {  	v1 =	vld [tilespmem:s3+$0x120E0]  }
0x45: {  	v0 =	vld [tilespmem:s3+$0x120F0]  }
0x46: {  	v10 =	vld [tilespmem:s3+$0xF8C0]  }
0x47: {  	v11 =	vld [tilespmem:s3+$0xF8D0]  }
0x48: {  	s23 =	simm.s32 $0x100;
	v9 =	vld [tilespmem:s3+$0xF8E0]  }
.LBB2_2:
0x49: {  	p0 =	sne.s32 s23, $0x9F00;
	v12 =	vld [tilespmem:s3+$0xF8F0]  }
0x4a: {  	v13 =	vld [tilespmem:s3+$0x148E0]  }
0x4b: {  	s31 =	sshra.s32 s23, $0x2;
	v3 =	vadd.f32 v3, v10;
	v10 =	vld [tilespmem:s3+$0x148F0]  }
0x4c: {  	v14 =	vld [tilespmem:s31+$0x148C0];
	v2 =	vadd.f32 v2, v11  }
0x4d: {  	v11 =	vld [tilespmem:s31+$0x148D0];
	v5 =	vadd.f32 v5, v3;
	v1 =	vadd.f32 v1, v9  }
0x4e: {  	v3 =	vld [tilespmem:s31+$0x120C0];
	v4 =	vadd.f32 v4, v2;
	v0 =	vadd.f32 v0, v12  }
0x4f: {  	v2 =	vld [tilespmem:s31+$0x120D0];
	[tilespmem:s3+$0xF8C0] =	vst v5;
	v6 =	vadd.f32 v13, v1  }
.Ltmp0:
0x50: {  	v1 =	vld [tilespmem:s31+$0x120E0];
	[tilespmem:s3+$0xF8D0] =	vst v4;
	v7 =	vadd.f32 v10, v0;
	(pc) =	sbr.rel @p0 .LBB2_2-.Ltmp0, $4  }
0x51: {  	v0 =	vld [tilespmem:s31+$0x120F0];
	[tilespmem:s3+$0xF8E0] =	vst v6;
	v5 =	vmov v14  }
0x52: {  	v10 =	vld [tilespmem:s31+$0xF8C0];
	[tilespmem:s3+$0xF8F0] =	vst v7;
	v4 =	vmov v11;
	s3 =	smov.u32 s31  }
0x53: {  	v11 =	vld [tilespmem:s3+$0xF8D0]  }
0x54: {  	s23 =	sadd.s32 $0x100, s23;
	v9 =	vld [tilespmem:s3+$0xF8E0]  }
0x55: {  	v12 =	vld [tilespmem:s3+$0xF8F0]  }
0x56: {  	v13 =	vld [tilespmem:s3+$0x148E0]  }
0x57: {  	v3 =	vadd.f32 v3, v10;
	v10 =	vld [tilespmem:s3+$0x148F0]  }
0x58: {  	v2 =	vadd.f32 v2, v11  }
0x59: {  	v3 =	vadd.f32 v5, v3;
	v1 =	vadd.f32 v1, v9  }
0x5a: {  	v7 =	vld [tilespmem:$0x1FFC0];
	v2 =	vadd.f32 v4, v2;
	v0 =	vadd.f32 v0, v12  }
0x5b: {  	v8 =	vld [tilespmem:$0x1FFD0];
	[tilespmem:s3+$0xF8C0] =	vst v3;
	v1 =	vadd.f32 v13, v1  }
0x5c: {  	v54 =	vld [tilespmem:$0x1FFB0];
	[tilespmem:s3+$0xF8D0] =	vst v2;
	v0 =	vadd.f32 v10, v0  }
0x5d: {  	v14 =	vld [tilespmem:$0x1FF90];
	[tilespmem:s3+$0xF8E0] =	vst v1  }
0x5e: {  	v12 =	vld [tilespmem:$0x1FFA0];
	[tilespmem:s3+$0xF8F0] =	vst v0  }
0x5f: {  	v2 =	vld [tilespmem:$0x172A0]  }
0x60: {  	v4 =	vld [tilespmem:$0x172B0]  }
0x61: {  	v9 =	vld [tilespmem:$0x17260]  }
0x62: {  	v19 =	vld [tilespmem:$0x17240]  }
0x63: {  	v6 =	vld [tilespmem:$0x17250]  }
0x64: {  	v20 =	vld [tilespmem:$0x17220]  }
0x65: {  	v22 =	vld [tilespmem:$0x17230]  }
0x66: {  	v24 =	vld [tilespmem:$0x17200]  }
0x67: {  	v26 =	vld [tilespmem:$0x17210]  }
0x68: {  	v28 =	vld [tilespmem:$0x171E0]  }
0x69: {  	s5 =	simm.s32 $0x1F;
	v30 =	vld [tilespmem:$0x171F0]  }
0x6a: {  	v0 =	vor.u32 s5, v36;
	s5 =	simm.s32 $0x1A;
	v32 =	vld [tilespmem:$0x171C0]  }
0x6b: {  	v10 =	vor.u32 s5, v12;
	v34 =	vld [tilespmem:$0x171D0]  }
0x6c: {  	v17 =	vld [tilespmem:$0x171A0]  }
0x6d: {  	v38 =	vld [tilespmem:$0x171B0]  }
0x6e: {  	v40 =	vld [tilespmem:$0x17180]  }
0x6f: {  	s5 =	simm.s32 $0x19;
	[tilespmem:$0x1FEB0] =	vst v2;
	v2 =	vld [tilespmem:$0x17280]  }
0x70: {  	v16 =	vld.idx.msk [tilespmem:v10+s0+$0x0], $0xffff;
	v10 =	vor.u32 s5, v14  }
0x71: {  	v42 =	vld [tilespmem:$0x17190]  }
0x72: {  	v44 =	vld [tilespmem:$0x17160]  }
0x73: {  	v46 =	vld [tilespmem:$0x17170]  }
0x74: {  	s5 =	simm.s32 $0x14;
	[tilespmem:$0x1FEA0] =	vst v2;
	v2 =	vld [tilespmem:$0x17290]  }
0x75: {  	s6 =	simm.s32 $0x1C;
	v23 =	vld.idx.msk [tilespmem:v10+s0+$0x0], $0xffff;
	v10 =	vor.u32 s5, v7  }
0x76: {  	v3 =	vor.u32 s6, v7;
	s6 =	simm.s32 $0x1B;
	v49 =	vld [tilespmem:$0x17140]  }
0x77: {  	s23 =	simm.s32 $0x1E;
	v11 =	vor.u32 s6, v54;
	v58 =	vld [tilespmem:$0x17130]  }
0x78: {  	v1 =	vor.u32 s23, v51;
	v62 =	vld [tilespmem:$0x172C0]  }
0x79: {  	s5 =	simm.s32 $0x13;
	[tilespmem:$0x1FEC0] =	vst v2;
	v2 =	vld [tilespmem:$0x17270]  }
0x7a: {  	s6 =	simm.s32 $0x16;
	v29 =	vld.idx.msk [tilespmem:v10+s0+$0x0], $0xffff;
	v10 =	vor.u32 s5, v54  }
0x7b: {  	v18 =	vor.u32 s6, v51;
	v3 =	vld.idx.msk [tilespmem:v3+s0+$0x0], $0xffff  }
0x7c: {  	s23 =	simm.s32 $0x1D;
	v11 =	vld.idx.msk [tilespmem:v11+s0+$0x0], $0xffff  }
0x7d: {  	s6 =	simm.s32 $0x15;
	v5 =	vor.u32 s23, v8;
	v1 =	vld.idx.msk [tilespmem:v1+s0+$0x0], $0xffff  }
0x7e: {  	v25 =	vor.u32 s6, v8;
	s5 =	simm.s32 $0xE;
	[tilespmem:$0x1FED0] =	vst v2;
	v2 =	vld [tilespmem:$0x1FF70]  }
0x7f: {  	v35 =	vld.idx.msk [tilespmem:v10+s0+$0x0], $0xffff;
	v10 =	vor.u32 s5, v51;
	s5 =	simm.s32 $0xD  }
0x80: {  	v18 =	vld.idx.msk [tilespmem:v18+s0+$0x0], $0xffff;
	v43 =	vor.u32 s5, v8;
	s5 =	simm.s32 $0xB  }
0x81: {  	v0 =	vld.idx.msk [tilespmem:v0+s0+$0x0], $0xffff;
	v47 =	vor.u32 s5, v54;
	s5 =	simm.s32 $0x0  }
0x82: {  	s23 =	simm.s32 $0x18;
	v5 =	vld.idx.msk [tilespmem:v5+s0+$0x0], $0xffff;
	v52 =	vor.u32 s5, v51  }
0x83: {  	v25 =	vld.idx.msk [tilespmem:v25+s0+$0x0], $0xffff;
	v56 =	vor.u32 s23, v2;
	s23 =	simm.s32 $0x17  }
0x84: {  	v53 =	vor.u32 s5, v36;
	v41 =	vld.idx.msk [tilespmem:v10+s0+$0x0], $0xffff;
	v21 =	vor.u32 s23, v36;
	s23 =	simm.s32 $0x12  }
0x85: {  	s6 =	simm.s32 $0x10;
	v43 =	vld.idx.msk [tilespmem:v43+s0+$0x0], $0xffff;
	v27 =	vor.u32 s23, v12;
	s23 =	simm.s32 $0x11  }
0x86: {  	v31 =	vor.u32 s6, v2;
	v47 =	vld.idx.msk [tilespmem:v47+s0+$0x0], $0xffff;
	v33 =	vor.u32 s23, v14;
	s23 =	simm.s32 $0xC  }
0x87: {  	v52 =	vld.idx.msk [tilespmem:v52+s0+$0x0], $0xffff;
	v39 =	vor.u32 s23, v7;
	s23 =	simm.s32 $0xF3C0  }
0x88: {  	s6 =	simm.s32 $0xF;
	v10 =	vld [tilespmem:s23+$0x0]  }
0x89: {  	v37 =	vor.u32 s6, v36;
	v53 =	vld.idx.msk [tilespmem:v53+s0+$0x0], $0xffff  }
0x8a: {  	s6 =	simm.s32 $0xA;
	v13 =	vld.idx.msk [tilespmem:v56+s0+$0x0], $0xffff  }
0x8b: {  	v45 =	vor.u32 s6, v12;
	v31 =	vld.idx.msk [tilespmem:v31+s0+$0x0], $0xffff  }
0x8c: {  	s6 =	simm.s32 $0x8;
	v21 =	vld.idx.msk [tilespmem:v21+s0+$0x0], $0xffff  }
0x8d: {  	v48 =	vor.u32 s6, v2;
	v56 =	vmul.f32 v11, v10;
	v11 =	vor.u32 s5, v2;
	v2 =	vld [tilespmem:$0x1FEA0]  }
0x8e: {  	v37 =	vld.idx.msk [tilespmem:v37+s0+$0x0], $0xffff  }
0x8f: {  	v27 =	vld.idx.msk [tilespmem:v27+s0+$0x0], $0xffff  }
0x90: {  	s23 =	simm.s32 $0x9;
	v45 =	vld.idx.msk [tilespmem:v45+s0+$0x0], $0xffff;
	v3 =	vmul.f32 v3, v10  }
0x91: {  	v50 =	vor.u32 s23, v14;
	v33 =	vld.idx.msk [tilespmem:v33+s0+$0x0], $0xffff  }
0x92: {  	v48 =	vld.idx.msk [tilespmem:v48+s0+$0x0], $0xffff;
	v2 =	vadd.f32 v2, v3  }
0x93: {  	v60 =	vor.u32 s5, v12;
	v39 =	vld.idx.msk [tilespmem:v39+s0+$0x0], $0xffff  }
0x94: {  	[tilespmem:$0x1FEF0] =	vst v2;
	v2 =	vld [tilespmem:$0x1FEB0]  }
0x95: {  	v0 =	vmul.f32 v0, v10;
	v59 =	vmul.f32 v13, v10;
	v13 =	vld [tilespmem:$0x17100]  }
0x96: {  	v55 =	vor.u32 s5, v7;
	v57 =	vor.u32 s5, v8;
	v25 =	vmul.f32 v25, v10;
	v50 =	vld.idx.msk [tilespmem:v50+s0+$0x0], $0xffff  }
0x97: {  	v1 =	vmul.f32 v1, v10;
	v0 =	vadd.f32 v4, v0;
	v4 =	vmul.f32 v43, v10;
	v43 =	vld [tilespmem:$0x170C0]  }
0x98: {  	v5 =	vmul.f32 v5, v10;
	v61 =	vmul.f32 v18, v10;
	v25 =	vadd.f32 v26, v25;
	v26 =	vld.idx.msk [tilespmem:v60+s0+$0x0], $0xffff  }
0x99: {  	v16 =	vmul.f32 v16, v10;
	v23 =	vmul.f32 v23, v10;
	v1 =	vadd.f32 v2, v1;
	v2 =	vld [tilespmem:$0x1FED0]  }
0x9a: {  	v29 =	vmul.f32 v29, v10;
	v35 =	vmul.f32 v35, v10;
	v20 =	vadd.f32 v20, v61;
	v61 =	vld [tilespmem:$0x170E0]  }
0x9b: {  	v18 =	vor.u32 s5, v14;
	v31 =	vmul.f32 v31, v10;
	v41 =	vmul.f32 v41, v10;
	[tilespmem:$0x1FF00] =	vst v0;
	v0 =	vld [tilespmem:$0x17110]  }
0x9c: {  	[tilespmem:$0x1FEE0] =	vst v6;
	v63 =	vor.u32 s5, v54;
	v21 =	vmul.f32 v21, v10;
	v37 =	vmul.f32 v37, v10;
	v3 =	vld.idx.msk [tilespmem:v55+s0+$0x0], $0xffff  }
0x9d: {  	v27 =	vmul.f32 v27, v10;
	v16 =	vadd.f32 v9, v16;
	v9 =	vmul.f32 v45, v10;
	[tilespmem:$0x1FF10] =	vst v1;
	v1 =	vld [tilespmem:$0x1FEC0]  }
0x9e: {  	v45 =	vmul.f32 v47, v10;
	v33 =	vmul.f32 v33, v10;
	v56 =	vadd.f32 v2, v56;
	v2 =	vld [tilespmem:$0x1FEE0]  }
0x9f: {  	v21 =	vadd.f32 v22, v21;
	v39 =	vmul.f32 v39, v10;
	v9 =	vadd.f32 v44, v9;
	v11 =	vld.idx.msk [tilespmem:v11+s0+$0x0], $0xffff  }
0xa0: {  	v4 =	vadd.f32 v42, v4;
	v44 =	vadd.f32 v46, v45;
	v18 =	vld.idx.msk [tilespmem:v18+s0+$0x0], $0xffff;
	v26 =	vmul.f32 v26, v10  }
0xa1: {  	v46 =	vld [tilespmem:$0x172E0];
	v33 =	vadd.f32 v34, v33;
	v22 =	vmul.f32 v50, v10;
	v60 =	vadd.f32 v40, v39  }
0xa2: {  	v9 =	vmax.f32 v9, $0.0e+00;
	v26 =	vadd.f32 v61, v26;
	v55 =	vadd.f32 v1, v5;
	v5 =	vld.idx.msk [tilespmem:v57+s0+$0x0], $0xffff  }
0xa3: {  	v4 =	vmax.f32 v4, $0.0e+00;
	v1 =	vadd.f32 v19, v59;
	v59 =	vld [tilespmem:$0x170D0];
	v2 =	vadd.f32 v2, v23  }
0xa4: {  	v3 =	vmul.f32 v3, v10;
	v23 =	vadd.f32 v24, v29;
	v29 =	vadd.f32 v30, v35;
	v30 =	vld.idx.msk [tilespmem:v63+s0+$0x0], $0xffff  }
0xa5: {  	v45 =	vld [tilespmem:$0x172D0];
	v11 =	vmul.f32 v11, v10;
	v18 =	vmul.f32 v18, v10;
	v26 =	vmax.f32 v26, $0.0e+00  }
0xa6: {  	v24 =	vadd.f32 v28, v27;
	v28 =	vadd.f32 v32, v31;
	v31 =	vmul.f32 v53, v10;
	v63 =	vld [tilespmem:$0x170F0]  }
0xa7: {  	v6 =	vld [tilespmem:$0x17120];
	v3 =	vadd.f32 v13, v3;
	v11 =	vadd.f32 v43, v11;
	v5 =	vmul.f32 v5, v10  }
0xa8: {  	v26 =	vmul.f32 v46, v26;
	v47 =	vadd.f32 v58, v31;
	v18 =	vadd.f32 v59, v18;
	v31 =	vld [tilespmem:$0x172F0]  }
0xa9: {  	v11 =	vmax.f32 v11, $0.0e+00;
	v0 =	vadd.f32 v0, v5;
	v5 =	vld [tilespmem:$0x17300];
	v30 =	vmul.f32 v30, v10  }
0xaa: {  	v15 =	vld [tilespmem:$0x17150];
	v19 =	vmul.f32 v48, v10;
	v27 =	vmul.f32 v52, v10;
	v18 =	vmax.f32 v18, $0.0e+00  }
0xab: {  	v11 =	vmul.f32 v62, v11;
	v48 =	vld [tilespmem:$0x17310];
	v18 =	vmul.f32 v45, v18;
	v30 =	vadd.f32 v63, v30  }
0xac: {  	v3 =	vmax.f32 v3, $0.0e+00;
	v19 =	vadd.f32 v49, v19;
	v49 =	vld [tilespmem:$0x17320];
	v27 =	vadd.f32 v6, v27  }
0xad: {  	v50 =	vld [tilespmem:$0x17330];
	v11 =	vadd.f32 $0.0e+00, v11;
	v18 =	vadd.f32 $0.0e+00, v18;
	v30 =	vmax.f32 v30, $0.0e+00  }
0xae: {  	v3 =	vmul.f32 v5, v3;
	v5 =	vmax.f32 v27, $0.0e+00;
	v27 =	vld [tilespmem:$0x17350];
	v30 =	vmul.f32 v31, v30  }
0xaf: {  	v22 =	vadd.f32 v15, v22;
	v11 =	vadd.f32 v26, v11;
	v0 =	vmax.f32 v0, $0.0e+00;
	v31 =	vld [tilespmem:$0x17340]  }
0xb0: {  	v57 =	vadd.f32 v17, v41;
	v26 =	vld [tilespmem:$0x17360];
	v0 =	vmul.f32 v48, v0;
	v18 =	vadd.f32 v30, v18  }
0xb1: {  	v13 =	vmax.f32 v47, $0.0e+00;
	v5 =	vmul.f32 v49, v5;
	v3 =	vadd.f32 v3, v11;
	v30 =	vld [tilespmem:$0x17370]  }
0xb2: {  	v17 =	vadd.f32 v38, v37;
	v52 =	vld [tilespmem:$0x17380];
	v11 =	vmul.f32 v50, v13;
	v0 =	vadd.f32 v0, v18  }
0xb3: {  	v19 =	vmax.f32 v19, $0.0e+00;
	v3 =	vadd.f32 v5, v3;
	v18 =	vmax.f32 v22, $0.0e+00;
	v22 =	vld [tilespmem:$0x17390]  }
0xb4: {  	v19 =	vmul.f32 v31, v19;
	v5 =	vmul.f32 v27, v18;
	v0 =	vadd.f32 v11, v0;
	v11 =	vld [tilespmem:$0x173A0]  }
0xb5: {  	v9 =	vmul.f32 v26, v9;
	v26 =	vmax.f32 v60, $0.0e+00;
	v18 =	vmax.f32 v44, $0.0e+00;
	v27 =	vld [tilespmem:$0x173B0]  }
0xb6: {  	v3 =	vadd.f32 v19, v3;
	v0 =	vadd.f32 v5, v0;
	v5 =	vmul.f32 v30, v18;
	v18 =	vld [tilespmem:$0x173C0]  }
0xb7: {  	v1 =	vmax.f32 v1, $0.0e+00;
	v13 =	vmul.f32 v52, v26;
	v26 =	vld [tilespmem:$0x173D0];
	v19 =	vmax.f32 v57, $0.0e+00  }
0xb8: {  	v3 =	vadd.f32 v9, v3;
	v4 =	vmul.f32 v22, v4;
	v0 =	vadd.f32 v5, v0;
	v5 =	vld [tilespmem:$0x173E0]  }
0xb9: {  	v9 =	vmax.f32 v17, $0.0e+00;
	v22 =	vld [tilespmem:$0x173F0];
	v11 =	vmul.f32 v11, v19;
	v19 =	vmax.f32 v28, $0.0e+00  }
0xba: {  	v3 =	vadd.f32 v13, v3;
	v0 =	vadd.f32 v4, v0;
	v4 =	vmul.f32 v27, v9;
	v9 =	vld [tilespmem:$0x17400]  }
0xbb: {  	v53 =	vmax.f32 v33, $0.0e+00;
	v18 =	vmul.f32 v18, v19;
	v19 =	vmax.f32 v24, $0.0e+00;
	v24 =	vld [tilespmem:$0x17410]  }
0xbc: {  	v3 =	vadd.f32 v11, v3;
	v11 =	vld [tilespmem:$0x17420];
	v0 =	vadd.f32 v4, v0;
	v4 =	vmul.f32 v26, v53  }
0xbd: {  	v57 =	vmax.f32 v29, $0.0e+00;
	v5 =	vmul.f32 v5, v19;
	v19 =	vmax.f32 v23, $0.0e+00;
	v23 =	vld [tilespmem:$0x17430]  }
0xbe: {  	v58 =	vld [tilespmem:$0x17440];
	v3 =	vadd.f32 v18, v3;
	v0 =	vadd.f32 v4, v0;
	v4 =	vmul.f32 v22, v57  }
0xbf: {  	v18 =	vmax.f32 v25, $0.0e+00;
	v9 =	vmul.f32 v9, v19;
	v19 =	vmax.f32 v20, $0.0e+00;
	v20 =	vld [tilespmem:$0x17450]  }
0xc0: {  	v3 =	vadd.f32 v5, v3;
	v0 =	vadd.f32 v4, v0;
	v4 =	vmul.f32 v24, v18  }
0xc1: {  	v59 =	vmax.f32 v16, $0.0e+00;
	v18 =	vmax.f32 v21, $0.0e+00;
	v11 =	vmul.f32 v11, v19;
	v19 =	vld [tilespmem:$0x17470]  }
0xc2: {  	v16 =	vld [tilespmem:$0x17490];
	v3 =	vadd.f32 v9, v3;
	v0 =	vadd.f32 v4, v0;
	v4 =	vmul.f32 v23, v18  }
0xc3: {  	v6 =	vld [tilespmem:$0x1FF00];
	v1 =	vmul.f32 v58, v1;
	v17 =	vmax.f32 v2, $0.0e+00  }
0xc4: {  	v2 =	vld [tilespmem:$0x1FEF0];
	v3 =	vadd.f32 v11, v3;
	v0 =	vadd.f32 v4, v0;
	v4 =	vmul.f32 v20, v17  }
0xc5: {  	v15 =	vmax.f32 v56, $0.0e+00;
	v5 =	vld [tilespmem:$0x17460]  }
0xc6: {  	v9 =	vld [tilespmem:$0x17480];
	v1 =	vadd.f32 v1, v3;
	v3 =	vmul.f32 v19, v15;
	v0 =	vadd.f32 v4, v0  }
0xc7: {  	v11 =	vld [tilespmem:$0x174B0];
	v4 =	vmax.f32 v55, $0.0e+00  }
0xc8: {  	v0 =	vadd.f32 v3, v0;
	v3 =	vmul.f32 v16, v4;
	v4 =	vld [tilespmem:$0x1FF10]  }
0xc9: {  	v60 =	vld [tilespmem:$0x174A0]  }
0xca: {  	v5 =	vmul.f32 v5, v59  }
0xcb: {  	v2 =	vmax.f32 v2, $0.0e+00  }
0xcc: {  	v2 =	vmul.f32 v9, v2;
	v9 =	vmax.f32 v6, $0.0e+00;
	v1 =	vadd.f32 v5, v1  }
0xcd: {  	v5 =	vmul.f32 v11, v9;
	v4 =	vmax.f32 v4, $0.0e+00  }
0xce: {  	v1 =	vadd.f32 v2, v1;
	v0 =	vadd.f32 v3, v0;
	v2 =	vmul.f32 v60, v4;
	_ =	sdelay $0x1  }
0xcf: {  	v0 =	vadd.f32 v5, v0;
	v1 =	vadd.f32 v2, v1;
	_ =	sdelay $0x1  }
0xd0: {  	v0 =	vadd.f32 v0, v1  }
0xd1: {  	s6 =	simm.s32 $0x21E  }
0xd2: {  	v1 =	vor.u32 s6, v51;
	v0 =	vmul.f32 v0, v10  }
0xd3: {  	s31 =	simm.s32 $0xF640  }
0xd4: {  	v15 =	vld [tilespmem:$0x1FF70];
	[tilespmem:s31+$0x0] =	vst v0  }
0xd5: {  	v2 =	vld [tilespmem:$0x172A0]  }
0xd6: {  	v3 =	vld [tilespmem:$0x17280]  }
0xd7: {  	v61 =	vld.idx.msk [tilespmem:v1+s0+$0x0], $0xffff  }
0xd8: {  	v1 =	vld [tilespmem:$0x17290]  }
0xd9: {  	v16 =	vld [tilespmem:$0x17260]  }
0xda: {  	v18 =	vld [tilespmem:$0x17240]  }
0xdb: {  	v17 =	vld [tilespmem:$0x17250]  }
0xdc: {  	v20 =	vld [tilespmem:$0x17220]  }
0xdd: {  	v19 =	vld [tilespmem:$0x17230]  }
0xde: {  	v22 =	vld [tilespmem:$0x17200]  }
0xdf: {  	v24 =	vld [tilespmem:$0x171E0]  }
0xe0: {  	v26 =	vld [tilespmem:$0x171C0]  }
0xe1: {  	s23 =	simm.s32 $0x21F;
	v28 =	vld [tilespmem:$0x171A0]  }
0xe2: {  	v0 =	vor.u32 s23, v36;
	s23 =	simm.s32 $0x21A;
	v32 =	vld [tilespmem:$0x17160]  }
0xe3: {  	v4 =	vor.u32 s23, v12;
	s23 =	simm.s32 $0x219;
	v33 =	vld [tilespmem:$0x17140]  }
0xe4: {  	v34 =	vld [tilespmem:$0x17150];
	v10 =	vor.u32 s23, v14  }
0xe5: {  	v37 =	vld [tilespmem:$0x17130]  }
0xe6: {  	s6 =	simm.s32 $0x21D;
	v39 =	vld [tilespmem:$0x17110]  }
0xe7: {  	v0 =	vld.idx.msk [tilespmem:v0+s0+$0x0], $0xffff;
	[tilespmem:$0x1FF30] =	vst v3;
	v3 =	vor.u32 s6, v8;
	s6 =	simm.s32 $0x218  }
0xe8: {  	s23 =	simm.s32 $0x214;
	[tilespmem:$0x1FF40] =	vst v1;
	v1 =	vld [tilespmem:$0x17270];
	v9 =	vor.u32 s6, v15  }
0xe9: {  	s6 =	simm.s32 $0x217;
	v35 =	vld.idx.msk [tilespmem:v10+s0+$0x0], $0xffff;
	v10 =	vor.u32 s23, v7  }
0xea: {  	[tilespmem:$0x1FF20] =	vst v2;
	v2 =	vld [tilespmem:$0x172B0];
	v23 =	vor.u32 s6, v36  }
0xeb: {  	v4 =	vld.idx.msk [tilespmem:v4+s0+$0x0], $0xffff;
	s6 =	simm.s32 $0x212  }
0xec: {  	v27 =	vor.u32 s6, v12;
	v63 =	vld.idx.msk [tilespmem:v3+s0+$0x0], $0xffff  }
0xed: {  	s6 =	simm.s32 $0x211;
	v9 =	vld.idx.msk [tilespmem:v9+s0+$0x0], $0xffff  }
0xee: {  	v30 =	vor.u32 s6, v14;
	[tilespmem:$0x1FF50] =	vst v1;
	v1 =	vld.idx.msk [tilespmem:v10+s0+$0x0], $0xffff  }
0xef: {  	s5 =	simm.s32 $0x21C;
	v53 =	vld.idx.msk [tilespmem:v23+s0+$0x0], $0xffff  }
0xf0: {  	s6 =	simm.s32 $0x20C;
	[tilespmem:$0x1FF60] =	vst v2;
	v2 =	vor.u32 s5, v7;
	v23 =	vld [tilespmem:$0x171F0]  }
0xf1: {  	s5 =	simm.s32 $0x21B;
	v46 =	vor.u32 s6, v7;
	v55 =	vld.idx.msk [tilespmem:v27+s0+$0x0], $0xffff  }
0xf2: {  	s23 =	simm.s32 $0x213;
	v5 =	vor.u32 s5, v54;
	v27 =	vld [tilespmem:$0x171B0]  }
0xf3: {  	s6 =	simm.s32 $0x20B;
	v10 =	vor.u32 s23, v54;
	v6 =	vld.idx.msk [tilespmem:v30+s0+$0x0], $0xffff  }
0xf4: {  	s5 =	simm.s32 $0x216;
	v50 =	vor.u32 s6, v54;
	v30 =	vld [tilespmem:$0x17180]  }
0xf5: {  	v21 =	vor.u32 s5, v51;
	v62 =	vld.idx.msk [tilespmem:v2+s0+$0x0], $0xffff  }
0xf6: {  	s5 =	simm.s32 $0x215;
	v40 =	vld.idx.msk [tilespmem:v46+s0+$0x0], $0xffff  }
0xf7: {  	s23 =	simm.s32 $0x20E;
	v25 =	vor.u32 s5, v8;
	v5 =	vld.idx.msk [tilespmem:v5+s0+$0x0], $0xffff  }
0xf8: {  	v56 =	vld.idx.msk [tilespmem:v10+s0+$0x0], $0xffff;
	v10 =	vor.u32 s23, v51  }
0xf9: {  	v43 =	vld.idx.msk [tilespmem:v50+s0+$0x0], $0xffff  }
0xfa: {  	v38 =	vld.idx.msk [tilespmem:v21+s0+$0x0], $0xffff  }
0xfb: {  	s5 =	simm.s32 $0x210;
	v21 =	vld [tilespmem:$0x17210]  }
0xfc: {  	v29 =	vor.u32 s5, v15;
	s5 =	simm.s32 $0x20F;
	s23 =	simm.s32 $0x20D;
	v11 =	vld.idx.msk [tilespmem:v25+s0+$0x0], $0xffff  }
0xfd: {  	v31 =	vor.u32 s5, v36;
	s5 =	simm.s32 $0x20A;
	v47 =	vor.u32 s23, v8;
	s23 =	simm.s32 $0xF3D0;
	v57 =	vld.idx.msk [tilespmem:v10+s0+$0x0], $0xffff  }
0xfe: {  	v48 =	vor.u32 s5, v12;
	s5 =	simm.s32 $0x208;
	v10 =	vld [tilespmem:s23+$0x0]  }
0xff: {  	v52 =	vor.u32 s5, v15;
	s5 =	simm.s32 $0x200;
	v25 =	vld [tilespmem:$0x171D0]  }
0x100: {  	v58 =	vor.u32 s5, v36;
	v36 =	vld [tilespmem:$0x17120]  }
0x101: {  	v3 =	vld.idx.msk [tilespmem:v29+s0+$0x0], $0xffff  }
0x102: {  	v29 =	vld [tilespmem:$0x17190]  }
0x103: {  	s6 =	simm.s32 $0x209;
	v42 =	vld.idx.msk [tilespmem:v48+s0+$0x0], $0xffff;
	v48 =	vmul.f32 v61, v10  }
0x104: {  	v46 =	vor.u32 s6, v14;
	v49 =	vld.idx.msk [tilespmem:v31+s0+$0x0], $0xffff;
	v13 =	vmul.f32 v0, v10;
	v59 =	vmul.f32 v62, v10  }
0x105: {  	v2 =	vor.u32 s5, v51;
	v31 =	vld [tilespmem:$0x17170];
	v50 =	vmul.f32 v63, v10;
	v61 =	vmul.f32 v4, v10  }
0x106: {  	v41 =	vld.idx.msk [tilespmem:v47+s0+$0x0], $0xffff;
	v51 =	vmul.f32 v5, v10;
	v0 =	vmul.f32 v55, v10  }
0x107: {  	v60 =	vor.u32 s5, v7;
	v55 =	vmul.f32 v56, v10;
	v56 =	vmul.f32 v6, v10;
	v6 =	vld [tilespmem:$0x1FF60]  }
0x108: {  	v45 =	vor.u32 s5, v12;
	v44 =	vld.idx.msk [tilespmem:v52+s0+$0x0], $0xffff;
	v63 =	vmul.f32 v9, v10;
	v52 =	vmul.f32 v35, v10  }
0x109: {  	v47 =	vld.idx.msk [tilespmem:v46+s0+$0x0], $0xffff;
	v46 =	vor.u32 s5, v54;
	v9 =	vmul.f32 v38, v10;
	v53 =	vmul.f32 v53, v10  }
0x10a: {  	v2 =	vld.idx.msk [tilespmem:v2+s0+$0x0], $0xffff;
	v62 =	vor.u32 s5, v8;
	v1 =	vmul.f32 v1, v10;
	v54 =	vmul.f32 v11, v10  }
0x10b: {  	v35 =	vld [tilespmem:$0x172C0];
	v4 =	vor.u32 s5, v15;
	v5 =	vor.u32 s5, v14;
	v3 =	vmul.f32 v3, v10  }
0x10c: {  	s3 =	simm.s32 $0x41F;
	v38 =	vld [tilespmem:$0x17100];
	v57 =	vmul.f32 v57, v10;
	v49 =	vmul.f32 v49, v10;
	v6 =	vadd.f32 v6, v13  }
.LBB2_4:
0x10d: {  	v7 =	vld [tilespmem:$0x1FF30];
	_ =	sdelay $0x4  }
0x10e: {  	v14 =	vadd.f32 v7, v59;
	v7 =	vld [tilespmem:$0x1FF20];
	_ =	sdelay $0x3  }
0x10f: {  	v58 =	vld.idx.msk [tilespmem:v58+s0+$0x0], $0xffff  }
0x110: {  	v12 =	vadd.f32 v7, v48;
	v7 =	vld [tilespmem:$0x1FF40]  }
0x111: {  	v60 =	vld.idx.msk [tilespmem:v60+s0+$0x0], $0xffff  }
0x112: {  	v62 =	vld.idx.msk [tilespmem:v62+s0+$0x0], $0xffff  }
0x113: {  	v41 =	vmul.f32 v41, v10;
	v4 =	vld.idx.msk [tilespmem:v4+s0+$0x0], $0xffff;
	v16 =	vadd.f32 v16, v61;
	v18 =	vadd.f32 v18, v63  }
0x114: {  	v40 =	vmul.f32 v40, v10;
	v20 =	vadd.f32 v20, v9;
	v22 =	vadd.f32 v22, v1;
	v1 =	vld.idx.msk [tilespmem:v5+s0+$0x0], $0xffff  }
0x115: {  	v42 =	vmul.f32 v42, v10;
	v17 =	vadd.f32 v17, v52;
	v13 =	vadd.f32 v7, v50;
	v7 =	vld [tilespmem:$0x1FF50]  }
0x116: {  	v43 =	vmul.f32 v43, v10;
	v19 =	vadd.f32 v19, v53;
	v24 =	vadd.f32 v24, v0;
	v0 =	vld.idx.msk [tilespmem:v45+s0+$0x0], $0xffff  }
0x117: {  	v9 =	vmul.f32 v44, v10;
	v21 =	vadd.f32 v21, v54;
	v3 =	vadd.f32 v26, v3;
	v26 =	vld.idx.msk [tilespmem:v46+s0+$0x0], $0xffff  }
0x118: {  	v5 =	vmul.f32 v47, v10;
	v23 =	vadd.f32 v23, v55;
	v28 =	vadd.f32 v28, v57;
	v57 =	vld [tilespmem:$0x170D0]  }
0x119: {  	v2 =	vmul.f32 v2, v10;
	v25 =	vadd.f32 v25, v56;
	v27 =	vadd.f32 v27, v49;
	v61 =	vld [tilespmem:$0x170F0]  }
0x11a: {  	v29 =	vadd.f32 v29, v41;
	v55 =	vmul.f32 v58, v10;
	v15 =	vadd.f32 v7, v51;
	v51 =	vld [tilespmem:$0x170C0]  }
0x11b: {  	v58 =	vmul.f32 v60, v10;
	v59 =	vld [tilespmem:$0x170E0];
	v60 =	vmul.f32 v62, v10;
	v30 =	vadd.f32 v30, v40  }
0x11c: {  	v62 =	vld [tilespmem:$0x172D0];
	v32 =	vadd.f32 v32, v42;
	v9 =	vadd.f32 v33, v9;
	v1 =	vmul.f32 v1, v10  }
0x11d: {  	v4 =	vmul.f32 v4, v10;
	v31 =	vadd.f32 v31, v43;
	v2 =	vadd.f32 v36, v2  }
0x11e: {  	v49 =	vld [tilespmem:$0x172F0];
	v5 =	vadd.f32 v34, v5;
	v26 =	vmul.f32 v26, v10;
	v1 =	vadd.f32 v57, v1  }
0x11f: {  	v63 =	vld [tilespmem:$0x172E0];
	v37 =	vadd.f32 v37, v55;
	v0 =	vmul.f32 v0, v10;
	v4 =	vadd.f32 v51, v4  }
0x120: {  	v39 =	vadd.f32 v39, v60;
	v26 =	vadd.f32 v61, v26;
	v1 =	vmax.f32 v1, $0.0e+00;
	v50 =	vld [tilespmem:$0x17300]  }
0x121: {  	v0 =	vadd.f32 v59, v0;
	v1 =	vmul.f32 v62, v1;
	v51 =	vld [tilespmem:$0x17310];
	v4 =	vmax.f32 v4, $0.0e+00  }
0x122: {  	v52 =	vld [tilespmem:$0x17320];
	v48 =	vadd.f32 v38, v58;
	v26 =	vmax.f32 v26, $0.0e+00;
	v4 =	vmul.f32 v35, v4  }
0x123: {  	v54 =	vld [tilespmem:$0x17330];
	v0 =	vmax.f32 v0, $0.0e+00;
	v26 =	vmul.f32 v49, v26;
	v1 =	vadd.f32 $0.0e+00, v1  }
0x124: {  	v55 =	vld [tilespmem:$0x17340];
	v2 =	vmax.f32 v2, $0.0e+00;
	v0 =	vmul.f32 v63, v0;
	v4 =	vadd.f32 $0.0e+00, v4  }
0x125: {  	v56 =	vmax.f32 v39, $0.0e+00;
	v57 =	vld [tilespmem:$0x17350];
	v53 =	vmax.f32 v48, $0.0e+00;
	v1 =	vadd.f32 v26, v1  }
0x126: {  	v26 =	vld [tilespmem:$0x17360];
	v34 =	vmul.f32 v50, v53;
	v0 =	vadd.f32 v0, v4;
	v4 =	vmul.f32 v51, v56  }
0x127: {  	v9 =	vmax.f32 v9, $0.0e+00;
	v37 =	vmax.f32 v37, $0.0e+00;
	v2 =	vmul.f32 v52, v2;
	v58 =	vld [tilespmem:$0x17370]  }
0x128: {  	v59 =	vld [tilespmem:$0x17380];
	v0 =	vadd.f32 v34, v0;
	v1 =	vadd.f32 v4, v1;
	v4 =	vmul.f32 v54, v37  }
0x129: {  	v60 =	vld [tilespmem:$0x17390];
	v5 =	vmax.f32 v5, $0.0e+00;
	v32 =	vmax.f32 v32, $0.0e+00;
	v9 =	vmul.f32 v55, v9  }
0x12a: {  	v0 =	vadd.f32 v2, v0;
	v1 =	vadd.f32 v4, v1;
	v2 =	vmul.f32 v57, v5;
	v4 =	vld [tilespmem:$0x173A0]  }
0x12b: {  	v30 =	vmax.f32 v30, $0.0e+00;
	v26 =	vmul.f32 v26, v32;
	v5 =	vmax.f32 v31, $0.0e+00;
	v31 =	vld [tilespmem:$0x173B0]  }
0x12c: {  	v0 =	vadd.f32 v9, v0;
	v1 =	vadd.f32 v2, v1;
	v2 =	vmul.f32 v58, v5;
	v5 =	vld [tilespmem:$0x173C0]  }
0x12d: {  	v28 =	vmax.f32 v28, $0.0e+00;
	v9 =	vmax.f32 v29, $0.0e+00;
	v29 =	vmul.f32 v59, v30;
	v30 =	vld [tilespmem:$0x173D0]  }
0x12e: {  	v0 =	vadd.f32 v26, v0;
	v1 =	vadd.f32 v2, v1;
	v2 =	vmul.f32 v60, v9;
	v9 =	vld [tilespmem:$0x173E0]  }
0x12f: {  	v3 =	vmax.f32 v3, $0.0e+00;
	v26 =	vmax.f32 v27, $0.0e+00;
	v27 =	vld [tilespmem:$0x173F0];
	v4 =	vmul.f32 v4, v28  }
0x130: {  	v0 =	vadd.f32 v29, v0;
	v1 =	vadd.f32 v2, v1;
	v2 =	vmul.f32 v31, v26;
	v26 =	vld [tilespmem:$0x17400]  }
0x131: {  	v25 =	vmax.f32 v25, $0.0e+00;
	v3 =	vmul.f32 v5, v3;
	v5 =	vmax.f32 v24, $0.0e+00;
	v24 =	vld [tilespmem:$0x17410]  }
0x132: {  	v0 =	vadd.f32 v4, v0;
	v1 =	vadd.f32 v2, v1;
	v2 =	vmul.f32 v30, v25;
	v4 =	vld [tilespmem:$0x17420]  }
0x133: {  	v23 =	vmax.f32 v23, $0.0e+00;
	v5 =	vmul.f32 v9, v5;
	v9 =	vmax.f32 v22, $0.0e+00;
	v22 =	vld [tilespmem:$0x17430]  }
0x134: {  	v0 =	vadd.f32 v3, v0;
	v1 =	vadd.f32 v2, v1;
	v2 =	vmul.f32 v27, v23;
	v3 =	vld [tilespmem:$0x17440]  }
0x135: {  	v21 =	vmax.f32 v21, $0.0e+00;
	v20 =	vmax.f32 v20, $0.0e+00;
	v23 =	vld [tilespmem:$0x17450];
	v9 =	vmul.f32 v26, v9  }
0x136: {  	v0 =	vadd.f32 v5, v0;
	v1 =	vadd.f32 v2, v1;
	v2 =	vmul.f32 v24, v21;
	v5 =	vld [tilespmem:$0x17460]  }
0x137: {  	v19 =	vmax.f32 v19, $0.0e+00;
	v18 =	vmax.f32 v18, $0.0e+00;
	v4 =	vmul.f32 v4, v20;
	v20 =	vld [tilespmem:$0x17470]  }
0x138: {  	v0 =	vadd.f32 v9, v0;
	v1 =	vadd.f32 v2, v1;
	v2 =	vmul.f32 v22, v19;
	v9 =	vld [tilespmem:$0x17480]  }
0x139: {  	v17 =	vmax.f32 v17, $0.0e+00;
	v16 =	vmax.f32 v16, $0.0e+00;
	v3 =	vmul.f32 v3, v18;
	v18 =	vld [tilespmem:$0x17490]  }
0x13a: {  	v0 =	vadd.f32 v4, v0;
	v1 =	vadd.f32 v2, v1;
	v2 =	vmul.f32 v23, v17;
	v4 =	vld [tilespmem:$0x174B0]  }
0x13b: {  	v14 =	vmax.f32 v14, $0.0e+00;
	v15 =	vmax.f32 v15, $0.0e+00;
	v5 =	vmul.f32 v5, v16;
	v16 =	vld [tilespmem:$0x174A0]  }
0x13c: {  	v0 =	vadd.f32 v3, v0;
	v1 =	vadd.f32 v2, v1;
	v2 =	vmul.f32 v20, v15  }
0x13d: {  	v11 =	vmax.f32 v6, $0.0e+00;
	v3 =	vmax.f32 v13, $0.0e+00;
	v9 =	vmul.f32 v9, v14  }
0x13e: {  	v0 =	vadd.f32 v5, v0;
	v1 =	vadd.f32 v2, v1;
	v2 =	vmul.f32 v18, v3  }
0x13f: {  	v3 =	vmax.f32 v12, $0.0e+00;
	v4 =	vmul.f32 v4, v11  }
0x140: {  	v0 =	vadd.f32 v9, v0;
	v1 =	vadd.f32 v2, v1;
	v2 =	vmul.f32 v16, v3  }
0x141: {  	v11 =	vld [tilespmem:$0x1FFE0]  }
0x142: {  	v47 =	vld [tilespmem:$0x1FFD0];
	v0 =	vadd.f32 v2, v0;
	v1 =	vadd.f32 v4, v1  }
0x143: {  	v61 =	vld [tilespmem:$0x1FFF0]  }
0x144: {  	v62 =	vld [tilespmem:$0x1FFC0];
	v0 =	vadd.f32 v1, v0  }
0x145: {  	s5 =	sadd.s32 $0xFFFFFFFF, s3;
	v53 =	vld [tilespmem:$0x1FFA0]  }
0x146: {  	v13 =	vld [tilespmem:$0x1FFB0];
	v1 =	vor.u32 s5, v11;
	v0 =	vmul.f32 v0, v10  }
0x147: {  	s31 =	sadd.s32 $0x10, s31;
	v15 =	vld [tilespmem:$0x1FF90]  }
0x148: {  	v14 =	vld [tilespmem:$0x1FF70];
	[tilespmem:s31+$0x0] =	vst v0  }
0x149: {  	v2 =	vld [tilespmem:$0x172A0]  }
0x14a: {  	v3 =	vld [tilespmem:$0x17280]  }
0x14b: {  	v63 =	vld.idx.msk [tilespmem:v1+s0+$0x0], $0xffff  }
0x14c: {  	v16 =	vld [tilespmem:$0x17260]  }
0x14d: {  	v5 =	vld [tilespmem:$0x17270]  }
0x14e: {  	v18 =	vld [tilespmem:$0x17240]  }
0x14f: {  	v17 =	vld [tilespmem:$0x17250]  }
0x150: {  	v20 =	vld [tilespmem:$0x17220]  }
0x151: {  	v19 =	vld [tilespmem:$0x17230]  }
0x152: {  	[tilespmem:$0x1FF20] =	vst v2;
	v2 =	vld [tilespmem:$0x172B0]  }
0x153: {  	v22 =	vld [tilespmem:$0x17200]  }
0x154: {  	[tilespmem:$0x1FF30] =	vst v3;
	v3 =	vld [tilespmem:$0x17290]  }
0x155: {  	v21 =	vld [tilespmem:$0x17210]  }
0x156: {  	s6 =	sadd.s32 $0xFFFFFFFD, s3;
	v24 =	vld [tilespmem:$0x171E0]  }
0x157: {  	v26 =	vld [tilespmem:$0x171C0];
	[tilespmem:$0x1FE90] =	vst v2;
	v2 =	vor.u32 s6, v62;
	s6 =	sadd.s32 $0xFFFFFFFE, s3  }
0x158: {  	v30 =	vld [tilespmem:$0x17180];
	v1 =	vor.u32 s6, v47;
	s6 =	sadd.s32 $0xFFFFFFFB, s3  }
0x159: {  	v32 =	vld [tilespmem:$0x17160];
	[tilespmem:$0x1FF40] =	vst v3;
	v3 =	vor.u32 s6, v53;
	s6 =	sadd.s32 $0xFFFFFFFC, s3  }
0x15a: {  	v0 =	vor.u32 s3, v61;
	v33 =	vld [tilespmem:$0x17140];
	v4 =	vor.u32 s6, v13;
	s6 =	sadd.s32 $0xFFFFFFF9, s3  }
0x15b: {  	v34 =	vld [tilespmem:$0x17150];
	[tilespmem:$0x1FF50] =	vst v5;
	v5 =	vor.u32 s6, v14;
	s6 =	sadd.s32 $0xFFFFFFFA, s3  }
0x15c: {  	v36 =	vld [tilespmem:$0x17120];
	v9 =	vor.u32 s6, v15;
	s6 =	sadd.s32 $0xFFFFFFF7, s3  }
0x15d: {  	v37 =	vld [tilespmem:$0x17130];
	v10 =	vor.u32 s6, v11  }
0x15e: {  	v35 =	vld [tilespmem:$0x172C0]  }
0x15f: {  	v0 =	vld.idx.msk [tilespmem:v0+s0+$0x0], $0xffff;
	s6 =	sadd.s32 $0xFFFFFFF8, s3  }
0x160: {  	v2 =	vld.idx.msk [tilespmem:v2+s0+$0x0], $0xffff;
	v23 =	vor.u32 s6, v61;
	s6 =	sadd.s32 $0xFFFFFFF5, s3  }
0x161: {  	v1 =	vld.idx.msk [tilespmem:v1+s0+$0x0], $0xffff;
	v25 =	vor.u32 s6, v62;
	s6 =	sadd.s32 $0xFFFFFFF6, s3  }
0x162: {  	v38 =	vld.idx.msk [tilespmem:v10+s0+$0x0], $0xffff;
	v10 =	vor.u32 s6, v47  }
0x163: {  	v3 =	vld.idx.msk [tilespmem:v3+s0+$0x0], $0xffff  }
0x164: {  	v4 =	vld.idx.msk [tilespmem:v4+s0+$0x0], $0xffff;
	s6 =	sadd.s32 $0xFFFFFFF3, s3  }
0x165: {  	v5 =	vld.idx.msk [tilespmem:v5+s0+$0x0], $0xffff;
	v27 =	vor.u32 s6, v53;
	s6 =	sadd.s32 $0xFFFFFFF4, s3  }
0x166: {  	v9 =	vld.idx.msk [tilespmem:v9+s0+$0x0], $0xffff;
	v28 =	vor.u32 s6, v13;
	s6 =	sadd.s32 $0xFFFFFFF1, s3  }
0x167: {  	v54 =	vld.idx.msk [tilespmem:v10+s0+$0x0], $0xffff;
	v10 =	vor.u32 s6, v14  }
0x168: {  	v39 =	vld.idx.msk [tilespmem:v23+s0+$0x0], $0xffff  }
0x169: {  	v23 =	vld [tilespmem:$0x171F0];
	s6 =	sadd.s32 $0xFFFFFFF2, s3  }
0x16a: {  	v49 =	vld.idx.msk [tilespmem:v25+s0+$0x0], $0xffff;
	v29 =	vor.u32 s6, v15;
	s6 =	sadd.s32 $0xFFFFFFEF, s3  }
0x16b: {  	v25 =	vld [tilespmem:$0x171D0];
	v31 =	vor.u32 s6, v11;
	s6 =	sadd.s32 $0xFFFFFFF0, s3  }
0x16c: {  	v57 =	vld.idx.msk [tilespmem:v10+s0+$0x0], $0xffff;
	v10 =	vor.u32 s6, v61  }
0x16d: {  	v55 =	vld.idx.msk [tilespmem:v27+s0+$0x0], $0xffff  }
0x16e: {  	v27 =	vld [tilespmem:$0x171B0]  }
0x16f: {  	v56 =	vld.idx.msk [tilespmem:v28+s0+$0x0], $0xffff;
	s6 =	sadd.s32 $0xFFFFFFED, s3  }
0x170: {  	v28 =	vld [tilespmem:$0x171A0];
	v44 =	vor.u32 s6, v62;
	s6 =	sadd.s32 $0xFFFFFFEE, s3  }
0x171: {  	s23 =	sadd.s32 $0x10, s23;
	v46 =	vor.u32 s6, v47;
	s6 =	sadd.s32 $0xFFFFFFEB, s3;
	v8 =	vld.idx.msk [tilespmem:v10+s0+$0x0], $0xffff  }
0x172: {  	v48 =	vor.u32 s6, v53;
	v10 =	vld [tilespmem:s23+$0x0]  }
0x173: {  	v6 =	vld.idx.msk [tilespmem:v29+s0+$0x0], $0xffff  }
0x174: {  	v29 =	vld [tilespmem:$0x17190];
	s6 =	sadd.s32 $0xFFFFFFEC, s3  }
0x175: {  	v7 =	vld.idx.msk [tilespmem:v31+s0+$0x0], $0xffff;
	v51 =	vor.u32 s6, v13  }
0x176: {  	v31 =	vld [tilespmem:$0x17170];
	s6 =	sadd.s32 $0xFFFFFFE9, s3  }
0x177: {  	v52 =	vor.u32 s6, v14;
	s6 =	sadd.s32 $0xFFFFFFE1, s3;
	v42 =	vld.idx.msk [tilespmem:v48+s0+$0x0], $0xffff;
	v48 =	vmul.f32 v63, v10  }
0x178: {  	v40 =	vld.idx.msk [tilespmem:v44+s0+$0x0], $0xffff;
	v12 =	vor.u32 s6, v11;
	v11 =	vmul.f32 v0, v10;
	v59 =	vmul.f32 v2, v10  }
0x179: {  	v58 =	vor.u32 s6, v61;
	v41 =	vld.idx.msk [tilespmem:v46+s0+$0x0], $0xffff;
	v50 =	vmul.f32 v1, v10;
	v61 =	vmul.f32 v3, v10  }
0x17a: {  	s5 =	sadd.s32 $0xFFFFFFEA, s3;
	v60 =	vor.u32 s6, v62;
	v43 =	vld.idx.msk [tilespmem:v51+s0+$0x0], $0xffff;
	v51 =	vmul.f32 v4, v10;
	v0 =	vmul.f32 v55, v10  }
0x17b: {  	p0 =	sne.s32 s3, $0x261F;
	v46 =	vor.u32 s5, v15;
	v55 =	vmul.f32 v56, v10;
	v56 =	vmul.f32 v6, v10;
	v6 =	vld [tilespmem:$0x1FE90]  }
.Ltmp1:
0x17c: {  	v62 =	vor.u32 s6, v47;
	v44 =	vld.idx.msk [tilespmem:v52+s0+$0x0], $0xffff;
	v63 =	vmul.f32 v5, v10;
	v52 =	vmul.f32 v9, v10;
	(pc) =	sbr.rel @p0 .LBB2_4-.Ltmp1, $4  }
0x17d: {  	v45 =	vor.u32 s6, v53;
	v9 =	vmul.f32 v38, v10;
	v53 =	vmul.f32 v39, v10;
	v38 =	vld [tilespmem:$0x17100]  }
0x17e: {  	v1 =	vmul.f32 v49, v10;
	v54 =	vmul.f32 v54, v10;
	v4 =	vor.u32 s6, v14;
	v39 =	vld [tilespmem:$0x17110]  }
0x17f: {  	v5 =	vor.u32 s6, v15;
	v3 =	vmul.f32 v57, v10;
	v57 =	vmul.f32 v7, v10;
	v2 =	vld.idx.msk [tilespmem:v12+s0+$0x0], $0xffff  }
0x180: {  	s3 =	sadd.s32 $0x200, s3;
	v49 =	vmul.f32 v8, v10;
	v47 =	vld.idx.msk [tilespmem:v46+s0+$0x0], $0xffff;
	v46 =	vor.u32 s6, v13;
	v6 =	vadd.f32 v6, v11  }
0x181: {  	_ =	sdelay $0x3  }
0x182: {  	v7 =	vld.idx.msk [tilespmem:v58+s0+$0x0], $0xffff  }
0x183: {  	v11 =	vld [tilespmem:$0x1FF30]  }
0x184: {  	v13 =	vld [tilespmem:$0x1FF40]  }
0x185: {  	v62 =	vld.idx.msk [tilespmem:v62+s0+$0x0], $0xffff  }
0x186: {  	v16 =	vadd.f32 v16, v61;
	v18 =	vadd.f32 v18, v63;
	v15 =	vld [tilespmem:$0x1FF50]  }
0x187: {  	v63 =	vld [tilespmem:$0x170C0];
	v9 =	vadd.f32 v20, v9;
	v17 =	vadd.f32 v17, v52  }
0x188: {  	v4 =	vld.idx.msk [tilespmem:v4+s0+$0x0], $0xffff;
	v1 =	vadd.f32 v22, v1;
	v19 =	vadd.f32 v19, v53  }
0x189: {  	v8 =	vmul.f32 v40, v10;
	v5 =	vld.idx.msk [tilespmem:v5+s0+$0x0], $0xffff;
	v0 =	vadd.f32 v24, v0;
	v21 =	vadd.f32 v21, v54  }
0x18a: {  	v42 =	vmul.f32 v42, v10;
	v54 =	vld.idx.msk [tilespmem:v45+s0+$0x0], $0xffff;
	v3 =	vadd.f32 v26, v3;
	v23 =	vadd.f32 v23, v55  }
0x18b: {  	v52 =	vmul.f32 v44, v10;
	v28 =	vadd.f32 v28, v57;
	v14 =	vadd.f32 v11, v59;
	v11 =	vld [tilespmem:$0x1FF20]  }
0x18c: {  	v43 =	vmul.f32 v43, v10;
	v55 =	vld.idx.msk [tilespmem:v46+s0+$0x0], $0xffff;
	v25 =	vadd.f32 v25, v56;
	v27 =	vadd.f32 v27, v49  }
0x18d: {  	v57 =	vld [tilespmem:$0x170D0];
	v8 =	vadd.f32 v30, v8;
	v20 =	vadd.f32 v33, v52  }
0x18e: {  	v58 =	vld [tilespmem:$0x170E0];
	v32 =	vadd.f32 v32, v42;
	v31 =	vadd.f32 v31, v43;
	v2 =	vmul.f32 v2, v10  }
0x18f: {  	v53 =	vmul.f32 v47, v10;
	v20 =	vmax.f32 v20, $0.0e+00;
	v13 =	vadd.f32 v13, v50;
	v59 =	vld [tilespmem:$0x170F0]  }
0x190: {  	v4 =	vmul.f32 v4, v10;
	v12 =	vadd.f32 v11, v48;
	v11 =	vld.idx.msk [tilespmem:v60+s0+$0x0], $0xffff;
	v60 =	vmul.f32 v41, v10  }
0x191: {  	v61 =	vld [tilespmem:$0x172E0];
	v15 =	vadd.f32 v15, v51;
	v5 =	vmul.f32 v5, v10;
	v24 =	vmul.f32 v54, v10  }
0x192: {  	v7 =	vmul.f32 v7, v10;
	v4 =	vadd.f32 v63, v4;
	v29 =	vadd.f32 v29, v60;
	v60 =	vld [tilespmem:$0x172D0]  }
0x193: {  	v26 =	vmul.f32 v55, v10;
	v5 =	vadd.f32 v57, v5;
	v24 =	vadd.f32 v58, v24  }
0x194: {  	v2 =	vadd.f32 v36, v2;
	v4 =	vmax.f32 v4, $0.0e+00;
	v41 =	vmul.f32 v62, v10;
	v62 =	vld [tilespmem:$0x172F0]  }
0x195: {  	v42 =	vld [tilespmem:$0x17310];
	v5 =	vmax.f32 v5, $0.0e+00;
	v24 =	vmax.f32 v24, $0.0e+00;
	v26 =	vadd.f32 v59, v26  }
0x196: {  	v4 =	vmul.f32 v35, v4;
	v63 =	vadd.f32 v39, v41;
	v41 =	vld [tilespmem:$0x17300];
	v11 =	vmul.f32 v11, v10  }
0x197: {  	v43 =	vld [tilespmem:$0x17320];
	v7 =	vadd.f32 v37, v7;
	v24 =	vmul.f32 v61, v24;
	v5 =	vmul.f32 v60, v5  }
0x198: {  	v44 =	vld [tilespmem:$0x17330];
	v26 =	vmax.f32 v26, $0.0e+00;
	v4 =	vadd.f32 $0.0e+00, v4;
	v11 =	vadd.f32 v38, v11  }
0x199: {  	v45 =	vld [tilespmem:$0x17340];
	v2 =	vmax.f32 v2, $0.0e+00;
	v26 =	vmul.f32 v62, v26;
	v5 =	vadd.f32 $0.0e+00, v5  }
0x19a: {  	v46 =	vld [tilespmem:$0x17350];
	v30 =	vmax.f32 v63, $0.0e+00;
	v4 =	vadd.f32 v24, v4;
	v11 =	vmax.f32 v11, $0.0e+00  }
0x19b: {  	v48 =	vld [tilespmem:$0x17360];
	v47 =	vmul.f32 v42, v30;
	v11 =	vmul.f32 v41, v11;
	v5 =	vadd.f32 v26, v5  }
0x19c: {  	v49 =	vld [tilespmem:$0x17370];
	v22 =	vadd.f32 v34, v53;
	v2 =	vmul.f32 v43, v2;
	v7 =	vmax.f32 v7, $0.0e+00  }
0x19d: {  	v7 =	vmul.f32 v44, v7;
	v4 =	vadd.f32 v11, v4;
	v11 =	vld [tilespmem:$0x17380];
	v5 =	vadd.f32 v47, v5  }
0x19e: {  	v20 =	vmul.f32 v45, v20;
	v50 =	vmax.f32 v32, $0.0e+00;
	v51 =	vld [tilespmem:$0x17390];
	v22 =	vmax.f32 v22, $0.0e+00  }
0x19f: {  	v2 =	vadd.f32 v2, v4;
	v4 =	vadd.f32 v7, v5;
	v5 =	vmul.f32 v46, v22;
	v7 =	vld [tilespmem:$0x173A0]  }
0x1a0: {  	v52 =	vmax.f32 v31, $0.0e+00;
	v8 =	vmax.f32 v8, $0.0e+00;
	v53 =	vld [tilespmem:$0x173B0];
	v24 =	vmul.f32 v48, v50  }
0x1a1: {  	v54 =	vld [tilespmem:$0x173C0];
	v2 =	vadd.f32 v20, v2;
	v4 =	vadd.f32 v5, v4;
	v5 =	vmul.f32 v49, v52  }
0x1a2: {  	v56 =	vld [tilespmem:$0x173D0];
	v55 =	vmax.f32 v29, $0.0e+00;
	v8 =	vmul.f32 v11, v8;
	v11 =	vmax.f32 v28, $0.0e+00  }
0x1a3: {  	v57 =	vld [tilespmem:$0x173E0];
	v2 =	vadd.f32 v24, v2;
	v4 =	vadd.f32 v5, v4;
	v5 =	vmul.f32 v51, v55  }
0x1a4: {  	v3 =	vmax.f32 v3, $0.0e+00;
	v58 =	vmax.f32 v27, $0.0e+00;
	v7 =	vmul.f32 v7, v11;
	v11 =	vld [tilespmem:$0x173F0]  }
0x1a5: {  	v2 =	vadd.f32 v8, v2;
	v8 =	vld [tilespmem:$0x17400];
	v4 =	vadd.f32 v5, v4;
	v5 =	vmul.f32 v53, v58  }
0x1a6: {  	v0 =	vmax.f32 v0, $0.0e+00;
	v59 =	vmax.f32 v25, $0.0e+00;
	v3 =	vmul.f32 v54, v3;
	v60 =	vld [tilespmem:$0x17410]  }
0x1a7: {  	v2 =	vadd.f32 v7, v2;
	v7 =	vld [tilespmem:$0x17420];
	v4 =	vadd.f32 v5, v4;
	v5 =	vmul.f32 v56, v59  }
0x1a8: {  	v23 =	vmax.f32 v23, $0.0e+00;
	v1 =	vmax.f32 v1, $0.0e+00;
	v61 =	vld [tilespmem:$0x17430];
	v0 =	vmul.f32 v57, v0  }
0x1a9: {  	v2 =	vadd.f32 v3, v2;
	v3 =	vadd.f32 v5, v4;
	v4 =	vmul.f32 v11, v23;
	v5 =	vld [tilespmem:$0x17440]  }
0x1aa: {  	v11 =	vmax.f32 v21, $0.0e+00;
	v1 =	vmul.f32 v8, v1;
	v8 =	vmax.f32 v9, $0.0e+00;
	v9 =	vld [tilespmem:$0x17450]  }
0x1ab: {  	v0 =	vadd.f32 v0, v2;
	v2 =	vadd.f32 v4, v3;
	v3 =	vmul.f32 v60, v11;
	v4 =	vld [tilespmem:$0x17460]  }
0x1ac: {  	v62 =	vld [tilespmem:$0x17470];
	v11 =	vmax.f32 v19, $0.0e+00;
	v7 =	vmul.f32 v7, v8;
	v8 =	vmax.f32 v18, $0.0e+00  }
0x1ad: {  	v0 =	vadd.f32 v1, v0;
	v1 =	vadd.f32 v3, v2;
	v2 =	vmul.f32 v61, v11;
	v3 =	vld [tilespmem:$0x17480]  }
0x1ae: {  	v63 =	vld [tilespmem:$0x17490];
	v11 =	vmax.f32 v17, $0.0e+00;
	v5 =	vmul.f32 v5, v8;
	v8 =	vmax.f32 v16, $0.0e+00  }
0x1af: {  	v0 =	vadd.f32 v7, v0;
	v7 =	vld [tilespmem:$0x174B0];
	v1 =	vadd.f32 v2, v1;
	v2 =	vmul.f32 v9, v11  }
0x1b0: {  	v9 =	vmax.f32 v15, $0.0e+00;
	v11 =	vld [tilespmem:$0x174A0];
	v4 =	vmul.f32 v4, v8;
	v8 =	vmax.f32 v14, $0.0e+00  }
0x1b1: {  	v0 =	vadd.f32 v5, v0;
	v1 =	vadd.f32 v2, v1;
	v2 =	vmul.f32 v62, v9  }
0x1b2: {  	v6 =	vmax.f32 v6, $0.0e+00;
	v5 =	vmax.f32 v13, $0.0e+00;
	v3 =	vmul.f32 v3, v8  }
0x1b3: {  	v0 =	vadd.f32 v4, v0;
	v1 =	vadd.f32 v2, v1;
	v2 =	vmul.f32 v63, v5  }
0x1b4: {  	v4 =	vmax.f32 v12, $0.0e+00;
	v5 =	vmul.f32 v7, v6  }
0x1b5: {  	v0 =	vadd.f32 v3, v0;
	v1 =	vadd.f32 v2, v1;
	v2 =	vmul.f32 v11, v4;
	_ =	sdelay $0x1  }
0x1b6: {  	v0 =	vadd.f32 v2, v0;
	v1 =	vadd.f32 v5, v1;
	_ =	sdelay $0x1  }
0x1b7: {  	v0 =	vadd.f32 v1, v0;
	_ =	sdelay $0x1  }
0x1b8: {  	v0 =	vmul.f32 v0, v10  }
0x1b9: {  	s3 =	sadd.s32 $0x10, s31  }
0x1ba: {  	s31 =	simm.s32 $0x0;
	[tilespmem:s3+$0x0] =	vst v0  }
0x1bb: {  	[tilespmem:s0], [sflag:$0x1] =	stream.linear.gather [hbm4b:s14+s31], $0x2800, $0x38;
	[tilespmem:$0x19F50] =	vst v63  }
0x1bc: {  	_ =	swait.ge [sflag:s24], $0x2800  }
0x1bd: {  	[sflag:s24] =	ssyncset.done $0x0  }
0x1be: {  	[sflag:s24] =	ssyncadd.s32 $0xFFFFD800  }
0x1bf: {  	[tilespmem:s1], [sflag:$0x1] =	stream.linear.gather [hbm4b:s15+s31], $0x2800, $0x38;
	[tilespmem:$0x19F50] =	vst v63  }
0x1c0: {  	_ =	swait.ge [sflag:s24], $0x2800  }
0x1c1: {  	[sflag:s24] =	ssyncset.done $0x0  }
0x1c2: {  	[sflag:s24] =	ssyncadd.s32 $0xFFFFD800  }
0x1c3: {  	[tilespmem:s2], [sflag:$0x1] =	stream.linear.gather [hbm4b:s16+s31], $0x2800, $0x38;
	[tilespmem:$0x19F50] =	vst v63  }
0x1c4: {  	_ =	swait.ge [sflag:s24], $0x2800  }
0x1c5: {  	[sflag:s24] =	ssyncset.done $0x0  }
0x1c6: {  	s3 =	simm.s32 $0x0;
	[sflag:s24] =	ssyncadd.s32 $0xFFFFD800  }
0x1c7: {  	v5 =	vld [tilespmem:s3+$0x148C0]  }
0x1c8: {  	v4 =	vld [tilespmem:s3+$0x148D0]  }
0x1c9: {  	v3 =	vld [tilespmem:s3+$0x120C0]  }
0x1ca: {  	v2 =	vld [tilespmem:s3+$0x120D0]  }
0x1cb: {  	v1 =	vld [tilespmem:s3+$0x120E0]  }
0x1cc: {  	v0 =	vld [tilespmem:s3+$0x120F0]  }
0x1cd: {  	v10 =	vld [tilespmem:s3+$0xF8C0]  }
0x1ce: {  	v11 =	vld [tilespmem:s3+$0xF8D0]  }
0x1cf: {  	s23 =	simm.s32 $0x100;
	v9 =	vld [tilespmem:s3+$0xF8E0]  }
.LBB2_6:
0x1d0: {  	p0 =	sne.s32 s23, $0x9F00;
	v6 =	vld [tilespmem:s3+$0xF8F0]  }
0x1d1: {  	v7 =	vld [tilespmem:s3+$0x148E0]  }
0x1d2: {  	s5 =	sshra.s32 s23, $0x2;
	v3 =	vadd.f32 v3, v10;
	v8 =	vld [tilespmem:s3+$0x148F0]  }
0x1d3: {  	v10 =	vld [tilespmem:s5+$0x148C0];
	v2 =	vadd.f32 v2, v11  }
0x1d4: {  	v11 =	vld [tilespmem:s5+$0x148D0];
	v5 =	vadd.f32 v5, v3;
	v1 =	vadd.f32 v1, v9  }
0x1d5: {  	v3 =	vld [tilespmem:s5+$0x120C0];
	v4 =	vadd.f32 v4, v2;
	v0 =	vadd.f32 v0, v6  }
0x1d6: {  	v2 =	vld [tilespmem:s5+$0x120D0];
	[tilespmem:s3+$0xF8C0] =	vst v5;
	v6 =	vadd.f32 v7, v1  }
.Ltmp2:
0x1d7: {  	v1 =	vld [tilespmem:s5+$0x120E0];
	[tilespmem:s3+$0xF8D0] =	vst v4;
	v7 =	vadd.f32 v8, v0;
	(pc) =	sbr.rel @p0 .LBB2_6-.Ltmp2, $4  }
0x1d8: {  	v0 =	vld [tilespmem:s5+$0x120F0];
	[tilespmem:s3+$0xF8E0] =	vst v6;
	v5 =	vmov v10  }
0x1d9: {  	v10 =	vld [tilespmem:s5+$0xF8C0];
	[tilespmem:s3+$0xF8F0] =	vst v7;
	v4 =	vmov v11;
	s3 =	smov.u32 s5  }
0x1da: {  	v11 =	vld [tilespmem:s3+$0xF8D0]  }
0x1db: {  	s23 =	sadd.s32 $0x100, s23;
	v9 =	vld [tilespmem:s3+$0xF8E0]  }
0x1dc: {  	v6 =	vld [tilespmem:s3+$0xF8F0]  }
0x1dd: {  	v7 =	vld [tilespmem:s3+$0x148E0]  }
0x1de: {  	v8 =	vld [tilespmem:s3+$0x148F0]  }
0x1df: {  	v54 =	vld [tilespmem:$0x1FFD0];
	v3 =	vadd.f32 v3, v10  }
0x1e0: {  	v14 =	vld [tilespmem:$0x1FFE0];
	v2 =	vadd.f32 v2, v11  }
0x1e1: {  	v12 =	vld [tilespmem:$0x1FFF0];
	v3 =	vadd.f32 v5, v3;
	v1 =	vadd.f32 v1, v9  }
0x1e2: {  	v51 =	vld [tilespmem:$0x1FFC0];
	v2 =	vadd.f32 v4, v2;
	v0 =	vadd.f32 v0, v6  }
0x1e3: {  	s6 =	simm.s32 $0x1D;
	v59 =	vld [tilespmem:$0x1FFA0];
	[tilespmem:s3+$0xF8C0] =	vst v3;
	v1 =	vadd.f32 v7, v1  }
0x1e4: {  	v17 =	vld [tilespmem:$0x1FFB0];
	v5 =	vor.u32 s6, v54;
	[tilespmem:s3+$0xF8D0] =	vst v2;
	v0 =	vadd.f32 v8, v0  }
0x1e5: {  	v20 =	vld [tilespmem:$0x1FF70];
	[tilespmem:s3+$0xF8E0] =	vst v1  }
0x1e6: {  	v21 =	vld [tilespmem:$0x1FF90];
	[tilespmem:s3+$0xF8F0] =	vst v0  }
0x1e7: {  	v2 =	vld [tilespmem:$0x172A0]  }
0x1e8: {  	v4 =	vld [tilespmem:$0x172B0]  }
0x1e9: {  	v5 =	vld.idx.msk [tilespmem:v5+s0+$0x0], $0xffff  }
0x1ea: {  	v6 =	vld [tilespmem:$0x17240]  }
0x1eb: {  	v19 =	vld [tilespmem:$0x17220]  }
0x1ec: {  	v22 =	vld [tilespmem:$0x17200]  }
0x1ed: {  	v23 =	vld [tilespmem:$0x17210]  }
0x1ee: {  	v25 =	vld [tilespmem:$0x171E0]  }
0x1ef: {  	v27 =	vld [tilespmem:$0x171F0]  }
0x1f0: {  	v29 =	vld [tilespmem:$0x171C0]  }
0x1f1: {  	v31 =	vld [tilespmem:$0x171D0]  }
0x1f2: {  	v33 =	vld [tilespmem:$0x171A0]  }
0x1f3: {  	s6 =	simm.s32 $0x18;
	v35 =	vld [tilespmem:$0x171B0]  }
0x1f4: {  	v10 =	vor.u32 s6, v20;
	v37 =	vld [tilespmem:$0x17180]  }
0x1f5: {  	v38 =	vld [tilespmem:$0x17190]  }
0x1f6: {  	v40 =	vld [tilespmem:$0x17160]  }
0x1f7: {  	s5 =	simm.s32 $0x1E;
	v43 =	vld [tilespmem:$0x17170]  }
0x1f8: {  	s6 =	simm.s32 $0x17;
	v1 =	vor.u32 s5, v14;
	v46 =	vld [tilespmem:$0x17140]  }
0x1f9: {  	s23 =	simm.s32 $0x1F;
	v55 =	vld.idx.msk [tilespmem:v10+s0+$0x0], $0xffff;
	v10 =	vor.u32 s6, v12  }
0x1fa: {  	s5 =	simm.s32 $0x1C;
	v0 =	vor.u32 s23, v12;
	v48 =	vld [tilespmem:$0x17150]  }
0x1fb: {  	v3 =	vor.u32 s5, v51;
	v8 =	vld [tilespmem:$0x17120]  }
0x1fc: {  	s23 =	simm.s32 $0x1A;
	v15 =	vld [tilespmem:$0x172C0]  }
0x1fd: {  	v7 =	vor.u32 s23, v59;
	s6 =	simm.s32 $0x12;
	v1 =	vld.idx.msk [tilespmem:v1+s0+$0x0], $0xffff  }
0x1fe: {  	s5 =	simm.s32 $0x1B;
	v24 =	vld.idx.msk [tilespmem:v10+s0+$0x0], $0xffff;
	v10 =	vor.u32 s6, v59  }
0x1ff: {  	v9 =	vor.u32 s5, v17;
	s23 =	simm.s32 $0x19;
	v0 =	vld.idx.msk [tilespmem:v0+s0+$0x0], $0xffff  }
0x200: {  	s5 =	simm.s32 $0x16;
	v11 =	vor.u32 s23, v21;
	v3 =	vld.idx.msk [tilespmem:v3+s0+$0x0], $0xffff  }
0x201: {  	v13 =	vor.u32 s5, v14;
	s23 =	simm.s32 $0x14;
	[tilespmem:$0x1FDC0] =	vst v2;
	v2 =	vld [tilespmem:$0x17280]  }
0x202: {  	v16 =	vor.u32 s23, v51;
	v7 =	vld.idx.msk [tilespmem:v7+s0+$0x0], $0xffff;
	s6 =	simm.s32 $0x11  }
0x203: {  	s5 =	simm.s32 $0x15;
	v30 =	vld.idx.msk [tilespmem:v10+s0+$0x0], $0xffff;
	v10 =	vor.u32 s6, v21  }
0x204: {  	v18 =	vor.u32 s5, v54;
	s23 =	simm.s32 $0x13;
	v9 =	vld.idx.msk [tilespmem:v9+s0+$0x0], $0xffff  }
0x205: {  	s5 =	simm.s32 $0x10;
	v26 =	vor.u32 s23, v17;
	v11 =	vld.idx.msk [tilespmem:v11+s0+$0x0], $0xffff  }
0x206: {  	v28 =	vor.u32 s5, v20;
	v13 =	vld.idx.msk [tilespmem:v13+s0+$0x0], $0xffff  }
0x207: {  	v16 =	vld.idx.msk [tilespmem:v16+s0+$0x0], $0xffff;
	s6 =	simm.s32 $0xC  }
0x208: {  	v36 =	vld.idx.msk [tilespmem:v10+s0+$0x0], $0xffff;
	v10 =	vor.u32 s6, v51  }
0x209: {  	s23 =	simm.s32 $0xE;
	v18 =	vld.idx.msk [tilespmem:v18+s0+$0x0], $0xffff  }
0x20a: {  	s5 =	simm.s32 $0xF;
	v32 =	vor.u32 s23, v14;
	v26 =	vld.idx.msk [tilespmem:v26+s0+$0x0], $0xffff  }
0x20b: {  	v34 =	vor.u32 s5, v12;
	v28 =	vld.idx.msk [tilespmem:v28+s0+$0x0], $0xffff  }
0x20c: {  	s23 =	simm.s32 $0xD;
	[tilespmem:$0x1FDB0] =	vst v2;
	v2 =	vld [tilespmem:$0x17290]  }
0x20d: {  	s5 =	simm.s32 $0xA;
	v39 =	vor.u32 s23, v54;
	s6 =	simm.s32 $0xF500;
	v42 =	vld.idx.msk [tilespmem:v10+s0+$0x0], $0xffff  }
0x20e: {  	v41 =	vor.u32 s5, v59;
	s23 =	simm.s32 $0xB;
	v10 =	vld [tilespmem:s6+$0x0]  }
0x20f: {  	v44 =	vor.u32 s23, v17;
	v32 =	vld.idx.msk [tilespmem:v32+s0+$0x0], $0xffff  }
0x210: {  	v34 =	vld.idx.msk [tilespmem:v34+s0+$0x0], $0xffff  }
0x211: {  	s5 =	simm.s32 $0x8;
	[tilespmem:$0x1FDE0] =	vst v2;
	v2 =	vld [tilespmem:$0x17260]  }
0x212: {  	v45 =	vor.u32 s5, v20;
	s23 =	simm.s32 $0x0;
	v39 =	vld.idx.msk [tilespmem:v39+s0+$0x0], $0xffff  }
0x213: {  	v49 =	vor.u32 s23, v14;
	v41 =	vld.idx.msk [tilespmem:v41+s0+$0x0], $0xffff;
	v0 =	vmul.f32 v0, v10  }
0x214: {  	v50 =	vor.u32 s23, v12;
	v44 =	vld.idx.msk [tilespmem:v44+s0+$0x0], $0xffff  }
0x215: {  	v0 =	vadd.f32 v4, v0;
	v4 =	vld [tilespmem:$0x1FDB0]  }
0x216: {  	[tilespmem:$0x1FDD0] =	vst v2;
	v2 =	vld [tilespmem:$0x17270]  }
0x217: {  	v45 =	vld.idx.msk [tilespmem:v45+s0+$0x0], $0xffff  }
0x218: {  	v49 =	vld.idx.msk [tilespmem:v49+s0+$0x0], $0xffff;
	s6 =	simm.s32 $0x9;
	v3 =	vmul.f32 v3, v10  }
0x219: {  	v50 =	vld.idx.msk [tilespmem:v50+s0+$0x0], $0xffff;
	v47 =	vor.u32 s6, v21  }
0x21a: {  	v3 =	vadd.f32 v4, v3;
	v4 =	vld [tilespmem:$0x1FDD0]  }
0x21b: {  	[tilespmem:$0x1FDF0] =	vst v2;
	v2 =	vld [tilespmem:$0x17250]  }
0x21c: {  	[tilespmem:$0x1FE20] =	vst v3;
	v3 =	vld [tilespmem:$0x1FDC0]  }
0x21d: {  	v60 =	vor.u32 s23, v17;
	v7 =	vmul.f32 v7, v10;
	v56 =	vmul.f32 v11, v10;
	v11 =	vld [tilespmem:$0x17100]  }
0x21e: {  	v52 =	vor.u32 s23, v51;
	v53 =	vor.u32 s23, v54;
	v55 =	vmul.f32 v55, v10;
	v47 =	vld.idx.msk [tilespmem:v47+s0+$0x0], $0xffff  }
0x21f: {  	v1 =	vmul.f32 v1, v10;
	v61 =	vmul.f32 v16, v10;
	v16 =	vadd.f32 v4, v7;
	v4 =	vld [tilespmem:$0x1FDE0]  }
0x220: {  	v62 =	vmul.f32 v18, v10;
	v26 =	vmul.f32 v26, v10;
	v18 =	vadd.f32 v6, v55;
	v6 =	vld [tilespmem:$0x1FDF0]  }
0x221: {  	[tilespmem:$0x1FE00] =	vst v2;
	v2 =	vld [tilespmem:$0x17230];
	v1 =	vadd.f32 v3, v1  }
0x222: {  	v5 =	vmul.f32 v5, v10;
	v26 =	vadd.f32 v27, v26;
	v27 =	vld.idx.msk [tilespmem:v60+s0+$0x0], $0xffff  }
0x223: {  	v9 =	vmul.f32 v9, v10;
	v58 =	vmul.f32 v13, v10;
	v13 =	vor.u32 s23, v21;
	[tilespmem:$0x1FE40] =	vst v1;
	v1 =	vld.idx.msk [tilespmem:v52+s0+$0x0], $0xffff  }
0x224: {  	v63 =	vor.u32 s23, v20;
	v52 =	vadd.f32 v4, v5;
	v4 =	vld.idx.msk [tilespmem:v53+s0+$0x0], $0xffff  }
0x225: {  	v24 =	vmul.f32 v24, v10;
	v30 =	vmul.f32 v30, v10;
	[tilespmem:$0x1FE30] =	vst v0;
	v53 =	vadd.f32 v6, v9;
	v9 =	vld [tilespmem:$0x1FE00]  }
0x226: {  	v57 =	vor.u32 s23, v59;
	v28 =	vmul.f32 v28, v10;
	v0 =	vld [tilespmem:$0x17110];
	[tilespmem:$0x1FE10] =	vst v2;
	v5 =	vmul.f32 v41, v10  }
0x227: {  	v41 =	vadd.f32 v19, v58;
	v19 =	vmul.f32 v45, v10;
	v45 =	vadd.f32 v22, v61;
	v22 =	vld [tilespmem:$0x1FE10]  }
0x228: {  	v36 =	vmul.f32 v36, v10;
	v32 =	vmul.f32 v32, v10;
	v13 =	vld.idx.msk [tilespmem:v13+s0+$0x0], $0xffff  }
0x229: {  	v34 =	vmul.f32 v34, v10;
	v42 =	vmul.f32 v42, v10;
	v23 =	vadd.f32 v23, v62;
	v2 =	vld [tilespmem:$0x17130]  }
0x22a: {  	v28 =	vadd.f32 v29, v28;
	v7 =	vmul.f32 v44, v10;
	v44 =	vadd.f32 v9, v56;
	v9 =	vld.idx.msk [tilespmem:v63+s0+$0x0], $0xffff  }
0x22b: {  	v29 =	vmul.f32 v50, v10;
	v32 =	vadd.f32 v33, v32;
	v62 =	vadd.f32 v37, v42;
	v6 =	vld [tilespmem:$0x170C0]  }
0x22c: {  	v3 =	vmul.f32 v39, v10;
	v58 =	vadd.f32 v22, v24;
	v24 =	vadd.f32 v25, v30;
	v25 =	vld.idx.msk [tilespmem:v57+s0+$0x0], $0xffff  }
0x22d: {  	v34 =	vadd.f32 v35, v34;
	v13 =	vmul.f32 v13, v10;
	v7 =	vadd.f32 v43, v7;
	v61 =	vld [tilespmem:$0x170D0]  }
0x22e: {  	v3 =	vadd.f32 v38, v3;
	v1 =	vmul.f32 v1, v10;
	v22 =	vmul.f32 v47, v10;
	v63 =	vld [tilespmem:$0x170E0]  }
0x22f: {  	v42 =	vld [tilespmem:$0x170F0];
	v5 =	vadd.f32 v40, v5;
	v30 =	vmul.f32 v49, v10;
	v9 =	vmul.f32 v9, v10  }
0x230: {  	v4 =	vmul.f32 v4, v10;
	v47 =	vld [tilespmem:$0x172D0];
	v1 =	vadd.f32 v11, v1;
	v11 =	vadd.f32 v2, v29  }
0x231: {  	v22 =	vadd.f32 v48, v22;
	v48 =	vld [tilespmem:$0x172E0];
	v25 =	vmul.f32 v25, v10;
	v6 =	vadd.f32 v6, v9  }
0x232: {  	v30 =	vadd.f32 v8, v30;
	v9 =	vadd.f32 v61, v13;
	v13 =	vmul.f32 v27, v10;
	v27 =	vld [tilespmem:$0x172F0]  }
0x233: {  	v0 =	vadd.f32 v0, v4;
	v4 =	vld [tilespmem:$0x17300];
	v25 =	vadd.f32 v63, v25;
	v6 =	vmax.f32 v6, $0.0e+00  }
0x234: {  	v29 =	vld [tilespmem:$0x17310];
	v9 =	vmax.f32 v9, $0.0e+00;
	v13 =	vadd.f32 v42, v13;
	v6 =	vmul.f32 v15, v6  }
0x235: {  	v49 =	vld [tilespmem:$0x17320];
	v1 =	vmax.f32 v1, $0.0e+00;
	v25 =	vmax.f32 v25, $0.0e+00;
	v9 =	vmul.f32 v47, v9  }
0x236: {  	v50 =	vld [tilespmem:$0x17330];
	v25 =	vmul.f32 v48, v25;
	v13 =	vmax.f32 v13, $0.0e+00;
	v6 =	vadd.f32 $0.0e+00, v6  }
0x237: {  	v0 =	vmax.f32 v0, $0.0e+00;
	v9 =	vadd.f32 $0.0e+00, v9;
	v13 =	vmul.f32 v27, v13;
	v27 =	vld [tilespmem:$0x17340]  }
0x238: {  	v1 =	vmul.f32 v4, v1;
	v4 =	vmax.f32 v30, $0.0e+00;
	v30 =	vld [tilespmem:$0x17350];
	v6 =	vadd.f32 v25, v6  }
0x239: {  	v19 =	vadd.f32 v46, v19;
	v0 =	vmul.f32 v29, v0;
	v9 =	vadd.f32 v13, v9;
	v13 =	vld [tilespmem:$0x17360]  }
0x23a: {  	v11 =	vmax.f32 v11, $0.0e+00;
	v4 =	vmul.f32 v49, v4;
	v25 =	vld [tilespmem:$0x17370];
	v1 =	vadd.f32 v1, v6  }
0x23b: {  	v19 =	vmax.f32 v19, $0.0e+00;
	v0 =	vadd.f32 v0, v9;
	v6 =	vmul.f32 v50, v11;
	v9 =	vld [tilespmem:$0x17380]  }
0x23c: {  	v11 =	vmax.f32 v22, $0.0e+00;
	v22 =	vld [tilespmem:$0x17390];
	v19 =	vmul.f32 v27, v19;
	v1 =	vadd.f32 v4, v1  }
0x23d: {  	v5 =	vmax.f32 v5, $0.0e+00;
	v0 =	vadd.f32 v6, v0;
	v4 =	vmul.f32 v30, v11;
	v6 =	vld [tilespmem:$0x173A0]  }
0x23e: {  	v7 =	vmax.f32 v7, $0.0e+00;
	v5 =	vmul.f32 v13, v5;
	v13 =	vld [tilespmem:$0x173B0];
	v1 =	vadd.f32 v19, v1  }
0x23f: {  	v11 =	vmax.f32 v62, $0.0e+00;
	v0 =	vadd.f32 v4, v0;
	v4 =	vmul.f32 v25, v7;
	v7 =	vld [tilespmem:$0x173C0]  }
0x240: {  	v3 =	vmax.f32 v3, $0.0e+00;
	v2 =	vld [tilespmem:$0x1FE20];
	v9 =	vmul.f32 v9, v11;
	v1 =	vadd.f32 v5, v1  }
0x241: {  	v11 =	vmax.f32 v32, $0.0e+00;
	v3 =	vmul.f32 v22, v3;
	v0 =	vadd.f32 v4, v0;
	v4 =	vld [tilespmem:$0x173E0]  }
0x242: {  	v19 =	vld [tilespmem:$0x173D0];
	v5 =	vmax.f32 v34, $0.0e+00;
	v6 =	vmul.f32 v6, v11;
	v1 =	vadd.f32 v9, v1  }
0x243: {  	v11 =	vmax.f32 v28, $0.0e+00;
	v0 =	vadd.f32 v3, v0;
	v3 =	vmul.f32 v13, v5;
	v5 =	vld [tilespmem:$0x17400]  }
0x244: {  	v31 =	vadd.f32 v31, v36;
	v22 =	vld [tilespmem:$0x173F0];
	v7 =	vmul.f32 v7, v11;
	v1 =	vadd.f32 v6, v1  }
0x245: {  	v11 =	vmax.f32 v24, $0.0e+00;
	v6 =	vld [tilespmem:$0x17420]  }
0x246: {  	v9 =	vmax.f32 v31, $0.0e+00;
	v13 =	vld [tilespmem:$0x17410];
	v4 =	vmul.f32 v4, v11;
	v1 =	vadd.f32 v7, v1  }
0x247: {  	v0 =	vadd.f32 v3, v0;
	v3 =	vmul.f32 v19, v9;
	v11 =	vmax.f32 v45, $0.0e+00;
	v7 =	vld [tilespmem:$0x17440]  }
0x248: {  	v9 =	vmax.f32 v26, $0.0e+00;
	v19 =	vld [tilespmem:$0x17430];
	v5 =	vmul.f32 v5, v11;
	v1 =	vadd.f32 v4, v1  }
0x249: {  	v8 =	vmax.f32 v41, $0.0e+00;
	v0 =	vadd.f32 v3, v0;
	v3 =	vmul.f32 v22, v9;
	v4 =	vld [tilespmem:$0x17460]  }
0x24a: {  	v9 =	vmax.f32 v23, $0.0e+00;
	v6 =	vmul.f32 v6, v8;
	v1 =	vadd.f32 v5, v1;
	v5 =	vld [tilespmem:$0x17480]  }
0x24b: {  	v11 =	vld [tilespmem:$0x17450];
	v0 =	vadd.f32 v3, v0;
	v3 =	vmul.f32 v13, v9;
	v8 =	vmax.f32 v18, $0.0e+00  }
0x24c: {  	v2 =	vmax.f32 v2, $0.0e+00;
	v13 =	vld [tilespmem:$0x17470];
	v7 =	vmul.f32 v7, v8;
	v1 =	vadd.f32 v6, v1  }
0x24d: {  	v9 =	vmax.f32 v58, $0.0e+00;
	v0 =	vadd.f32 v3, v0;
	v8 =	vmax.f32 v16, $0.0e+00;
	v16 =	vld [tilespmem:$0x17490]  }
0x24e: {  	v3 =	vmul.f32 v19, v9;
	v6 =	vld [tilespmem:$0x174B0];
	v4 =	vmul.f32 v4, v8;
	v1 =	vadd.f32 v7, v1  }
0x24f: {  	v9 =	vmax.f32 v44, $0.0e+00;
	v2 =	vmul.f32 v5, v2;
	v5 =	vld [tilespmem:$0x1FE30]  }
0x250: {  	v0 =	vadd.f32 v3, v0;
	v3 =	vmul.f32 v11, v9;
	v1 =	vadd.f32 v4, v1;
	v4 =	vld [tilespmem:$0x1FE40]  }
0x251: {  	v9 =	vmax.f32 v53, $0.0e+00;
	v8 =	vld [tilespmem:$0x174A0]  }
0x252: {  	v0 =	vadd.f32 v3, v0;
	v3 =	vmul.f32 v13, v9  }
0x253: {  	v7 =	vmax.f32 v52, $0.0e+00  }
0x254: {  	v0 =	vadd.f32 v3, v0;
	v3 =	vmul.f32 v16, v7  }
0x255: {  	v1 =	vadd.f32 v2, v1;
	v5 =	vmax.f32 v5, $0.0e+00;
	v4 =	vmax.f32 v4, $0.0e+00  }
0x256: {  	v0 =	vadd.f32 v3, v0;
	v5 =	vmul.f32 v6, v5;
	v2 =	vmul.f32 v8, v4;
	_ =	sdelay $0x1  }
0x257: {  	v0 =	vadd.f32 v5, v0;
	v1 =	vadd.f32 v2, v1;
	_ =	sdelay $0x1  }
0x258: {  	v0 =	vadd.f32 v0, v1  }
0x259: {  	s5 =	simm.s32 $0x21E  }
0x25a: {  	v1 =	vor.u32 s5, v14;
	v0 =	vmul.f32 v0, v10  }
0x25b: {  	s31 =	simm.s32 $0xF780  }
0x25c: {  	[tilespmem:s31+$0x0] =	vst v0  }
0x25d: {  	v2 =	vld [tilespmem:$0x172A0]  }
0x25e: {  	v3 =	vld [tilespmem:$0x17280]  }
0x25f: {  	v1 =	vld.idx.msk [tilespmem:v1+s0+$0x0], $0xffff  }
0x260: {  	v4 =	vld [tilespmem:$0x17290]  }
0x261: {  	v16 =	vld [tilespmem:$0x17260]  }
0x262: {  	v15 =	vld [tilespmem:$0x17270]  }
0x263: {  	v18 =	vld [tilespmem:$0x17240]  }
0x264: {  	v19 =	vld [tilespmem:$0x17230]  }
0x265: {  	v22 =	vld [tilespmem:$0x17200]  }
0x266: {  	v24 =	vld [tilespmem:$0x171E0]  }
0x267: {  	v23 =	vld [tilespmem:$0x171F0]  }
0x268: {  	v26 =	vld [tilespmem:$0x171C0]  }
0x269: {  	v30 =	vld [tilespmem:$0x17180]  }
0x26a: {  	v32 =	vld [tilespmem:$0x17160]  }
0x26b: {  	s6 =	simm.s32 $0x21F;
	[tilespmem:$0x1FE50] =	vst v2;
	v2 =	vld [tilespmem:$0x172B0]  }
0x26c: {  	v0 =	vor.u32 s6, v12;
	v31 =	vld [tilespmem:$0x17170]  }
0x26d: {  	v33 =	vld [tilespmem:$0x17140]  }
0x26e: {  	s5 =	simm.s32 $0x21D;
	v34 =	vld [tilespmem:$0x17150];
	[tilespmem:$0x1FE60] =	vst v3  }
0x26f: {  	s23 =	simm.s32 $0x21C;
	s6 =	simm.s32 $0x21A;
	v36 =	vld [tilespmem:$0x17120];
	v3 =	vor.u32 s5, v54;
	[tilespmem:$0x1FE70] =	vst v4;
	s5 =	simm.s32 $0x218  }
0x270: {  	v37 =	vld [tilespmem:$0x17130];
	v4 =	vor.u32 s6, v59;
	v7 =	vor.u32 s5, v20;
	s5 =	simm.s32 $0x217;
	[tilespmem:$0x1FE80] =	vst v2;
	v2 =	vor.u32 s23, v51;
	s23 =	simm.s32 $0x21B  }
0x271: {  	v0 =	vld.idx.msk [tilespmem:v0+s0+$0x0], $0xffff;
	v10 =	vor.u32 s5, v12;
	v5 =	vor.u32 s23, v17;
	s23 =	simm.s32 $0x216  }
0x272: {  	v25 =	vmov v20;
	s6 =	simm.s32 $0x219;
	v20 =	vld [tilespmem:$0x17220];
	v9 =	vor.u32 s23, v14  }
0x273: {  	v28 =	vmov v21;
	v8 =	vor.u32 s6, v21;
	v21 =	vld [tilespmem:$0x17210]  }
0x274: {  	v3 =	vld.idx.msk [tilespmem:v3+s0+$0x0], $0xffff  }
0x275: {  	s5 =	simm.s32 $0x212;
	v4 =	vld.idx.msk [tilespmem:v4+s0+$0x0], $0xffff  }
0x276: {  	s23 =	simm.s32 $0x215;
	v38 =	vld.idx.msk [tilespmem:v10+s0+$0x0], $0xffff;
	v10 =	vor.u32 s5, v59  }
0x277: {  	s6 =	simm.s32 $0x214;
	v35 =	vld.idx.msk [tilespmem:v9+s0+$0x0], $0xffff;
	v9 =	vor.u32 s23, v54  }
0x278: {  	v13 =	vmov v17;
	v6 =	vor.u32 s6, v51;
	s6 =	simm.s32 $0x213;
	v17 =	vld [tilespmem:$0x17250]  }
0x279: {  	v27 =	vor.u32 s6, v13;
	v45 =	vld.idx.msk [tilespmem:v7+s0+$0x0], $0xffff  }
0x27a: {  	v47 =	vld.idx.msk [tilespmem:v8+s0+$0x0], $0xffff;
	s5 =	simm.s32 $0x211  }
0x27b: {  	s23 =	simm.s32 $0x210;
	v49 =	vld.idx.msk [tilespmem:v10+s0+$0x0], $0xffff;
	v10 =	vor.u32 s5, v28  }
0x27c: {  	s6 =	simm.s32 $0x20E;
	v39 =	vld.idx.msk [tilespmem:v9+s0+$0x0], $0xffff;
	v9 =	vor.u32 s23, v25  }
0x27d: {  	v29 =	vor.u32 s6, v14;
	v11 =	vld.idx.msk [tilespmem:v6+s0+$0x0], $0xffff  }
0x27e: {  	v55 =	vld.idx.msk [tilespmem:v27+s0+$0x0], $0xffff  }
0x27f: {  	v27 =	vld [tilespmem:$0x171B0];
	s5 =	simm.s32 $0x20C  }
0x280: {  	s23 =	simm.s32 $0x20F;
	v57 =	vld.idx.msk [tilespmem:v10+s0+$0x0], $0xffff;
	v10 =	vor.u32 s5, v51  }
0x281: {  	v56 =	vld.idx.msk [tilespmem:v9+s0+$0x0], $0xffff;
	v9 =	vor.u32 s23, v12  }
0x282: {  	s6 =	simm.s32 $0x20D;
	v6 =	vld.idx.msk [tilespmem:v29+s0+$0x0], $0xffff  }
0x283: {  	v52 =	vor.u32 s6, v54;
	v29 =	vld [tilespmem:$0x17190]  }
0x284: {  	v61 =	vmov v25;
	s6 =	simm.s32 $0x208;
	v2 =	vld.idx.msk [tilespmem:v2+s0+$0x0], $0xffff  }
0x285: {  	v58 =	vor.u32 s6, v61;
	s23 =	simm.s32 $0x20A;
	v40 =	vld.idx.msk [tilespmem:v10+s0+$0x0], $0xffff  }
0x286: {  	s6 =	simm.s32 $0x200;
	v7 =	vld.idx.msk [tilespmem:v9+s0+$0x0], $0xffff;
	v9 =	vor.u32 s23, v59;
	s23 =	simm.s32 $0xF510  }
0x287: {  	v62 =	vor.u32 s6, v14;
	v10 =	vld [tilespmem:s23+$0x0]  }
0x288: {  	v41 =	vld.idx.msk [tilespmem:v52+s0+$0x0], $0xffff  }
0x289: {  	v5 =	vld.idx.msk [tilespmem:v5+s0+$0x0], $0xffff  }
0x28a: {  	v44 =	vld.idx.msk [tilespmem:v58+s0+$0x0], $0xffff;
	s5 =	simm.s32 $0x20B  }
0x28b: {  	v63 =	vmov v28;
	v28 =	vld [tilespmem:$0x171A0];
	v53 =	vor.u32 s5, v13;
	s5 =	simm.s32 $0x209  }
0x28c: {  	v62 =	vld.idx.msk [tilespmem:v62+s0+$0x0], $0xffff;
	v46 =	vor.u32 s5, v63;
	v48 =	vmul.f32 v1, v10;
	v8 =	vmul.f32 v0, v10  }
0x28d: {  	v42 =	vld.idx.msk [tilespmem:v9+s0+$0x0], $0xffff;
	v9 =	vor.u32 s6, v54;
	v1 =	vmul.f32 v2, v10;
	v50 =	vmul.f32 v3, v10  }
0x28e: {  	v25 =	vld [tilespmem:$0x171D0];
	v2 =	vor.u32 s6, v51;
	v3 =	vmul.f32 v4, v10;
	v51 =	vmul.f32 v5, v10  }
0x28f: {  	v0 =	vor.u32 s6, v12;
	v58 =	vmul.f32 v45, v10;
	v60 =	vmul.f32 v11, v10;
	v11 =	vld [tilespmem:$0x1FE80]  }
0x290: {  	v43 =	vld.idx.msk [tilespmem:v53+s0+$0x0], $0xffff;
	v52 =	vmul.f32 v47, v10;
	v45 =	vor.u32 s6, v59;
	v59 =	vmul.f32 v35, v10  }
0x291: {  	v47 =	vld.idx.msk [tilespmem:v46+s0+$0x0], $0xffff;
	v53 =	vmul.f32 v38, v10;
	v46 =	vor.u32 s6, v13;
	v54 =	vmul.f32 v39, v10  }
0x292: {  	v35 =	vld [tilespmem:$0x172C0];
	v4 =	vor.u32 s6, v61;
	v61 =	vmul.f32 v49, v10;
	v55 =	vmul.f32 v55, v10  }
0x293: {  	v38 =	vld [tilespmem:$0x17100];
	v5 =	vor.u32 s6, v63;
	v63 =	vmul.f32 v56, v10;
	v56 =	vmul.f32 v57, v10  }
0x294: {  	s3 =	simm.s32 $0x41F;
	v39 =	vld [tilespmem:$0x17110];
	v57 =	vmul.f32 v6, v10;
	v49 =	vmul.f32 v7, v10;
	v12 =	vadd.f32 v11, v8  }
.LBB2_8:
0x295: {  	v0 =	vld.idx.msk [tilespmem:v0+s0+$0x0], $0xffff  }
0x296: {  	v7 =	vld [tilespmem:$0x1FE60]  }
0x297: {  	v8 =	vld [tilespmem:$0x170C0]  }
0x298: {  	v4 =	vld.idx.msk [tilespmem:v4+s0+$0x0], $0xffff;
	v16 =	vadd.f32 v16, v3;
	v18 =	vadd.f32 v18, v58  }
0x299: {  	v5 =	vld.idx.msk [tilespmem:v5+s0+$0x0], $0xffff;
	v15 =	vadd.f32 v15, v51;
	v20 =	vadd.f32 v20, v59  }
0x29a: {  	v3 =	vld [tilespmem:$0x1FE70];
	v17 =	vadd.f32 v17, v52;
	v22 =	vadd.f32 v22, v60  }
0x29b: {  	v19 =	vadd.f32 v19, v53;
	v24 =	vadd.f32 v24, v61;
	v61 =	vld.idx.msk [tilespmem:v45+s0+$0x0], $0xffff  }
0x29c: {  	v6 =	vmul.f32 v40, v10;
	v21 =	vadd.f32 v21, v54;
	v14 =	vadd.f32 v7, v1;
	v1 =	vld [tilespmem:$0x1FE50]  }
0x29d: {  	v59 =	vmul.f32 v44, v10;
	v26 =	vadd.f32 v26, v63;
	v23 =	vadd.f32 v23, v55;
	v51 =	vld [tilespmem:$0x170D0]  }
0x29e: {  	v60 =	vmul.f32 v47, v10;
	v28 =	vadd.f32 v28, v57;
	v6 =	vadd.f32 v30, v6;
	v30 =	vld [tilespmem:$0x170E0]  }
0x29f: {  	v25 =	vadd.f32 v25, v56;
	v27 =	vadd.f32 v27, v49;
	v55 =	vld [tilespmem:$0x172E0];
	v0 =	vmul.f32 v0, v10  }
0x2a0: {  	v4 =	vmul.f32 v4, v10;
	v5 =	vmul.f32 v5, v10;
	v13 =	vadd.f32 v3, v50;
	v50 =	vld.idx.msk [tilespmem:v46+s0+$0x0], $0xffff  }
0x2a1: {  	v52 =	vadd.f32 v33, v59;
	v11 =	vadd.f32 v1, v48;
	v1 =	vld.idx.msk [tilespmem:v2+s0+$0x0], $0xffff;
	v2 =	vmul.f32 v41, v10  }
0x2a2: {  	v34 =	vadd.f32 v34, v60;
	v0 =	vadd.f32 v37, v0;
	v3 =	vld.idx.msk [tilespmem:v9+s0+$0x0], $0xffff;
	v9 =	vmul.f32 v43, v10  }
0x2a3: {  	v4 =	vadd.f32 v8, v4;
	v54 =	vmul.f32 v61, v10;
	v2 =	vadd.f32 v29, v2;
	v29 =	vld [tilespmem:$0x170F0]  }
0x2a4: {  	v7 =	vmul.f32 v42, v10;
	v5 =	vadd.f32 v51, v5;
	v9 =	vadd.f32 v31, v9;
	v31 =	vld [tilespmem:$0x172D0]  }
0x2a5: {  	v56 =	vld [tilespmem:$0x172F0];
	v4 =	vmax.f32 v4, $0.0e+00;
	v48 =	vmul.f32 v62, v10;
	v30 =	vadd.f32 v30, v54  }
0x2a6: {  	v57 =	vld [tilespmem:$0x17300];
	v0 =	vmax.f32 v0, $0.0e+00;
	v4 =	vmul.f32 v35, v4;
	v8 =	vmul.f32 v50, v10  }
0x2a7: {  	v58 =	vld [tilespmem:$0x17330];
	v5 =	vmax.f32 v5, $0.0e+00;
	v53 =	vadd.f32 v36, v48;
	v30 =	vmax.f32 v30, $0.0e+00  }
0x2a8: {  	v3 =	vmul.f32 v3, v10;
	v1 =	vmul.f32 v1, v10;
	v8 =	vadd.f32 v29, v8;
	v29 =	vld [tilespmem:$0x17310]  }
0x2a9: {  	v4 =	vadd.f32 $0.0e+00, v4;
	v30 =	vmul.f32 v55, v30;
	v5 =	vmul.f32 v31, v5;
	v31 =	vld [tilespmem:$0x17320]  }
0x2aa: {  	v3 =	vadd.f32 v39, v3;
	v1 =	vadd.f32 v38, v1;
	v8 =	vmax.f32 v8, $0.0e+00  }
0x2ab: {  	v59 =	vld [tilespmem:$0x17340];
	v33 =	vmax.f32 v53, $0.0e+00;
	v5 =	vadd.f32 $0.0e+00, v5;
	v8 =	vmul.f32 v56, v8  }
0x2ac: {  	v60 =	vld [tilespmem:$0x17350];
	v4 =	vadd.f32 v30, v4;
	v3 =	vmax.f32 v3, $0.0e+00;
	v1 =	vmax.f32 v1, $0.0e+00  }
0x2ad: {  	v1 =	vmul.f32 v57, v1;
	v5 =	vadd.f32 v8, v5;
	v3 =	vmul.f32 v29, v3;
	v8 =	vld [tilespmem:$0x17360]  }
0x2ae: {  	v7 =	vadd.f32 v32, v7;
	v0 =	vmul.f32 v58, v0;
	v29 =	vmul.f32 v31, v33;
	v31 =	vld [tilespmem:$0x17370]  }
0x2af: {  	v30 =	vmax.f32 v52, $0.0e+00;
	v1 =	vadd.f32 v1, v4;
	v4 =	vld [tilespmem:$0x17380];
	v3 =	vadd.f32 v3, v5  }
0x2b0: {  	v7 =	vmax.f32 v7, $0.0e+00;
	v61 =	vld [tilespmem:$0x17390];
	v30 =	vmul.f32 v59, v30;
	v5 =	vmax.f32 v34, $0.0e+00  }
0x2b1: {  	v1 =	vadd.f32 v29, v1;
	v0 =	vadd.f32 v0, v3;
	v3 =	vmul.f32 v60, v5;
	v5 =	vld [tilespmem:$0x173A0]  }
0x2b2: {  	v6 =	vmax.f32 v6, $0.0e+00;
	v9 =	vmax.f32 v9, $0.0e+00;
	v7 =	vmul.f32 v8, v7;
	v8 =	vld [tilespmem:$0x173B0]  }
0x2b3: {  	v1 =	vadd.f32 v30, v1;
	v0 =	vadd.f32 v3, v0;
	v3 =	vmul.f32 v31, v9;
	v9 =	vld [tilespmem:$0x173C0]  }
0x2b4: {  	v2 =	vmax.f32 v2, $0.0e+00;
	v4 =	vmul.f32 v4, v6;
	v6 =	vmax.f32 v28, $0.0e+00;
	v28 =	vld [tilespmem:$0x173D0]  }
0x2b5: {  	v2 =	vmul.f32 v61, v2;
	v1 =	vadd.f32 v7, v1;
	v0 =	vadd.f32 v3, v0;
	v3 =	vld [tilespmem:$0x173E0]  }
0x2b6: {  	v7 =	vmax.f32 v27, $0.0e+00;
	v5 =	vmul.f32 v5, v6;
	v6 =	vmax.f32 v26, $0.0e+00;
	v26 =	vld [tilespmem:$0x173F0]  }
0x2b7: {  	v1 =	vadd.f32 v4, v1;
	v4 =	vld [tilespmem:$0x17400];
	v0 =	vadd.f32 v2, v0;
	v2 =	vmul.f32 v8, v7  }
0x2b8: {  	v7 =	vmax.f32 v25, $0.0e+00;
	v8 =	vmax.f32 v24, $0.0e+00;
	v6 =	vmul.f32 v9, v6;
	v9 =	vld [tilespmem:$0x17410]  }
0x2b9: {  	v1 =	vadd.f32 v5, v1;
	v5 =	vld [tilespmem:$0x17420];
	v0 =	vadd.f32 v2, v0;
	v2 =	vmul.f32 v28, v7  }
0x2ba: {  	v7 =	vmax.f32 v23, $0.0e+00;
	v3 =	vmul.f32 v3, v8;
	v8 =	vmax.f32 v22, $0.0e+00;
	v22 =	vld [tilespmem:$0x17430]  }
0x2bb: {  	v1 =	vadd.f32 v6, v1;
	v6 =	vld [tilespmem:$0x17440];
	v0 =	vadd.f32 v2, v0;
	v2 =	vmul.f32 v26, v7  }
0x2bc: {  	v7 =	vmax.f32 v21, $0.0e+00;
	v4 =	vmul.f32 v4, v8;
	v8 =	vmax.f32 v20, $0.0e+00;
	v20 =	vld [tilespmem:$0x17450]  }
0x2bd: {  	v1 =	vadd.f32 v3, v1;
	v3 =	vld [tilespmem:$0x17460];
	v0 =	vadd.f32 v2, v0;
	v2 =	vmul.f32 v9, v7  }
0x2be: {  	v7 =	vmax.f32 v19, $0.0e+00;
	v5 =	vmul.f32 v5, v8;
	v8 =	vmax.f32 v18, $0.0e+00;
	v9 =	vld [tilespmem:$0x17470]  }
0x2bf: {  	v1 =	vadd.f32 v4, v1;
	v4 =	vld [tilespmem:$0x17480];
	v0 =	vadd.f32 v2, v0;
	v2 =	vmul.f32 v22, v7  }
0x2c0: {  	v7 =	vmax.f32 v17, $0.0e+00;
	v6 =	vmul.f32 v6, v8;
	v8 =	vmax.f32 v16, $0.0e+00;
	v16 =	vld [tilespmem:$0x17490]  }
0x2c1: {  	v1 =	vadd.f32 v5, v1;
	v5 =	vld [tilespmem:$0x174B0];
	v0 =	vadd.f32 v2, v0;
	v2 =	vmul.f32 v20, v7  }
0x2c2: {  	v7 =	vmax.f32 v15, $0.0e+00;
	v3 =	vmul.f32 v3, v8;
	v8 =	vmax.f32 v14, $0.0e+00;
	v14 =	vld [tilespmem:$0x174A0]  }
0x2c3: {  	v1 =	vadd.f32 v6, v1;
	v0 =	vadd.f32 v2, v0;
	v2 =	vmul.f32 v9, v7  }
0x2c4: {  	v6 =	vmax.f32 v13, $0.0e+00;
	v4 =	vmul.f32 v4, v8;
	v7 =	vmax.f32 v12, $0.0e+00  }
0x2c5: {  	v1 =	vadd.f32 v3, v1;
	v0 =	vadd.f32 v2, v0;
	v2 =	vmul.f32 v16, v6  }
0x2c6: {  	v3 =	vmax.f32 v11, $0.0e+00;
	v5 =	vmul.f32 v5, v7  }
0x2c7: {  	v1 =	vadd.f32 v4, v1;
	v0 =	vadd.f32 v2, v0;
	v2 =	vmul.f32 v14, v3  }
0x2c8: {  	v45 =	vld [tilespmem:$0x1FFD0]  }
0x2c9: {  	v47 =	vld [tilespmem:$0x1FFA0];
	v1 =	vadd.f32 v2, v1;
	v0 =	vadd.f32 v5, v0  }
0x2ca: {  	v63 =	vld [tilespmem:$0x1FF90]  }
0x2cb: {  	v37 =	vld [tilespmem:$0x1FFC0];
	v0 =	vadd.f32 v0, v1  }
0x2cc: {  	v54 =	vld [tilespmem:$0x1FFB0]  }
0x2cd: {  	v36 =	vld [tilespmem:$0x1FFF0];
	v0 =	vmul.f32 v0, v10  }
0x2ce: {  	s31 =	sadd.s32 $0x10, s31;
	v61 =	vld [tilespmem:$0x1FF70]  }
0x2cf: {  	v14 =	vld [tilespmem:$0x1FFE0];
	[tilespmem:s31+$0x0] =	vst v0  }
0x2d0: {  	v2 =	vld [tilespmem:$0x172A0]  }
0x2d1: {  	v3 =	vld [tilespmem:$0x17280]  }
0x2d2: {  	v16 =	vld [tilespmem:$0x17260]  }
0x2d3: {  	v15 =	vld [tilespmem:$0x17270]  }
0x2d4: {  	v18 =	vld [tilespmem:$0x17240]  }
0x2d5: {  	v17 =	vld [tilespmem:$0x17250]  }
0x2d6: {  	v20 =	vld [tilespmem:$0x17220]  }
0x2d7: {  	s5 =	sadd.s32 $0xFFFFFFFF, s3;
	[tilespmem:$0x1FE50] =	vst v2;
	v2 =	vld [tilespmem:$0x172B0]  }
0x2d8: {  	v1 =	vor.u32 s5, v14;
	v19 =	vld [tilespmem:$0x17230]  }
0x2d9: {  	v22 =	vld [tilespmem:$0x17200]  }
0x2da: {  	v21 =	vld [tilespmem:$0x17210]  }
0x2db: {  	s6 =	sadd.s32 $0xFFFFFFFD, s3;
	[tilespmem:$0x1FE60] =	vst v3;
	v3 =	vld [tilespmem:$0x17290]  }
0x2dc: {  	v24 =	vld [tilespmem:$0x171E0];
	[tilespmem:$0x1FDA0] =	vst v2;
	v2 =	vor.u32 s6, v37;
	s6 =	sadd.s32 $0xFFFFFFFE, s3  }
0x2dd: {  	v35 =	vld.idx.msk [tilespmem:v1+s0+$0x0], $0xffff;
	v1 =	vor.u32 s6, v45  }
0x2de: {  	v23 =	vld [tilespmem:$0x171F0]  }
0x2df: {  	v26 =	vld [tilespmem:$0x171C0];
	s6 =	sadd.s32 $0xFFFFFFFB, s3  }
0x2e0: {  	v25 =	vld [tilespmem:$0x171D0];
	[tilespmem:$0x1FE70] =	vst v3;
	v3 =	vor.u32 s6, v47;
	s6 =	sadd.s32 $0xFFFFFFFC, s3  }
0x2e1: {  	v28 =	vld [tilespmem:$0x171A0];
	v4 =	vor.u32 s6, v54;
	s6 =	sadd.s32 $0xFFFFFFF9, s3  }
0x2e2: {  	v5 =	vld.idx.msk [tilespmem:v1+s0+$0x0], $0xffff;
	v1 =	vor.u32 s6, v61  }
0x2e3: {  	v27 =	vld [tilespmem:$0x171B0]  }
0x2e4: {  	v30 =	vld [tilespmem:$0x17180];
	s6 =	sadd.s32 $0xFFFFFFFA, s3  }
0x2e5: {  	v29 =	vld [tilespmem:$0x17190];
	v6 =	vor.u32 s6, v63;
	s6 =	sadd.s32 $0xFFFFFFF7, s3  }
0x2e6: {  	v0 =	vor.u32 s3, v36;
	v32 =	vld [tilespmem:$0x17160];
	v7 =	vor.u32 s6, v14;
	s6 =	sadd.s32 $0xFFFFFFF8, s3  }
0x2e7: {  	v8 =	vld.idx.msk [tilespmem:v1+s0+$0x0], $0xffff;
	v1 =	vor.u32 s6, v36;
	s6 =	sadd.s32 $0xFFFFFFF5, s3  }
0x2e8: {  	v31 =	vld [tilespmem:$0x17170];
	v9 =	vor.u32 s6, v37;
	s6 =	sadd.s32 $0xFFFFFFF6, s3  }
0x2e9: {  	v33 =	vld [tilespmem:$0x17140];
	v10 =	vor.u32 s6, v45  }
0x2ea: {  	v34 =	vld [tilespmem:$0x17150]  }
0x2eb: {  	v0 =	vld.idx.msk [tilespmem:v0+s0+$0x0], $0xffff;
	s6 =	sadd.s32 $0xFFFFFFF3, s3  }
0x2ec: {  	v38 =	vld.idx.msk [tilespmem:v1+s0+$0x0], $0xffff;
	v1 =	vor.u32 s6, v47;
	s6 =	sadd.s32 $0xFFFFFFF4, s3  }
0x2ed: {  	v39 =	vld.idx.msk [tilespmem:v9+s0+$0x0], $0xffff;
	v9 =	vor.u32 s6, v54;
	s6 =	sadd.s32 $0xFFFFFFF1, s3  }
0x2ee: {  	v49 =	vld.idx.msk [tilespmem:v10+s0+$0x0], $0xffff;
	v10 =	vor.u32 s6, v61  }
0x2ef: {  	v2 =	vld.idx.msk [tilespmem:v2+s0+$0x0], $0xffff  }
0x2f0: {  	v3 =	vld.idx.msk [tilespmem:v3+s0+$0x0], $0xffff;
	s6 =	sadd.s32 $0xFFFFFFF2, s3  }
0x2f1: {  	v55 =	vld.idx.msk [tilespmem:v1+s0+$0x0], $0xffff;
	v1 =	vor.u32 s6, v63;
	s6 =	sadd.s32 $0xFFFFFFEF, s3  }
0x2f2: {  	v56 =	vld.idx.msk [tilespmem:v9+s0+$0x0], $0xffff;
	v9 =	vor.u32 s6, v14;
	s6 =	sadd.s32 $0xFFFFFFF0, s3  }
0x2f3: {  	v57 =	vld.idx.msk [tilespmem:v10+s0+$0x0], $0xffff;
	v10 =	vor.u32 s6, v36  }
0x2f4: {  	v4 =	vld.idx.msk [tilespmem:v4+s0+$0x0], $0xffff  }
0x2f5: {  	v6 =	vld.idx.msk [tilespmem:v6+s0+$0x0], $0xffff;
	s6 =	sadd.s32 $0xFFFFFFED, s3  }
0x2f6: {  	v12 =	vld.idx.msk [tilespmem:v1+s0+$0x0], $0xffff;
	v1 =	vor.u32 s6, v37;
	s6 =	sadd.s32 $0xFFFFFFEE, s3  }
0x2f7: {  	v11 =	vld.idx.msk [tilespmem:v9+s0+$0x0], $0xffff;
	v9 =	vor.u32 s6, v45;
	s6 =	sadd.s32 $0xFFFFFFEB, s3  }
0x2f8: {  	s23 =	sadd.s32 $0x10, s23;
	v13 =	vld.idx.msk [tilespmem:v10+s0+$0x0], $0xffff;
	v62 =	vor.u32 s6, v47  }
0x2f9: {  	v10 =	vld [tilespmem:s23+$0x0]  }
0x2fa: {  	v7 =	vld.idx.msk [tilespmem:v7+s0+$0x0], $0xffff;
	s6 =	sadd.s32 $0xFFFFFFEC, s3  }
0x2fb: {  	v40 =	vld.idx.msk [tilespmem:v1+s0+$0x0], $0xffff;
	v1 =	vor.u32 s6, v54;
	s6 =	sadd.s32 $0xFFFFFFE9, s3  }
0x2fc: {  	v41 =	vld.idx.msk [tilespmem:v9+s0+$0x0], $0xffff;
	v9 =	vor.u32 s6, v61;
	s6 =	sadd.s32 $0xFFFFFFE1, s3  }
0x2fd: {  	v42 =	vld.idx.msk [tilespmem:v62+s0+$0x0], $0xffff;
	v62 =	vor.u32 s6, v14  }
0x2fe: {  	v48 =	vmul.f32 v35, v10;
	v14 =	vmul.f32 v0, v10;
	v0 =	vor.u32 s6, v36;
	v36 =	vld [tilespmem:$0x17120]  }
0x2ff: {  	v50 =	vmul.f32 v5, v10;
	v3 =	vmul.f32 v3, v10;
	v35 =	vld [tilespmem:$0x172C0]  }
0x300: {  	s5 =	sadd.s32 $0xFFFFFFEA, s3;
	v51 =	vmul.f32 v4, v10;
	v53 =	vmul.f32 v38, v10;
	v38 =	vld [tilespmem:$0x17100]  }
0x301: {  	v46 =	vor.u32 s5, v63;
	v58 =	vmul.f32 v8, v10;
	v60 =	vmul.f32 v39, v10;
	v39 =	vld [tilespmem:$0x17110]  }
0x302: {  	p0 =	sne.s32 s3, $0x261F;
	v52 =	vmul.f32 v6, v10;
	v59 =	vmul.f32 v7, v10;
	v4 =	vor.u32 s6, v61;
	v6 =	vld [tilespmem:$0x1FDA0]  }
.Ltmp3:
0x303: {  	v61 =	vmul.f32 v55, v10;
	v55 =	vmul.f32 v56, v10;
	v5 =	vor.u32 s6, v63;
	v43 =	vld.idx.msk [tilespmem:v1+s0+$0x0], $0xffff;
	(pc) =	sbr.rel @p0 .LBB2_8-.Ltmp3, $4  }
0x304: {  	v63 =	vmul.f32 v57, v10;
	v1 =	vmul.f32 v2, v10;
	v2 =	vor.u32 s6, v37;
	v37 =	vld [tilespmem:$0x17130]  }
0x305: {  	v56 =	vmul.f32 v12, v10;
	v57 =	vmul.f32 v11, v10;
	v44 =	vld.idx.msk [tilespmem:v9+s0+$0x0], $0xffff  }
0x306: {  	v9 =	vor.u32 s6, v45;
	v45 =	vor.u32 s6, v47;
	v47 =	vld.idx.msk [tilespmem:v46+s0+$0x0], $0xffff;
	v46 =	vor.u32 s6, v54  }
0x307: {  	s3 =	sadd.s32 $0x200, s3;
	v54 =	vmul.f32 v49, v10;
	v49 =	vmul.f32 v13, v10;
	v62 =	vld.idx.msk [tilespmem:v62+s0+$0x0], $0xffff;
	v12 =	vadd.f32 v6, v14  }
0x308: {  	_ =	sdelay $0x3  }
0x309: {  	v6 =	vld.idx.msk [tilespmem:v0+s0+$0x0], $0xffff  }
0x30a: {  	v0 =	vld [tilespmem:$0x1FE60]  }
0x30b: {  	v16 =	vadd.f32 v16, v3;
	v3 =	vld [tilespmem:$0x1FE70];
	v18 =	vadd.f32 v18, v58  }
0x30c: {  	v15 =	vadd.f32 v15, v51;
	v20 =	vadd.f32 v20, v59;
	v4 =	vld.idx.msk [tilespmem:v4+s0+$0x0], $0xffff  }
0x30d: {  	v17 =	vadd.f32 v17, v52;
	v22 =	vadd.f32 v22, v60;
	v5 =	vld.idx.msk [tilespmem:v5+s0+$0x0], $0xffff  }
0x30e: {  	v19 =	vadd.f32 v19, v53;
	v24 =	vadd.f32 v24, v61;
	v53 =	vld.idx.msk [tilespmem:v45+s0+$0x0], $0xffff  }
0x30f: {  	v7 =	vmul.f32 v40, v10;
	v26 =	vadd.f32 v26, v63;
	v23 =	vadd.f32 v23, v55;
	v55 =	vld.idx.msk [tilespmem:v46+s0+$0x0], $0xffff  }
0x310: {  	v8 =	vmul.f32 v42, v10;
	v28 =	vadd.f32 v28, v57;
	v25 =	vadd.f32 v25, v56;
	v56 =	vld [tilespmem:$0x170D0]  }
0x311: {  	v11 =	vmul.f32 v43, v10;
	v57 =	vld [tilespmem:$0x170E0];
	v21 =	vadd.f32 v21, v54;
	v27 =	vadd.f32 v27, v49  }
0x312: {  	v58 =	vld [tilespmem:$0x170F0];
	v51 =	vmul.f32 v44, v10;
	v7 =	vadd.f32 v30, v7;
	v8 =	vadd.f32 v32, v8  }
0x313: {  	v11 =	vadd.f32 v31, v11;
	v52 =	vmul.f32 v47, v10;
	v14 =	vadd.f32 v0, v1;
	v1 =	vld.idx.msk [tilespmem:v2+s0+$0x0], $0xffff  }
0x314: {  	v54 =	vmul.f32 v62, v10;
	v2 =	vmul.f32 v41, v10;
	v13 =	vadd.f32 v3, v50;
	v50 =	vld [tilespmem:$0x170C0]  }
0x315: {  	v60 =	vld [tilespmem:$0x172D0];
	v59 =	vadd.f32 v33, v51;
	v6 =	vmul.f32 v6, v10;
	v4 =	vmul.f32 v4, v10  }
0x316: {  	v3 =	vld.idx.msk [tilespmem:v9+s0+$0x0], $0xffff;
	v5 =	vmul.f32 v5, v10;
	v34 =	vadd.f32 v34, v52;
	v62 =	vmul.f32 v53, v10  }
0x317: {  	v63 =	vld [tilespmem:$0x172E0];
	v41 =	vmul.f32 v55, v10;
	v61 =	vadd.f32 v36, v54;
	v6 =	vadd.f32 v37, v6  }
0x318: {  	v42 =	vld [tilespmem:$0x172F0];
	v8 =	vmax.f32 v8, $0.0e+00;
	v5 =	vadd.f32 v56, v5;
	v30 =	vadd.f32 v57, v62  }
0x319: {  	v0 =	vld [tilespmem:$0x1FE50];
	v9 =	vadd.f32 v58, v41;
	v33 =	vmax.f32 v61, $0.0e+00;
	v4 =	vadd.f32 v50, v4  }
0x31a: {  	v43 =	vld [tilespmem:$0x17300];
	v5 =	vmax.f32 v5, $0.0e+00;
	v30 =	vmax.f32 v30, $0.0e+00;
	v1 =	vmul.f32 v1, v10  }
0x31b: {  	v44 =	vld [tilespmem:$0x17310];
	v3 =	vmul.f32 v3, v10;
	v5 =	vmul.f32 v60, v5;
	v4 =	vmax.f32 v4, $0.0e+00  }
0x31c: {  	v45 =	vld [tilespmem:$0x17320];
	v9 =	vmax.f32 v9, $0.0e+00;
	v1 =	vadd.f32 v38, v1;
	v4 =	vmul.f32 v35, v4  }
0x31d: {  	v46 =	vld [tilespmem:$0x17330];
	v9 =	vmul.f32 v42, v9;
	v3 =	vadd.f32 v39, v3;
	v5 =	vadd.f32 $0.0e+00, v5  }
0x31e: {  	v0 =	vadd.f32 v0, v48;
	v30 =	vmul.f32 v63, v30;
	v48 =	vld [tilespmem:$0x17350];
	v4 =	vadd.f32 $0.0e+00, v4  }
0x31f: {  	v47 =	vld [tilespmem:$0x17340];
	v1 =	vmax.f32 v1, $0.0e+00;
	v3 =	vmax.f32 v3, $0.0e+00;
	v5 =	vadd.f32 v9, v5  }
0x320: {  	v49 =	vld [tilespmem:$0x17360];
	v1 =	vmul.f32 v43, v1;
	v3 =	vmul.f32 v44, v3;
	v4 =	vadd.f32 v30, v4  }
0x321: {  	v52 =	vld [tilespmem:$0x17370];
	v55 =	vmax.f32 v34, $0.0e+00;
	v6 =	vmax.f32 v6, $0.0e+00;
	v50 =	vmul.f32 v45, v33  }
0x322: {  	v56 =	vld [tilespmem:$0x17390];
	v53 =	vmul.f32 v46, v6;
	v3 =	vadd.f32 v3, v5;
	v1 =	vadd.f32 v1, v4  }
0x323: {  	v51 =	vmax.f32 v59, $0.0e+00;
	v54 =	vld [tilespmem:$0x17380];
	v2 =	vadd.f32 v29, v2;
	v57 =	vmul.f32 v48, v55  }
0x324: {  	v58 =	vld [tilespmem:$0x173A0];
	v30 =	vmul.f32 v47, v51;
	v3 =	vadd.f32 v53, v3;
	v1 =	vadd.f32 v50, v1  }
0x325: {  	v11 =	vmax.f32 v11, $0.0e+00;
	v8 =	vmul.f32 v49, v8;
	v59 =	vld [tilespmem:$0x173B0];
	v2 =	vmax.f32 v2, $0.0e+00  }
0x326: {  	v61 =	vld [tilespmem:$0x173C0];
	v60 =	vmul.f32 v52, v11;
	v3 =	vadd.f32 v57, v3;
	v1 =	vadd.f32 v30, v1  }
0x327: {  	v7 =	vmax.f32 v7, $0.0e+00;
	v62 =	vmax.f32 v28, $0.0e+00;
	v63 =	vld [tilespmem:$0x173D0];
	v2 =	vmul.f32 v56, v2  }
0x328: {  	v33 =	vld [tilespmem:$0x173E0];
	v5 =	vmul.f32 v54, v7;
	v3 =	vadd.f32 v60, v3;
	v1 =	vadd.f32 v8, v1  }
0x329: {  	v36 =	vld [tilespmem:$0x173F0];
	v34 =	vmax.f32 v27, $0.0e+00;
	v6 =	vmul.f32 v58, v62;
	v35 =	vmax.f32 v26, $0.0e+00  }
0x32a: {  	v37 =	vld [tilespmem:$0x17400];
	v2 =	vadd.f32 v2, v3;
	v3 =	vmul.f32 v59, v34;
	v1 =	vadd.f32 v5, v1  }
0x32b: {  	v40 =	vld [tilespmem:$0x17410];
	v38 =	vmax.f32 v25, $0.0e+00;
	v39 =	vmax.f32 v24, $0.0e+00;
	v7 =	vmul.f32 v61, v35  }
0x32c: {  	v41 =	vld [tilespmem:$0x17420];
	v2 =	vadd.f32 v3, v2;
	v3 =	vmul.f32 v63, v38;
	v1 =	vadd.f32 v6, v1  }
0x32d: {  	v42 =	vmax.f32 v23, $0.0e+00;
	v43 =	vmax.f32 v22, $0.0e+00;
	v44 =	vld [tilespmem:$0x17430];
	v4 =	vmul.f32 v33, v39  }
0x32e: {  	v45 =	vld [tilespmem:$0x17440];
	v2 =	vadd.f32 v3, v2;
	v3 =	vmul.f32 v36, v42;
	v1 =	vadd.f32 v7, v1  }
0x32f: {  	v46 =	vmax.f32 v21, $0.0e+00;
	v48 =	vld [tilespmem:$0x17450];
	v47 =	vmax.f32 v20, $0.0e+00;
	v5 =	vmul.f32 v37, v43  }
0x330: {  	v49 =	vld [tilespmem:$0x17460];
	v2 =	vadd.f32 v3, v2;
	v3 =	vmul.f32 v40, v46;
	v1 =	vadd.f32 v4, v1  }
0x331: {  	v52 =	vld [tilespmem:$0x17470];
	v51 =	vmax.f32 v18, $0.0e+00;
	v50 =	vmax.f32 v19, $0.0e+00;
	v6 =	vmul.f32 v41, v47  }
0x332: {  	v53 =	vld [tilespmem:$0x17480];
	v2 =	vadd.f32 v3, v2;
	v3 =	vmul.f32 v44, v50;
	v1 =	vadd.f32 v5, v1  }
0x333: {  	v56 =	vld [tilespmem:$0x17490];
	v55 =	vmax.f32 v16, $0.0e+00;
	v54 =	vmax.f32 v17, $0.0e+00;
	v7 =	vmul.f32 v45, v51  }
0x334: {  	v57 =	vld [tilespmem:$0x174B0];
	v2 =	vadd.f32 v3, v2;
	v3 =	vmul.f32 v48, v54;
	v1 =	vadd.f32 v6, v1  }
0x335: {  	v58 =	vmax.f32 v15, $0.0e+00;
	v60 =	vld [tilespmem:$0x174A0];
	v59 =	vmax.f32 v14, $0.0e+00;
	v4 =	vmul.f32 v49, v55  }
0x336: {  	v2 =	vadd.f32 v3, v2;
	v3 =	vmul.f32 v52, v58;
	v1 =	vadd.f32 v7, v1  }
0x337: {  	v62 =	vmax.f32 v12, $0.0e+00;
	v61 =	vmax.f32 v13, $0.0e+00;
	v5 =	vmul.f32 v53, v59  }
0x338: {  	v2 =	vadd.f32 v3, v2;
	v3 =	vmul.f32 v56, v61;
	v1 =	vadd.f32 v4, v1  }
0x339: {  	v0 =	vmax.f32 v0, $0.0e+00;
	v63 =	vmul.f32 v57, v62  }
0x33a: {  	v0 =	vmul.f32 v60, v0;
	v2 =	vadd.f32 v3, v2;
	v1 =	vadd.f32 v5, v1;
	_ =	sdelay $0x1  }
0x33b: {  	v0 =	vadd.f32 v0, v1;
	v1 =	vadd.f32 v63, v2;
	_ =	sdelay $0x1  }
0x33c: {  	v0 =	vadd.f32 v1, v0;
	_ =	sdelay $0x1  }
0x33d: {  	v0 =	vmul.f32 v0, v10  }
0x33e: {  	s3 =	sadd.s32 $0x10, s31  }
0x33f: {  	s23 =	simm.s32 $0xF640;
	[tilespmem:s3+$0x0] =	vst v0  }
0x340: {  	[spmem:s17] =	stream.linear.scatter [tilespmem:s23], [sflag:$0x1], $0x280, $0x38;
	[tilespmem:$0x19F50] =	vst v63  }
0x341: {  	_ =	swait.ge [sflag:s24], $0x280  }
0x342: {  	[sflag:s24] =	ssyncset.done $0x0  }
0x343: {  	[sflag:s24] =	ssyncadd.s32 $0xFFFFFD80  }
0x344: {  	[bflag:$0x0] =	sbarrier.arrive $0xFFFF  }
0x345: {  	s31 =	simm.s32 $0x0;
	s5 =	rddreg [dreg:$0x2]  }
0x346: {  	[tilespmem:s31], [sflag:$0x1] =	stream.linear.gather [spmem:s5], $0x2800, $0x38;
	[tilespmem:$0x19F50] =	vst v63  }
0x347: {  	_ =	swait.ge [sflag:s24], $0x2800  }
0x348: {  	[sflag:s24] =	ssyncset.done $0x0  }
0x349: {  	s3 =	simm.s32 $0x40;
	v0 =	vimm.f32 $0.0e+00;
	s23 =	simm.s32 $0x0;
	[sflag:s24] =	ssyncadd.s32 $0xFFFFD800  }
.LBB2_10:
0x34a: {  	p0 =	sne.s32 s3, $0x9FC0;
	[tilespmem:s23+$0xC440] =	vst v0;
	s5 =	smov.u32 s3;
	s3 =	sadd.s32 $0x40, s3  }
.Ltmp4:
0x34b: {  	(pc) =	sbr.rel @p0 .LBB2_10-.Ltmp4, $2  }
0x34c: {  	_ =	sdelay $0x2  }
0x34d: {  	s23 =	sshra.s32 s5, $0x2  }
0x34e: {  	[tilespmem:s23+$0xC440] =	vst v0;
	s3 =	simm.s32 $0x0  }
0x34f: {  	v0 =	vld [tilespmem:s3+$0x2800];
	_ =	sdelay $0x4  }
0x350: {  	v1 =	vld [tilespmem:s3+$0x7620]  }
0x351: {  	v2 =	vld [tilespmem:s3+$0x2810]  }
0x352: {  	v4 =	vld [tilespmem:$0x1FF80]  }
0x353: {  	v3 =	vld.idx.msk [tilespmem:v0+s4+$0x0], $0xffff;
	_ =	sdelay $0x1  }
0x354: {  	v51 =	vld [tilespmem:$0x1FFE0]  }
0x355: {  	v36 =	vld [tilespmem:$0x1FFF0]  }
0x356: {  	v0 =	vld [tilespmem:s3+$0x7630]  }
0x357: {  	[tilespmem:v1+s25+$0x0] =	vst.idx.add.f32.msk $0xffff, v3  }
0x358: {  	s23 =	simm.s32 $0x100;
	s3 =	simm.s32 $0x80;
	v1 =	vld.idx.msk [tilespmem:v2+s4+$0x0], $0xffff  }
.LBB2_12:
0x359: {  	_ =	sdelay $0x3  }
0x35a: {  	p0 =	sne.s32 s23, $0x13800  }
0x35b: {  	s5 =	sshra.s32 s3, $0x2;
	s3 =	smov.u32 s23;
	s23 =	sadd.s32 $0x80, s23;
	[tilespmem:v0+s25+$0x0] =	vst.idx.add.f32.msk $0xffff, v1  }
0x35c: {  	v0 =	vld [tilespmem:s5+$0x2800];
	_ =	sdelay $0x5  }
0x35d: {  	v1 =	vld [tilespmem:s5+$0x7620]  }
0x35e: {  	v2 =	vld [tilespmem:s5+$0x2810]  }
0x35f: {  	v3 =	vld.idx.msk [tilespmem:v0+s4+$0x0], $0xffff;
	_ =	sdelay $0x2  }
.Ltmp5:
0x360: {  	(pc) =	sbr.rel @p0 .LBB2_12-.Ltmp5, $4  }
0x361: {  	_ = 	snop  }
0x362: {  	v0 =	vld [tilespmem:s5+$0x7630]  }
0x363: {  	[tilespmem:v1+s25+$0x0] =	vst.idx.add.f32.msk $0xffff, v3  }
0x364: {  	v1 =	vld.idx.msk [tilespmem:v2+s4+$0x0], $0xffff  }
0x365: {  	_ =	sdelay $0x5  }
0x366: {  	s3 =	sshra.s32 s3, $0x2;
	[tilespmem:v0+s25+$0x0] =	vst.idx.add.f32.msk $0xffff, v1  }
0x367: {  	v0 =	vld [tilespmem:s3+$0x2800];
	_ =	sdelay $0x4  }
0x368: {  	v1 =	vld [tilespmem:s3+$0x7620]  }
0x369: {  	v2 =	vld [tilespmem:s3+$0x2810];
	_ =	sdelay $0x1  }
0x36a: {  	v0 =	vld.idx.msk [tilespmem:v0+s4+$0x0], $0xffff;
	_ =	sdelay $0x2  }
0x36b: {  	v3 =	vld [tilespmem:s3+$0x7630];
	_ =	sdelay $0x1  }
0x36c: {  	[tilespmem:v1+s25+$0x0] =	vst.idx.add.f32.msk $0xffff, v0  }
0x36d: {  	v0 =	vld.idx.msk [tilespmem:v2+s4+$0x0], $0xffff;
	_ =	sdelay $0x4  }
0x36e: {  	[tilespmem:v3+s25+$0x0] =	vst.idx.add.f32.msk $0xffff, v0  }
0x36f: {  	[spmem:s18] =	stream.linear.scatter [tilespmem:s25], [sflag:$0x1], $0x2800, $0x38;
	[tilespmem:$0x19F50] =	vst v63  }
0x370: {  	_ =	swait.ge [sflag:s24], $0x2800  }
0x371: {  	[sflag:s24] =	ssyncset.done $0x0  }
0x372: {  	[sflag:s24] =	ssyncadd.s32 $0xFFFFD800  }
0x373: {  	[bflag:$0x0] =	sbarrier.arrive $0xFFFF  }
0x374: {  	[tilespmem:s26], [sflag:$0x1] =	stream.linear.gather [spmem:s19], $0x280, $0x38;
	[tilespmem:$0x19F50] =	vst v63  }
0x375: {  	_ =	swait.ge [sflag:s24], $0x280  }
0x376: {  	[sflag:s24] =	ssyncset.done $0x0  }
0x377: {  	s3 =	simm.s32 $0x0;
	[sflag:s24] =	ssyncadd.s32 $0xFFFFFD80  }
.LBB2_15:
0x378: {  	s3 =	sadd.s32 $0x1, s3  }
0x379: {  	s5 =	smul.u32 $0xA000, s3;
	_ =	sdelay $0x1  }
0x37a: {  	s5 =	sshra.s32 s5, $0x2  }
0x37b: {  	s5 =	sadd.s32 s5, s19  }
0x37c: {  	[tilespmem:s28], [sflag:$0x1] =	stream.linear.gather [spmem:s5], $0x280, $0x38;
	[tilespmem:$0x19F50] =	vst v63  }
0x37d: {  	_ =	swait.ge [sflag:s24], $0x280  }
0x37e: {  	[sflag:s24] =	ssyncset.done $0x0  }
0x37f: {  	s23 =	simm.s32 $0x0;
	[sflag:s24] =	ssyncadd.s32 $0xFFFFFD80  }
0x380: {  	s31 =	simm.s32 $0x40;
	v0 =	vld [tilespmem:s23+$0xEC40]  }
.LBB2_16:
0x381: {  	p0 =	seq.s32 s31, $0x9C0;
	v1 =	vld [tilespmem:s23+$0xEEC0];
	_ =	sdelay $0x2  }
.Ltmp6:
0x382: {  	(pc) =	sbr.rel @!p0 .LBB2_16-.Ltmp6, $4  }
0x383: {  	_ = 	snop  }
0x384: {  	v1 =	vadd.f32 v0, v1  }
0x385: {  	s5 =	sshra.s32 s31, $0x2  }
0x386: {  	s31 =	sadd.s32 $0x40, s31;
	v0 =	vld [tilespmem:s5+$0xEC40];
	[tilespmem:s23+$0xEEC0] =	vst v1;
	s23 =	smov.u32 s5  }
0x387: {  	v1 =	vld [tilespmem:s23+$0xEEC0];
	_ =	sdelay $0x4  }
0x388: {  	v0 =	vadd.f32 v0, v1;
	_ =	sdelay $0x1  }
0x389: {  	[tilespmem:s23+$0xEEC0] =	vst v0  }
0x38a: {  	p0 =	seq.s32 s3, $0xF  }
.Ltmp7:
0x38b: {  	_ = 	snop;
	(pc) =	sbr.rel @!p0 .LBB2_15-.Ltmp7, $1  }
0x38c: {  	_ =	sdelay $0x3  }
0x38d: {  	[spmem:s17] =	stream.linear.scatter [tilespmem:s26], [sflag:$0x1], $0x280, $0x38;
	[tilespmem:$0x19F50] =	vst v63  }
0x38e: {  	_ =	swait.ge [sflag:s24], $0x280  }
0x38f: {  	[sflag:s24] =	ssyncset.done $0x0  }
0x390: {  	[sflag:s24] =	ssyncadd.s32 $0xFFFFFD80  }
0x391: {  	[bflag:$0x0] =	sbarrier.arrive $0xFFFF  }
0x392: {  	[tilespmem:s29], [sflag:$0x1] =	stream.linear.gather [spmem:s20], $0x140, $0x38;
	[tilespmem:$0x19F50] =	vst v63  }
0x393: {  	_ =	swait.ge [sflag:s24], $0x140  }
0x394: {  	[sflag:s24] =	ssyncset.done $0x0  }
0x395: {  	[sflag:s24] =	ssyncadd.s32 $0xFFFFFEC0  }
0x396: {  	s3 =	simm.s32 $0x0;
	s23 =	simm.s32 $0x40;
	v10 =	vld [tilespmem:$0x174C0]  }
.LBB2_19:
0x397: {  	p0 =	sne.s32 s23, $0x4C0;
	v0 =	vld.idx.msk [tilespmem:v4+s3+$0x0 ss:$0x1], $0xffff  }
0x398: {  	v1 =	vld [tilespmem:s3+$0xF280];
	_ =	sdelay $0x1  }
0x399: {  	v2 =	vld [tilespmem:s3+$0xF140];
	_ =	sdelay $0x2  }
0x39a: {  	v0 =	vadd.f32 v1, v0;
	_ =	sdelay $0x1  }
0x39b: {  	v0 =	vmul.f32 v0, v2;
	_ =	sdelay $0x1  }
0x39c: {  	v0 =	vadd.f32 v0, v10;
	_ =	sdelay $0x1  }
0x39d: {  	v0 =	vsub.f32 $0.0e+00, v0;
	_ =	sdelay $0x1  }
0x39e: {  	v0 =	vmul.f32 $1.442695020e+00, v0;
	_ =	sdelay $0x1  }
0x39f: {  	(erf) = vpow2.f32 v0;
	_ =	sdelay $0x8  }
0x3a0: {  	v0 =	vpop (erf)  }
0x3a1: {  	v0 =	vadd.f32 $1.000000000e+00, v0;
	_ =	sdelay $0x1  }
0x3a2: {  	(erf) = vrcp.f32 v0;
	_ =	sdelay $0x8  }
0x3a3: {  	v1 =	vpop (erf)  }
0x3a4: {  	v2 =	vmul.f32 v1, v0;
	_ =	sdelay $0x1  }
0x3a5: {  	v2 =	vsub.f32 $2.000000000e+00, v2;
	_ =	sdelay $0x1  }
0x3a6: {  	v1 =	vmul.f32 v2, v1;
	_ =	sdelay $0x1  }
0x3a7: {  	v0 =	vmul.f32 v1, v0;
	_ =	sdelay $0x1  }
.Ltmp8:
0x3a8: {  	v0 =	vsub.f32 $2.000000000e+00, v0;
	(pc) =	sbr.rel @p0 .LBB2_19-.Ltmp8, $3  }
0x3a9: {  	_ = 	snop  }
0x3aa: {  	v0 =	vmul.f32 v0, v1;
	_ =	sdelay $0x1  }
0x3ab: {  	[tilespmem:s3+$0xF280] =	vst v0;
	s3 =	sshra.s32 s23, $0x2;
	s23 =	sadd.s32 $0x40, s23  }
0x3ac: {  	_ =	sdelay $0x3  }
0x3ad: {  	v0 =	vld.idx.msk [tilespmem:v4+s3+$0x0 ss:$0x1], $0xffff  }
0x3ae: {  	v1 =	vld [tilespmem:s3+$0xF280];
	_ =	sdelay $0x1  }
0x3af: {  	v2 =	vld [tilespmem:s3+$0xF140];
	_ =	sdelay $0x2  }
0x3b0: {  	v0 =	vadd.f32 v1, v0;
	_ =	sdelay $0x1  }
0x3b1: {  	v0 =	vmul.f32 v0, v2;
	_ =	sdelay $0x1  }
0x3b2: {  	v0 =	vadd.f32 v0, v10;
	_ =	sdelay $0x1  }
0x3b3: {  	v0 =	vsub.f32 $0.0e+00, v0;
	_ =	sdelay $0x1  }
0x3b4: {  	v0 =	vmul.f32 $1.442695020e+00, v0;
	_ =	sdelay $0x1  }
0x3b5: {  	(erf) = vpow2.f32 v0;
	_ =	sdelay $0x8  }
0x3b6: {  	v0 =	vpop (erf)  }
0x3b7: {  	v0 =	vadd.f32 $1.000000000e+00, v0;
	_ =	sdelay $0x1  }
0x3b8: {  	(erf) = vrcp.f32 v0;
	_ =	sdelay $0x8  }
0x3b9: {  	v62 =	vpop (erf)  }
0x3ba: {  	v63 =	vmul.f32 v62, v0;
	_ =	sdelay $0x1  }
0x3bb: {  	v2 =	vsub.f32 $2.000000000e+00, v63;
	_ =	sdelay $0x1  }
0x3bc: {  	v1 =	vmul.f32 v2, v62;
	_ =	sdelay $0x1  }
0x3bd: {  	v0 =	vmul.f32 v1, v0;
	_ =	sdelay $0x1  }
0x3be: {  	v0 =	vsub.f32 $2.000000000e+00, v0;
	_ =	sdelay $0x1  }
0x3bf: {  	s30 =	sadd.s32 $0x1, s30;
	v0 =	vmul.f32 v0, v1  }
0x3c0: {  	p0 =	sne.s32 s30, s22  }
.Ltmp9:
0x3c1: {  	[tilespmem:s3+$0xF280] =	vst v0;
	(pc) =	sbr.rel @p0 .LBB2_1-.Ltmp9, $4  }
0x3c2: {  	[hbm4b:s21+s4] =	stream.linear.scatter [tilespmem:s29], [sflag:$0x1], $0x140, $0x38;
	[tilespmem:$0x19F50] =	vst v63  }
0x3c3: {  	_ =	swait.ge [sflag:s24], $0x140  }
0x3c4: {  	[sflag:s24] =	ssyncset.done $0x0  }
0x3c5: {  	[sflag:s24] =	ssyncadd.s32 $0xFFFFFEC0  }
0x3c6: {  	_ =	sfence.sel $0x180000  }
0x3c7: {  	[bflag:$0x0] =	sbarrier.arrive $0xFFFF  }
0x3c8: {  	_ =	strace $0x9000004D  }
0x3c9: {  	s0 =	stileid.u32;
	[bflag:$0x2] =	sbarrier.arrive $0xFFFF  }
0x3ca: {  	p0 =	sne.s32 s0, $0x0;
	s0 =	rddreg [dreg:$0x4]  }
0x3cb: {  	s0 =	sadd.s32 @!p0 $0x100000, s0  }
0x3cc: {  	[sflag:s0] =	ssyncadd.tile.s32 @!p0 $0x1;
	_ =	shalt  }
.Lfunc_end2:
_tile_overlayer_lowered:
.L_overlay_start_2:
0x3cd: {  	(tag) =	ssettag $0x2  }
0x3ce: {  	s0 =	rddreg [dreg:$0x0];
	s2 =	stileid.u32  }
0x3cf: {  	s1 =	rddreg [dreg:$0x1];
	p0 =	sne.s32 s2, $0x0  }
0x3d0: {  	s3 =	rddreg [dreg:$0x2];
	[bflag:$0x3] =	sbarrier.arrive $0xFFFF;
	s2 =	simm.s32 @!p0 $0x1C01  }
0x3d1: {  	[timem:s3], [sflag:s2] =	dma.local @!p0 [hbm:s0], s1  }
0x3d2: {  	s0 =	simm.s32 @!p0 $0x1  }
0x3d3: {  	_ =	swait.ge @!p0 [sflag:s0], s1  }
0x3d4: {  	s1 =	ssub.s32 @!p0 $0x0, s1;
	[sflag:s0] =	ssyncset.done @!p0 $0x0  }
0x3d5: {  	[sflag:s0] =	ssyncadd.s32 @!p0 s1  }
0x3d6: {  	[bflag:$0x3] =	sbarrier.arrive $0xFFFF  }
0x3d7: {  	_ =	shalt  }

// kernel: kernel.6.cloned.1.call-start
scs
__scs_entry_jumppad:
0x0: {  	(pc) =	sbr.rel $0x88, $3  }
0x1: {  	(tag) =	ssettag $0x0;
	lr =	simm.s32 $0x1  }
0x2: {  	[smem:$0x3F9B] =	sst lr;
	_ =	strace $0xD0000000  }
0x3: {  	_ = 	snop  }
0x4: {  	_ = 	snop  }
0x5: {  	_ = 	snop  }
0x6: {  	_ = 	snop  }
0x7: {  	_ = 	snop  }
__scs_overlays_trampoline_lowered:
0x8: {  	[smem:$0x3FAA] =	sst s0  }
0x9: {  	[smem:$0x3FAB] =	sst s1  }
0xa: {  	[smem:$0x3FAC] =	sst s2  }
0xb: {  	[smem:$0x3FAD] =	sst s3  }
0xc: {  	[smem:$0x3FAE] =	sst s4  }
0xd: {  	[smem:$0x3FAF] =	sst s5  }
0xe: {  	[smem:$0x3FB0] =	sst s6  }
0xf: {  	[smem:$0x3FB1] =	sst s7  }
0x10: {  	[smem:$0x3FB2] =	sst s8  }
0x11: {  	[smem:$0x3FB3] =	sst s9;
	s0 =	simm.s32 @!p0 $0x0  }
0x12: {  	s1 =	sld [smem:$0x3F99];
	s0 =	simm.s32 @p0 $0x1  }
0x13: {  	[smem:$0x3FB4] =	sst s0;
	s0 =	simm.s32 @!p1 $0x0  }
0x14: {  	s2 =	sld [smem:$0x3F98];
	s0 =	simm.s32 @p1 $0x1  }
0x15: {  	[smem:$0x3FB5] =	sst s0;
	s0 =	simm.s32 @!p2 $0x0  }
0x16: {  	s3 =	sld [smem:$0x3FDB];
	s0 =	simm.s32 @p2 $0x1  }
0x17: {  	s4 =	simm.s32 $0x1BF5;
	[smem:$0x3FB7] =	sst s0  }
0x18: {  	s0 =	sld [smem:$0x3F9A];
	_ =	swait.ge [sflag:s4], $0x0  }
0x19: {  	s7 =	sld [smem:$0x3F9B]  }
0x1a: {  	s8 =	sadd.s32 $0xFFFFE003, lr  }
0x1b: {  	s9 =	sadd.s32 $0xFFFFFEF7, lr;
	s5 =	simm.s32 $0xFFFFFFFF;
	p2 =	slt.u32 s8, $0xFFFFF086  }
0x1c: {  	p1 =	slt.u32 s9, $0xF7A;
	s5 =	simm.s32 @!p2 $0x0  }
0x1d: {  	s5 =	simm.s32 @p1 $0x1;
	p0 =	seq.s32 s7, s2  }
0x1e: {  	s7 =	smul.u32 @!p0 $0xF7A, s2;
	p2 =	seq.s32 @!p0 s5, $0x0  }
0x1f: {  	s9 =	smul.u32 $0xF7A, s1;
	s8 =	simm.s32 @!p0 $0x1BF5;
	p2 =	por !p2, p0  }
0x20: {  	[sflag:s8] =	ssyncset.s32 @!p0 $0xFFFFF086;
	s6 =	sadd.s32 @!p0 s3, s7;
	s7 =	simm.s32 @!p0 $0x108  }
0x21: {  	s3 =	sadd.s32 s3, s9;
	s6 =	sadd.s32 @!p0 $0x88, s6;
	s7 =	simm.s32 @p2 $0x1082  }
0x22: {  	[simem:s7], [sflag:s8] =	dma.local @!p0 [hbm:s6], $0xF7A  }
0x23: {  	s9 =	sor.u32 $0xD0000000, s2;
	s6 =	simm.s32 $0x108;
	_ =	swait.ge @!p0 [sflag:s8], $0x0  }
0x24: {  	s3 =	sadd.s32 $0x88, s3;
	s6 =	simm.s32 @!p1 $0x1082;
	[sflag:s4] =	ssyncset.s32 $0xFFFFF086  }
0x25: {  	[simem:s6], [sflag:s4] =	dma.local [hbm:s3], $0xF7A  }
0x26: {  	[smem:$0x3F9B] =	sst s1;
	(tag) =	ssettag s2;
	_ =	strace s9  }
0x27: {  	s1 =	sld [smem:$0x3FAB]  }
0x28: {  	s2 =	sld [smem:$0x3FAC]  }
0x29: {  	s4 =	sld [smem:$0x3FAE]  }
0x2a: {  	p0 =	seq.s32 s5, $0x0;
	s5 =	sld [smem:$0x3FAF]  }
0x2b: {  	s6 =	sld [smem:$0x3FB0]  }
0x2c: {  	s7 =	sld [smem:$0x3FB1]  }
0x2d: {  	s3 =	simm.s32 $0x108;
	s8 =	sld [smem:$0x3FB2]  }
0x2e: {  	s3 =	simm.s32 @!p0 $0x1082;
	s9 =	sld [smem:$0x3FB3]  }
0x2f: {  	lr =	sadd.s32 s0, s3;
	s0 =	sld [smem:$0x3FAA]  }
0x30: {  	s3 =	sld [smem:$0x3FAD]  }
0x31: {  	[smem:$0x3FB6] =	sst s10  }
0x32: {  	s10 =	sld [smem:$0x3FB4];
	_ =	sdelay $0x3  }
0x33: {  	p0 =	seq.s32 s10, $0x1;
	s10 =	sld [smem:$0x3FB6];
	_ =	sdelay $0x3  }
0x34: {  	[smem:$0x3FB6] =	sst s10  }
0x35: {  	s10 =	sld [smem:$0x3FB5];
	_ =	sdelay $0x3  }
0x36: {  	p1 =	seq.s32 s10, $0x1;
	s10 =	sld [smem:$0x3FB6];
	_ =	sdelay $0x3  }
0x37: {  	[smem:$0x3FB6] =	sst s10  }
0x38: {  	s10 =	sld [smem:$0x3FB7]  }
0x39: {  	_ = 	snop;
	(pc) =	sbr.ind lr, $3  }
0x3a: {  	_ = 	snop  }
0x3b: {  	_ = 	snop  }
0x3c: {  	p2 =	seq.s32 s10, $0x1;
	s10 =	sld [smem:$0x3FB6]  }
0x3d: {  	_ =	shalt  }
0x3e: {  	_ =	shalt  }
0x3f: {  	_ =	shalt  }
0x40: {  	_ =	shalt  }
0x41: {  	_ =	shalt  }
0x42: {  	_ =	shalt  }
0x43: {  	_ =	shalt  }
0x44: {  	_ =	shalt  }
0x45: {  	_ =	shalt  }
0x46: {  	_ =	shalt  }
0x47: {  	_ =	shalt  }
0x48: {  	_ =	shalt  }
0x49: {  	_ =	shalt  }
0x4a: {  	_ =	shalt  }
0x4b: {  	_ =	shalt  }
0x4c: {  	_ =	shalt  }
0x4d: {  	_ =	shalt  }
0x4e: {  	_ =	shalt  }
0x4f: {  	_ =	shalt  }
0x50: {  	_ =	shalt  }
0x51: {  	_ =	shalt  }
0x52: {  	_ =	shalt  }
0x53: {  	_ =	shalt  }
0x54: {  	_ =	shalt  }
0x55: {  	_ =	shalt  }
0x56: {  	_ =	shalt  }
0x57: {  	_ =	shalt  }
0x58: {  	_ =	shalt  }
0x59: {  	_ =	shalt  }
0x5a: {  	_ =	shalt  }
0x5b: {  	_ =	shalt  }
0x5c: {  	_ =	shalt  }
0x5d: {  	_ =	shalt  }
0x5e: {  	_ =	shalt  }
0x5f: {  	_ =	shalt  }
0x60: {  	_ =	shalt  }
0x61: {  	_ =	shalt  }
0x62: {  	_ =	shalt  }
0x63: {  	_ =	shalt  }
0x64: {  	_ =	shalt  }
0x65: {  	_ =	shalt  }
0x66: {  	_ =	shalt  }
0x67: {  	_ =	shalt  }
0x68: {  	_ =	shalt  }
0x69: {  	_ =	shalt  }
0x6a: {  	_ =	shalt  }
0x6b: {  	_ =	shalt  }
0x6c: {  	_ =	shalt  }
0x6d: {  	_ =	shalt  }
0x6e: {  	_ =	shalt  }
0x6f: {  	_ =	shalt  }
0x70: {  	_ =	shalt  }
0x71: {  	_ =	shalt  }
0x72: {  	_ =	shalt  }
0x73: {  	_ =	shalt  }
0x74: {  	_ =	shalt  }
0x75: {  	_ =	shalt  }
0x76: {  	_ =	shalt  }
0x77: {  	_ =	shalt  }
0x78: {  	_ =	shalt  }
0x79: {  	_ =	shalt  }
0x7a: {  	_ =	shalt  }
0x7b: {  	_ =	shalt  }
0x7c: {  	_ =	shalt  }
0x7d: {  	_ =	shalt  }
0x7e: {  	_ =	shalt  }
0x7f: {  	_ =	shalt  }
0x80: {  	_ =	shalt  }
0x81: {  	_ =	shalt  }
0x82: {  	_ =	shalt  }
0x83: {  	_ =	shalt  }
0x84: {  	_ =	shalt  }
0x85: {  	_ =	shalt  }
0x86: {  	_ =	shalt  }
0x87: {  	_ =	shalt  }
.Lfunc_end0:
.L_simem_size_0:
called_computation_lowered:
.L_overlay_start_0:
0x88: {  	s2 =	sld [smem:$0x3FD9]  }
0x89: {  	s3 =	sld [smem:$0x3FFE];
	_ =	sdelay $0x1  }
0x8a: {  	s1 =	srdreg.scid  }
0x8b: {  	s0 =	sand.u32 $0x1, s1  }
0x8c: {  	s16 =	sshll.u32 s0, $0xA;
	s2 =	sadd.s32 s3, s2  }
0x8d: {  	s2 =	sadd.s32 s2, s16  }
0x8e: {  	[smem:$0x3FC2] =	sst s2  }
0x8f: {  	_ = 	snop  }
0x90: {  	(tm) =	ssettm $0x1  }
0x91: {  	s17 =	sld [smem:$0x3FFB];
	_ =	sdelay $0x3  }
0x92: {  	_ =	strace s17  }
0x93: {  	s2 =	sld [smem:$0x3FFC];
	_ =	sdelay $0x3  }
0x94: {  	_ =	strace s2  }
0x95: {  	s2 =	sld [smem:$0x3FFD];
	_ =	sdelay $0x3  }
0x96: {  	_ =	strace s2  }
0x97: {  	_ =	strace $0x8FFFFFFF  }
0x98: {  	s18 =	sld [smem:$0x3FDB];
	_ =	sdelay $0x1  }
0x99: {  	s19 =	simm.s32 $_scs_section_size  }
0x9a: {  	s4 =	simm.s32 $_size__tile_overlayer_lowered;
	s5 =	simm.s32 $_tile_overlayer_lowered  }
0x9b: {  	s22 =	simm.s32 $0x1BFF;
	s21 =	sshll.u32 s5, $0x1;
	s2 =	sadd.s32 s19, s18  }
0x9c: {  	s6 =	simm.s32 $0x0;
	s20 =	sshll.u32 s4, $0x1;
	s4 =	sadd.s32 s21, s2  }
0x9d: {  	[timem:s6], [sflag:s22] =	dma.local [hbm:s4], s20  }
0x9e: {  	_ =	swait.ge [sflag:s22], s20  }
0x9f: {  	s3 =	ssub.s32 $0x0, s20;
	[sflag:s22] =	ssyncset.done $0x0  }
0xa0: {  	[sflag:s22] =	ssyncadd.s32 s3;
	_ =	sdelay $0x1  }
0xa1: {  	s23 =	simm.s32 $0x1B8B  }
0xa2: {  	_ =	swait.ge [sflag:s23], $0x1  }
0xa3: {  	[sflag:s23] =	ssyncset.done $0x0  }
0xa4: {  	s25 =	simm.s32 $0x1B8E;
	s24 =	sld [smem:$0x3FFE];
	[sflag:s23] =	ssyncadd.s32 $0xFFFFFFFF  }
0xa5: {  	s26 =	simm.s32 $execute0_lowered;
	[smem:$0x3FD2] =	sst s25  }
0xa6: {  	s4 =	sshll.u32 s26, $0x1;
	_ =	strace $0x80000046;
	[dreg:$0x1] =	wrdreg $0xFFFFFFFF  }
0xa7: {  	s28 =	simm.s32 $_size_execute0_lowered;
	s2 =	sadd.s32 s2, s4;
	[dreg:$0x0] =	wrdreg $0x0  }
0xa8: {  	s4 =	sshll.u32 s28, $0x1;
	[dreg:$0x2] =	wrdreg s2  }
0xa9: {  	[dreg:$0x3] =	wrdreg s4  }
0xaa: {  	[dreg:$0x4] =	wrdreg $0xC0  }
0xab: {  	_ =	task [dreg:s6], $0x5FFFF  }
0xac: {  	[dreg:$0x1] =	wrdreg $0xFFFFFFFF  }
0xad: {  	[dreg:$0x0] =	wrdreg $0x60  }
0xae: {  	[dreg:$0x2] =	wrdreg s24  }
0xaf: {  	[dreg:$0x3] =	wrdreg $0x7B800  }
0xb0: {  	[dreg:$0x4] =	wrdreg $0x9  }
0xb1: {  	_ =	task.clear_ibuf [dreg:s6], $0x5FFFF;
	_ =	strace $0x90000046  }
0xb2: {  	s29 =	simm.s32 $0x9;
	_ =	strace $0x80000048  }
0xb3: {  	_ =	swait.ge [sflag:s29], $0x1  }
0xb4: {  	[sflag:s29] =	ssyncadd.s32 $0xFFFFFFFF  }
0xb5: {  	_ =	strace $0x90000048  }
0xb6: {  	_ =	sfence  }
0xb7: {  	s30 =	sld [smem:$0x0];
	_ =	sdelay $0x2  }
0xb8: {  	s31 =	sshll.u32 s1, $0xD;
	s1 =	sshrl.u32 s1, $0x2  }
0xb9: {  	s3 =	sand.u32 $0x4000, s31;
	s1 =	sadd.s32 s1, s30  }
0xba: {  	s0 =	sor.u32 s3, s0;
	s1 =	sshll.u32 s1, $0x11  }
0xbb: {  	s0 =	sor.u32 s1, s0  }
0xbc: {  	s0 =	sadd.s32 $0x8F2B, s0  }
0xbd: {  	[sflag:s0] =	ssyncadd.remote.s32 $0x1  }
0xbe: {  	_ =	sfence.sel $0xFFFF  }
0xbf: {  	[dreg:$0x0] =	wrdreg $0xFFFFFFFF;
	(pc) =	sbr.abs _section_cstart, $3  }
0xc0: {  	[dreg:$0x1] =	wrdreg $0xFFFFFFFF  }
0xc1: {  	_ =	task.clear_ibuf [dreg:s6], $0x2FFFF;
	_ =	strace $0x9FFFFFFF  }
0xc2: {  	(tm) =	ssettm $0x7FFFFFFF  }
0xc3: {  	_ =	shalt  }
tec
execute0_lowered:
.L_overlay_start_1:
0x0: {  	(tag) =	ssettag $0x1  }
0x1: {  	s1 =	srdreg.scid  }
0x2: {  	s1 =	sand.u32 $0x1, s1  }
0x3: {  	p0 =	seq.s32 s1, $0x1  }
.Ltmp0:
0x4: {  	_ = 	snop;
	(pc) =	sbr.rel @p0 .LBB2_13-.Ltmp0, $4  }
0x5: {  	s3 =	rddreg [dreg:$0x0]  }
0x6: {  	s2 =	rddreg [dreg:$0x1];
	s4 =	simm.s32 $0x0  }
0x7: {  	[smem:$0x7FF] =	sst s4  }
0x8: {  	s0 =	rddreg [dreg:$0x2];
	_ =	strace $0x80000047;
	s1 =	stileid.u32  }
0x9: {  	s5 =	smul.u32 $0x50, s1  }
0xa: {  	s6 =	smul.u32 $0x9C4, s1  }
0xb: {  	s7 =	sadd.s32 $0x1600, s3;
	s28 =	sshrl.u32 s1, $0x3;
	s8 =	sshll.u32 s1, $0x7  }
0xc: {  	s5 =	sadd.s32 s5, s3;
	s3 =	smul.u32 $0x50000, s28;
	s6 =	sadd.s32 s7, s6  }
0xd: {  	[tilespmem:s4], [sflag:$0x1] =	stream.linear.gather [hbm4b:s6+s4], $0x4E20, $0x38;
	[tilespmem:$0xA380] =	vst v63  }
0xe: {  	s29 =	smul.u32 $0x5000, s1;
	s9 =	simm.s32 $0x1;
	s3 =	sshrl.u32 s3, $0x2  }
0xf: {  	s30 =	sand.u32 $0x380, s8;
	_ =	swait.ge [sflag:s9], $0x4E20;
	s3 =	sadd.s32 s3, s2  }
0x10: {  	s31 =	sshrl.u32 s29, $0x2;
	[sflag:s9] =	ssyncset.done $0x0;
	s6 =	sadd.s32 s30, s3  }
0x11: {  	v0 =	vimm.f32 $0.0e+00;
	s3 =	sadd.s32 s31, s2;
	s2 =	sadd.s32 $0x15200, s5;
	[sflag:s9] =	ssyncadd.s32 $0xFFFFB1E0  }
.LBB2_2:
0x12: {  	p0 =	sne.s32 s4, $0x9FC0  }
.Ltmp1:
0x13: {  	_ = 	snop;
	(pc) =	sbr.rel @p0 .LBB2_2-.Ltmp1, $3  }
0x14: {  	_ =	sdelay $0x1  }
0x15: {  	s5 =	sshra.s32 s4, $0x2  }
0x16: {  	s4 =	sadd.s32 $0x40, s4;
	[tilespmem:s5+$0x4E80] =	vst v0  }
0x17: {  	s7 =	simm.s32 $0x0  }
0x18: {  	v0 =	vimm.f32 $1.000000000e+00;
	s4 =	simm.s32 $0x4E80;
	s5 =	simm.s32 $0x80;
	v1 =	vld [tilespmem:s7+$0x0]  }
.LBB2_4:
0x19: {  	p0 =	sne.s32 s5, $0x13800;
	v2 =	vld [tilespmem:s7+$0x10];
	_ =	sdelay $0x4  }
.Ltmp2:
0x1a: {  	(pc) =	sbr.rel @p0 .LBB2_4-.Ltmp2, $4  }
0x1b: {  	_ = 	snop  }
0x1c: {  	[tilespmem:v1+s4+$0x0] =	vst.idx.add.f32.msk $0xffff, v0  }
0x1d: {  	s7 =	sshra.s32 s5, $0x2;
	[tilespmem:v2+s4+$0x0] =	vst.idx.add.f32.msk $0xffff, v0  }
0x1e: {  	s5 =	sadd.s32 $0x80, s5;
	v1 =	vld [tilespmem:s7+$0x0]  }
0x1f: {  	_ = 	snop  }
0x20: {  	v2 =	vld [tilespmem:s7+$0x10];
	_ =	sdelay $0x6  }
0x21: {  	[tilespmem:v1+s4+$0x0] =	vst.idx.add.f32.msk $0xffff, v0  }
0x22: {  	s5 =	simm.s32 $0x400;
	s30 =	simm.s32 $0x4E80;
	[tilespmem:v2+s4+$0x0] =	vst.idx.add.f32.msk $0xffff, v0;
	s4 =	simm.s32 $0x80  }
0x23: {  	[spmem:s6] =	stream.strided.scatter [tilespmem:s30], [sflag:$0x1], $0x2800, s5, s4, $0x38;
	[tilespmem:$0xA380] =	vst v63  }
0x24: {  	s6 =	simm.s32 $0x1  }
0x25: {  	_ =	swait.ge [sflag:s6], $0x2800  }
0x26: {  	[sflag:s6] =	ssyncset.done $0x0  }
0x27: {  	[sflag:s6] =	ssyncadd.s32 $0xFFFFD800  }
0x28: {  	s31 =	simm.s32 $0x7900;
	[bflag:$0x0] =	sbarrier.arrive $0xFFFF  }
0x29: {  	[tilespmem:s31], [sflag:$0x1] =	stream.strided.gather [spmem:s3], $0x280, s5, s4, $0x38;
	[tilespmem:$0xA380] =	vst v63  }
0x2a: {  	_ =	swait.ge [sflag:s6], $0x280  }
0x2b: {  	[sflag:s6] =	ssyncset.done $0x0  }
0x2c: {  	s7 =	simm.s32 $0x0;
	s8 =	simm.s32 $0x7680;
	[sflag:s6] =	ssyncadd.s32 $0xFFFFFD80  }
.LBB2_7:
0x2d: {  	s7 =	sadd.s32 $0x1, s7  }
0x2e: {  	s9 =	sshrl.u32 s7, $0x3  }
0x2f: {  	s9 =	smul.u32 $0x50000, s9;
	_ =	sdelay $0x1  }
0x30: {  	s10 =	sshll.u32 s7, $0x7;
	s9 =	sshra.s32 s9, $0x2  }
0x31: {  	s10 =	sand.u32 $0x380, s10;
	s9 =	sadd.s32 s9, s3  }
0x32: {  	s9 =	sadd.s32 s10, s9  }
0x33: {  	[tilespmem:s8], [sflag:$0x1] =	stream.strided.gather [spmem:s9], $0x280, s5, s4, $0x38;
	[tilespmem:$0xA380] =	vst v63  }
0x34: {  	_ =	swait.ge [sflag:s6], $0x280  }
0x35: {  	[sflag:s6] =	ssyncset.done $0x0  }
0x36: {  	s9 =	simm.s32 $0x0;
	[sflag:s6] =	ssyncadd.s32 $0xFFFFFD80  }
0x37: {  	s10 =	simm.s32 $0x40;
	v0 =	vld [tilespmem:s9+$0x7680]  }
.LBB2_8:
0x38: {  	p0 =	seq.s32 s10, $0x9C0;
	v1 =	vld [tilespmem:s9+$0x7900];
	_ =	sdelay $0x2  }
.Ltmp3:
0x39: {  	(pc) =	sbr.rel @!p0 .LBB2_8-.Ltmp3, $4  }
0x3a: {  	_ = 	snop  }
0x3b: {  	v1 =	vadd.f32 v0, v1  }
0x3c: {  	s11 =	sshra.s32 s10, $0x2  }
0x3d: {  	s10 =	sadd.s32 $0x40, s10;
	v0 =	vld [tilespmem:s11+$0x7680];
	[tilespmem:s9+$0x7900] =	vst v1;
	s9 =	smov.u32 s11  }
0x3e: {  	v1 =	vld [tilespmem:s9+$0x7900];
	_ =	sdelay $0x4  }
0x3f: {  	v0 =	vadd.f32 v0, v1;
	_ =	sdelay $0x1  }
0x40: {  	[tilespmem:s9+$0x7900] =	vst v0  }
0x41: {  	p0 =	seq.s32 s7, $0xF  }
.Ltmp4:
0x42: {  	_ = 	snop;
	(pc) =	sbr.rel @!p0 .LBB2_7-.Ltmp4, $1  }
0x43: {  	_ =	sdelay $0x3  }
0x44: {  	s3 =	simm.s32 $0x0;
	s4 =	simm.s32 $0x40  }
.LBB2_11:
0x45: {  	p0 =	sne.s32 s4, $0x9C0;
	v0 =	vld [tilespmem:s3+$0x7900];
	_ =	sdelay $0x4  }
0x46: {  	v0 =	vadd.f32 $1.000000000e+00, v0;
	_ =	sdelay $0x1  }
0x47: {  	v1 =	vshra.s32 v0, $0x1;
	v0 =	vmul.f32 $5.000000000e-01, v0  }
0x48: {  	v1 =	vsub.s32 $0x5F3759DF, v1  }
0x49: {  	v2 =	vmul.f32 v1, v0;
	_ =	sdelay $0x1  }
0x4a: {  	v2 =	vmul.f32 v1, v2;
	_ =	sdelay $0x1  }
0x4b: {  	v2 =	vsub.f32 $1.500000000e+00, v2;
	_ =	sdelay $0x1  }
0x4c: {  	v1 =	vmul.f32 v1, v2;
	_ =	sdelay $0x1  }
0x4d: {  	v2 =	vmul.f32 v1, v0;
	_ =	sdelay $0x1  }
0x4e: {  	v2 =	vmul.f32 v2, v1;
	_ =	sdelay $0x1  }
0x4f: {  	v2 =	vsub.f32 $1.500000000e+00, v2;
	_ =	sdelay $0x1  }
0x50: {  	v1 =	vmul.f32 v2, v1;
	_ =	sdelay $0x1  }
0x51: {  	v0 =	vmul.f32 v1, v0;
	_ =	sdelay $0x1  }
0x52: {  	v0 =	vmul.f32 v0, v1;
	_ =	sdelay $0x1  }
.Ltmp5:
0x53: {  	v0 =	vsub.f32 $1.500000000e+00, v0;
	(pc) =	sbr.rel @p0 .LBB2_11-.Ltmp5, $3  }
0x54: {  	_ = 	snop  }
0x55: {  	v0 =	vmul.f32 v0, v1;
	_ =	sdelay $0x1  }
0x56: {  	[tilespmem:s3+$0x7900] =	vst v0;
	s3 =	sshra.s32 s4, $0x2;
	s4 =	sadd.s32 $0x40, s4  }
0x57: {  	v0 =	vld [tilespmem:s3+$0x7900];
	_ =	sdelay $0x4  }
0x58: {  	v0 =	vadd.f32 $1.000000000e+00, v0;
	_ =	sdelay $0x1  }
0x59: {  	v1 =	vshra.s32 v0, $0x1;
	v0 =	vmul.f32 $5.000000000e-01, v0  }
0x5a: {  	v1 =	vsub.s32 $0x5F3759DF, v1  }
0x5b: {  	v2 =	vmul.f32 v1, v0;
	_ =	sdelay $0x1  }
0x5c: {  	v2 =	vmul.f32 v1, v2;
	_ =	sdelay $0x1  }
0x5d: {  	v2 =	vsub.f32 $1.500000000e+00, v2;
	_ =	sdelay $0x1  }
0x5e: {  	v1 =	vmul.f32 v1, v2;
	_ =	sdelay $0x1  }
0x5f: {  	v2 =	vmul.f32 v1, v0;
	_ =	sdelay $0x1  }
0x60: {  	v2 =	vmul.f32 v2, v1;
	_ =	sdelay $0x1  }
0x61: {  	v2 =	vsub.f32 $1.500000000e+00, v2;
	_ =	sdelay $0x1  }
0x62: {  	v1 =	vmul.f32 v2, v1;
	_ =	sdelay $0x1  }
0x63: {  	v0 =	vmul.f32 v1, v0;
	_ =	sdelay $0x1  }
0x64: {  	v0 =	vmul.f32 v0, v1;
	_ =	sdelay $0x1  }
0x65: {  	v0 =	vsub.f32 $1.500000000e+00, v0;
	_ =	sdelay $0x1  }
0x66: {  	v0 =	vmul.f32 v0, v1;
	_ =	sdelay $0x1  }
0x67: {  	s30 =	simm.s32 $0x0;
	s4 =	simm.s32 $0x7900;
	s31 =	simm.s32 $0x1;
	[tilespmem:s3+$0x7900] =	vst v0  }
0x68: {  	[hbm4b:s2+s30] =	stream.linear.scatter [tilespmem:s4], [sflag:$0x1], $0x280, $0x38;
	[tilespmem:$0xA380] =	vst v63  }
0x69: {  	_ =	swait.ge [sflag:s31], $0x280  }
0x6a: {  	[sflag:s31] =	ssyncset.done $0x0  }
0x6b: {  	[sflag:s31] =	ssyncadd.s32 $0xFFFFFD80  }
.LBB2_13:
0x6c: {  	_ =	sfence.sel $0x180000  }
0x6d: {  	[bflag:$0x0] =	sbarrier.arrive $0xFFFF  }
0x6e: {  	p0 =	sne.s32 s1, $0x0;
	_ =	strace $0x90000047  }
0x6f: {  	s0 =	sadd.s32 @!p0 $0x100000, s0;
	[bflag:$0x2] =	sbarrier.arrive $0xFFFF  }
0x70: {  	[sflag:s0] =	ssyncadd.tile.s32 @!p0 $0x1;
	_ =	shalt  }
.Lfunc_end2:
_tile_overlayer_lowered:
.L_overlay_start_2:
0x71: {  	(tag) =	ssettag $0x2  }
0x72: {  	s0 =	rddreg [dreg:$0x0];
	s2 =	stileid.u32  }
0x73: {  	s1 =	rddreg [dreg:$0x1];
	p0 =	sne.s32 s2, $0x0  }
0x74: {  	s3 =	rddreg [dreg:$0x2];
	[bflag:$0x3] =	sbarrier.arrive $0xFFFF;
	s2 =	simm.s32 @!p0 $0x1C01  }
0x75: {  	[timem:s3], [sflag:s2] =	dma.local @!p0 [hbm:s0], s1  }
0x76: {  	s0 =	simm.s32 @!p0 $0x1  }
0x77: {  	_ =	swait.ge @!p0 [sflag:s0], s1  }
0x78: {  	s1 =	ssub.s32 @!p0 $0x0, s1;
	[sflag:s0] =	ssyncset.done @!p0 $0x0  }
0x79: {  	[sflag:s0] =	ssyncadd.s32 @!p0 s1  }
0x7a: {  	[bflag:$0x3] =	sbarrier.arrive $0xFFFF  }
0x7b: {  	_ =	shalt  }

// kernel: kernel.9.cloned.1.call-start
scs
__scs_entry_jumppad:
0x0: {  	(pc) =	sbr.rel $0x88, $3  }
0x1: {  	(tag) =	ssettag $0x0;
	lr =	simm.s32 $0x1  }
0x2: {  	[smem:$0x3F9B] =	sst lr;
	_ =	strace $0xD0000000  }
0x3: {  	_ = 	snop  }
0x4: {  	_ = 	snop  }
0x5: {  	_ = 	snop  }
0x6: {  	_ = 	snop  }
0x7: {  	_ = 	snop  }
__scs_overlays_trampoline_lowered:
0x8: {  	[smem:$0x3FAA] =	sst s0  }
0x9: {  	[smem:$0x3FAB] =	sst s1  }
0xa: {  	[smem:$0x3FAC] =	sst s2  }
0xb: {  	[smem:$0x3FAD] =	sst s3  }
0xc: {  	[smem:$0x3FAE] =	sst s4  }
0xd: {  	[smem:$0x3FAF] =	sst s5  }
0xe: {  	[smem:$0x3FB0] =	sst s6  }
0xf: {  	[smem:$0x3FB1] =	sst s7  }
0x10: {  	[smem:$0x3FB2] =	sst s8  }
0x11: {  	[smem:$0x3FB3] =	sst s9;
	s0 =	simm.s32 @!p0 $0x0  }
0x12: {  	s1 =	sld [smem:$0x3F99];
	s0 =	simm.s32 @p0 $0x1  }
0x13: {  	[smem:$0x3FB4] =	sst s0;
	s0 =	simm.s32 @!p1 $0x0  }
0x14: {  	s2 =	sld [smem:$0x3F98];
	s0 =	simm.s32 @p1 $0x1  }
0x15: {  	[smem:$0x3FB5] =	sst s0;
	s0 =	simm.s32 @!p2 $0x0  }
0x16: {  	s3 =	sld [smem:$0x3FDB];
	s0 =	simm.s32 @p2 $0x1  }
0x17: {  	s4 =	simm.s32 $0x1BF5;
	[smem:$0x3FB7] =	sst s0  }
0x18: {  	s0 =	sld [smem:$0x3F9A];
	_ =	swait.ge [sflag:s4], $0x0  }
0x19: {  	s7 =	sld [smem:$0x3F9B]  }
0x1a: {  	s8 =	sadd.s32 $0xFFFFE003, lr  }
0x1b: {  	s9 =	sadd.s32 $0xFFFFFEF7, lr;
	s5 =	simm.s32 $0xFFFFFFFF;
	p2 =	slt.u32 s8, $0xFFFFF086  }
0x1c: {  	p1 =	slt.u32 s9, $0xF7A;
	s5 =	simm.s32 @!p2 $0x0  }
0x1d: {  	s5 =	simm.s32 @p1 $0x1;
	p0 =	seq.s32 s7, s2  }
0x1e: {  	s7 =	smul.u32 @!p0 $0xF7A, s2;
	p2 =	seq.s32 @!p0 s5, $0x0  }
0x1f: {  	s9 =	smul.u32 $0xF7A, s1;
	s8 =	simm.s32 @!p0 $0x1BF5;
	p2 =	por !p2, p0  }
0x20: {  	[sflag:s8] =	ssyncset.s32 @!p0 $0xFFFFF086;
	s6 =	sadd.s32 @!p0 s3, s7;
	s7 =	simm.s32 @!p0 $0x108  }
0x21: {  	s3 =	sadd.s32 s3, s9;
	s6 =	sadd.s32 @!p0 $0x88, s6;
	s7 =	simm.s32 @p2 $0x1082  }
0x22: {  	[simem:s7], [sflag:s8] =	dma.local @!p0 [hbm:s6], $0xF7A  }
0x23: {  	s9 =	sor.u32 $0xD0000000, s2;
	s6 =	simm.s32 $0x108;
	_ =	swait.ge @!p0 [sflag:s8], $0x0  }
0x24: {  	s3 =	sadd.s32 $0x88, s3;
	s6 =	simm.s32 @!p1 $0x1082;
	[sflag:s4] =	ssyncset.s32 $0xFFFFF086  }
0x25: {  	[simem:s6], [sflag:s4] =	dma.local [hbm:s3], $0xF7A  }
0x26: {  	[smem:$0x3F9B] =	sst s1;
	(tag) =	ssettag s2;
	_ =	strace s9  }
0x27: {  	s1 =	sld [smem:$0x3FAB]  }
0x28: {  	s2 =	sld [smem:$0x3FAC]  }
0x29: {  	s4 =	sld [smem:$0x3FAE]  }
0x2a: {  	p0 =	seq.s32 s5, $0x0;
	s5 =	sld [smem:$0x3FAF]  }
0x2b: {  	s6 =	sld [smem:$0x3FB0]  }
0x2c: {  	s7 =	sld [smem:$0x3FB1]  }
0x2d: {  	s3 =	simm.s32 $0x108;
	s8 =	sld [smem:$0x3FB2]  }
0x2e: {  	s3 =	simm.s32 @!p0 $0x1082;
	s9 =	sld [smem:$0x3FB3]  }
0x2f: {  	lr =	sadd.s32 s0, s3;
	s0 =	sld [smem:$0x3FAA]  }
0x30: {  	s3 =	sld [smem:$0x3FAD]  }
0x31: {  	[smem:$0x3FB6] =	sst s10  }
0x32: {  	s10 =	sld [smem:$0x3FB4];
	_ =	sdelay $0x3  }
0x33: {  	p0 =	seq.s32 s10, $0x1;
	s10 =	sld [smem:$0x3FB6];
	_ =	sdelay $0x3  }
0x34: {  	[smem:$0x3FB6] =	sst s10  }
0x35: {  	s10 =	sld [smem:$0x3FB5];
	_ =	sdelay $0x3  }
0x36: {  	p1 =	seq.s32 s10, $0x1;
	s10 =	sld [smem:$0x3FB6];
	_ =	sdelay $0x3  }
0x37: {  	[smem:$0x3FB6] =	sst s10  }
0x38: {  	s10 =	sld [smem:$0x3FB7]  }
0x39: {  	_ = 	snop;
	(pc) =	sbr.ind lr, $3  }
0x3a: {  	_ = 	snop  }
0x3b: {  	_ = 	snop  }
0x3c: {  	p2 =	seq.s32 s10, $0x1;
	s10 =	sld [smem:$0x3FB6]  }
0x3d: {  	_ =	shalt  }
0x3e: {  	_ =	shalt  }
0x3f: {  	_ =	shalt  }
0x40: {  	_ =	shalt  }
0x41: {  	_ =	shalt  }
0x42: {  	_ =	shalt  }
0x43: {  	_ =	shalt  }
0x44: {  	_ =	shalt  }
0x45: {  	_ =	shalt  }
0x46: {  	_ =	shalt  }
0x47: {  	_ =	shalt  }
0x48: {  	_ =	shalt  }
0x49: {  	_ =	shalt  }
0x4a: {  	_ =	shalt  }
0x4b: {  	_ =	shalt  }
0x4c: {  	_ =	shalt  }
0x4d: {  	_ =	shalt  }
0x4e: {  	_ =	shalt  }
0x4f: {  	_ =	shalt  }
0x50: {  	_ =	shalt  }
0x51: {  	_ =	shalt  }
0x52: {  	_ =	shalt  }
0x53: {  	_ =	shalt  }
0x54: {  	_ =	shalt  }
0x55: {  	_ =	shalt  }
0x56: {  	_ =	shalt  }
0x57: {  	_ =	shalt  }
0x58: {  	_ =	shalt  }
0x59: {  	_ =	shalt  }
0x5a: {  	_ =	shalt  }
0x5b: {  	_ =	shalt  }
0x5c: {  	_ =	shalt  }
0x5d: {  	_ =	shalt  }
0x5e: {  	_ =	shalt  }
0x5f: {  	_ =	shalt  }
0x60: {  	_ =	shalt  }
0x61: {  	_ =	shalt  }
0x62: {  	_ =	shalt  }
0x63: {  	_ =	shalt  }
0x64: {  	_ =	shalt  }
0x65: {  	_ =	shalt  }
0x66: {  	_ =	shalt  }
0x67: {  	_ =	shalt  }
0x68: {  	_ =	shalt  }
0x69: {  	_ =	shalt  }
0x6a: {  	_ =	shalt  }
0x6b: {  	_ =	shalt  }
0x6c: {  	_ =	shalt  }
0x6d: {  	_ =	shalt  }
0x6e: {  	_ =	shalt  }
0x6f: {  	_ =	shalt  }
0x70: {  	_ =	shalt  }
0x71: {  	_ =	shalt  }
0x72: {  	_ =	shalt  }
0x73: {  	_ =	shalt  }
0x74: {  	_ =	shalt  }
0x75: {  	_ =	shalt  }
0x76: {  	_ =	shalt  }
0x77: {  	_ =	shalt  }
0x78: {  	_ =	shalt  }
0x79: {  	_ =	shalt  }
0x7a: {  	_ =	shalt  }
0x7b: {  	_ =	shalt  }
0x7c: {  	_ =	shalt  }
0x7d: {  	_ =	shalt  }
0x7e: {  	_ =	shalt  }
0x7f: {  	_ =	shalt  }
0x80: {  	_ =	shalt  }
0x81: {  	_ =	shalt  }
0x82: {  	_ =	shalt  }
0x83: {  	_ =	shalt  }
0x84: {  	_ =	shalt  }
0x85: {  	_ =	shalt  }
0x86: {  	_ =	shalt  }
0x87: {  	_ =	shalt  }
.Lfunc_end0:
.L_simem_size_0:
called_computation.1_lowered:
.L_overlay_start_0:
0x88: {  	s2 =	sld [smem:$0x3FD9]  }
0x89: {  	s3 =	sld [smem:$0x3FFE];
	_ =	sdelay $0x1  }
0x8a: {  	s1 =	srdreg.scid  }
0x8b: {  	s0 =	sand.u32 $0x1, s1  }
0x8c: {  	s16 =	sshll.u32 s0, $0xA;
	s2 =	sadd.s32 s3, s2  }
0x8d: {  	s2 =	sadd.s32 s2, s16  }
0x8e: {  	[smem:$0x3FC2] =	sst s2  }
0x8f: {  	_ = 	snop  }
0x90: {  	(tm) =	ssettm $0x1  }
0x91: {  	s17 =	sld [smem:$0x3FFB];
	_ =	sdelay $0x3  }
0x92: {  	_ =	strace s17  }
0x93: {  	s2 =	sld [smem:$0x3FFC];
	_ =	sdelay $0x3  }
0x94: {  	_ =	strace s2  }
0x95: {  	s2 =	sld [smem:$0x3FFD];
	_ =	sdelay $0x3  }
0x96: {  	_ =	strace s2  }
0x97: {  	_ =	strace $0x8FFFFFFF  }
0x98: {  	s18 =	sld [smem:$0x3FDB];
	_ =	sdelay $0x1  }
0x99: {  	s19 =	simm.s32 $_scs_section_size  }
0x9a: {  	s4 =	simm.s32 $_size__tile_overlayer_lowered;
	s5 =	simm.s32 $_tile_overlayer_lowered  }
0x9b: {  	s22 =	simm.s32 $0x1BFF;
	s21 =	sshll.u32 s5, $0x1;
	s2 =	sadd.s32 s19, s18  }
0x9c: {  	s6 =	simm.s32 $0x0;
	s20 =	sshll.u32 s4, $0x1;
	s4 =	sadd.s32 s21, s2  }
0x9d: {  	[timem:s6], [sflag:s22] =	dma.local [hbm:s4], s20  }
0x9e: {  	_ =	swait.ge [sflag:s22], s20  }
0x9f: {  	s3 =	ssub.s32 $0x0, s20;
	[sflag:s22] =	ssyncset.done $0x0  }
0xa0: {  	[sflag:s22] =	ssyncadd.s32 s3;
	_ =	sdelay $0x1  }
0xa1: {  	s23 =	simm.s32 $0x1B8B  }
0xa2: {  	_ =	swait.ge [sflag:s23], $0x1  }
0xa3: {  	[sflag:s23] =	ssyncset.done $0x0  }
0xa4: {  	s25 =	simm.s32 $0x1B8E;
	s24 =	sld [smem:$0x3FFE];
	[sflag:s23] =	ssyncadd.s32 $0xFFFFFFFF  }
0xa5: {  	s26 =	simm.s32 $execute0_lowered;
	[smem:$0x3FD2] =	sst s25  }
0xa6: {  	s4 =	sshll.u32 s26, $0x1;
	_ =	strace $0x80000049;
	[dreg:$0x1] =	wrdreg $0xFFFFFFFF  }
0xa7: {  	s28 =	simm.s32 $_size_execute0_lowered;
	s2 =	sadd.s32 s2, s4;
	[dreg:$0x0] =	wrdreg $0x0  }
0xa8: {  	s4 =	sshll.u32 s28, $0x1;
	[dreg:$0x2] =	wrdreg s2  }
0xa9: {  	[dreg:$0x3] =	wrdreg s4  }
0xaa: {  	[dreg:$0x4] =	wrdreg $0xC0  }
0xab: {  	_ =	task [dreg:s6], $0x5FFFF  }
0xac: {  	[dreg:$0x1] =	wrdreg $0xFFFFFFFF  }
0xad: {  	[dreg:$0x0] =	wrdreg $0x60  }
0xae: {  	[dreg:$0x2] =	wrdreg s24  }
0xaf: {  	[dreg:$0x3] =	wrdreg $0xA0000  }
0xb0: {  	[dreg:$0x4] =	wrdreg $0x9  }
0xb1: {  	_ =	task.clear_ibuf [dreg:s6], $0x5FFFF;
	_ =	strace $0x90000049  }
0xb2: {  	s29 =	simm.s32 $0x9;
	_ =	strace $0x8000004B  }
0xb3: {  	_ =	swait.ge [sflag:s29], $0x1  }
0xb4: {  	[sflag:s29] =	ssyncadd.s32 $0xFFFFFFFF  }
0xb5: {  	_ =	strace $0x9000004B  }
0xb6: {  	_ =	sfence  }
0xb7: {  	s30 =	sld [smem:$0x0];
	_ =	sdelay $0x2  }
0xb8: {  	s31 =	sshll.u32 s1, $0xD;
	s1 =	sshrl.u32 s1, $0x2  }
0xb9: {  	s3 =	sand.u32 $0x4000, s31;
	s1 =	sadd.s32 s1, s30  }
0xba: {  	s0 =	sor.u32 s3, s0;
	s1 =	sshll.u32 s1, $0x11  }
0xbb: {  	s0 =	sor.u32 s1, s0  }
0xbc: {  	s0 =	sadd.s32 $0x8F2B, s0  }
0xbd: {  	[sflag:s0] =	ssyncadd.remote.s32 $0x1  }
0xbe: {  	_ =	sfence.sel $0xFFFF  }
0xbf: {  	[dreg:$0x0] =	wrdreg $0xFFFFFFFF;
	(pc) =	sbr.abs _section_cstart, $3  }
0xc0: {  	[dreg:$0x1] =	wrdreg $0xFFFFFFFF  }
0xc1: {  	_ =	task.clear_ibuf [dreg:s6], $0x2FFFF;
	_ =	strace $0x9FFFFFFF  }
0xc2: {  	(tm) =	ssettm $0x7FFFFFFF  }
0xc3: {  	_ =	shalt  }
tec
execute0_lowered:
.L_overlay_start_1:
0x0: {  	(tag) =	ssettag $0x1  }
0x1: {  	s0 =	srdreg.scid;
	s5 =	rddreg [dreg:$0x0]  }
0x2: {  	s4 =	stileid.u32;
	s2 =	rddreg [dreg:$0x1];
	s3 =	simm.s32 $0x0  }
0x3: {  	s11 =	simm.s32 $0x11;
	s13 =	simm.s32 $0x5000;
	s14 =	simm.s32 $0x7D  }
0x4: {  	s15 =	simm.s32 $0xF000;
	s17 =	simm.s32 $0xFFA0;
	s19 =	simm.s32 $0x10F40  }
0x5: {  	s21 =	simm.s32 $0x11EE0;
	s22 =	simm.s32 $0x1;
	s23 =	simm.s32 $0x12E80  }
0x6: {  	s28 =	simm.s32 $0x14DC0;
	s29 =	simm.s32 $0x4;
	s30 =	simm.s32 $0x15D60  }
0x7: {  	s31 =	simm.s32 $0x5;
	s18 =	simm.s32 $0xB;
	s20 =	simm.s32 $0xC  }
0x8: {  	s10 =	simm.s32 $0x0;
	s0 =	sand.u32 $0x1, s0;
	s6 =	smul.u32 $0x5000, s4  }
0x9: {  	[smem:$0x7FF] =	sst s3;
	s1 =	sshll.u32 s0, $0x4;
	s7 =	smul.u32 $0x50000, s0  }
0xa: {  	_ =	strace $0x8000004A;
	s0 =	ssub.s32 $0x2, s0;
	s1 =	sor.u32 s4, s1  }
0xb: {  	s4 =	sadd.s32 $0x29800, s5;
	s8 =	sshrl.u32 s6, $0x3;
	s9 =	sshrl.u32 s0, $0x1  }
0xc: {  	s1 =	smul.u32 $0x500, s1;
	s7 =	sadd.s32 s6, s7;
	s8 =	sadd.s32 s8, s5  }
0xd: {  	s0 =	ssub.s32 s0, s9;
	s7 =	sshrl.u32 s7, $0x3;
	s25 =	sadd.s32 $0x33800, s8  }
0xe: {  	s0 =	smax.u32 s0, $0x1;
	s1 =	sadd.s32 s1, s5;
	[dreg:$0x5] =	wrdreg s25  }
.Ltmp0:
0xf: {  	[dreg:$0x7] =	wrdreg s0;
	s24 =	sadd.s32 $0x1F800, s1;
	(pc) =	sbr.rel .LBB2_1-.Ltmp0, $4  }
0x10: {  	s5 =	sadd.s32 s7, s5;
	s1 =	sadd.s32 $0x15800, s1;
	[dreg:$0x3] =	wrdreg s24  }
0x11: {  	s8 =	sadd.s32 s6, s2;
	s26 =	sadd.s32 $0x3D800, s5;
	[dreg:$0x4] =	wrdreg s1  }
0x12: {  	s25 =	simm.s32 $0x13E20;
	s0 =	simm.s32 $0x8;
	[dreg:$0x6] =	wrdreg s26  }
0x13: {  	s24 =	simm.s32 $0x2;
	s26 =	simm.s32 $0x3;
	s1 =	simm.s32 $0x7  }
.LBB2_4:
0x14: {  	_ =	swait.ge [sflag:s0], $0xFA0  }
0x15: {  	[sflag:s0] =	ssyncset.done $0x0  }
0x16: {  	s9 =	simm.s32 $0x9;
	[sflag:s0] =	ssyncadd.s32 $0xFFFFF060  }
0x17: {  	[spmem:s2] =	stream.indirect.scatter.add.f32 [tilespmem:s30], [sflag:$0x10], $0x20, s5, s14, $0xb8;
	[tilespmem:$0x16D00] =	vst v63  }
0x18: {  	_ =	swait.ge [sflag:s9], $0xFA0  }
0x19: {  	[sflag:s9] =	ssyncset.done $0x0  }
0x1a: {  	s12 =	simm.s32 $0xA;
	[sflag:s9] =	ssyncadd.s32 $0xFFFFF060  }
0x1b: {  	_ =	swait.ge [sflag:s12], $0xFA0  }
0x1c: {  	[sflag:s12] =	ssyncset.done $0x0  }
0x1d: {  	[sflag:s12] =	ssyncadd.s32 $0xFFFFF060  }
0x1e: {  	_ =	swait.ge [sflag:s18], $0xFA0  }
0x1f: {  	[sflag:s18] =	ssyncset.done $0x0  }
0x20: {  	[sflag:s18] =	ssyncadd.s32 $0xFFFFF060  }
0x21: {  	_ =	swait.ge [sflag:s20], $0xFA0  }
0x22: {  	[sflag:s20] =	ssyncset.done $0x0  }
0x23: {  	s16 =	simm.s32 $0xD;
	[sflag:s20] =	ssyncadd.s32 $0xFFFFF060  }
0x24: {  	_ =	swait.ge [sflag:s16], $0xFA0  }
0x25: {  	[sflag:s16] =	ssyncset.done $0x0  }
0x26: {  	s6 =	simm.s32 $0xE;
	[sflag:s16] =	ssyncadd.s32 $0xFFFFF060  }
0x27: {  	_ =	swait.ge [sflag:s6], $0xFA0  }
0x28: {  	[sflag:s6] =	ssyncset.done $0x0  }
0x29: {  	s7 =	simm.s32 $0xF;
	[sflag:s6] =	ssyncadd.s32 $0xFFFFF060  }
0x2a: {  	_ =	swait.ge [sflag:s7], $0xFA0  }
0x2b: {  	[sflag:s7] =	ssyncset.done $0x0  }
0x2c: {  	s9 =	simm.s32 $0x10;
	[sflag:s7] =	ssyncadd.s32 $0xFFFFF060  }
0x2d: {  	_ =	swait.ge [sflag:s9], $0xFA0  }
0x2e: {  	[sflag:s9] =	ssyncset.done $0x0  }
0x2f: {  	[sflag:s9] =	ssyncadd.s32 $0xFFFFF060  }
0x30: {  	[bflag:$0x0] =	sbarrier.arrive $0xFFFF  }
0x31: {  	[tilespmem:s13], [sflag:$0x11] =	stream.linear.gather [spmem:s8], $0x5000, $0x38;
	[tilespmem:$0x16D00] =	vst v63  }
0x32: {  	_ =	swait.ge [sflag:s11], $0x5000  }
0x33: {  	[sflag:s11] =	ssyncset.done $0x0  }
0x34: {  	s12 =	rddreg [dreg:$0x6];
	[sflag:s11] =	ssyncadd.s32 $0xFFFFB000  }
0x35: {  	[hbm4b:s12+s3] =	stream.linear.scatter [tilespmem:s13], [sflag:$0x11], $0x5000, $0x38;
	[tilespmem:$0x16D00] =	vst v63  }
0x36: {  	_ =	swait.ge [sflag:s11], $0x5000  }
0x37: {  	s10 =	sadd.s32 $0x1, s10;
	s16 =	rddreg [dreg:$0x7]  }
0x38: {  	p0 =	sne.s32 s10, s16  }
.Ltmp1:
0x39: {  	_ = 	snop;
	(pc) =	sbr.rel @!p0 .LBB2_5-.Ltmp1, $3  }
0x3a: {  	_ =	sdelay $0x1  }
0x3b: {  	[sflag:s11] =	ssyncset.done $0x0  }
0x3c: {  	[sflag:s11] =	ssyncadd.s32 $0xFFFFB000  }
.LBB2_1:
0x3d: {  	s5 =	rddreg [dreg:$0x3]  }
0x3e: {  	[tilespmem:s3], [sflag:$0x11] =	stream.linear.gather [hbm4b:s5+s3], $0x2800, $0x38;
	[tilespmem:$0x16D00] =	vst v63  }
0x3f: {  	_ =	swait.ge [sflag:s11], $0x2800  }
0x40: {  	[sflag:s11] =	ssyncset.done $0x0  }
0x41: {  	s6 =	simm.s32 $0x2800;
	s16 =	rddreg [dreg:$0x4];
	[sflag:s11] =	ssyncadd.s32 $0xFFFFD800  }
0x42: {  	[tilespmem:s6], [sflag:$0x11] =	stream.linear.gather [hbm4b:s16+s3], $0x2800, $0x38;
	[tilespmem:$0x16D00] =	vst v63  }
0x43: {  	_ =	swait.ge [sflag:s11], $0x2800  }
0x44: {  	[sflag:s11] =	ssyncset.done $0x0  }
0x45: {  	s7 =	rddreg [dreg:$0x5];
	[sflag:s11] =	ssyncadd.s32 $0xFFFFD800  }
0x46: {  	[tilespmem:s13], [sflag:$0x11] =	stream.linear.gather [hbm4b:s7+s3], $0x5000, $0x38;
	[tilespmem:$0x16D00] =	vst v63  }
0x47: {  	_ =	swait.ge [sflag:s11], $0x5000  }
0x48: {  	[sflag:s11] =	ssyncset.done $0x0  }
0x49: {  	[sflag:s11] =	ssyncadd.s32 $0xFFFFB000  }
0x4a: {  	[spmem:s8] =	stream.linear.scatter [tilespmem:s13], [sflag:$0x11], $0x5000, $0x38;
	[tilespmem:$0x16D00] =	vst v63  }
0x4b: {  	_ =	swait.ge [sflag:s11], $0x5000  }
0x4c: {  	[sflag:s11] =	ssyncset.done $0x0  }
0x4d: {  	[sflag:s11] =	ssyncadd.s32 $0xFFFFB000  }
0x4e: {  	[bflag:$0x0] =	sbarrier.arrive $0xFFFF  }
0x4f: {  	[tilespmem:s15], [sflag:$0x1] =	stream.indirect.gather [hbm4b:s4+s14], $0x20, s3, s14, $0xb8;
	[tilespmem:$0x16D00] =	vst v63  }
0x50: {  	s9 =	simm.s32 $0x80  }
0x51: {  	[tilespmem:s17], [sflag:$0x2] =	stream.indirect.gather [hbm4b:s4+s14], $0x20, s9, s14, $0xb8;
	[tilespmem:$0x16D00] =	vst v63  }
0x52: {  	s12 =	simm.s32 $0x100  }
0x53: {  	[tilespmem:s19], [sflag:$0x3] =	stream.indirect.gather [hbm4b:s4+s14], $0x20, s12, s14, $0xb8;
	[tilespmem:$0x16D00] =	vst v63  }
0x54: {  	s16 =	simm.s32 $0x180;
	s12 =	simm.s32 $0x0  }
0x55: {  	[tilespmem:s21], [sflag:$0x4] =	stream.indirect.gather [hbm4b:s4+s14], $0x20, s16, s14, $0xb8;
	[tilespmem:$0x16D00] =	vst v63  }
.LBB2_2:
0x56: {  	_ =	swait.ge [sflag:s22], $0xFA0  }
0x57: {  	s16 =	sshra.s32 s12, $0x2;
	[sflag:s22] =	ssyncset.done $0x0  }
0x58: {  	p0 =	seq.s32 s12, $0x0;
	s5 =	sadd.s32 $0x2800, s16;
	[sflag:s22] =	ssyncadd.s32 $0xFFFFF060  }
0x59: {  	[spmem:s2] =	stream.indirect.scatter.add.f32 [tilespmem:s15], [sflag:$0x9], $0x20, s5, s14, $0xb8;
	[tilespmem:$0x16D00] =	vst v63  }
0x5a: {  	s5 =	simm.s32 @!p0 $0xD  }
0x5b: {  	_ =	swait.ge @!p0 [sflag:s5], $0xFA0  }
0x5c: {  	[sflag:s5] =	ssyncset.done @!p0 $0x0  }
0x5d: {  	s6 =	sadd.s32 $0x200, s16;
	[sflag:s5] =	ssyncadd.s32 @!p0 $0xFFFFF060  }
0x5e: {  	[tilespmem:s23], [sflag:$0x5] =	stream.indirect.gather [hbm4b:s4+s14], $0x20, s6, s14, $0xb8;
	[tilespmem:$0x16D00] =	vst v63  }
0x5f: {  	_ =	swait.ge [sflag:s24], $0xFA0  }
0x60: {  	[sflag:s24] =	ssyncset.done $0x0  }
0x61: {  	s7 =	sadd.s32 $0x2880, s16;
	s5 =	simm.s32 @!p0 $0xE;
	[sflag:s24] =	ssyncadd.s32 $0xFFFFF060  }
0x62: {  	[spmem:s2] =	stream.indirect.scatter.add.f32 [tilespmem:s17], [sflag:$0xA], $0x20, s7, s14, $0xb8;
	[tilespmem:$0x16D00] =	vst v63  }
0x63: {  	_ =	swait.ge @!p0 [sflag:s5], $0xFA0  }
0x64: {  	[sflag:s5] =	ssyncset.done @!p0 $0x0  }
0x65: {  	s9 =	sadd.s32 $0x280, s16;
	[sflag:s5] =	ssyncadd.s32 @!p0 $0xFFFFF060  }
0x66: {  	[tilespmem:s25], [sflag:$0x6] =	stream.indirect.gather [hbm4b:s4+s14], $0x20, s9, s14, $0xb8;
	[tilespmem:$0x16D00] =	vst v63  }
0x67: {  	_ =	swait.ge [sflag:s26], $0xFA0  }
0x68: {  	[sflag:s26] =	ssyncset.done $0x0  }
0x69: {  	s6 =	sadd.s32 $0x2900, s16;
	s5 =	simm.s32 @!p0 $0xF;
	[sflag:s26] =	ssyncadd.s32 $0xFFFFF060  }
0x6a: {  	[spmem:s2] =	stream.indirect.scatter.add.f32 [tilespmem:s19], [sflag:$0xB], $0x20, s6, s14, $0xb8;
	[tilespmem:$0x16D00] =	vst v63  }
0x6b: {  	_ =	swait.ge @!p0 [sflag:s5], $0xFA0  }
0x6c: {  	[sflag:s5] =	ssyncset.done @!p0 $0x0  }
0x6d: {  	s7 =	sadd.s32 $0x300, s16;
	[sflag:s5] =	ssyncadd.s32 @!p0 $0xFFFFF060  }
0x6e: {  	[tilespmem:s28], [sflag:$0x7] =	stream.indirect.gather [hbm4b:s4+s14], $0x20, s7, s14, $0xb8;
	[tilespmem:$0x16D00] =	vst v63  }
0x6f: {  	_ =	swait.ge [sflag:s29], $0xFA0  }
0x70: {  	[sflag:s29] =	ssyncset.done $0x0  }
0x71: {  	s9 =	sadd.s32 $0x2980, s16;
	s5 =	simm.s32 @!p0 $0x10;
	[sflag:s29] =	ssyncadd.s32 $0xFFFFF060  }
0x72: {  	[spmem:s2] =	stream.indirect.scatter.add.f32 [tilespmem:s21], [sflag:$0xC], $0x20, s9, s14, $0xb8;
	[tilespmem:$0x16D00] =	vst v63  }
0x73: {  	_ =	swait.ge @!p0 [sflag:s5], $0xFA0  }
0x74: {  	[sflag:s5] =	ssyncset.done @!p0 $0x0  }
0x75: {  	s6 =	sadd.s32 $0x380, s16;
	[sflag:s5] =	ssyncadd.s32 @!p0 $0xFFFFF060  }
0x76: {  	[tilespmem:s30], [sflag:$0x8] =	stream.indirect.gather [hbm4b:s4+s14], $0x20, s6, s14, $0xb8;
	[tilespmem:$0x16D00] =	vst v63  }
0x77: {  	_ =	swait.ge [sflag:s31], $0xFA0  }
0x78: {  	p0 =	seq.s32 s12, $0x9000;
	[sflag:s31] =	ssyncset.done $0x0  }
0x79: {  	s7 =	sadd.s32 $0x2A00, s16;
	s5 =	simm.s32 @p0 $0x6;
	[sflag:s31] =	ssyncadd.s32 $0xFFFFF060  }
0x7a: {  	[spmem:s2] =	stream.indirect.scatter.add.f32 [tilespmem:s23], [sflag:$0xD], $0x20, s7, s14, $0xb8;
	[tilespmem:$0x16D00] =	vst v63  }
0x7b: {  	_ =	swait.ge @p0 [sflag:s5], $0xFA0  }
0x7c: {  	[sflag:s5] =	ssyncset.done @p0 $0x0  }
0x7d: {  	[sflag:s5] =	ssyncadd.s32 @p0 $0xFFFFF060;
	s5 =	sshra.s32 @p0 s12, $0x2  }
0x7e: {  	s6 =	simm.s32 @p0 $0x7D;
	s7 =	simm.s32 @p0 $0x13E20;
	s5 =	sadd.s32 @p0 $0x2A80, s5  }
0x7f: {  	[spmem:s2] =	stream.indirect.scatter.add.f32 @p0 [tilespmem:s7], [sflag:$0xE], $0x20, s5, s6, $0xb8;
	[tilespmem:$0x16D00] =	vst v63  }
0x80: {  	s5 =	simm.s32 @!p0 $0x9  }
0x81: {  	_ =	swait.ge @!p0 [sflag:s5], $0xFA0  }
0x82: {  	[sflag:s5] =	ssyncset.done @!p0 $0x0  }
0x83: {  	[sflag:s5] =	ssyncadd.s32 @!p0 $0xFFFFF060;
	s5 =	sshra.s32 @!p0 s12, $0x2  }
0x84: {  	s9 =	simm.s32 @!p0 $0xF000;
	s7 =	simm.s32 @!p0 $0x7D;
	s6 =	sadd.s32 @!p0 $0x400, s5  }
0x85: {  	[tilespmem:s9], [sflag:$0x1] =	stream.indirect.gather @!p0 [hbm4b:s4+s7], $0x20, s6, s7, $0xb8;
	[tilespmem:$0x16D00] =	vst v63  }
0x86: {  	s6 =	simm.s32 @!p0 $0x6  }
0x87: {  	_ =	swait.ge @!p0 [sflag:s6], $0xFA0  }
0x88: {  	[sflag:s6] =	ssyncset.done @!p0 $0x0  }
0x89: {  	s9 =	simm.s32 @!p0 $0x13E20;
	[sflag:s6] =	ssyncadd.s32 @!p0 $0xFFFFF060;
	s6 =	sadd.s32 @!p0 $0x2A80, s5  }
0x8a: {  	[spmem:s2] =	stream.indirect.scatter.add.f32 @!p0 [tilespmem:s9], [sflag:$0xE], $0x20, s6, s7, $0xb8;
	[tilespmem:$0x16D00] =	vst v63  }
0x8b: {  	s6 =	simm.s32 @!p0 $0xA  }
0x8c: {  	_ =	swait.ge @!p0 [sflag:s6], $0xFA0  }
0x8d: {  	[sflag:s6] =	ssyncset.done @!p0 $0x0  }
0x8e: {  	s5 =	sadd.s32 @!p0 $0x480, s5;
	[sflag:s6] =	ssyncadd.s32 @!p0 $0xFFFFF060;
	s6 =	simm.s32 @!p0 $0xFFA0  }
0x8f: {  	[tilespmem:s6], [sflag:$0x2] =	stream.indirect.gather @!p0 [hbm4b:s4+s7], $0x20, s5, s7, $0xb8;
	[tilespmem:$0x16D00] =	vst v63  }
.Ltmp2:
0x90: {  	_ = 	snop;
	(pc) =	sbr.rel @p0 .LBB2_4-.Ltmp2, $4  }
0x91: {  	_ =	swait.ge [sflag:s1], $0xFA0  }
0x92: {  	[sflag:s1] =	ssyncset.done $0x0  }
0x93: {  	s9 =	sadd.s32 $0x2B00, s16;
	s5 =	sadd.s32 $0x2B80, s16;
	[sflag:s1] =	ssyncadd.s32 $0xFFFFF060  }
0x94: {  	[spmem:s2] =	stream.indirect.scatter.add.f32 [tilespmem:s28], [sflag:$0xF], $0x20, s9, s14, $0xb8;
	[tilespmem:$0x16D00] =	vst v63  }
0x95: {  	_ =	swait.ge [sflag:s18], $0xFA0  }
0x96: {  	[sflag:s18] =	ssyncset.done $0x0  }
0x97: {  	s6 =	sadd.s32 $0x500, s16;
	[sflag:s18] =	ssyncadd.s32 $0xFFFFF060  }
0x98: {  	[tilespmem:s19], [sflag:$0x3] =	stream.indirect.gather [hbm4b:s4+s14], $0x20, s6, s14, $0xb8;
	[tilespmem:$0x16D00] =	vst v63  }
0x99: {  	_ =	swait.ge [sflag:s0], $0xFA0  }
0x9a: {  	[sflag:s0] =	ssyncset.done $0x0  }
0x9b: {  	[sflag:s0] =	ssyncadd.s32 $0xFFFFF060  }
0x9c: {  	[spmem:s2] =	stream.indirect.scatter.add.f32 [tilespmem:s30], [sflag:$0x10], $0x20, s5, s14, $0xb8;
	[tilespmem:$0x16D00] =	vst v63  }
.Ltmp3:
0x9d: {  	_ = 	snop;
	(pc) =	sbr.rel .LBB2_2-.Ltmp3, $4  }
0x9e: {  	_ =	swait.ge [sflag:s20], $0xFA0  }
0x9f: {  	[sflag:s20] =	ssyncset.done $0x0  }
0xa0: {  	s16 =	sadd.s32 $0x580, s16;
	s12 =	sadd.s32 $0x1000, s12;
	[sflag:s20] =	ssyncadd.s32 $0xFFFFF060  }
0xa1: {  	[tilespmem:s21], [sflag:$0x4] =	stream.indirect.gather [hbm4b:s4+s14], $0x20, s16, s14, $0xb8;
	[tilespmem:$0x16D00] =	vst v63  }
.LBB2_5:
0xa2: {  	_ =	sfence.sel $0x180000  }
0xa3: {  	[bflag:$0x0] =	sbarrier.arrive $0xFFFF  }
0xa4: {  	_ =	strace $0x9000004A  }
0xa5: {  	s0 =	stileid.u32;
	[bflag:$0x2] =	sbarrier.arrive $0xFFFF  }
0xa6: {  	p0 =	sne.s32 s0, $0x0;
	s0 =	rddreg [dreg:$0x2]  }
0xa7: {  	s0 =	sadd.s32 @!p0 $0x100000, s0  }
0xa8: {  	[sflag:s0] =	ssyncadd.tile.s32 @!p0 $0x1;
	_ =	shalt  }
.Lfunc_end2:
_tile_overlayer_lowered:
.L_overlay_start_2:
0xa9: {  	(tag) =	ssettag $0x2  }
0xaa: {  	s0 =	rddreg [dreg:$0x0];
	s2 =	stileid.u32  }
0xab: {  	s1 =	rddreg [dreg:$0x1];
	p0 =	sne.s32 s2, $0x0  }
0xac: {  	s3 =	rddreg [dreg:$0x2];
	[bflag:$0x3] =	sbarrier.arrive $0xFFFF;
	s2 =	simm.s32 @!p0 $0x1C11  }
0xad: {  	[timem:s3], [sflag:s2] =	dma.local @!p0 [hbm:s0], s1  }
0xae: {  	s0 =	simm.s32 @!p0 $0x11  }
0xaf: {  	_ =	swait.ge @!p0 [sflag:s0], s1  }
0xb0: {  	s1 =	ssub.s32 @!p0 $0x0, s1;
	[sflag:s0] =	ssyncset.done @!p0 $0x0  }
0xb1: {  	[sflag:s0] =	ssyncadd.s32 @!p0 s1  }
0xb2: {  	[bflag:$0x3] =	sbarrier.arrive $0xFFFF  }
0xb3: {  	_ =	shalt  }

</sc_bundles>
